<compile_context>
chip_gen: v7x
topology: tpu7x:2x2x1
jax: 0.10.2.dev20260603
libtpu: 0.0.44.dev20260713+nightly
codegen_flags: <defaults>
</compile_context>

<pallas_src>
import functools

import jax
import jax.numpy as jnp
from jax import lax
from jax.experimental import pallas as pl
from jax.experimental.pallas import tpu as pltpu
from jax.experimental.pallas import tpu_sc as plsc

N = 10000
E = 320000
D = 128
H = 16
NPAD = 10112
EPC = 128
CPT = 80
CF = 96
CS = 64
NTILES = 32
EPT = EPC * CPT
EPAD = EPT * NTILES
RPT = NPAD // 16


NB = 4


def _segsum_body(t_hbm, src_hbm, dst_hbm, out_hbm,
                 src_v, dst_v, rows_v, zbuf, acc_sh, t_sh,
                 gsem, gsem2, ssem, ssem2):
    c = lax.axis_index("c")
    s = lax.axis_index("s")

    pltpu.sync_copy(t_hbm.at[pl.ds(s * RPT, RPT)], t_sh.at[pl.ds(s * RPT, RPT)])

    def zrow(j, carry):
        zbuf[j, :] = jnp.zeros((16,), jnp.float32)
        return carry
    lax.fori_loop(0, RPT, zrow, 0)
    pltpu.sync_copy(zbuf, acc_sh.at[pl.ds(s * RPT, RPT)])

    @pl.when(c == 0)
    def _():
        pltpu.sync_copy(src_hbm.at[pl.ds(s * CF, CF)], src_v)
        pltpu.sync_copy(dst_hbm.at[pl.ds(s * CF, CF)], dst_v)

    @pl.when(c == 1)
    def _():
        pltpu.sync_copy(src_hbm.at[pl.ds(16 * CF + s * CS, CS)],
                        src_v.at[pl.ds(0, CS)])
        pltpu.sync_copy(dst_hbm.at[pl.ds(16 * CF + s * CS, CS)],
                        dst_v.at[pl.ds(0, CS)])
    plsc.subcore_barrier()

    ngrp2 = jnp.where(c == 0, CF // NB // 2, CS // NB // 2)

    def fire_gathers(grp, st, sem):
        for b in range(NB):
            pltpu.async_copy(t_sh.at[src_v.at[grp * NB + b]],
                             rows_v.at[st, b], sem)

    def drain(st, sem, kind):
        for b in range(NB):
            if kind == "g":
                pltpu.make_async_copy(t_sh.at[src_v.at[b]],
                                      rows_v.at[st, b], sem).wait()
            else:
                pltpu.make_async_copy(rows_v.at[st, b],
                                      acc_sh.at[dst_v.at[b]], sem).wait()

    def fire_scatters(grp, st, sem):
        for b in range(NB):
            pltpu.async_copy(rows_v.at[st, b],
                             acc_sh.at[dst_v.at[grp * NB + b]],
                             sem, add=True)

    fire_gathers(0, 0, gsem)

    def chunkgrp2(i, carry):
        g0 = 2 * i
        drain(0, gsem, "g")
        @pl.when(i >= 1)
        def _():
            drain(1, ssem2, "s")
        fire_gathers(g0 + 1, 1, gsem2)
        fire_scatters(g0, 0, ssem)
        drain(1, gsem2, "g")
        drain(0, ssem, "s")
        @pl.when(g0 + 2 < 2 * ngrp2)
        def _():
            fire_gathers(g0 + 2, 0, gsem)
        fire_scatters(g0 + 1, 1, ssem2)
        return carry
    lax.fori_loop(0, ngrp2, chunkgrp2, 0)
    drain(1, ssem2, "s")
    plsc.subcore_barrier()

    pltpu.sync_copy(acc_sh.at[pl.ds(s * RPT, RPT)], zbuf)
    pltpu.sync_copy(zbuf, out_hbm.at[c, pl.ds(s * RPT, RPT)])


_segsum = functools.partial(
    pl.kernel,
    _segsum_body,
    out_type=jax.ShapeDtypeStruct((2, NPAD, H), jnp.float32),
    mesh=plsc.VectorSubcoreMesh(core_axis_name="c", subcore_axis_name="s"),
    compiler_params=pltpu.CompilerParams(use_tc_tiling_on_sc=False),
    scratch_types=[
        pltpu.VMEM((CF, EPC), jnp.int32),
        pltpu.VMEM((CF, EPC), jnp.int32),
        pltpu.VMEM((2, NB, EPC, H), jnp.float32),
        pltpu.VMEM((RPT, H), jnp.float32),
        pltpu.VMEM_SHARED((NPAD, H), jnp.float32),
        pltpu.VMEM_SHARED((NPAD, H), jnp.float32),
        pltpu.SemaphoreType.DMA,
        pltpu.SemaphoreType.DMA,
        pltpu.SemaphoreType.DMA,
        pltpu.SemaphoreType.DMA,
    ],
)()


NW = NPAD // 8
NWVAL = N // 8


def _mm0_body(x8_ref, bdn_ref, bds_ref, t_ref, s_ref, xsum_ref):
    xx = x8_ref[...]
    t_ref[...] = jnp.dot(xx, bdn_ref[...], preferred_element_type=jnp.float32)
    s_ref[...] = jnp.dot(xx, bds_ref[...], preferred_element_type=jnp.float32)
    xsum_ref[...] = jnp.sum(xx, axis=0, keepdims=True)


def _layer_body(agg_ref, sprev_ref, bn_ref, bdn_ref, bds_ref,
                t_ref, s_ref, hsum_ref):
    h = jax.nn.relu(agg_ref[0] + agg_ref[1] + bn_ref[...] + sprev_ref[...])
    row = lax.broadcasted_iota(jnp.int32, (NW, 128), 0)
    hm = jnp.where(row < NWVAL, h, 0.0)
    hsum_ref[...] = jnp.sum(hm, axis=0, keepdims=True)
    t_ref[...] = jnp.dot(h, bdn_ref[...], preferred_element_type=jnp.float32)
    s_ref[...] = jnp.dot(h, bds_ref[...], preferred_element_type=jnp.float32)


def _final_body(agg_ref, sprev_ref, bn_ref, xsum_ref, h1s_ref, h2s_ref,
                wx_ref, w1_ref, w2_ref, w3_ref, fcb_ref, out_ref):
    h = jax.nn.relu(agg_ref[0] + agg_ref[1] + bn_ref[...] + sprev_ref[...])
    row = lax.broadcasted_iota(jnp.int32, (NW, 128), 0)
    hm = jnp.where(row < NWVAL, h, 0.0)
    h3sum = jnp.sum(hm, axis=0, keepdims=True)
    logits = (
        jnp.dot(xsum_ref[...], wx_ref[...], preferred_element_type=jnp.float32)
        + jnp.dot(h1s_ref[...], w1_ref[...], preferred_element_type=jnp.float32)
        + jnp.dot(h2s_ref[...], w2_ref[...], preferred_element_type=jnp.float32)
        + jnp.dot(h3sum, w3_ref[...], preferred_element_type=jnp.float32)
        + fcb_ref[...]
    )
    m = jnp.max(logits, axis=1, keepdims=True)
    lse = jnp.log(jnp.sum(jnp.exp(logits - m), axis=1, keepdims=True)) + m
    out_ref[...] = logits - lse


def _tc(body, out_shapes):
    return pl.pallas_call(body, out_shape=out_shapes)


def kernel(x, edge_index, Wn0, bn0, Ws0, Wn1, bn1, Ws1, Wn2, bn2, Ws2,
           fc_W, fc_b):
    f32 = jnp.float32
    x8 = jnp.pad(x, ((0, NPAD - N), (0, 0))).reshape(NW, 8 * D)
    npadchunk = (EPAD - E) // EPC
    pi2 = lax.broadcasted_iota(jnp.int32, (npadchunk, EPC), 1) % 16
    src2d = jnp.concatenate([edge_index[0].reshape(E // EPC, EPC), pi2], axis=0)
    dst2d = jnp.concatenate([edge_index[1].reshape(E // EPC, EPC), N + pi2], axis=0)
    eye8 = jnp.eye(8, dtype=f32)
    bdn0, bds0 = jnp.kron(eye8, Wn0), jnp.kron(eye8, Ws0)
    bdn1, bds1 = jnp.kron(eye8, Wn1), jnp.kron(eye8, Ws1)
    bdn2, bds2 = jnp.kron(eye8, Wn2), jnp.kron(eye8, Ws2)
    bn0w = jnp.tile(bn0, 8).reshape(1, 128)
    bn1w = jnp.tile(bn1, 8).reshape(1, 128)
    bn2w = jnp.tile(bn2, 8).reshape(1, 128)
    fcb = fc_b.reshape(1, -1)
    wx = jnp.tile(fc_W[:D], (8, 1))
    w1 = jnp.tile(fc_W[D:D + H], (8, 1))
    w2 = jnp.tile(fc_W[D + H:D + 2 * H], (8, 1))
    w3 = jnp.tile(fc_W[D + 2 * H:], (8, 1))

    def narrow(a):
        return a.reshape(NPAD, H)

    def wide(a):
        return a.reshape(2, NW, 128)

    t0, s0, xsum = _tc(_mm0_body, (
        jax.ShapeDtypeStruct((NW, 128), f32),
        jax.ShapeDtypeStruct((NW, 128), f32),
        jax.ShapeDtypeStruct((1, 8 * D), f32),
    ))(x8, bdn0, bds0)

    agg0 = wide(_segsum(narrow(t0), src2d, dst2d))
    t1, s1, h1sum = _tc(_layer_body, (
        jax.ShapeDtypeStruct((NW, 128), f32),
        jax.ShapeDtypeStruct((NW, 128), f32),
        jax.ShapeDtypeStruct((1, 128), f32),
    ))(agg0, s0, bn0w, bdn1, bds1)

    agg1 = wide(_segsum(narrow(t1), src2d, dst2d))
    t2, s2, h2sum = _tc(_layer_body, (
        jax.ShapeDtypeStruct((NW, 128), f32),
        jax.ShapeDtypeStruct((NW, 128), f32),
        jax.ShapeDtypeStruct((1, 128), f32),
    ))(agg1, s1, bn1w, bdn2, bds2)

    agg2 = wide(_segsum(narrow(t2), src2d, dst2d))
    out = _tc(_final_body, jax.ShapeDtypeStruct((1, fc_b.shape[0]), f32))(
        agg2, s2, bn2w, xsum, h1sum, h2sum, wx, w1, w2, w3, fcb)
    return out

# --- scband reference (transcript-rebuilt; emitter-appended) ---
"""Pipeline reference for scband-gcn-trained-29300266893373 (READ-ONLY COPY).

The authoritative reference and input builder live on the scoring server;
editing this copy changes nothing except your own understanding.
"""

import jax, jax.numpy as jnp
import numpy as np

N = 10000
E = 320000
D = 128
H = 16
L = 3
C = 10


def setup_inputs(seed: int = 0) -> dict:
    key = jax.random.key(seed)
    ks = jax.random.split(key, 16)
    inp = {}
    inp["x"] = jax.random.normal(ks[0], (N, D), dtype=jnp.float32)
    inp["edge_index"] = jax.random.randint(ks[1], (2, E), 0, N, dtype=jnp.int32)
    # Layer 0 params (in=D, out=H): GraphConv neigh weight+bias, self linear (no bias)
    inp["Wn0"] = jax.random.normal(ks[2], (D, H), dtype=jnp.float32) * (1.0 / np.sqrt(D))
    inp["bn0"] = jnp.zeros((H,), dtype=jnp.float32)
    inp["Ws0"] = jax.random.normal(ks[3], (D, H), dtype=jnp.float32) * (1.0 / np.sqrt(D))
    # Layer 1 params (in=H, out=H)
    inp["Wn1"] = jax.random.normal(ks[4], (H, H), dtype=jnp.float32) * (1.0 / np.sqrt(H))
    inp["bn1"] = jnp.zeros((H,), dtype=jnp.float32)
    inp["Ws1"] = jax.random.normal(ks[5], (H, H), dtype=jnp.float32) * (1.0 / np.sqrt(H))
    # Layer 2 params (in=H, out=H)
    inp["Wn2"] = jax.random.normal(ks[6], (H, H), dtype=jnp.float32) * (1.0 / np.sqrt(H))
    inp["bn2"] = jnp.zeros((H,), dtype=jnp.float32)
    inp["Ws2"] = jax.random.normal(ks[7], (H, H), dtype=jnp.float32) * (1.0 / np.sqrt(H))
    # Final classifier: concat_features=True -> fc in dim = H*L + D
    fc_in = H * L + D
    inp["fc_W"] = jax.random.normal(ks[8], (fc_in, C), dtype=jnp.float32) * (1.0 / np.sqrt(fc_in))
    inp["fc_b"] = jnp.zeros((C,), dtype=jnp.float32)
    return inp


def reference(x, edge_index, Wn0, bn0, Ws0, Wn1, bn1, Ws1, Wn2, bn2, Ws2, fc_W, fc_b):
    src = edge_index[0]
    dst = edge_index[1]

    def conv(h, Wn, bn, Ws):
        # DGL GraphConv(norm='none'): sum-aggregate src features to dst, then linear
        agg = jax.ops.segment_sum(h[src], dst, num_segments=N)
        neigh = agg @ Wn + bn
        self_f = h @ Ws
        return neigh + self_f

    xs = [x]
    h = x
    for (Wn, bn, Ws) in ((Wn0, bn0, Ws0), (Wn1, bn1, Ws1), (Wn2, bn2, Ws2)):
        h = jax.nn.relu(conv(h, Wn, bn, Ws))
        xs.append(h)
    hcat = jnp.concatenate(xs, axis=1)  # concat_features=True
    hg = jnp.sum(hcat, axis=0, keepdims=True)  # dgl.sum_nodes, single graph -> [1, d]
    logits = hg @ fc_W + fc_b
    return jax.nn.log_softmax(logits, axis=1)

if __name__ == "__main__":
    import jax
    _d = setup_inputs()
    print(jax.jit(kernel)(*tuple(_d.values())))

</pallas_src>

<mosaic_0001>
#map = affine_map<(d0, d1) -> (0, 0)>
#map1 = affine_map<(d0, d1) -> (0, 0, 0)>
module attributes {stable_mosaic.version = 14 : i64} {
  func.func @_segsum_body(%arg0: i32, %arg1: i32, %arg2: memref<10112x16xf32, #tpu.memory_space<hbm>>, %arg3: memref<2560x128xi32, #tpu.memory_space<hbm>>, %arg4: memref<2560x128xi32, #tpu.memory_space<hbm>>, %arg5: memref<2x10112x16xf32, #tpu.memory_space<hbm>>, %arg6: memref<96x128xi32, #tpu.memory_space<vmem>>, %arg7: memref<96x128xi32, #tpu.memory_space<vmem>>, %arg8: memref<2x4x128x16xf32, #tpu.memory_space<vmem>>, %arg9: memref<632x16xf32, #tpu.memory_space<vmem>>, %arg10: memref<10112x16xf32, #tpu.memory_space<vmem_shared>>, %arg11: memref<10112x16xf32, #tpu.memory_space<vmem_shared>>, %arg12: memref<!tpu.dma_semaphore, #tpu.memory_space<semaphore_mem>>, %arg13: memref<!tpu.dma_semaphore, #tpu.memory_space<semaphore_mem>>, %arg14: memref<!tpu.dma_semaphore, #tpu.memory_space<semaphore_mem>>, %arg15: memref<!tpu.dma_semaphore, #tpu.memory_space<semaphore_mem>>) attributes {dimension_semantics = [#tpu.dimension_semantics<core_parallel>, #tpu.dimension_semantics<subcore_parallel>], iteration_bounds = array<i64: 2, 16>, scalar_prefetch = 0 : i64, scratch_operands = 10 : i64, tpu.core_type = #tpu.core_type<sc_vector_subcore>, window_params = [{transform_indices = #map}, {transform_indices = #map}, {transform_indices = #map}, {transform_indices = #map1}]} {
    %mul3A = arith.constant 632 : i32
    %mul3A_0 = arith.muli %arg1, %mul3A : i32
    %mul3A_1 = arith.constant 632 : i32
    %mul3A_2 = arith.muli %arg1, %mul3A_1 : i32
    "tpu.region"() ({
      %run_scoped3A = tpu.sem_alloc : memref<!tpu.dma_semaphore, #tpu.memory_space<semaphore_mem>>
      %dma_start3A_136 = arith.constant 0 : i32
      %dma_start3A_137 = tpu.memref_slice %arg11[%mul3A_2, %dma_start3A_136] : memref<10112x16xf32, #tpu.memory_space<vmem_shared>> -> memref<632x16xf32, #tpu.memory_space<vmem_shared>>
      %dma_start3A_138 = arith.constant 0 : i32
      %dma_start3A_139 = tpu.memref_slice %arg2[%mul3A_0, %dma_start3A_138] : memref<10112x16xf32, #tpu.memory_space<hbm>> -> memref<632x16xf32, #tpu.memory_space<hbm>>
      tpu.enqueue_dma source(%dma_start3A_139 : memref<632x16xf32, #tpu.memory_space<hbm>>) target(%dma_start3A_137 : memref<632x16xf32, #tpu.memory_space<vmem_shared>>) target_semaphore(%run_scoped3A : memref<!tpu.dma_semaphore, #tpu.memory_space<semaphore_mem>>)
      %dma_wait3A_140 = arith.constant 0 : i32
      %dma_wait3A_141 = tpu.memref_slice %arg11[%mul3A_2, %dma_wait3A_140] : memref<10112x16xf32, #tpu.memory_space<vmem_shared>> -> memref<632x16xf32, #tpu.memory_space<vmem_shared>>
      %dma_wait3A_142 = arith.constant 0 : i32
      %dma_wait3A_143 = tpu.memref_slice %arg2[%mul3A_0, %dma_wait3A_142] : memref<10112x16xf32, #tpu.memory_space<hbm>> -> memref<632x16xf32, #tpu.memory_space<hbm>>
      tpu.wait_dma2 semaphore(%run_scoped3A : memref<!tpu.dma_semaphore, #tpu.memory_space<semaphore_mem>>) src(%dma_wait3A_143 : memref<632x16xf32, #tpu.memory_space<hbm>>) dst(%dma_wait3A_141 : memref<632x16xf32, #tpu.memory_space<vmem_shared>>)
      tpu.yield
    }) : () -> ()
    %scan3A = arith.constant 0 : i32
    %scan3A_3 = arith.constant 0 : i32
    %scan3A_4 = arith.constant 632 : i32
    %scan3A_5 = arith.addi %scan3A_3, %scan3A_4 : i32
    %scan3A_6 = arith.constant 1 : i32
    scf.for %scan3A_136 = %scan3A_3 to %scan3A_5 step %scan3A_6  : i32 {
      %broadcast_in_dim3A = arith.constant 0.000000e+00 : f32
      %broadcast_in_dim3A_137 = vector.broadcast %broadcast_in_dim3A : f32 to vector<16xf32>
      %swap3A = arith.index_cast %scan3A_136 : i32 to index
      %swap3A_138 = arith.constant 0 : index
      %swap3A_139 = tpu.vector_load %arg9[%swap3A, %swap3A_138] {strides = array<i32>} : memref<632x16xf32, #tpu.memory_space<vmem>>, vector<1x16xf32>,
      %swap3A_140 = vector.shape_cast %swap3A_139 : vector<1x16xf32> to vector<16xf32>
      %swap3A_141 = vector.shape_cast %broadcast_in_dim3A_137 : vector<16xf32> to vector<1x16xf32>
      tpu.vector_store %arg9[%swap3A, %swap3A_138], %swap3A_141 {strides = array<i32>} : memref<632x16xf32, #tpu.memory_space<vmem>>, vector<1x16xf32>,
    }
    %scan3A_7 = arith.constant 632 : i32
    %mul3A_8 = arith.constant 632 : i32
    %mul3A_9 = arith.muli %arg1, %mul3A_8 : i32
    "tpu.region"() ({
      %run_scoped3A = tpu.sem_alloc : memref<!tpu.dma_semaphore, #tpu.memory_space<semaphore_mem>>
      %dma_start3A_136 = arith.constant 0 : i32
      %dma_start3A_137 = tpu.memref_slice %arg10[%mul3A_9, %dma_start3A_136] : memref<10112x16xf32, #tpu.memory_space<vmem_shared>> -> memref<632x16xf32, #tpu.memory_space<vmem_shared>>
      %dma_start3A_138 = arith.constant 0 : i32
      %dma_start3A_139 = tpu.memref_slice %arg10[%mul3A_9, %dma_start3A_138] : memref<10112x16xf32, #tpu.memory_space<vmem_shared>> -> memref<632x16xf32, #tpu.memory_space<vmem_shared>>
      tpu.enqueue_dma source(%arg9 : memref<632x16xf32, #tpu.memory_space<vmem>>) target(%dma_start3A_139 : memref<632x16xf32, #tpu.memory_space<vmem_shared>>) target_semaphore(%run_scoped3A : memref<!tpu.dma_semaphore, #tpu.memory_space<semaphore_mem>>)
      %dma_wait3A_140 = arith.constant 0 : i32
      %dma_wait3A_141 = tpu.memref_slice %arg10[%mul3A_9, %dma_wait3A_140] : memref<10112x16xf32, #tpu.memory_space<vmem_shared>> -> memref<632x16xf32, #tpu.memory_space<vmem_shared>>
      %dma_wait3A_142 = arith.constant 0 : i32
      %dma_wait3A_143 = tpu.memref_slice %arg10[%mul3A_9, %dma_wait3A_142] : memref<10112x16xf32, #tpu.memory_space<vmem_shared>> -> memref<632x16xf32, #tpu.memory_space<vmem_shared>>
      tpu.wait_dma2 semaphore(%run_scoped3A : memref<!tpu.dma_semaphore, #tpu.memory_space<semaphore_mem>>) src(%arg9 : memref<632x16xf32, #tpu.memory_space<vmem>>) dst(%dma_wait3A_143 : memref<632x16xf32, #tpu.memory_space<vmem_shared>>)
      tpu.yield
    }) : () -> ()
    %eq3A = arith.constant 0 : i32
    %eq3A_10 = arith.cmpi eq, %arg0, %eq3A : i32
    %convert_element_type3A = arith.extui %eq3A_10 : i1 to i32
    %cond3A = arith.constant 0 : i32
    %cond3A_11 = arith.cmpi ne, %convert_element_type3A, %cond3A : i32
    scf.if %cond3A_11 {
      %mul3A_136 = arith.constant 96 : i32
      %mul3A_137 = arith.muli %arg1, %mul3A_136 : i32
      "tpu.region"() ({
        %run_scoped3A = tpu.sem_alloc : memref<!tpu.dma_semaphore, #tpu.memory_space<semaphore_mem>>
        %dma_start3A_140 = arith.constant 0 : i32
        %dma_start3A_141 = tpu.memref_slice %arg3[%mul3A_137, %dma_start3A_140] : memref<2560x128xi32, #tpu.memory_space<hbm>> -> memref<96x128xi32, #tpu.memory_space<hbm>>
        %dma_start3A_142 = arith.constant 0 : i32
        %dma_start3A_143 = tpu.memref_slice %arg3[%mul3A_137, %dma_start3A_142] : memref<2560x128xi32, #tpu.memory_space<hbm>> -> memref<96x128xi32, #tpu.memory_space<hbm>>
        tpu.enqueue_dma source(%dma_start3A_143 : memref<96x128xi32, #tpu.memory_space<hbm>>) target(%arg6 : memref<96x128xi32, #tpu.memory_space<vmem>>) target_semaphore(%run_scoped3A : memref<!tpu.dma_semaphore, #tpu.memory_space<semaphore_mem>>)
        %dma_wait3A_144 = arith.constant 0 : i32
        %dma_wait3A_145 = tpu.memref_slice %arg3[%mul3A_137, %dma_wait3A_144] : memref<2560x128xi32, #tpu.memory_space<hbm>> -> memref<96x128xi32, #tpu.memory_space<hbm>>
        %dma_wait3A_146 = arith.constant 0 : i32
        %dma_wait3A_147 = tpu.memref_slice %arg3[%mul3A_137, %dma_wait3A_146] : memref<2560x128xi32, #tpu.memory_space<hbm>> -> memref<96x128xi32, #tpu.memory_space<hbm>>
        tpu.wait_dma2 semaphore(%run_scoped3A : memref<!tpu.dma_semaphore, #tpu.memory_space<semaphore_mem>>) src(%dma_wait3A_147 : memref<96x128xi32, #tpu.memory_space<hbm>>) dst(%arg6 : memref<96x128xi32, #tpu.memory_space<vmem>>)
        tpu.yield
      }) : () -> ()
      %mul3A_138 = arith.constant 96 : i32
      %mul3A_139 = arith.muli %arg1, %mul3A_138 : i32
      "tpu.region"() ({
        %run_scoped3A = tpu.sem_alloc : memref<!tpu.dma_semaphore, #tpu.memory_space<semaphore_mem>>
        %dma_start3A_140 = arith.constant 0 : i32
        %dma_start3A_141 = tpu.memref_slice %arg4[%mul3A_139, %dma_start3A_140] : memref<2560x128xi32, #tpu.memory_space<hbm>> -> memref<96x128xi32, #tpu.memory_space<hbm>>
        %dma_start3A_142 = arith.constant 0 : i32
        %dma_start3A_143 = tpu.memref_slice %arg4[%mul3A_139, %dma_start3A_142] : memref<2560x128xi32, #tpu.memory_space<hbm>> -> memref<96x128xi32, #tpu.memory_space<hbm>>
        tpu.enqueue_dma source(%dma_start3A_143 : memref<96x128xi32, #tpu.memory_space<hbm>>) target(%arg7 : memref<96x128xi32, #tpu.memory_space<vmem>>) target_semaphore(%run_scoped3A : memref<!tpu.dma_semaphore, #tpu.memory_space<semaphore_mem>>)
        %dma_wait3A_144 = arith.constant 0 : i32
        %dma_wait3A_145 = tpu.memref_slice %arg4[%mul3A_139, %dma_wait3A_144] : memref<2560x128xi32, #tpu.memory_space<hbm>> -> memref<96x128xi32, #tpu.memory_space<hbm>>
        %dma_wait3A_146 = arith.constant 0 : i32
        %dma_wait3A_147 = tpu.memref_slice %arg4[%mul3A_139, %dma_wait3A_146] : memref<2560x128xi32, #tpu.memory_space<hbm>> -> memref<96x128xi32, #tpu.memory_space<hbm>>
        tpu.wait_dma2 semaphore(%run_scoped3A : memref<!tpu.dma_semaphore, #tpu.memory_space<semaphore_mem>>) src(%dma_wait3A_147 : memref<96x128xi32, #tpu.memory_space<hbm>>) dst(%arg7 : memref<96x128xi32, #tpu.memory_space<vmem>>)
        tpu.yield
      }) : () -> ()
    } else {
    }
    %eq3A_12 = arith.constant 1 : i32
    %eq3A_13 = arith.cmpi eq, %arg0, %eq3A_12 : i32
    %convert_element_type3A_14 = arith.extui %eq3A_13 : i1 to i32
    %cond3A_15 = arith.constant 0 : i32
    %cond3A_16 = arith.cmpi ne, %convert_element_type3A_14, %cond3A_15 : i32
    scf.if %cond3A_16 {
      %mul3A_136 = arith.constant 64 : i32
      %mul3A_137 = arith.muli %arg1, %mul3A_136 : i32
      %add3A = arith.constant 1536 : i32
      %add3A_138 = arith.addi %add3A, %mul3A_137 : i32
      "tpu.region"() ({
        %run_scoped3A = tpu.sem_alloc : memref<!tpu.dma_semaphore, #tpu.memory_space<semaphore_mem>>
        %dma_start3A_143 = arith.constant 0 : i32
        %dma_start3A_144 = arith.constant 0 : i32
        %dma_start3A_145 = tpu.memref_slice %arg6[%dma_start3A_143, %dma_start3A_144] : memref<96x128xi32, #tpu.memory_space<vmem>> -> memref<64x128xi32, #tpu.memory_space<vmem>>
        %dma_start3A_146 = arith.constant 0 : i32
        %dma_start3A_147 = tpu.memref_slice %arg3[%add3A_138, %dma_start3A_146] : memref<2560x128xi32, #tpu.memory_space<hbm>> -> memref<64x128xi32, #tpu.memory_space<hbm>>
        %dma_start3A_148 = arith.constant 0 : i32
        %dma_start3A_149 = arith.constant 0 : i32
        %dma_start3A_150 = tpu.memref_slice %arg6[%dma_start3A_148, %dma_start3A_149] : memref<96x128xi32, #tpu.memory_space<vmem>> -> memref<64x128xi32, #tpu.memory_space<vmem>>
        %dma_start3A_151 = arith.constant 0 : i32
        %dma_start3A_152 = tpu.memref_slice %arg3[%add3A_138, %dma_start3A_151] : memref<2560x128xi32, #tpu.memory_space<hbm>> -> memref<64x128xi32, #tpu.memory_space<hbm>>
        tpu.enqueue_dma source(%dma_start3A_152 : memref<64x128xi32, #tpu.memory_space<hbm>>) target(%dma_start3A_150 : memref<64x128xi32, #tpu.memory_space<vmem>>) target_semaphore(%run_scoped3A : memref<!tpu.dma_semaphore, #tpu.memory_space<semaphore_mem>>)
        %dma_wait3A_153 = arith.constant 0 : i32
        %dma_wait3A_154 = arith.constant 0 : i32
        %dma_wait3A_155 = tpu.memref_slice %arg6[%dma_wait3A_153, %dma_wait3A_154] : memref<96x128xi32, #tpu.memory_space<vmem>> -> memref<64x128xi32, #tpu.memory_space<vmem>>
        %dma_wait3A_156 = arith.constant 0 : i32
        %dma_wait3A_157 = tpu.memref_slice %arg3[%add3A_138, %dma_wait3A_156] : memref<2560x128xi32, #tpu.memory_space<hbm>> -> memref<64x128xi32, #tpu.memory_space<hbm>>
        %dma_wait3A_158 = arith.constant 0 : i32
        %dma_wait3A_159 = arith.constant 0 : i32
        %dma_wait3A_160 = tpu.memref_slice %arg6[%dma_wait3A_158, %dma_wait3A_159] : memref<96x128xi32, #tpu.memory_space<vmem>> -> memref<64x128xi32, #tpu.memory_space<vmem>>
        %dma_wait3A_161 = arith.constant 0 : i32
        %dma_wait3A_162 = tpu.memref_slice %arg3[%add3A_138, %dma_wait3A_161] : memref<2560x128xi32, #tpu.memory_space<hbm>> -> memref<64x128xi32, #tpu.memory_space<hbm>>
        tpu.wait_dma2 semaphore(%run_scoped3A : memref<!tpu.dma_semaphore, #tpu.memory_space<semaphore_mem>>) src(%dma_wait3A_162 : memref<64x128xi32, #tpu.memory_space<hbm>>) dst(%dma_wait3A_160 : memref<64x128xi32, #tpu.memory_space<vmem>>)
        tpu.yield
      }) : () -> ()
      %mul3A_139 = arith.constant 64 : i32
      %mul3A_140 = arith.muli %arg1, %mul3A_139 : i32
      %add3A_141 = arith.constant 1536 : i32
      %add3A_142 = arith.addi %add3A_141, %mul3A_140 : i32
      "tpu.region"() ({
        %run_scoped3A = tpu.sem_alloc : memref<!tpu.dma_semaphore, #tpu.memory_space<semaphore_mem>>
        %dma_start3A_143 = arith.constant 0 : i32
        %dma_start3A_144 = arith.constant 0 : i32
        %dma_start3A_145 = tpu.memref_slice %arg7[%dma_start3A_143, %dma_start3A_144] : memref<96x128xi32, #tpu.memory_space<vmem>> -> memref<64x128xi32, #tpu.memory_space<vmem>>
        %dma_start3A_146 = arith.constant 0 : i32
        %dma_start3A_147 = tpu.memref_slice %arg4[%add3A_142, %dma_start3A_146] : memref<2560x128xi32, #tpu.memory_space<hbm>> -> memref<64x128xi32, #tpu.memory_space<hbm>>
        %dma_start3A_148 = arith.constant 0 : i32
        %dma_start3A_149 = arith.constant 0 : i32
        %dma_start3A_150 = tpu.memref_slice %arg7[%dma_start3A_148, %dma_start3A_149] : memref<96x128xi32, #tpu.memory_space<vmem>> -> memref<64x128xi32, #tpu.memory_space<vmem>>
        %dma_start3A_151 = arith.constant 0 : i32
        %dma_start3A_152 = tpu.memref_slice %arg4[%add3A_142, %dma_start3A_151] : memref<2560x128xi32, #tpu.memory_space<hbm>> -> memref<64x128xi32, #tpu.memory_space<hbm>>
        tpu.enqueue_dma source(%dma_start3A_152 : memref<64x128xi32, #tpu.memory_space<hbm>>) target(%dma_start3A_150 : memref<64x128xi32, #tpu.memory_space<vmem>>) target_semaphore(%run_scoped3A : memref<!tpu.dma_semaphore, #tpu.memory_space<semaphore_mem>>)
        %dma_wait3A_153 = arith.constant 0 : i32
        %dma_wait3A_154 = arith.constant 0 : i32
        %dma_wait3A_155 = tpu.memref_slice %arg7[%dma_wait3A_153, %dma_wait3A_154] : memref<96x128xi32, #tpu.memory_space<vmem>> -> memref<64x128xi32, #tpu.memory_space<vmem>>
        %dma_wait3A_156 = arith.constant 0 : i32
        %dma_wait3A_157 = tpu.memref_slice %arg4[%add3A_142, %dma_wait3A_156] : memref<2560x128xi32, #tpu.memory_space<hbm>> -> memref<64x128xi32, #tpu.memory_space<hbm>>
        %dma_wait3A_158 = arith.constant 0 : i32
        %dma_wait3A_159 = arith.constant 0 : i32
        %dma_wait3A_160 = tpu.memref_slice %arg7[%dma_wait3A_158, %dma_wait3A_159] : memref<96x128xi32, #tpu.memory_space<vmem>> -> memref<64x128xi32, #tpu.memory_space<vmem>>
        %dma_wait3A_161 = arith.constant 0 : i32
        %dma_wait3A_162 = tpu.memref_slice %arg4[%add3A_142, %dma_wait3A_161] : memref<2560x128xi32, #tpu.memory_space<hbm>> -> memref<64x128xi32, #tpu.memory_space<hbm>>
        tpu.wait_dma2 semaphore(%run_scoped3A : memref<!tpu.dma_semaphore, #tpu.memory_space<semaphore_mem>>) src(%dma_wait3A_162 : memref<64x128xi32, #tpu.memory_space<hbm>>) dst(%dma_wait3A_160 : memref<64x128xi32, #tpu.memory_space<vmem>>)
        tpu.yield
      }) : () -> ()
    } else {
    }
    %barrier3A = arith.constant 0 : index
    tpu.barrier barrier_id(%barrier3A)
    %eq3A_17 = arith.constant 0 : i32
    %eq3A_18 = arith.cmpi eq, %arg0, %eq3A_17 : i32
    %jit3A = arith.constant 12 : i32
    %jit3A_19 = arith.constant 8 : i32
    %select_n3A = arith.select %eq3A_18, %jit3A, %jit3A_19 : i32
    %dma_start3A = arith.constant 0 : i32
    %dma_start3A_20 = arith.constant 0 : i32
    %dma_start3A_21 = arith.constant 0 : i32
    %dma_start3A_22 = arith.constant 0 : i32
    %dma_start3A_23 = arith.constant 0 : i32
    %dma_start3A_24 = tpu.memref_slice %arg8[%dma_start3A_20, %dma_start3A_21, %dma_start3A_22, %dma_start3A_23] : memref<2x4x128x16xf32, #tpu.memory_space<vmem>> -> memref<1x1x128x16xf32, #tpu.memory_space<vmem>>
    %dma_start3A_25 = tpu.memref_squeeze %dma_start3A_24 : memref<1x1x128x16xf32, #tpu.memory_space<vmem>> -> memref<128x16xf32, #tpu.memory_space<vmem>>
    %dma_start3A_26 = arith.constant 0 : i32
    %dma_start3A_27 = tpu.memref_slice %arg6[%dma_start3A, %dma_start3A_26] : memref<96x128xi32, #tpu.memory_space<vmem>> -> memref<1x128xi32, #tpu.memory_space<vmem>>
    %dma_start3A_28 = tpu.memref_squeeze %dma_start3A_27 : memref<1x128xi32, #tpu.memory_space<vmem>> -> memref<128xi32, #tpu.memory_space<vmem>>
    %dma_start3A_29 = arith.constant 0 : i32
    %dma_start3A_30 = arith.constant 0 : i32
    %dma_start3A_31 = tpu.memref_slice %arg11[%dma_start3A_29, %dma_start3A_30] : memref<10112x16xf32, #tpu.memory_space<vmem_shared>> -> memref<10112x16xf32, #tpu.memory_space<vmem_shared>>
    tpu.enqueue_indirect_dma source(%dma_start3A_31 : memref<10112x16xf32, #tpu.memory_space<vmem_shared>>) target(%dma_start3A_25 : memref<128x16xf32, #tpu.memory_space<vmem>>) offsets(%dma_start3A_28 : memref<128xi32, #tpu.memory_space<vmem>>) semaphore(%arg12 : memref<!tpu.dma_semaphore, #tpu.memory_space<semaphore_mem>>)
    %dma_start3A_32 = arith.constant 1 : i32
    %dma_start3A_33 = arith.constant 0 : i32
    %dma_start3A_34 = arith.constant 1 : i32
    %dma_start3A_35 = arith.constant 0 : i32
    %dma_start3A_36 = arith.constant 0 : i32
    %dma_start3A_37 = tpu.memref_slice %arg8[%dma_start3A_33, %dma_start3A_34, %dma_start3A_35, %dma_start3A_36] : memref<2x4x128x16xf32, #tpu.memory_space<vmem>> -> memref<1x1x128x16xf32, #tpu.memory_space<vmem>>
    %dma_start3A_38 = tpu.memref_squeeze %dma_start3A_37 : memref<1x1x128x16xf32, #tpu.memory_space<vmem>> -> memref<128x16xf32, #tpu.memory_space<vmem>>
    %dma_start3A_39 = arith.constant 0 : i32
    %dma_start3A_40 = tpu.memref_slice %arg6[%dma_start3A_32, %dma_start3A_39] : memref<96x128xi32, #tpu.memory_space<vmem>> -> memref<1x128xi32, #tpu.memory_space<vmem>>
    %dma_start3A_41 = tpu.memref_squeeze %dma_start3A_40 : memref<1x128xi32, #tpu.memory_space<vmem>> -> memref<128xi32, #tpu.memory_space<vmem>>
    %dma_start3A_42 = arith.constant 0 : i32
    %dma_start3A_43 = arith.constant 0 : i32
    %dma_start3A_44 = tpu.memref_slice %arg11[%dma_start3A_42, %dma_start3A_43] : memref<10112x16xf32, #tpu.memory_space<vmem_shared>> -> memref<10112x16xf32, #tpu.memory_space<vmem_shared>>
    tpu.enqueue_indirect_dma source(%dma_start3A_44 : memref<10112x16xf32, #tpu.memory_space<vmem_shared>>) target(%dma_start3A_38 : memref<128x16xf32, #tpu.memory_space<vmem>>) offsets(%dma_start3A_41 : memref<128xi32, #tpu.memory_space<vmem>>) semaphore(%arg12 : memref<!tpu.dma_semaphore, #tpu.memory_space<semaphore_mem>>)
    %dma_start3A_45 = arith.constant 2 : i32
    %dma_start3A_46 = arith.constant 0 : i32
    %dma_start3A_47 = arith.constant 2 : i32
    %dma_start3A_48 = arith.constant 0 : i32
    %dma_start3A_49 = arith.constant 0 : i32
    %dma_start3A_50 = tpu.memref_slice %arg8[%dma_start3A_46, %dma_start3A_47, %dma_start3A_48, %dma_start3A_49] : memref<2x4x128x16xf32, #tpu.memory_space<vmem>> -> memref<1x1x128x16xf32, #tpu.memory_space<vmem>>
    %dma_start3A_51 = tpu.memref_squeeze %dma_start3A_50 : memref<1x1x128x16xf32, #tpu.memory_space<vmem>> -> memref<128x16xf32, #tpu.memory_space<vmem>>
    %dma_start3A_52 = arith.constant 0 : i32
    %dma_start3A_53 = tpu.memref_slice %arg6[%dma_start3A_45, %dma_start3A_52] : memref<96x128xi32, #tpu.memory_space<vmem>> -> memref<1x128xi32, #tpu.memory_space<vmem>>
    %dma_start3A_54 = tpu.memref_squeeze %dma_start3A_53 : memref<1x128xi32, #tpu.memory_space<vmem>> -> memref<128xi32, #tpu.memory_space<vmem>>
    %dma_start3A_55 = arith.constant 0 : i32
    %dma_start3A_56 = arith.constant 0 : i32
    %dma_start3A_57 = tpu.memref_slice %arg11[%dma_start3A_55, %dma_start3A_56] : memref<10112x16xf32, #tpu.memory_space<vmem_shared>> -> memref<10112x16xf32, #tpu.memory_space<vmem_shared>>
    tpu.enqueue_indirect_dma source(%dma_start3A_57 : memref<10112x16xf32, #tpu.memory_space<vmem_shared>>) target(%dma_start3A_51 : memref<128x16xf32, #tpu.memory_space<vmem>>) offsets(%dma_start3A_54 : memref<128xi32, #tpu.memory_space<vmem>>) semaphore(%arg12 : memref<!tpu.dma_semaphore, #tpu.memory_space<semaphore_mem>>)
    %dma_start3A_58 = arith.constant 3 : i32
    %dma_start3A_59 = arith.constant 0 : i32
    %dma_start3A_60 = arith.constant 3 : i32
    %dma_start3A_61 = arith.constant 0 : i32
    %dma_start3A_62 = arith.constant 0 : i32
    %dma_start3A_63 = tpu.memref_slice %arg8[%dma_start3A_59, %dma_start3A_60, %dma_start3A_61, %dma_start3A_62] : memref<2x4x128x16xf32, #tpu.memory_space<vmem>> -> memref<1x1x128x16xf32, #tpu.memory_space<vmem>>
    %dma_start3A_64 = tpu.memref_squeeze %dma_start3A_63 : memref<1x1x128x16xf32, #tpu.memory_space<vmem>> -> memref<128x16xf32, #tpu.memory_space<vmem>>
    %dma_start3A_65 = arith.constant 0 : i32
    %dma_start3A_66 = tpu.memref_slice %arg6[%dma_start3A_58, %dma_start3A_65] : memref<96x128xi32, #tpu.memory_space<vmem>> -> memref<1x128xi32, #tpu.memory_space<vmem>>
    %dma_start3A_67 = tpu.memref_squeeze %dma_start3A_66 : memref<1x128xi32, #tpu.memory_space<vmem>> -> memref<128xi32, #tpu.memory_space<vmem>>
    %dma_start3A_68 = arith.constant 0 : i32
    %dma_start3A_69 = arith.constant 0 : i32
    %dma_start3A_70 = tpu.memref_slice %arg11[%dma_start3A_68, %dma_start3A_69] : memref<10112x16xf32, #tpu.memory_space<vmem_shared>> -> memref<10112x16xf32, #tpu.memory_space<vmem_shared>>
    tpu.enqueue_indirect_dma source(%dma_start3A_70 : memref<10112x16xf32, #tpu.memory_space<vmem_shared>>) target(%dma_start3A_64 : memref<128x16xf32, #tpu.memory_space<vmem>>) offsets(%dma_start3A_67 : memref<128xi32, #tpu.memory_space<vmem>>) semaphore(%arg12 : memref<!tpu.dma_semaphore, #tpu.memory_space<semaphore_mem>>)
    %while3A = arith.constant 0 : i32
    %while3A_71 = arith.constant 0 : i32
    %while3A_72 = arith.subi %select_n3A, %while3A_71 : i32
    %while3A_73 = arith.addi %while3A_71, %while3A_72 : i32
    %while3A_74 = arith.constant 1 : i32
    %while3A_75 = arith.divsi %while3A_72, %while3A_74 : i32
    %while3A_76 = arith.muli %while3A_75, %while3A_74 : i32
    %while3A_77 = arith.addi %while3A_71, %while3A_76 : i32
    %while3A_78 = arith.constant 1 : i32
    scf.for %while3A_136 = %while3A_71 to %while3A_77 step %while3A_78  : i32 {
      %mul3A_137 = arith.constant 2 : i32
      %mul3A_138 = arith.muli %mul3A_137, %while3A_136 : i32
      %dma_wait3A_139 = arith.constant 0 : i32
      %dma_wait3A_140 = arith.constant 0 : i32
      %dma_wait3A_141 = arith.constant 0 : i32
      %dma_wait3A_142 = arith.constant 0 : i32
      %dma_wait3A_143 = arith.constant 0 : i32
      %dma_wait3A_144 = tpu.memref_slice %arg8[%dma_wait3A_140, %dma_wait3A_141, %dma_wait3A_142, %dma_wait3A_143] : memref<2x4x128x16xf32, #tpu.memory_space<vmem>> -> memref<1x1x128x16xf32, #tpu.memory_space<vmem>>
      %dma_wait3A_145 = tpu.memref_squeeze %dma_wait3A_144 : memref<1x1x128x16xf32, #tpu.memory_space<vmem>> -> memref<128x16xf32, #tpu.memory_space<vmem>>
      %dma_wait3A_146 = arith.constant 0 : i32
      %dma_wait3A_147 = tpu.memref_slice %arg6[%dma_wait3A_139, %dma_wait3A_146] : memref<96x128xi32, #tpu.memory_space<vmem>> -> memref<1x128xi32, #tpu.memory_space<vmem>>
      %dma_wait3A_148 = tpu.memref_squeeze %dma_wait3A_147 : memref<1x128xi32, #tpu.memory_space<vmem>> -> memref<128xi32, #tpu.memory_space<vmem>>
      %dma_wait3A_149 = arith.constant 0 : i32
      %dma_wait3A_150 = arith.constant 0 : i32
      %dma_wait3A_151 = tpu.memref_slice %arg11[%dma_wait3A_149, %dma_wait3A_150] : memref<10112x16xf32, #tpu.memory_space<vmem_shared>> -> memref<10112x16xf32, #tpu.memory_space<vmem_shared>>
      tpu.wait_indirect_dma semaphore(%arg12 : memref<!tpu.dma_semaphore, #tpu.memory_space<semaphore_mem>>) src(%dma_wait3A_151 : memref<10112x16xf32, #tpu.memory_space<vmem_shared>>) dst(%dma_wait3A_145 : memref<128x16xf32, #tpu.memory_space<vmem>>)
      %dma_wait3A_152 = arith.constant 1 : i32
      %dma_wait3A_153 = arith.constant 0 : i32
      %dma_wait3A_154 = arith.constant 1 : i32
      %dma_wait3A_155 = arith.constant 0 : i32
      %dma_wait3A_156 = arith.constant 0 : i32
      %dma_wait3A_157 = tpu.memref_slice %arg8[%dma_wait3A_153, %dma_wait3A_154, %dma_wait3A_155, %dma_wait3A_156] : memref<2x4x128x16xf32, #tpu.memory_space<vmem>> -> memref<1x1x128x16xf32, #tpu.memory_space<vmem>>
      %dma_wait3A_158 = tpu.memref_squeeze %dma_wait3A_157 : memref<1x1x128x16xf32, #tpu.memory_space<vmem>> -> memref<128x16xf32, #tpu.memory_space<vmem>>
      %dma_wait3A_159 = arith.constant 0 : i32
      %dma_wait3A_160 = tpu.memref_slice %arg6[%dma_wait3A_152, %dma_wait3A_159] : memref<96x128xi32, #tpu.memory_space<vmem>> -> memref<1x128xi32, #tpu.memory_space<vmem>>
      %dma_wait3A_161 = tpu.memref_squeeze %dma_wait3A_160 : memref<1x128xi32, #tpu.memory_space<vmem>> -> memref<128xi32, #tpu.memory_space<vmem>>
      %dma_wait3A_162 = arith.constant 0 : i32
      %dma_wait3A_163 = arith.constant 0 : i32
      %dma_wait3A_164 = tpu.memref_slice %arg11[%dma_wait3A_162, %dma_wait3A_163] : memref<10112x16xf32, #tpu.memory_space<vmem_shared>> -> memref<10112x16xf32, #tpu.memory_space<vmem_shared>>
      tpu.wait_indirect_dma semaphore(%arg12 : memref<!tpu.dma_semaphore, #tpu.memory_space<semaphore_mem>>) src(%dma_wait3A_164 : memref<10112x16xf32, #tpu.memory_space<vmem_shared>>) dst(%dma_wait3A_158 : memref<128x16xf32, #tpu.memory_space<vmem>>)
      %dma_wait3A_165 = arith.constant 2 : i32
      %dma_wait3A_166 = arith.constant 0 : i32
      %dma_wait3A_167 = arith.constant 2 : i32
      %dma_wait3A_168 = arith.constant 0 : i32
      %dma_wait3A_169 = arith.constant 0 : i32
      %dma_wait3A_170 = tpu.memref_slice %arg8[%dma_wait3A_166, %dma_wait3A_167, %dma_wait3A_168, %dma_wait3A_169] : memref<2x4x128x16xf32, #tpu.memory_space<vmem>> -> memref<1x1x128x16xf32, #tpu.memory_space<vmem>>
      %dma_wait3A_171 = tpu.memref_squeeze %dma_wait3A_170 : memref<1x1x128x16xf32, #tpu.memory_space<vmem>> -> memref<128x16xf32, #tpu.memory_space<vmem>>
      %dma_wait3A_172 = arith.constant 0 : i32
      %dma_wait3A_173 = tpu.memref_slice %arg6[%dma_wait3A_165, %dma_wait3A_172] : memref<96x128xi32, #tpu.memory_space<vmem>> -> memref<1x128xi32, #tpu.memory_space<vmem>>
      %dma_wait3A_174 = tpu.memref_squeeze %dma_wait3A_173 : memref<1x128xi32, #tpu.memory_space<vmem>> -> memref<128xi32, #tpu.memory_space<vmem>>
      %dma_wait3A_175 = arith.constant 0 : i32
      %dma_wait3A_176 = arith.constant 0 : i32
      %dma_wait3A_177 = tpu.memref_slice %arg11[%dma_wait3A_175, %dma_wait3A_176] : memref<10112x16xf32, #tpu.memory_space<vmem_shared>> -> memref<10112x16xf32, #tpu.memory_space<vmem_shared>>
      tpu.wait_indirect_dma semaphore(%arg12 : memref<!tpu.dma_semaphore, #tpu.memory_space<semaphore_mem>>) src(%dma_wait3A_177 : memref<10112x16xf32, #tpu.memory_space<vmem_shared>>) dst(%dma_wait3A_171 : memref<128x16xf32, #tpu.memory_space<vmem>>)
      %dma_wait3A_178 = arith.constant 3 : i32
      %dma_wait3A_179 = arith.constant 0 : i32
      %dma_wait3A_180 = arith.constant 3 : i32
      %dma_wait3A_181 = arith.constant 0 : i32
      %dma_wait3A_182 = arith.constant 0 : i32
      %dma_wait3A_183 = tpu.memref_slice %arg8[%dma_wait3A_179, %dma_wait3A_180, %dma_wait3A_181, %dma_wait3A_182] : memref<2x4x128x16xf32, #tpu.memory_space<vmem>> -> memref<1x1x128x16xf32, #tpu.memory_space<vmem>>
      %dma_wait3A_184 = tpu.memref_squeeze %dma_wait3A_183 : memref<1x1x128x16xf32, #tpu.memory_space<vmem>> -> memref<128x16xf32, #tpu.memory_space<vmem>>
      %dma_wait3A_185 = arith.constant 0 : i32
      %dma_wait3A_186 = tpu.memref_slice %arg6[%dma_wait3A_178, %dma_wait3A_185] : memref<96x128xi32, #tpu.memory_space<vmem>> -> memref<1x128xi32, #tpu.memory_space<vmem>>
      %dma_wait3A_187 = tpu.memref_squeeze %dma_wait3A_186 : memref<1x128xi32, #tpu.memory_space<vmem>> -> memref<128xi32, #tpu.memory_space<vmem>>
      %dma_wait3A_188 = arith.constant 0 : i32
      %dma_wait3A_189 = arith.constant 0 : i32
      %dma_wait3A_190 = tpu.memref_slice %arg11[%dma_wait3A_188, %dma_wait3A_189] : memref<10112x16xf32, #tpu.memory_space<vmem_shared>> -> memref<10112x16xf32, #tpu.memory_space<vmem_shared>>
      tpu.wait_indirect_dma semaphore(%arg12 : memref<!tpu.dma_semaphore, #tpu.memory_space<semaphore_mem>>) src(%dma_wait3A_190 : memref<10112x16xf32, #tpu.memory_space<vmem_shared>>) dst(%dma_wait3A_184 : memref<128x16xf32, #tpu.memory_space<vmem>>)
      %ge3A = arith.constant 1 : i32
      %ge3A_191 = arith.cmpi sge, %while3A_136, %ge3A : i32
      %convert_element_type3A_192 = arith.extui %ge3A_191 : i1 to i32
      %cond3A_193 = arith.constant 0 : i32
      %cond3A_194 = arith.cmpi ne, %convert_element_type3A_192, %cond3A_193 : i32
      scf.if %cond3A_194 {
        %dma_wait3A_501 = arith.constant 1 : i32
        %dma_wait3A_502 = arith.constant 0 : i32
        %dma_wait3A_503 = arith.constant 0 : i32
        %dma_wait3A_504 = arith.constant 0 : i32
        %dma_wait3A_505 = arith.constant 0 : i32
        %dma_wait3A_506 = tpu.memref_slice %arg8[%dma_wait3A_501, %dma_wait3A_502, %dma_wait3A_504, %dma_wait3A_505] : memref<2x4x128x16xf32, #tpu.memory_space<vmem>> -> memref<1x1x128x16xf32, #tpu.memory_space<vmem>>
        %dma_wait3A_507 = tpu.memref_squeeze %dma_wait3A_506 : memref<1x1x128x16xf32, #tpu.memory_space<vmem>> -> memref<128x16xf32, #tpu.memory_space<vmem>>
        %dma_wait3A_508 = arith.constant 0 : i32
        %dma_wait3A_509 = tpu.memref_slice %arg7[%dma_wait3A_503, %dma_wait3A_508] : memref<96x128xi32, #tpu.memory_space<vmem>> -> memref<1x128xi32, #tpu.memory_space<vmem>>
        %dma_wait3A_510 = tpu.memref_squeeze %dma_wait3A_509 : memref<1x128xi32, #tpu.memory_space<vmem>> -> memref<128xi32, #tpu.memory_space<vmem>>
        %dma_wait3A_511 = arith.constant 0 : i32
        %dma_wait3A_512 = arith.constant 0 : i32
        %dma_wait3A_513 = tpu.memref_slice %arg10[%dma_wait3A_511, %dma_wait3A_512] : memref<10112x16xf32, #tpu.memory_space<vmem_shared>> -> memref<10112x16xf32, #tpu.memory_space<vmem_shared>>
        tpu.wait_indirect_dma semaphore(%arg15 : memref<!tpu.dma_semaphore, #tpu.memory_space<semaphore_mem>>) src(%dma_wait3A_507 : memref<128x16xf32, #tpu.memory_space<vmem>>) dst(%dma_wait3A_513 : memref<10112x16xf32, #tpu.memory_space<vmem_shared>>)
        %dma_wait3A_514 = arith.constant 1 : i32
        %dma_wait3A_515 = arith.constant 1 : i32
        %dma_wait3A_516 = arith.constant 1 : i32
        %dma_wait3A_517 = arith.constant 0 : i32
        %dma_wait3A_518 = arith.constant 0 : i32
        %dma_wait3A_519 = tpu.memref_slice %arg8[%dma_wait3A_514, %dma_wait3A_515, %dma_wait3A_517, %dma_wait3A_518] : memref<2x4x128x16xf32, #tpu.memory_space<vmem>> -> memref<1x1x128x16xf32, #tpu.memory_space<vmem>>
        %dma_wait3A_520 = tpu.memref_squeeze %dma_wait3A_519 : memref<1x1x128x16xf32, #tpu.memory_space<vmem>> -> memref<128x16xf32, #tpu.memory_space<vmem>>
        %dma_wait3A_521 = arith.constant 0 : i32
        %dma_wait3A_522 = tpu.memref_slice %arg7[%dma_wait3A_516, %dma_wait3A_521] : memref<96x128xi32, #tpu.memory_space<vmem>> -> memref<1x128xi32, #tpu.memory_space<vmem>>
        %dma_wait3A_523 = tpu.memref_squeeze %dma_wait3A_522 : memref<1x128xi32, #tpu.memory_space<vmem>> -> memref<128xi32, #tpu.memory_space<vmem>>
        %dma_wait3A_524 = arith.constant 0 : i32
        %dma_wait3A_525 = arith.constant 0 : i32
        %dma_wait3A_526 = tpu.memref_slice %arg10[%dma_wait3A_524, %dma_wait3A_525] : memref<10112x16xf32, #tpu.memory_space<vmem_shared>> -> memref<10112x16xf32, #tpu.memory_space<vmem_shared>>
        tpu.wait_indirect_dma semaphore(%arg15 : memref<!tpu.dma_semaphore, #tpu.memory_space<semaphore_mem>>) src(%dma_wait3A_520 : memref<128x16xf32, #tpu.memory_space<vmem>>) dst(%dma_wait3A_526 : memref<10112x16xf32, #tpu.memory_space<vmem_shared>>)
        %dma_wait3A_527 = arith.constant 1 : i32
        %dma_wait3A_528 = arith.constant 2 : i32
        %dma_wait3A_529 = arith.constant 2 : i32
        %dma_wait3A_530 = arith.constant 0 : i32
        %dma_wait3A_531 = arith.constant 0 : i32
        %dma_wait3A_532 = tpu.memref_slice %arg8[%dma_wait3A_527, %dma_wait3A_528, %dma_wait3A_530, %dma_wait3A_531] : memref<2x4x128x16xf32, #tpu.memory_space<vmem>> -> memref<1x1x128x16xf32, #tpu.memory_space<vmem>>
        %dma_wait3A_533 = tpu.memref_squeeze %dma_wait3A_532 : memref<1x1x128x16xf32, #tpu.memory_space<vmem>> -> memref<128x16xf32, #tpu.memory_space<vmem>>
        %dma_wait3A_534 = arith.constant 0 : i32
        %dma_wait3A_535 = tpu.memref_slice %arg7[%dma_wait3A_529, %dma_wait3A_534] : memref<96x128xi32, #tpu.memory_space<vmem>> -> memref<1x128xi32, #tpu.memory_space<vmem>>
        %dma_wait3A_536 = tpu.memref_squeeze %dma_wait3A_535 : memref<1x128xi32, #tpu.memory_space<vmem>> -> memref<128xi32, #tpu.memory_space<vmem>>
        %dma_wait3A_537 = arith.constant 0 : i32
        %dma_wait3A_538 = arith.constant 0 : i32
        %dma_wait3A_539 = tpu.memref_slice %arg10[%dma_wait3A_537, %dma_wait3A_538] : memref<10112x16xf32, #tpu.memory_space<vmem_shared>> -> memref<10112x16xf32, #tpu.memory_space<vmem_shared>>
        tpu.wait_indirect_dma semaphore(%arg15 : memref<!tpu.dma_semaphore, #tpu.memory_space<semaphore_mem>>) src(%dma_wait3A_533 : memref<128x16xf32, #tpu.memory_space<vmem>>) dst(%dma_wait3A_539 : memref<10112x16xf32, #tpu.memory_space<vmem_shared>>)
        %dma_wait3A_540 = arith.constant 1 : i32
        %dma_wait3A_541 = arith.constant 3 : i32
        %dma_wait3A_542 = arith.constant 3 : i32
        %dma_wait3A_543 = arith.constant 0 : i32
        %dma_wait3A_544 = arith.constant 0 : i32
        %dma_wait3A_545 = tpu.memref_slice %arg8[%dma_wait3A_540, %dma_wait3A_541, %dma_wait3A_543, %dma_wait3A_544] : memref<2x4x128x16xf32, #tpu.memory_space<vmem>> -> memref<1x1x128x16xf32, #tpu.memory_space<vmem>>
        %dma_wait3A_546 = tpu.memref_squeeze %dma_wait3A_545 : memref<1x1x128x16xf32, #tpu.memory_space<vmem>> -> memref<128x16xf32, #tpu.memory_space<vmem>>
        %dma_wait3A_547 = arith.constant 0 : i32
        %dma_wait3A_548 = tpu.memref_slice %arg7[%dma_wait3A_542, %dma_wait3A_547] : memref<96x128xi32, #tpu.memory_space<vmem>> -> memref<1x128xi32, #tpu.memory_space<vmem>>
        %dma_wait3A_549 = tpu.memref_squeeze %dma_wait3A_548 : memref<1x128xi32, #tpu.memory_space<vmem>> -> memref<128xi32, #tpu.memory_space<vmem>>
        %dma_wait3A_550 = arith.constant 0 : i32
        %dma_wait3A_551 = arith.constant 0 : i32
        %dma_wait3A_552 = tpu.memref_slice %arg10[%dma_wait3A_550, %dma_wait3A_551] : memref<10112x16xf32, #tpu.memory_space<vmem_shared>> -> memref<10112x16xf32, #tpu.memory_space<vmem_shared>>
        tpu.wait_indirect_dma semaphore(%arg15 : memref<!tpu.dma_semaphore, #tpu.memory_space<semaphore_mem>>) src(%dma_wait3A_546 : memref<128x16xf32, #tpu.memory_space<vmem>>) dst(%dma_wait3A_552 : memref<10112x16xf32, #tpu.memory_space<vmem_shared>>)
      } else {
      }
      %add3A = arith.constant 1 : i32
      %add3A_195 = arith.addi %mul3A_138, %add3A : i32
      %mul3A_196 = arith.constant 4 : i32
      %mul3A_197 = arith.muli %add3A_195, %mul3A_196 : i32
      %add3A_198 = arith.constant 0 : i32
      %add3A_199 = arith.addi %mul3A_197, %add3A_198 : i32
      %dma_start3A_200 = arith.constant 1 : i32
      %dma_start3A_201 = arith.constant 0 : i32
      %dma_start3A_202 = arith.constant 0 : i32
      %dma_start3A_203 = arith.constant 0 : i32
      %dma_start3A_204 = tpu.memref_slice %arg8[%dma_start3A_200, %dma_start3A_201, %dma_start3A_202, %dma_start3A_203] : memref<2x4x128x16xf32, #tpu.memory_space<vmem>> -> memref<1x1x128x16xf32, #tpu.memory_space<vmem>>
      %dma_start3A_205 = tpu.memref_squeeze %dma_start3A_204 : memref<1x1x128x16xf32, #tpu.memory_space<vmem>> -> memref<128x16xf32, #tpu.memory_space<vmem>>
      %dma_start3A_206 = arith.constant 0 : i32
      %dma_start3A_207 = tpu.memref_slice %arg6[%add3A_199, %dma_start3A_206] : memref<96x128xi32, #tpu.memory_space<vmem>> -> memref<1x128xi32, #tpu.memory_space<vmem>>
      %dma_start3A_208 = tpu.memref_squeeze %dma_start3A_207 : memref<1x128xi32, #tpu.memory_space<vmem>> -> memref<128xi32, #tpu.memory_space<vmem>>
      %dma_start3A_209 = arith.constant 0 : i32
      %dma_start3A_210 = arith.constant 0 : i32
      %dma_start3A_211 = tpu.memref_slice %arg11[%dma_start3A_209, %dma_start3A_210] : memref<10112x16xf32, #tpu.memory_space<vmem_shared>> -> memref<10112x16xf32, #tpu.memory_space<vmem_shared>>
      tpu.enqueue_indirect_dma source(%dma_start3A_211 : memref<10112x16xf32, #tpu.memory_space<vmem_shared>>) target(%dma_start3A_205 : memref<128x16xf32, #tpu.memory_space<vmem>>) offsets(%dma_start3A_208 : memref<128xi32, #tpu.memory_space<vmem>>) semaphore(%arg13 : memref<!tpu.dma_semaphore, #tpu.memory_space<semaphore_mem>>)
      %mul3A_212 = arith.constant 4 : i32
      %mul3A_213 = arith.muli %add3A_195, %mul3A_212 : i32
      %add3A_214 = arith.constant 1 : i32
      %add3A_215 = arith.addi %mul3A_213, %add3A_214 : i32
      %dma_start3A_216 = arith.constant 1 : i32
      %dma_start3A_217 = arith.constant 1 : i32
      %dma_start3A_218 = arith.constant 0 : i32
      %dma_start3A_219 = arith.constant 0 : i32
      %dma_start3A_220 = tpu.memref_slice %arg8[%dma_start3A_216, %dma_start3A_217, %dma_start3A_218, %dma_start3A_219] : memref<2x4x128x16xf32, #tpu.memory_space<vmem>> -> memref<1x1x128x16xf32, #tpu.memory_space<vmem>>
      %dma_start3A_221 = tpu.memref_squeeze %dma_start3A_220 : memref<1x1x128x16xf32, #tpu.memory_space<vmem>> -> memref<128x16xf32, #tpu.memory_space<vmem>>
      %dma_start3A_222 = arith.constant 0 : i32
      %dma_start3A_223 = tpu.memref_slice %arg6[%add3A_215, %dma_start3A_222] : memref<96x128xi32, #tpu.memory_space<vmem>> -> memref<1x128xi32, #tpu.memory_space<vmem>>
      %dma_start3A_224 = tpu.memref_squeeze %dma_start3A_223 : memref<1x128xi32, #tpu.memory_space<vmem>> -> memref<128xi32, #tpu.memory_space<vmem>>
      %dma_start3A_225 = arith.constant 0 : i32
      %dma_start3A_226 = arith.constant 0 : i32
      %dma_start3A_227 = tpu.memref_slice %arg11[%dma_start3A_225, %dma_start3A_226] : memref<10112x16xf32, #tpu.memory_space<vmem_shared>> -> memref<10112x16xf32, #tpu.memory_space<vmem_shared>>
      tpu.enqueue_indirect_dma source(%dma_start3A_227 : memref<10112x16xf32, #tpu.memory_space<vmem_shared>>) target(%dma_start3A_221 : memref<128x16xf32, #tpu.memory_space<vmem>>) offsets(%dma_start3A_224 : memref<128xi32, #tpu.memory_space<vmem>>) semaphore(%arg13 : memref<!tpu.dma_semaphore, #tpu.memory_space<semaphore_mem>>)
      %mul3A_228 = arith.constant 4 : i32
      %mul3A_229 = arith.muli %add3A_195, %mul3A_228 : i32
      %add3A_230 = arith.constant 2 : i32
      %add3A_231 = arith.addi %mul3A_229, %add3A_230 : i32
      %dma_start3A_232 = arith.constant 1 : i32
      %dma_start3A_233 = arith.constant 2 : i32
      %dma_start3A_234 = arith.constant 0 : i32
      %dma_start3A_235 = arith.constant 0 : i32
      %dma_start3A_236 = tpu.memref_slice %arg8[%dma_start3A_232, %dma_start3A_233, %dma_start3A_234, %dma_start3A_235] : memref<2x4x128x16xf32, #tpu.memory_space<vmem>> -> memref<1x1x128x16xf32, #tpu.memory_space<vmem>>
      %dma_start3A_237 = tpu.memref_squeeze %dma_start3A_236 : memref<1x1x128x16xf32, #tpu.memory_space<vmem>> -> memref<128x16xf32, #tpu.memory_space<vmem>>
      %dma_start3A_238 = arith.constant 0 : i32
      %dma_start3A_239 = tpu.memref_slice %arg6[%add3A_231, %dma_start3A_238] : memref<96x128xi32, #tpu.memory_space<vmem>> -> memref<1x128xi32, #tpu.memory_space<vmem>>
      %dma_start3A_240 = tpu.memref_squeeze %dma_start3A_239 : memref<1x128xi32, #tpu.memory_space<vmem>> -> memref<128xi32, #tpu.memory_space<vmem>>
      %dma_start3A_241 = arith.constant 0 : i32
      %dma_start3A_242 = arith.constant 0 : i32
      %dma_start3A_243 = tpu.memref_slice %arg11[%dma_start3A_241, %dma_start3A_242] : memref<10112x16xf32, #tpu.memory_space<vmem_shared>> -> memref<10112x16xf32, #tpu.memory_space<vmem_shared>>
      tpu.enqueue_indirect_dma source(%dma_start3A_243 : memref<10112x16xf32, #tpu.memory_space<vmem_shared>>) target(%dma_start3A_237 : memref<128x16xf32, #tpu.memory_space<vmem>>) offsets(%dma_start3A_240 : memref<128xi32, #tpu.memory_space<vmem>>) semaphore(%arg13 : memref<!tpu.dma_semaphore, #tpu.memory_space<semaphore_mem>>)
      %mul3A_244 = arith.constant 4 : i32
      %mul3A_245 = arith.muli %add3A_195, %mul3A_244 : i32
      %add3A_246 = arith.constant 3 : i32
      %add3A_247 = arith.addi %mul3A_245, %add3A_246 : i32
      %dma_start3A_248 = arith.constant 1 : i32
      %dma_start3A_249 = arith.constant 3 : i32
      %dma_start3A_250 = arith.constant 0 : i32
      %dma_start3A_251 = arith.constant 0 : i32
      %dma_start3A_252 = tpu.memref_slice %arg8[%dma_start3A_248, %dma_start3A_249, %dma_start3A_250, %dma_start3A_251] : memref<2x4x128x16xf32, #tpu.memory_space<vmem>> -> memref<1x1x128x16xf32, #tpu.memory_space<vmem>>
      %dma_start3A_253 = tpu.memref_squeeze %dma_start3A_252 : memref<1x1x128x16xf32, #tpu.memory_space<vmem>> -> memref<128x16xf32, #tpu.memory_space<vmem>>
      %dma_start3A_254 = arith.constant 0 : i32
      %dma_start3A_255 = tpu.memref_slice %arg6[%add3A_247, %dma_start3A_254] : memref<96x128xi32, #tpu.memory_space<vmem>> -> memref<1x128xi32, #tpu.memory_space<vmem>>
      %dma_start3A_256 = tpu.memref_squeeze %dma_start3A_255 : memref<1x128xi32, #tpu.memory_space<vmem>> -> memref<128xi32, #tpu.memory_space<vmem>>
      %dma_start3A_257 = arith.constant 0 : i32
      %dma_start3A_258 = arith.constant 0 : i32
      %dma_start3A_259 = tpu.memref_slice %arg11[%dma_start3A_257, %dma_start3A_258] : memref<10112x16xf32, #tpu.memory_space<vmem_shared>> -> memref<10112x16xf32, #tpu.memory_space<vmem_shared>>
      tpu.enqueue_indirect_dma source(%dma_start3A_259 : memref<10112x16xf32, #tpu.memory_space<vmem_shared>>) target(%dma_start3A_253 : memref<128x16xf32, #tpu.memory_space<vmem>>) offsets(%dma_start3A_256 : memref<128xi32, #tpu.memory_space<vmem>>) semaphore(%arg13 : memref<!tpu.dma_semaphore, #tpu.memory_space<semaphore_mem>>)
      %mul3A_260 = arith.constant 4 : i32
      %mul3A_261 = arith.muli %mul3A_138, %mul3A_260 : i32
      %add3A_262 = arith.constant 0 : i32
      %add3A_263 = arith.addi %mul3A_261, %add3A_262 : i32
      %dma_start3A_264 = arith.constant 0 : i32
      %dma_start3A_265 = arith.constant 0 : i32
      %dma_start3A_266 = arith.constant 0 : i32
      %dma_start3A_267 = arith.constant 0 : i32
      %dma_start3A_268 = tpu.memref_slice %arg8[%dma_start3A_264, %dma_start3A_265, %dma_start3A_266, %dma_start3A_267] : memref<2x4x128x16xf32, #tpu.memory_space<vmem>> -> memref<1x1x128x16xf32, #tpu.memory_space<vmem>>
      %dma_start3A_269 = tpu.memref_squeeze %dma_start3A_268 : memref<1x1x128x16xf32, #tpu.memory_space<vmem>> -> memref<128x16xf32, #tpu.memory_space<vmem>>
      %dma_start3A_270 = arith.constant 0 : i32
      %dma_start3A_271 = tpu.memref_slice %arg7[%add3A_263, %dma_start3A_270] : memref<96x128xi32, #tpu.memory_space<vmem>> -> memref<1x128xi32, #tpu.memory_space<vmem>>
      %dma_start3A_272 = tpu.memref_squeeze %dma_start3A_271 : memref<1x128xi32, #tpu.memory_space<vmem>> -> memref<128xi32, #tpu.memory_space<vmem>>
      %dma_start3A_273 = arith.constant 0 : i32
      %dma_start3A_274 = arith.constant 0 : i32
      %dma_start3A_275 = tpu.memref_slice %arg10[%dma_start3A_273, %dma_start3A_274] : memref<10112x16xf32, #tpu.memory_space<vmem_shared>> -> memref<10112x16xf32, #tpu.memory_space<vmem_shared>>
      tpu.enqueue_indirect_dma source(%dma_start3A_269 : memref<128x16xf32, #tpu.memory_space<vmem>>) target(%dma_start3A_275 : memref<10112x16xf32, #tpu.memory_space<vmem_shared>>) offsets(%dma_start3A_272 : memref<128xi32, #tpu.memory_space<vmem>>) semaphore(%arg14 : memref<!tpu.dma_semaphore, #tpu.memory_space<semaphore_mem>>) {add = true}
      %mul3A_276 = arith.constant 4 : i32
      %mul3A_277 = arith.muli %mul3A_138, %mul3A_276 : i32
      %add3A_278 = arith.constant 1 : i32
      %add3A_279 = arith.addi %mul3A_277, %add3A_278 : i32
      %dma_start3A_280 = arith.constant 0 : i32
      %dma_start3A_281 = arith.constant 1 : i32
      %dma_start3A_282 = arith.constant 0 : i32
      %dma_start3A_283 = arith.constant 0 : i32
      %dma_start3A_284 = tpu.memref_slice %arg8[%dma_start3A_280, %dma_start3A_281, %dma_start3A_282, %dma_start3A_283] : memref<2x4x128x16xf32, #tpu.memory_space<vmem>> -> memref<1x1x128x16xf32, #tpu.memory_space<vmem>>
      %dma_start3A_285 = tpu.memref_squeeze %dma_start3A_284 : memref<1x1x128x16xf32, #tpu.memory_space<vmem>> -> memref<128x16xf32, #tpu.memory_space<vmem>>
      %dma_start3A_286 = arith.constant 0 : i32
      %dma_start3A_287 = tpu.memref_slice %arg7[%add3A_279, %dma_start3A_286] : memref<96x128xi32, #tpu.memory_space<vmem>> -> memref<1x128xi32, #tpu.memory_space<vmem>>
      %dma_start3A_288 = tpu.memref_squeeze %dma_start3A_287 : memref<1x128xi32, #tpu.memory_space<vmem>> -> memref<128xi32, #tpu.memory_space<vmem>>
      %dma_start3A_289 = arith.constant 0 : i32
      %dma_start3A_290 = arith.constant 0 : i32
      %dma_start3A_291 = tpu.memref_slice %arg10[%dma_start3A_289, %dma_start3A_290] : memref<10112x16xf32, #tpu.memory_space<vmem_shared>> -> memref<10112x16xf32, #tpu.memory_space<vmem_shared>>
      tpu.enqueue_indirect_dma source(%dma_start3A_285 : memref<128x16xf32, #tpu.memory_space<vmem>>) target(%dma_start3A_291 : memref<10112x16xf32, #tpu.memory_space<vmem_shared>>) offsets(%dma_start3A_288 : memref<128xi32, #tpu.memory_space<vmem>>) semaphore(%arg14 : memref<!tpu.dma_semaphore, #tpu.memory_space<semaphore_mem>>) {add = true}
      %mul3A_292 = arith.constant 4 : i32
      %mul3A_293 = arith.muli %mul3A_138, %mul3A_292 : i32
      %add3A_294 = arith.constant 2 : i32
      %add3A_295 = arith.addi %mul3A_293, %add3A_294 : i32
      %dma_start3A_296 = arith.constant 0 : i32
      %dma_start3A_297 = arith.constant 2 : i32
      %dma_start3A_298 = arith.constant 0 : i32
      %dma_start3A_299 = arith.constant 0 : i32
      %dma_start3A_300 = tpu.memref_slice %arg8[%dma_start3A_296, %dma_start3A_297, %dma_start3A_298, %dma_start3A_299] : memref<2x4x128x16xf32, #tpu.memory_space<vmem>> -> memref<1x1x128x16xf32, #tpu.memory_space<vmem>>
      %dma_start3A_301 = tpu.memref_squeeze %dma_start3A_300 : memref<1x1x128x16xf32, #tpu.memory_space<vmem>> -> memref<128x16xf32, #tpu.memory_space<vmem>>
      %dma_start3A_302 = arith.constant 0 : i32
      %dma_start3A_303 = tpu.memref_slice %arg7[%add3A_295, %dma_start3A_302] : memref<96x128xi32, #tpu.memory_space<vmem>> -> memref<1x128xi32, #tpu.memory_space<vmem>>
      %dma_start3A_304 = tpu.memref_squeeze %dma_start3A_303 : memref<1x128xi32, #tpu.memory_space<vmem>> -> memref<128xi32, #tpu.memory_space<vmem>>
      %dma_start3A_305 = arith.constant 0 : i32
      %dma_start3A_306 = arith.constant 0 : i32
      %dma_start3A_307 = tpu.memref_slice %arg10[%dma_start3A_305, %dma_start3A_306] : memref<10112x16xf32, #tpu.memory_space<vmem_shared>> -> memref<10112x16xf32, #tpu.memory_space<vmem_shared>>
      tpu.enqueue_indirect_dma source(%dma_start3A_301 : memref<128x16xf32, #tpu.memory_space<vmem>>) target(%dma_start3A_307 : memref<10112x16xf32, #tpu.memory_space<vmem_shared>>) offsets(%dma_start3A_304 : memref<128xi32, #tpu.memory_space<vmem>>) semaphore(%arg14 : memref<!tpu.dma_semaphore, #tpu.memory_space<semaphore_mem>>) {add = true}
      %mul3A_308 = arith.constant 4 : i32
      %mul3A_309 = arith.muli %mul3A_138, %mul3A_308 : i32
      %add3A_310 = arith.constant 3 : i32
      %add3A_311 = arith.addi %mul3A_309, %add3A_310 : i32
      %dma_start3A_312 = arith.constant 0 : i32
      %dma_start3A_313 = arith.constant 3 : i32
      %dma_start3A_314 = arith.constant 0 : i32
      %dma_start3A_315 = arith.constant 0 : i32
      %dma_start3A_316 = tpu.memref_slice %arg8[%dma_start3A_312, %dma_start3A_313, %dma_start3A_314, %dma_start3A_315] : memref<2x4x128x16xf32, #tpu.memory_space<vmem>> -> memref<1x1x128x16xf32, #tpu.memory_space<vmem>>
      %dma_start3A_317 = tpu.memref_squeeze %dma_start3A_316 : memref<1x1x128x16xf32, #tpu.memory_space<vmem>> -> memref<128x16xf32, #tpu.memory_space<vmem>>
      %dma_start3A_318 = arith.constant 0 : i32
      %dma_start3A_319 = tpu.memref_slice %arg7[%add3A_311, %dma_start3A_318] : memref<96x128xi32, #tpu.memory_space<vmem>> -> memref<1x128xi32, #tpu.memory_space<vmem>>
      %dma_start3A_320 = tpu.memref_squeeze %dma_start3A_319 : memref<1x128xi32, #tpu.memory_space<vmem>> -> memref<128xi32, #tpu.memory_space<vmem>>
      %dma_start3A_321 = arith.constant 0 : i32
      %dma_start3A_322 = arith.constant 0 : i32
      %dma_start3A_323 = tpu.memref_slice %arg10[%dma_start3A_321, %dma_start3A_322] : memref<10112x16xf32, #tpu.memory_space<vmem_shared>> -> memref<10112x16xf32, #tpu.memory_space<vmem_shared>>
      tpu.enqueue_indirect_dma source(%dma_start3A_317 : memref<128x16xf32, #tpu.memory_space<vmem>>) target(%dma_start3A_323 : memref<10112x16xf32, #tpu.memory_space<vmem_shared>>) offsets(%dma_start3A_320 : memref<128xi32, #tpu.memory_space<vmem>>) semaphore(%arg14 : memref<!tpu.dma_semaphore, #tpu.memory_space<semaphore_mem>>) {add = true}
      %dma_wait3A_324 = arith.constant 0 : i32
      %dma_wait3A_325 = arith.constant 1 : i32
      %dma_wait3A_326 = arith.constant 0 : i32
      %dma_wait3A_327 = arith.constant 0 : i32
      %dma_wait3A_328 = arith.constant 0 : i32
      %dma_wait3A_329 = tpu.memref_slice %arg8[%dma_wait3A_325, %dma_wait3A_326, %dma_wait3A_327, %dma_wait3A_328] : memref<2x4x128x16xf32, #tpu.memory_space<vmem>> -> memref<1x1x128x16xf32, #tpu.memory_space<vmem>>
      %dma_wait3A_330 = tpu.memref_squeeze %dma_wait3A_329 : memref<1x1x128x16xf32, #tpu.memory_space<vmem>> -> memref<128x16xf32, #tpu.memory_space<vmem>>
      %dma_wait3A_331 = arith.constant 0 : i32
      %dma_wait3A_332 = tpu.memref_slice %arg6[%dma_wait3A_324, %dma_wait3A_331] : memref<96x128xi32, #tpu.memory_space<vmem>> -> memref<1x128xi32, #tpu.memory_space<vmem>>
      %dma_wait3A_333 = tpu.memref_squeeze %dma_wait3A_332 : memref<1x128xi32, #tpu.memory_space<vmem>> -> memref<128xi32, #tpu.memory_space<vmem>>
      %dma_wait3A_334 = arith.constant 0 : i32
      %dma_wait3A_335 = arith.constant 0 : i32
      %dma_wait3A_336 = tpu.memref_slice %arg11[%dma_wait3A_334, %dma_wait3A_335] : memref<10112x16xf32, #tpu.memory_space<vmem_shared>> -> memref<10112x16xf32, #tpu.memory_space<vmem_shared>>
      tpu.wait_indirect_dma semaphore(%arg13 : memref<!tpu.dma_semaphore, #tpu.memory_space<semaphore_mem>>) src(%dma_wait3A_336 : memref<10112x16xf32, #tpu.memory_space<vmem_shared>>) dst(%dma_wait3A_330 : memref<128x16xf32, #tpu.memory_space<vmem>>)
      %dma_wait3A_337 = arith.constant 1 : i32
      %dma_wait3A_338 = arith.constant 1 : i32
      %dma_wait3A_339 = arith.constant 1 : i32
      %dma_wait3A_340 = arith.constant 0 : i32
      %dma_wait3A_341 = arith.constant 0 : i32
      %dma_wait3A_342 = tpu.memref_slice %arg8[%dma_wait3A_338, %dma_wait3A_339, %dma_wait3A_340, %dma_wait3A_341] : memref<2x4x128x16xf32, #tpu.memory_space<vmem>> -> memref<1x1x128x16xf32, #tpu.memory_space<vmem>>
      %dma_wait3A_343 = tpu.memref_squeeze %dma_wait3A_342 : memref<1x1x128x16xf32, #tpu.memory_space<vmem>> -> memref<128x16xf32, #tpu.memory_space<vmem>>
      %dma_wait3A_344 = arith.constant 0 : i32
      %dma_wait3A_345 = tpu.memref_slice %arg6[%dma_wait3A_337, %dma_wait3A_344] : memref<96x128xi32, #tpu.memory_space<vmem>> -> memref<1x128xi32, #tpu.memory_space<vmem>>
      %dma_wait3A_346 = tpu.memref_squeeze %dma_wait3A_345 : memref<1x128xi32, #tpu.memory_space<vmem>> -> memref<128xi32, #tpu.memory_space<vmem>>
      %dma_wait3A_347 = arith.constant 0 : i32
      %dma_wait3A_348 = arith.constant 0 : i32
      %dma_wait3A_349 = tpu.memref_slice %arg11[%dma_wait3A_347, %dma_wait3A_348] : memref<10112x16xf32, #tpu.memory_space<vmem_shared>> -> memref<10112x16xf32, #tpu.memory_space<vmem_shared>>
      tpu.wait_indirect_dma semaphore(%arg13 : memref<!tpu.dma_semaphore, #tpu.memory_space<semaphore_mem>>) src(%dma_wait3A_349 : memref<10112x16xf32, #tpu.memory_space<vmem_shared>>) dst(%dma_wait3A_343 : memref<128x16xf32, #tpu.memory_space<vmem>>)
      %dma_wait3A_350 = arith.constant 2 : i32
      %dma_wait3A_351 = arith.constant 1 : i32
      %dma_wait3A_352 = arith.constant 2 : i32
      %dma_wait3A_353 = arith.constant 0 : i32
      %dma_wait3A_354 = arith.constant 0 : i32
      %dma_wait3A_355 = tpu.memref_slice %arg8[%dma_wait3A_351, %dma_wait3A_352, %dma_wait3A_353, %dma_wait3A_354] : memref<2x4x128x16xf32, #tpu.memory_space<vmem>> -> memref<1x1x128x16xf32, #tpu.memory_space<vmem>>
      %dma_wait3A_356 = tpu.memref_squeeze %dma_wait3A_355 : memref<1x1x128x16xf32, #tpu.memory_space<vmem>> -> memref<128x16xf32, #tpu.memory_space<vmem>>
      %dma_wait3A_357 = arith.constant 0 : i32
      %dma_wait3A_358 = tpu.memref_slice %arg6[%dma_wait3A_350, %dma_wait3A_357] : memref<96x128xi32, #tpu.memory_space<vmem>> -> memref<1x128xi32, #tpu.memory_space<vmem>>
      %dma_wait3A_359 = tpu.memref_squeeze %dma_wait3A_358 : memref<1x128xi32, #tpu.memory_space<vmem>> -> memref<128xi32, #tpu.memory_space<vmem>>
      %dma_wait3A_360 = arith.constant 0 : i32
      %dma_wait3A_361 = arith.constant 0 : i32
      %dma_wait3A_362 = tpu.memref_slice %arg11[%dma_wait3A_360, %dma_wait3A_361] : memref<10112x16xf32, #tpu.memory_space<vmem_shared>> -> memref<10112x16xf32, #tpu.memory_space<vmem_shared>>
      tpu.wait_indirect_dma semaphore(%arg13 : memref<!tpu.dma_semaphore, #tpu.memory_space<semaphore_mem>>) src(%dma_wait3A_362 : memref<10112x16xf32, #tpu.memory_space<vmem_shared>>) dst(%dma_wait3A_356 : memref<128x16xf32, #tpu.memory_space<vmem>>)
      %dma_wait3A_363 = arith.constant 3 : i32
      %dma_wait3A_364 = arith.constant 1 : i32
      %dma_wait3A_365 = arith.constant 3 : i32
      %dma_wait3A_366 = arith.constant 0 : i32
      %dma_wait3A_367 = arith.constant 0 : i32
      %dma_wait3A_368 = tpu.memref_slice %arg8[%dma_wait3A_364, %dma_wait3A_365, %dma_wait3A_366, %dma_wait3A_367] : memref<2x4x128x16xf32, #tpu.memory_space<vmem>> -> memref<1x1x128x16xf32, #tpu.memory_space<vmem>>
      %dma_wait3A_369 = tpu.memref_squeeze %dma_wait3A_368 : memref<1x1x128x16xf32, #tpu.memory_space<vmem>> -> memref<128x16xf32, #tpu.memory_space<vmem>>
      %dma_wait3A_370 = arith.constant 0 : i32
      %dma_wait3A_371 = tpu.memref_slice %arg6[%dma_wait3A_363, %dma_wait3A_370] : memref<96x128xi32, #tpu.memory_space<vmem>> -> memref<1x128xi32, #tpu.memory_space<vmem>>
      %dma_wait3A_372 = tpu.memref_squeeze %dma_wait3A_371 : memref<1x128xi32, #tpu.memory_space<vmem>> -> memref<128xi32, #tpu.memory_space<vmem>>
      %dma_wait3A_373 = arith.constant 0 : i32
      %dma_wait3A_374 = arith.constant 0 : i32
      %dma_wait3A_375 = tpu.memref_slice %arg11[%dma_wait3A_373, %dma_wait3A_374] : memref<10112x16xf32, #tpu.memory_space<vmem_shared>> -> memref<10112x16xf32, #tpu.memory_space<vmem_shared>>
      tpu.wait_indirect_dma semaphore(%arg13 : memref<!tpu.dma_semaphore, #tpu.memory_space<semaphore_mem>>) src(%dma_wait3A_375 : memref<10112x16xf32, #tpu.memory_space<vmem_shared>>) dst(%dma_wait3A_369 : memref<128x16xf32, #tpu.memory_space<vmem>>)
      %dma_wait3A_376 = arith.constant 0 : i32
      %dma_wait3A_377 = arith.constant 0 : i32
      %dma_wait3A_378 = arith.constant 0 : i32
      %dma_wait3A_379 = arith.constant 0 : i32
      %dma_wait3A_380 = arith.constant 0 : i32
      %dma_wait3A_381 = tpu.memref_slice %arg8[%dma_wait3A_376, %dma_wait3A_377, %dma_wait3A_379, %dma_wait3A_380] : memref<2x4x128x16xf32, #tpu.memory_space<vmem>> -> memref<1x1x128x16xf32, #tpu.memory_space<vmem>>
      %dma_wait3A_382 = tpu.memref_squeeze %dma_wait3A_381 : memref<1x1x128x16xf32, #tpu.memory_space<vmem>> -> memref<128x16xf32, #tpu.memory_space<vmem>>
      %dma_wait3A_383 = arith.constant 0 : i32
      %dma_wait3A_384 = tpu.memref_slice %arg7[%dma_wait3A_378, %dma_wait3A_383] : memref<96x128xi32, #tpu.memory_space<vmem>> -> memref<1x128xi32, #tpu.memory_space<vmem>>
      %dma_wait3A_385 = tpu.memref_squeeze %dma_wait3A_384 : memref<1x128xi32, #tpu.memory_space<vmem>> -> memref<128xi32, #tpu.memory_space<vmem>>
      %dma_wait3A_386 = arith.constant 0 : i32
      %dma_wait3A_387 = arith.constant 0 : i32
      %dma_wait3A_388 = tpu.memref_slice %arg10[%dma_wait3A_386, %dma_wait3A_387] : memref<10112x16xf32, #tpu.memory_space<vmem_shared>> -> memref<10112x16xf32, #tpu.memory_space<vmem_shared>>
      tpu.wait_indirect_dma semaphore(%arg14 : memref<!tpu.dma_semaphore, #tpu.memory_space<semaphore_mem>>) src(%dma_wait3A_382 : memref<128x16xf32, #tpu.memory_space<vmem>>) dst(%dma_wait3A_388 : memref<10112x16xf32, #tpu.memory_space<vmem_shared>>)
      %dma_wait3A_389 = arith.constant 0 : i32
      %dma_wait3A_390 = arith.constant 1 : i32
      %dma_wait3A_391 = arith.constant 1 : i32
      %dma_wait3A_392 = arith.constant 0 : i32
      %dma_wait3A_393 = arith.constant 0 : i32
      %dma_wait3A_394 = tpu.memref_slice %arg8[%dma_wait3A_389, %dma_wait3A_390, %dma_wait3A_392, %dma_wait3A_393] : memref<2x4x128x16xf32, #tpu.memory_space<vmem>> -> memref<1x1x128x16xf32, #tpu.memory_space<vmem>>
      %dma_wait3A_395 = tpu.memref_squeeze %dma_wait3A_394 : memref<1x1x128x16xf32, #tpu.memory_space<vmem>> -> memref<128x16xf32, #tpu.memory_space<vmem>>
      %dma_wait3A_396 = arith.constant 0 : i32
      %dma_wait3A_397 = tpu.memref_slice %arg7[%dma_wait3A_391, %dma_wait3A_396] : memref<96x128xi32, #tpu.memory_space<vmem>> -> memref<1x128xi32, #tpu.memory_space<vmem>>
      %dma_wait3A_398 = tpu.memref_squeeze %dma_wait3A_397 : memref<1x128xi32, #tpu.memory_space<vmem>> -> memref<128xi32, #tpu.memory_space<vmem>>
      %dma_wait3A_399 = arith.constant 0 : i32
      %dma_wait3A_400 = arith.constant 0 : i32
      %dma_wait3A_401 = tpu.memref_slice %arg10[%dma_wait3A_399, %dma_wait3A_400] : memref<10112x16xf32, #tpu.memory_space<vmem_shared>> -> memref<10112x16xf32, #tpu.memory_space<vmem_shared>>
      tpu.wait_indirect_dma semaphore(%arg14 : memref<!tpu.dma_semaphore, #tpu.memory_space<semaphore_mem>>) src(%dma_wait3A_395 : memref<128x16xf32, #tpu.memory_space<vmem>>) dst(%dma_wait3A_401 : memref<10112x16xf32, #tpu.memory_space<vmem_shared>>)
      %dma_wait3A_402 = arith.constant 0 : i32
      %dma_wait3A_403 = arith.constant 2 : i32
      %dma_wait3A_404 = arith.constant 2 : i32
      %dma_wait3A_405 = arith.constant 0 : i32
      %dma_wait3A_406 = arith.constant 0 : i32
      %dma_wait3A_407 = tpu.memref_slice %arg8[%dma_wait3A_402, %dma_wait3A_403, %dma_wait3A_405, %dma_wait3A_406] : memref<2x4x128x16xf32, #tpu.memory_space<vmem>> -> memref<1x1x128x16xf32, #tpu.memory_space<vmem>>
      %dma_wait3A_408 = tpu.memref_squeeze %dma_wait3A_407 : memref<1x1x128x16xf32, #tpu.memory_space<vmem>> -> memref<128x16xf32, #tpu.memory_space<vmem>>
      %dma_wait3A_409 = arith.constant 0 : i32
      %dma_wait3A_410 = tpu.memref_slice %arg7[%dma_wait3A_404, %dma_wait3A_409] : memref<96x128xi32, #tpu.memory_space<vmem>> -> memref<1x128xi32, #tpu.memory_space<vmem>>
      %dma_wait3A_411 = tpu.memref_squeeze %dma_wait3A_410 : memref<1x128xi32, #tpu.memory_space<vmem>> -> memref<128xi32, #tpu.memory_space<vmem>>
      %dma_wait3A_412 = arith.constant 0 : i32
      %dma_wait3A_413 = arith.constant 0 : i32
      %dma_wait3A_414 = tpu.memref_slice %arg10[%dma_wait3A_412, %dma_wait3A_413] : memref<10112x16xf32, #tpu.memory_space<vmem_shared>> -> memref<10112x16xf32, #tpu.memory_space<vmem_shared>>
      tpu.wait_indirect_dma semaphore(%arg14 : memref<!tpu.dma_semaphore, #tpu.memory_space<semaphore_mem>>) src(%dma_wait3A_408 : memref<128x16xf32, #tpu.memory_space<vmem>>) dst(%dma_wait3A_414 : memref<10112x16xf32, #tpu.memory_space<vmem_shared>>)
      %dma_wait3A_415 = arith.constant 0 : i32
      %dma_wait3A_416 = arith.constant 3 : i32
      %dma_wait3A_417 = arith.constant 3 : i32
      %dma_wait3A_418 = arith.constant 0 : i32
      %dma_wait3A_419 = arith.constant 0 : i32
      %dma_wait3A_420 = tpu.memref_slice %arg8[%dma_wait3A_415, %dma_wait3A_416, %dma_wait3A_418, %dma_wait3A_419] : memref<2x4x128x16xf32, #tpu.memory_space<vmem>> -> memref<1x1x128x16xf32, #tpu.memory_space<vmem>>
      %dma_wait3A_421 = tpu.memref_squeeze %dma_wait3A_420 : memref<1x1x128x16xf32, #tpu.memory_space<vmem>> -> memref<128x16xf32, #tpu.memory_space<vmem>>
      %dma_wait3A_422 = arith.constant 0 : i32
      %dma_wait3A_423 = tpu.memref_slice %arg7[%dma_wait3A_417, %dma_wait3A_422] : memref<96x128xi32, #tpu.memory_space<vmem>> -> memref<1x128xi32, #tpu.memory_space<vmem>>
      %dma_wait3A_424 = tpu.memref_squeeze %dma_wait3A_423 : memref<1x128xi32, #tpu.memory_space<vmem>> -> memref<128xi32, #tpu.memory_space<vmem>>
      %dma_wait3A_425 = arith.constant 0 : i32
      %dma_wait3A_426 = arith.constant 0 : i32
      %dma_wait3A_427 = tpu.memref_slice %arg10[%dma_wait3A_425, %dma_wait3A_426] : memref<10112x16xf32, #tpu.memory_space<vmem_shared>> -> memref<10112x16xf32, #tpu.memory_space<vmem_shared>>
      tpu.wait_indirect_dma semaphore(%arg14 : memref<!tpu.dma_semaphore, #tpu.memory_space<semaphore_mem>>) src(%dma_wait3A_421 : memref<128x16xf32, #tpu.memory_space<vmem>>) dst(%dma_wait3A_427 : memref<10112x16xf32, #tpu.memory_space<vmem_shared>>)
      %add3A_428 = arith.constant 2 : i32
      %add3A_429 = arith.addi %mul3A_138, %add3A_428 : i32
      %mul3A_430 = arith.constant 2 : i32
      %mul3A_431 = arith.muli %mul3A_430, %select_n3A : i32
      %lt3A = arith.cmpi slt, %add3A_429, %mul3A_431 : i32
      %convert_element_type3A_432 = arith.extui %lt3A : i1 to i32
      %cond3A_433 = arith.constant 0 : i32
      %cond3A_434 = arith.cmpi ne, %convert_element_type3A_432, %cond3A_433 : i32
      scf.if %cond3A_434 {
        %add3A_501 = arith.constant 2 : i32
        %add3A_502 = arith.addi %mul3A_138, %add3A_501 : i32
        %mul3A_503 = arith.constant 4 : i32
        %mul3A_504 = arith.muli %add3A_502, %mul3A_503 : i32
        %add3A_505 = arith.constant 0 : i32
        %add3A_506 = arith.addi %mul3A_504, %add3A_505 : i32
        %dma_start3A_507 = arith.constant 0 : i32
        %dma_start3A_508 = arith.constant 0 : i32
        %dma_start3A_509 = arith.constant 0 : i32
        %dma_start3A_510 = arith.constant 0 : i32
        %dma_start3A_511 = tpu.memref_slice %arg8[%dma_start3A_507, %dma_start3A_508, %dma_start3A_509, %dma_start3A_510] : memref<2x4x128x16xf32, #tpu.memory_space<vmem>> -> memref<1x1x128x16xf32, #tpu.memory_space<vmem>>
        %dma_start3A_512 = tpu.memref_squeeze %dma_start3A_511 : memref<1x1x128x16xf32, #tpu.memory_space<vmem>> -> memref<128x16xf32, #tpu.memory_space<vmem>>
        %dma_start3A_513 = arith.constant 0 : i32
        %dma_start3A_514 = tpu.memref_slice %arg6[%add3A_506, %dma_start3A_513] : memref<96x128xi32, #tpu.memory_space<vmem>> -> memref<1x128xi32, #tpu.memory_space<vmem>>
        %dma_start3A_515 = tpu.memref_squeeze %dma_start3A_514 : memref<1x128xi32, #tpu.memory_space<vmem>> -> memref<128xi32, #tpu.memory_space<vmem>>
        %dma_start3A_516 = arith.constant 0 : i32
        %dma_start3A_517 = arith.constant 0 : i32
        %dma_start3A_518 = tpu.memref_slice %arg11[%dma_start3A_516, %dma_start3A_517] : memref<10112x16xf32, #tpu.memory_space<vmem_shared>> -> memref<10112x16xf32, #tpu.memory_space<vmem_shared>>
        tpu.enqueue_indirect_dma source(%dma_start3A_518 : memref<10112x16xf32, #tpu.memory_space<vmem_shared>>) target(%dma_start3A_512 : memref<128x16xf32, #tpu.memory_space<vmem>>) offsets(%dma_start3A_515 : memref<128xi32, #tpu.memory_space<vmem>>) semaphore(%arg12 : memref<!tpu.dma_semaphore, #tpu.memory_space<semaphore_mem>>)
        %mul3A_519 = arith.constant 4 : i32
        %mul3A_520 = arith.muli %add3A_502, %mul3A_519 : i32
        %add3A_521 = arith.constant 1 : i32
        %add3A_522 = arith.addi %mul3A_520, %add3A_521 : i32
        %dma_start3A_523 = arith.constant 0 : i32
        %dma_start3A_524 = arith.constant 1 : i32
        %dma_start3A_525 = arith.constant 0 : i32
        %dma_start3A_526 = arith.constant 0 : i32
        %dma_start3A_527 = tpu.memref_slice %arg8[%dma_start3A_523, %dma_start3A_524, %dma_start3A_525, %dma_start3A_526] : memref<2x4x128x16xf32, #tpu.memory_space<vmem>> -> memref<1x1x128x16xf32, #tpu.memory_space<vmem>>
        %dma_start3A_528 = tpu.memref_squeeze %dma_start3A_527 : memref<1x1x128x16xf32, #tpu.memory_space<vmem>> -> memref<128x16xf32, #tpu.memory_space<vmem>>
        %dma_start3A_529 = arith.constant 0 : i32
        %dma_start3A_530 = tpu.memref_slice %arg6[%add3A_522, %dma_start3A_529] : memref<96x128xi32, #tpu.memory_space<vmem>> -> memref<1x128xi32, #tpu.memory_space<vmem>>
        %dma_start3A_531 = tpu.memref_squeeze %dma_start3A_530 : memref<1x128xi32, #tpu.memory_space<vmem>> -> memref<128xi32, #tpu.memory_space<vmem>>
        %dma_start3A_532 = arith.constant 0 : i32
        %dma_start3A_533 = arith.constant 0 : i32
        %dma_start3A_534 = tpu.memref_slice %arg11[%dma_start3A_532, %dma_start3A_533] : memref<10112x16xf32, #tpu.memory_space<vmem_shared>> -> memref<10112x16xf32, #tpu.memory_space<vmem_shared>>
        tpu.enqueue_indirect_dma source(%dma_start3A_534 : memref<10112x16xf32, #tpu.memory_space<vmem_shared>>) target(%dma_start3A_528 : memref<128x16xf32, #tpu.memory_space<vmem>>) offsets(%dma_start3A_531 : memref<128xi32, #tpu.memory_space<vmem>>) semaphore(%arg12 : memref<!tpu.dma_semaphore, #tpu.memory_space<semaphore_mem>>)
        %mul3A_535 = arith.constant 4 : i32
        %mul3A_536 = arith.muli %add3A_502, %mul3A_535 : i32
        %add3A_537 = arith.constant 2 : i32
        %add3A_538 = arith.addi %mul3A_536, %add3A_537 : i32
        %dma_start3A_539 = arith.constant 0 : i32
        %dma_start3A_540 = arith.constant 2 : i32
        %dma_start3A_541 = arith.constant 0 : i32
        %dma_start3A_542 = arith.constant 0 : i32
        %dma_start3A_543 = tpu.memref_slice %arg8[%dma_start3A_539, %dma_start3A_540, %dma_start3A_541, %dma_start3A_542] : memref<2x4x128x16xf32, #tpu.memory_space<vmem>> -> memref<1x1x128x16xf32, #tpu.memory_space<vmem>>
        %dma_start3A_544 = tpu.memref_squeeze %dma_start3A_543 : memref<1x1x128x16xf32, #tpu.memory_space<vmem>> -> memref<128x16xf32, #tpu.memory_space<vmem>>
        %dma_start3A_545 = arith.constant 0 : i32
        %dma_start3A_546 = tpu.memref_slice %arg6[%add3A_538, %dma_start3A_545] : memref<96x128xi32, #tpu.memory_space<vmem>> -> memref<1x128xi32, #tpu.memory_space<vmem>>
        %dma_start3A_547 = tpu.memref_squeeze %dma_start3A_546 : memref<1x128xi32, #tpu.memory_space<vmem>> -> memref<128xi32, #tpu.memory_space<vmem>>
        %dma_start3A_548 = arith.constant 0 : i32
        %dma_start3A_549 = arith.constant 0 : i32
        %dma_start3A_550 = tpu.memref_slice %arg11[%dma_start3A_548, %dma_start3A_549] : memref<10112x16xf32, #tpu.memory_space<vmem_shared>> -> memref<10112x16xf32, #tpu.memory_space<vmem_shared>>
        tpu.enqueue_indirect_dma source(%dma_start3A_550 : memref<10112x16xf32, #tpu.memory_space<vmem_shared>>) target(%dma_start3A_544 : memref<128x16xf32, #tpu.memory_space<vmem>>) offsets(%dma_start3A_547 : memref<128xi32, #tpu.memory_space<vmem>>) semaphore(%arg12 : memref<!tpu.dma_semaphore, #tpu.memory_space<semaphore_mem>>)
        %mul3A_551 = arith.constant 4 : i32
        %mul3A_552 = arith.muli %add3A_502, %mul3A_551 : i32
        %add3A_553 = arith.constant 3 : i32
        %add3A_554 = arith.addi %mul3A_552, %add3A_553 : i32
        %dma_start3A_555 = arith.constant 0 : i32
        %dma_start3A_556 = arith.constant 3 : i32
        %dma_start3A_557 = arith.constant 0 : i32
        %dma_start3A_558 = arith.constant 0 : i32
        %dma_start3A_559 = tpu.memref_slice %arg8[%dma_start3A_555, %dma_start3A_556, %dma_start3A_557, %dma_start3A_558] : memref<2x4x128x16xf32, #tpu.memory_space<vmem>> -> memref<1x1x128x16xf32, #tpu.memory_space<vmem>>
        %dma_start3A_560 = tpu.memref_squeeze %dma_start3A_559 : memref<1x1x128x16xf32, #tpu.memory_space<vmem>> -> memref<128x16xf32, #tpu.memory_space<vmem>>
        %dma_start3A_561 = arith.constant 0 : i32
        %dma_start3A_562 = tpu.memref_slice %arg6[%add3A_554, %dma_start3A_561] : memref<96x128xi32, #tpu.memory_space<vmem>> -> memref<1x128xi32, #tpu.memory_space<vmem>>
        %dma_start3A_563 = tpu.memref_squeeze %dma_start3A_562 : memref<1x128xi32, #tpu.memory_space<vmem>> -> memref<128xi32, #tpu.memory_space<vmem>>
        %dma_start3A_564 = arith.constant 0 : i32
        %dma_start3A_565 = arith.constant 0 : i32
        %dma_start3A_566 = tpu.memref_slice %arg11[%dma_start3A_564, %dma_start3A_565] : memref<10112x16xf32, #tpu.memory_space<vmem_shared>> -> memref<10112x16xf32, #tpu.memory_space<vmem_shared>>
        tpu.enqueue_indirect_dma source(%dma_start3A_566 : memref<10112x16xf32, #tpu.memory_space<vmem_shared>>) target(%dma_start3A_560 : memref<128x16xf32, #tpu.memory_space<vmem>>) offsets(%dma_start3A_563 : memref<128xi32, #tpu.memory_space<vmem>>) semaphore(%arg12 : memref<!tpu.dma_semaphore, #tpu.memory_space<semaphore_mem>>)
      } else {
      }
      %add3A_435 = arith.constant 1 : i32
      %add3A_436 = arith.addi %mul3A_138, %add3A_435 : i32
      %mul3A_437 = arith.constant 4 : i32
      %mul3A_438 = arith.muli %add3A_436, %mul3A_437 : i32
      %add3A_439 = arith.constant 0 : i32
      %add3A_440 = arith.addi %mul3A_438, %add3A_439 : i32
      %dma_start3A_441 = arith.constant 1 : i32
      %dma_start3A_442 = arith.constant 0 : i32
      %dma_start3A_443 = arith.constant 0 : i32
      %dma_start3A_444 = arith.constant 0 : i32
      %dma_start3A_445 = tpu.memref_slice %arg8[%dma_start3A_441, %dma_start3A_442, %dma_start3A_443, %dma_start3A_444] : memref<2x4x128x16xf32, #tpu.memory_space<vmem>> -> memref<1x1x128x16xf32, #tpu.memory_space<vmem>>
      %dma_start3A_446 = tpu.memref_squeeze %dma_start3A_445 : memref<1x1x128x16xf32, #tpu.memory_space<vmem>> -> memref<128x16xf32, #tpu.memory_space<vmem>>
      %dma_start3A_447 = arith.constant 0 : i32
      %dma_start3A_448 = tpu.memref_slice %arg7[%add3A_440, %dma_start3A_447] : memref<96x128xi32, #tpu.memory_space<vmem>> -> memref<1x128xi32, #tpu.memory_space<vmem>>
      %dma_start3A_449 = tpu.memref_squeeze %dma_start3A_448 : memref<1x128xi32, #tpu.memory_space<vmem>> -> memref<128xi32, #tpu.memory_space<vmem>>
      %dma_start3A_450 = arith.constant 0 : i32
      %dma_start3A_451 = arith.constant 0 : i32
      %dma_start3A_452 = tpu.memref_slice %arg10[%dma_start3A_450, %dma_start3A_451] : memref<10112x16xf32, #tpu.memory_space<vmem_shared>> -> memref<10112x16xf32, #tpu.memory_space<vmem_shared>>
      tpu.enqueue_indirect_dma source(%dma_start3A_446 : memref<128x16xf32, #tpu.memory_space<vmem>>) target(%dma_start3A_452 : memref<10112x16xf32, #tpu.memory_space<vmem_shared>>) offsets(%dma_start3A_449 : memref<128xi32, #tpu.memory_space<vmem>>) semaphore(%arg15 : memref<!tpu.dma_semaphore, #tpu.memory_space<semaphore_mem>>) {add = true}
      %mul3A_453 = arith.constant 4 : i32
      %mul3A_454 = arith.muli %add3A_436, %mul3A_453 : i32
      %add3A_455 = arith.constant 1 : i32
      %add3A_456 = arith.addi %mul3A_454, %add3A_455 : i32
      %dma_start3A_457 = arith.constant 1 : i32
      %dma_start3A_458 = arith.constant 1 : i32
      %dma_start3A_459 = arith.constant 0 : i32
      %dma_start3A_460 = arith.constant 0 : i32
      %dma_start3A_461 = tpu.memref_slice %arg8[%dma_start3A_457, %dma_start3A_458, %dma_start3A_459, %dma_start3A_460] : memref<2x4x128x16xf32, #tpu.memory_space<vmem>> -> memref<1x1x128x16xf32, #tpu.memory_space<vmem>>
      %dma_start3A_462 = tpu.memref_squeeze %dma_start3A_461 : memref<1x1x128x16xf32, #tpu.memory_space<vmem>> -> memref<128x16xf32, #tpu.memory_space<vmem>>
      %dma_start3A_463 = arith.constant 0 : i32
      %dma_start3A_464 = tpu.memref_slice %arg7[%add3A_456, %dma_start3A_463] : memref<96x128xi32, #tpu.memory_space<vmem>> -> memref<1x128xi32, #tpu.memory_space<vmem>>
      %dma_start3A_465 = tpu.memref_squeeze %dma_start3A_464 : memref<1x128xi32, #tpu.memory_space<vmem>> -> memref<128xi32, #tpu.memory_space<vmem>>
      %dma_start3A_466 = arith.constant 0 : i32
      %dma_start3A_467 = arith.constant 0 : i32
      %dma_start3A_468 = tpu.memref_slice %arg10[%dma_start3A_466, %dma_start3A_467] : memref<10112x16xf32, #tpu.memory_space<vmem_shared>> -> memref<10112x16xf32, #tpu.memory_space<vmem_shared>>
      tpu.enqueue_indirect_dma source(%dma_start3A_462 : memref<128x16xf32, #tpu.memory_space<vmem>>) target(%dma_start3A_468 : memref<10112x16xf32, #tpu.memory_space<vmem_shared>>) offsets(%dma_start3A_465 : memref<128xi32, #tpu.memory_space<vmem>>) semaphore(%arg15 : memref<!tpu.dma_semaphore, #tpu.memory_space<semaphore_mem>>) {add = true}
      %mul3A_469 = arith.constant 4 : i32
      %mul3A_470 = arith.muli %add3A_436, %mul3A_469 : i32
      %add3A_471 = arith.constant 2 : i32
      %add3A_472 = arith.addi %mul3A_470, %add3A_471 : i32
      %dma_start3A_473 = arith.constant 1 : i32
      %dma_start3A_474 = arith.constant 2 : i32
      %dma_start3A_475 = arith.constant 0 : i32
      %dma_start3A_476 = arith.constant 0 : i32
      %dma_start3A_477 = tpu.memref_slice %arg8[%dma_start3A_473, %dma_start3A_474, %dma_start3A_475, %dma_start3A_476] : memref<2x4x128x16xf32, #tpu.memory_space<vmem>> -> memref<1x1x128x16xf32, #tpu.memory_space<vmem>>
      %dma_start3A_478 = tpu.memref_squeeze %dma_start3A_477 : memref<1x1x128x16xf32, #tpu.memory_space<vmem>> -> memref<128x16xf32, #tpu.memory_space<vmem>>
      %dma_start3A_479 = arith.constant 0 : i32
      %dma_start3A_480 = tpu.memref_slice %arg7[%add3A_472, %dma_start3A_479] : memref<96x128xi32, #tpu.memory_space<vmem>> -> memref<1x128xi32, #tpu.memory_space<vmem>>
      %dma_start3A_481 = tpu.memref_squeeze %dma_start3A_480 : memref<1x128xi32, #tpu.memory_space<vmem>> -> memref<128xi32, #tpu.memory_space<vmem>>
      %dma_start3A_482 = arith.constant 0 : i32
      %dma_start3A_483 = arith.constant 0 : i32
      %dma_start3A_484 = tpu.memref_slice %arg10[%dma_start3A_482, %dma_start3A_483] : memref<10112x16xf32, #tpu.memory_space<vmem_shared>> -> memref<10112x16xf32, #tpu.memory_space<vmem_shared>>
      tpu.enqueue_indirect_dma source(%dma_start3A_478 : memref<128x16xf32, #tpu.memory_space<vmem>>) target(%dma_start3A_484 : memref<10112x16xf32, #tpu.memory_space<vmem_shared>>) offsets(%dma_start3A_481 : memref<128xi32, #tpu.memory_space<vmem>>) semaphore(%arg15 : memref<!tpu.dma_semaphore, #tpu.memory_space<semaphore_mem>>) {add = true}
      %mul3A_485 = arith.constant 4 : i32
      %mul3A_486 = arith.muli %add3A_436, %mul3A_485 : i32
      %add3A_487 = arith.constant 3 : i32
      %add3A_488 = arith.addi %mul3A_486, %add3A_487 : i32
      %dma_start3A_489 = arith.constant 1 : i32
      %dma_start3A_490 = arith.constant 3 : i32
      %dma_start3A_491 = arith.constant 0 : i32
      %dma_start3A_492 = arith.constant 0 : i32
      %dma_start3A_493 = tpu.memref_slice %arg8[%dma_start3A_489, %dma_start3A_490, %dma_start3A_491, %dma_start3A_492] : memref<2x4x128x16xf32, #tpu.memory_space<vmem>> -> memref<1x1x128x16xf32, #tpu.memory_space<vmem>>
      %dma_start3A_494 = tpu.memref_squeeze %dma_start3A_493 : memref<1x1x128x16xf32, #tpu.memory_space<vmem>> -> memref<128x16xf32, #tpu.memory_space<vmem>>
      %dma_start3A_495 = arith.constant 0 : i32
      %dma_start3A_496 = tpu.memref_slice %arg7[%add3A_488, %dma_start3A_495] : memref<96x128xi32, #tpu.memory_space<vmem>> -> memref<1x128xi32, #tpu.memory_space<vmem>>
      %dma_start3A_497 = tpu.memref_squeeze %dma_start3A_496 : memref<1x128xi32, #tpu.memory_space<vmem>> -> memref<128xi32, #tpu.memory_space<vmem>>
      %dma_start3A_498 = arith.constant 0 : i32
      %dma_start3A_499 = arith.constant 0 : i32
      %dma_start3A_500 = tpu.memref_slice %arg10[%dma_start3A_498, %dma_start3A_499] : memref<10112x16xf32, #tpu.memory_space<vmem_shared>> -> memref<10112x16xf32, #tpu.memory_space<vmem_shared>>
      tpu.enqueue_indirect_dma source(%dma_start3A_494 : memref<128x16xf32, #tpu.memory_space<vmem>>) target(%dma_start3A_500 : memref<10112x16xf32, #tpu.memory_space<vmem_shared>>) offsets(%dma_start3A_497 : memref<128xi32, #tpu.memory_space<vmem>>) semaphore(%arg15 : memref<!tpu.dma_semaphore, #tpu.memory_space<semaphore_mem>>) {add = true}
    }
    %while3A_79 = arith.constant 1 : i32
    scf.for %while3A_136 = %while3A_77 to %while3A_73 step %while3A_79  : i32 {
      %mul3A_137 = arith.constant 2 : i32
      %mul3A_138 = arith.muli %mul3A_137, %while3A_136 : i32
      %dma_wait3A_139 = arith.constant 0 : i32
      %dma_wait3A_140 = arith.constant 0 : i32
      %dma_wait3A_141 = arith.constant 0 : i32
      %dma_wait3A_142 = arith.constant 0 : i32
      %dma_wait3A_143 = arith.constant 0 : i32
      %dma_wait3A_144 = tpu.memref_slice %arg8[%dma_wait3A_140, %dma_wait3A_141, %dma_wait3A_142, %dma_wait3A_143] : memref<2x4x128x16xf32, #tpu.memory_space<vmem>> -> memref<1x1x128x16xf32, #tpu.memory_space<vmem>>
      %dma_wait3A_145 = tpu.memref_squeeze %dma_wait3A_144 : memref<1x1x128x16xf32, #tpu.memory_space<vmem>> -> memref<128x16xf32, #tpu.memory_space<vmem>>
      %dma_wait3A_146 = arith.constant 0 : i32
      %dma_wait3A_147 = tpu.memref_slice %arg6[%dma_wait3A_139, %dma_wait3A_146] : memref<96x128xi32, #tpu.memory_space<vmem>> -> memref<1x128xi32, #tpu.memory_space<vmem>>
      %dma_wait3A_148 = tpu.memref_squeeze %dma_wait3A_147 : memref<1x128xi32, #tpu.memory_space<vmem>> -> memref<128xi32, #tpu.memory_space<vmem>>
      %dma_wait3A_149 = arith.constant 0 : i32
      %dma_wait3A_150 = arith.constant 0 : i32
      %dma_wait3A_151 = tpu.memref_slice %arg11[%dma_wait3A_149, %dma_wait3A_150] : memref<10112x16xf32, #tpu.memory_space<vmem_shared>> -> memref<10112x16xf32, #tpu.memory_space<vmem_shared>>
      tpu.wait_indirect_dma semaphore(%arg12 : memref<!tpu.dma_semaphore, #tpu.memory_space<semaphore_mem>>) src(%dma_wait3A_151 : memref<10112x16xf32, #tpu.memory_space<vmem_shared>>) dst(%dma_wait3A_145 : memref<128x16xf32, #tpu.memory_space<vmem>>)
      %dma_wait3A_152 = arith.constant 1 : i32
      %dma_wait3A_153 = arith.constant 0 : i32
      %dma_wait3A_154 = arith.constant 1 : i32
      %dma_wait3A_155 = arith.constant 0 : i32
      %dma_wait3A_156 = arith.constant 0 : i32
      %dma_wait3A_157 = tpu.memref_slice %arg8[%dma_wait3A_153, %dma_wait3A_154, %dma_wait3A_155, %dma_wait3A_156] : memref<2x4x128x16xf32, #tpu.memory_space<vmem>> -> memref<1x1x128x16xf32, #tpu.memory_space<vmem>>
      %dma_wait3A_158 = tpu.memref_squeeze %dma_wait3A_157 : memref<1x1x128x16xf32, #tpu.memory_space<vmem>> -> memref<128x16xf32, #tpu.memory_space<vmem>>
      %dma_wait3A_159 = arith.constant 0 : i32
      %dma_wait3A_160 = tpu.memref_slice %arg6[%dma_wait3A_152, %dma_wait3A_159] : memref<96x128xi32, #tpu.memory_space<vmem>> -> memref<1x128xi32, #tpu.memory_space<vmem>>
      %dma_wait3A_161 = tpu.memref_squeeze %dma_wait3A_160 : memref<1x128xi32, #tpu.memory_space<vmem>> -> memref<128xi32, #tpu.memory_space<vmem>>
      %dma_wait3A_162 = arith.constant 0 : i32
      %dma_wait3A_163 = arith.constant 0 : i32
      %dma_wait3A_164 = tpu.memref_slice %arg11[%dma_wait3A_162, %dma_wait3A_163] : memref<10112x16xf32, #tpu.memory_space<vmem_shared>> -> memref<10112x16xf32, #tpu.memory_space<vmem_shared>>
      tpu.wait_indirect_dma semaphore(%arg12 : memref<!tpu.dma_semaphore, #tpu.memory_space<semaphore_mem>>) src(%dma_wait3A_164 : memref<10112x16xf32, #tpu.memory_space<vmem_shared>>) dst(%dma_wait3A_158 : memref<128x16xf32, #tpu.memory_space<vmem>>)
      %dma_wait3A_165 = arith.constant 2 : i32
      %dma_wait3A_166 = arith.constant 0 : i32
      %dma_wait3A_167 = arith.constant 2 : i32
      %dma_wait3A_168 = arith.constant 0 : i32
      %dma_wait3A_169 = arith.constant 0 : i32
      %dma_wait3A_170 = tpu.memref_slice %arg8[%dma_wait3A_166, %dma_wait3A_167, %dma_wait3A_168, %dma_wait3A_169] : memref<2x4x128x16xf32, #tpu.memory_space<vmem>> -> memref<1x1x128x16xf32, #tpu.memory_space<vmem>>
      %dma_wait3A_171 = tpu.memref_squeeze %dma_wait3A_170 : memref<1x1x128x16xf32, #tpu.memory_space<vmem>> -> memref<128x16xf32, #tpu.memory_space<vmem>>
      %dma_wait3A_172 = arith.constant 0 : i32
      %dma_wait3A_173 = tpu.memref_slice %arg6[%dma_wait3A_165, %dma_wait3A_172] : memref<96x128xi32, #tpu.memory_space<vmem>> -> memref<1x128xi32, #tpu.memory_space<vmem>>
      %dma_wait3A_174 = tpu.memref_squeeze %dma_wait3A_173 : memref<1x128xi32, #tpu.memory_space<vmem>> -> memref<128xi32, #tpu.memory_space<vmem>>
      %dma_wait3A_175 = arith.constant 0 : i32
      %dma_wait3A_176 = arith.constant 0 : i32
      %dma_wait3A_177 = tpu.memref_slice %arg11[%dma_wait3A_175, %dma_wait3A_176] : memref<10112x16xf32, #tpu.memory_space<vmem_shared>> -> memref<10112x16xf32, #tpu.memory_space<vmem_shared>>
      tpu.wait_indirect_dma semaphore(%arg12 : memref<!tpu.dma_semaphore, #tpu.memory_space<semaphore_mem>>) src(%dma_wait3A_177 : memref<10112x16xf32, #tpu.memory_space<vmem_shared>>) dst(%dma_wait3A_171 : memref<128x16xf32, #tpu.memory_space<vmem>>)
      %dma_wait3A_178 = arith.constant 3 : i32
      %dma_wait3A_179 = arith.constant 0 : i32
      %dma_wait3A_180 = arith.constant 3 : i32
      %dma_wait3A_181 = arith.constant 0 : i32
      %dma_wait3A_182 = arith.constant 0 : i32
      %dma_wait3A_183 = tpu.memref_slice %arg8[%dma_wait3A_179, %dma_wait3A_180, %dma_wait3A_181, %dma_wait3A_182] : memref<2x4x128x16xf32, #tpu.memory_space<vmem>> -> memref<1x1x128x16xf32, #tpu.memory_space<vmem>>
      %dma_wait3A_184 = tpu.memref_squeeze %dma_wait3A_183 : memref<1x1x128x16xf32, #tpu.memory_space<vmem>> -> memref<128x16xf32, #tpu.memory_space<vmem>>
      %dma_wait3A_185 = arith.constant 0 : i32
      %dma_wait3A_186 = tpu.memref_slice %arg6[%dma_wait3A_178, %dma_wait3A_185] : memref<96x128xi32, #tpu.memory_space<vmem>> -> memref<1x128xi32, #tpu.memory_space<vmem>>
      %dma_wait3A_187 = tpu.memref_squeeze %dma_wait3A_186 : memref<1x128xi32, #tpu.memory_space<vmem>> -> memref<128xi32, #tpu.memory_space<vmem>>
      %dma_wait3A_188 = arith.constant 0 : i32
      %dma_wait3A_189 = arith.constant 0 : i32
      %dma_wait3A_190 = tpu.memref_slice %arg11[%dma_wait3A_188, %dma_wait3A_189] : memref<10112x16xf32, #tpu.memory_space<vmem_shared>> -> memref<10112x16xf32, #tpu.memory_space<vmem_shared>>
      tpu.wait_indirect_dma semaphore(%arg12 : memref<!tpu.dma_semaphore, #tpu.memory_space<semaphore_mem>>) src(%dma_wait3A_190 : memref<10112x16xf32, #tpu.memory_space<vmem_shared>>) dst(%dma_wait3A_184 : memref<128x16xf32, #tpu.memory_space<vmem>>)
      %ge3A = arith.constant 1 : i32
      %ge3A_191 = arith.cmpi sge, %while3A_136, %ge3A : i32
      %convert_element_type3A_192 = arith.extui %ge3A_191 : i1 to i32
      %cond3A_193 = arith.constant 0 : i32
      %cond3A_194 = arith.cmpi ne, %convert_element_type3A_192, %cond3A_193 : i32
      scf.if %cond3A_194 {
        %dma_wait3A_501 = arith.constant 1 : i32
        %dma_wait3A_502 = arith.constant 0 : i32
        %dma_wait3A_503 = arith.constant 0 : i32
        %dma_wait3A_504 = arith.constant 0 : i32
        %dma_wait3A_505 = arith.constant 0 : i32
        %dma_wait3A_506 = tpu.memref_slice %arg8[%dma_wait3A_501, %dma_wait3A_502, %dma_wait3A_504, %dma_wait3A_505] : memref<2x4x128x16xf32, #tpu.memory_space<vmem>> -> memref<1x1x128x16xf32, #tpu.memory_space<vmem>>
        %dma_wait3A_507 = tpu.memref_squeeze %dma_wait3A_506 : memref<1x1x128x16xf32, #tpu.memory_space<vmem>> -> memref<128x16xf32, #tpu.memory_space<vmem>>
        %dma_wait3A_508 = arith.constant 0 : i32
        %dma_wait3A_509 = tpu.memref_slice %arg7[%dma_wait3A_503, %dma_wait3A_508] : memref<96x128xi32, #tpu.memory_space<vmem>> -> memref<1x128xi32, #tpu.memory_space<vmem>>
        %dma_wait3A_510 = tpu.memref_squeeze %dma_wait3A_509 : memref<1x128xi32, #tpu.memory_space<vmem>> -> memref<128xi32, #tpu.memory_space<vmem>>
        %dma_wait3A_511 = arith.constant 0 : i32
        %dma_wait3A_512 = arith.constant 0 : i32
        %dma_wait3A_513 = tpu.memref_slice %arg10[%dma_wait3A_511, %dma_wait3A_512] : memref<10112x16xf32, #tpu.memory_space<vmem_shared>> -> memref<10112x16xf32, #tpu.memory_space<vmem_shared>>
        tpu.wait_indirect_dma semaphore(%arg15 : memref<!tpu.dma_semaphore, #tpu.memory_space<semaphore_mem>>) src(%dma_wait3A_507 : memref<128x16xf32, #tpu.memory_space<vmem>>) dst(%dma_wait3A_513 : memref<10112x16xf32, #tpu.memory_space<vmem_shared>>)
        %dma_wait3A_514 = arith.constant 1 : i32
        %dma_wait3A_515 = arith.constant 1 : i32
        %dma_wait3A_516 = arith.constant 1 : i32
        %dma_wait3A_517 = arith.constant 0 : i32
        %dma_wait3A_518 = arith.constant 0 : i32
        %dma_wait3A_519 = tpu.memref_slice %arg8[%dma_wait3A_514, %dma_wait3A_515, %dma_wait3A_517, %dma_wait3A_518] : memref<2x4x128x16xf32, #tpu.memory_space<vmem>> -> memref<1x1x128x16xf32, #tpu.memory_space<vmem>>
        %dma_wait3A_520 = tpu.memref_squeeze %dma_wait3A_519 : memref<1x1x128x16xf32, #tpu.memory_space<vmem>> -> memref<128x16xf32, #tpu.memory_space<vmem>>
        %dma_wait3A_521 = arith.constant 0 : i32
        %dma_wait3A_522 = tpu.memref_slice %arg7[%dma_wait3A_516, %dma_wait3A_521] : memref<96x128xi32, #tpu.memory_space<vmem>> -> memref<1x128xi32, #tpu.memory_space<vmem>>
        %dma_wait3A_523 = tpu.memref_squeeze %dma_wait3A_522 : memref<1x128xi32, #tpu.memory_space<vmem>> -> memref<128xi32, #tpu.memory_space<vmem>>
        %dma_wait3A_524 = arith.constant 0 : i32
        %dma_wait3A_525 = arith.constant 0 : i32
        %dma_wait3A_526 = tpu.memref_slice %arg10[%dma_wait3A_524, %dma_wait3A_525] : memref<10112x16xf32, #tpu.memory_space<vmem_shared>> -> memref<10112x16xf32, #tpu.memory_space<vmem_shared>>
        tpu.wait_indirect_dma semaphore(%arg15 : memref<!tpu.dma_semaphore, #tpu.memory_space<semaphore_mem>>) src(%dma_wait3A_520 : memref<128x16xf32, #tpu.memory_space<vmem>>) dst(%dma_wait3A_526 : memref<10112x16xf32, #tpu.memory_space<vmem_shared>>)
        %dma_wait3A_527 = arith.constant 1 : i32
        %dma_wait3A_528 = arith.constant 2 : i32
        %dma_wait3A_529 = arith.constant 2 : i32
        %dma_wait3A_530 = arith.constant 0 : i32
        %dma_wait3A_531 = arith.constant 0 : i32
        %dma_wait3A_532 = tpu.memref_slice %arg8[%dma_wait3A_527, %dma_wait3A_528, %dma_wait3A_530, %dma_wait3A_531] : memref<2x4x128x16xf32, #tpu.memory_space<vmem>> -> memref<1x1x128x16xf32, #tpu.memory_space<vmem>>
        %dma_wait3A_533 = tpu.memref_squeeze %dma_wait3A_532 : memref<1x1x128x16xf32, #tpu.memory_space<vmem>> -> memref<128x16xf32, #tpu.memory_space<vmem>>
        %dma_wait3A_534 = arith.constant 0 : i32
        %dma_wait3A_535 = tpu.memref_slice %arg7[%dma_wait3A_529, %dma_wait3A_534] : memref<96x128xi32, #tpu.memory_space<vmem>> -> memref<1x128xi32, #tpu.memory_space<vmem>>
        %dma_wait3A_536 = tpu.memref_squeeze %dma_wait3A_535 : memref<1x128xi32, #tpu.memory_space<vmem>> -> memref<128xi32, #tpu.memory_space<vmem>>
        %dma_wait3A_537 = arith.constant 0 : i32
        %dma_wait3A_538 = arith.constant 0 : i32
        %dma_wait3A_539 = tpu.memref_slice %arg10[%dma_wait3A_537, %dma_wait3A_538] : memref<10112x16xf32, #tpu.memory_space<vmem_shared>> -> memref<10112x16xf32, #tpu.memory_space<vmem_shared>>
        tpu.wait_indirect_dma semaphore(%arg15 : memref<!tpu.dma_semaphore, #tpu.memory_space<semaphore_mem>>) src(%dma_wait3A_533 : memref<128x16xf32, #tpu.memory_space<vmem>>) dst(%dma_wait3A_539 : memref<10112x16xf32, #tpu.memory_space<vmem_shared>>)
        %dma_wait3A_540 = arith.constant 1 : i32
        %dma_wait3A_541 = arith.constant 3 : i32
        %dma_wait3A_542 = arith.constant 3 : i32
        %dma_wait3A_543 = arith.constant 0 : i32
        %dma_wait3A_544 = arith.constant 0 : i32
        %dma_wait3A_545 = tpu.memref_slice %arg8[%dma_wait3A_540, %dma_wait3A_541, %dma_wait3A_543, %dma_wait3A_544] : memref<2x4x128x16xf32, #tpu.memory_space<vmem>> -> memref<1x1x128x16xf32, #tpu.memory_space<vmem>>
        %dma_wait3A_546 = tpu.memref_squeeze %dma_wait3A_545 : memref<1x1x128x16xf32, #tpu.memory_space<vmem>> -> memref<128x16xf32, #tpu.memory_space<vmem>>
        %dma_wait3A_547 = arith.constant 0 : i32
        %dma_wait3A_548 = tpu.memref_slice %arg7[%dma_wait3A_542, %dma_wait3A_547] : memref<96x128xi32, #tpu.memory_space<vmem>> -> memref<1x128xi32, #tpu.memory_space<vmem>>
        %dma_wait3A_549 = tpu.memref_squeeze %dma_wait3A_548 : memref<1x128xi32, #tpu.memory_space<vmem>> -> memref<128xi32, #tpu.memory_space<vmem>>
        %dma_wait3A_550 = arith.constant 0 : i32
        %dma_wait3A_551 = arith.constant 0 : i32
        %dma_wait3A_552 = tpu.memref_slice %arg10[%dma_wait3A_550, %dma_wait3A_551] : memref<10112x16xf32, #tpu.memory_space<vmem_shared>> -> memref<10112x16xf32, #tpu.memory_space<vmem_shared>>
        tpu.wait_indirect_dma semaphore(%arg15 : memref<!tpu.dma_semaphore, #tpu.memory_space<semaphore_mem>>) src(%dma_wait3A_546 : memref<128x16xf32, #tpu.memory_space<vmem>>) dst(%dma_wait3A_552 : memref<10112x16xf32, #tpu.memory_space<vmem_shared>>)
      } else {
      }
      %add3A = arith.constant 1 : i32
      %add3A_195 = arith.addi %mul3A_138, %add3A : i32
      %mul3A_196 = arith.constant 4 : i32
      %mul3A_197 = arith.muli %add3A_195, %mul3A_196 : i32
      %add3A_198 = arith.constant 0 : i32
      %add3A_199 = arith.addi %mul3A_197, %add3A_198 : i32
      %dma_start3A_200 = arith.constant 1 : i32
      %dma_start3A_201 = arith.constant 0 : i32
      %dma_start3A_202 = arith.constant 0 : i32
      %dma_start3A_203 = arith.constant 0 : i32
      %dma_start3A_204 = tpu.memref_slice %arg8[%dma_start3A_200, %dma_start3A_201, %dma_start3A_202, %dma_start3A_203] : memref<2x4x128x16xf32, #tpu.memory_space<vmem>> -> memref<1x1x128x16xf32, #tpu.memory_space<vmem>>
      %dma_start3A_205 = tpu.memref_squeeze %dma_start3A_204 : memref<1x1x128x16xf32, #tpu.memory_space<vmem>> -> memref<128x16xf32, #tpu.memory_space<vmem>>
      %dma_start3A_206 = arith.constant 0 : i32
      %dma_start3A_207 = tpu.memref_slice %arg6[%add3A_199, %dma_start3A_206] : memref<96x128xi32, #tpu.memory_space<vmem>> -> memref<1x128xi32, #tpu.memory_space<vmem>>
      %dma_start3A_208 = tpu.memref_squeeze %dma_start3A_207 : memref<1x128xi32, #tpu.memory_space<vmem>> -> memref<128xi32, #tpu.memory_space<vmem>>
      %dma_start3A_209 = arith.constant 0 : i32
      %dma_start3A_210 = arith.constant 0 : i32
      %dma_start3A_211 = tpu.memref_slice %arg11[%dma_start3A_209, %dma_start3A_210] : memref<10112x16xf32, #tpu.memory_space<vmem_shared>> -> memref<10112x16xf32, #tpu.memory_space<vmem_shared>>
      tpu.enqueue_indirect_dma source(%dma_start3A_211 : memref<10112x16xf32, #tpu.memory_space<vmem_shared>>) target(%dma_start3A_205 : memref<128x16xf32, #tpu.memory_space<vmem>>) offsets(%dma_start3A_208 : memref<128xi32, #tpu.memory_space<vmem>>) semaphore(%arg13 : memref<!tpu.dma_semaphore, #tpu.memory_space<semaphore_mem>>)
      %mul3A_212 = arith.constant 4 : i32
      %mul3A_213 = arith.muli %add3A_195, %mul3A_212 : i32
      %add3A_214 = arith.constant 1 : i32
      %add3A_215 = arith.addi %mul3A_213, %add3A_214 : i32
      %dma_start3A_216 = arith.constant 1 : i32
      %dma_start3A_217 = arith.constant 1 : i32
      %dma_start3A_218 = arith.constant 0 : i32
      %dma_start3A_219 = arith.constant 0 : i32
      %dma_start3A_220 = tpu.memref_slice %arg8[%dma_start3A_216, %dma_start3A_217, %dma_start3A_218, %dma_start3A_219] : memref<2x4x128x16xf32, #tpu.memory_space<vmem>> -> memref<1x1x128x16xf32, #tpu.memory_space<vmem>>
      %dma_start3A_221 = tpu.memref_squeeze %dma_start3A_220 : memref<1x1x128x16xf32, #tpu.memory_space<vmem>> -> memref<128x16xf32, #tpu.memory_space<vmem>>
      %dma_start3A_222 = arith.constant 0 : i32
      %dma_start3A_223 = tpu.memref_slice %arg6[%add3A_215, %dma_start3A_222] : memref<96x128xi32, #tpu.memory_space<vmem>> -> memref<1x128xi32, #tpu.memory_space<vmem>>
      %dma_start3A_224 = tpu.memref_squeeze %dma_start3A_223 : memref<1x128xi32, #tpu.memory_space<vmem>> -> memref<128xi32, #tpu.memory_space<vmem>>
      %dma_start3A_225 = arith.constant 0 : i32
      %dma_start3A_226 = arith.constant 0 : i32
      %dma_start3A_227 = tpu.memref_slice %arg11[%dma_start3A_225, %dma_start3A_226] : memref<10112x16xf32, #tpu.memory_space<vmem_shared>> -> memref<10112x16xf32, #tpu.memory_space<vmem_shared>>
      tpu.enqueue_indirect_dma source(%dma_start3A_227 : memref<10112x16xf32, #tpu.memory_space<vmem_shared>>) target(%dma_start3A_221 : memref<128x16xf32, #tpu.memory_space<vmem>>) offsets(%dma_start3A_224 : memref<128xi32, #tpu.memory_space<vmem>>) semaphore(%arg13 : memref<!tpu.dma_semaphore, #tpu.memory_space<semaphore_mem>>)
      %mul3A_228 = arith.constant 4 : i32
      %mul3A_229 = arith.muli %add3A_195, %mul3A_228 : i32
      %add3A_230 = arith.constant 2 : i32
      %add3A_231 = arith.addi %mul3A_229, %add3A_230 : i32
      %dma_start3A_232 = arith.constant 1 : i32
      %dma_start3A_233 = arith.constant 2 : i32
      %dma_start3A_234 = arith.constant 0 : i32
      %dma_start3A_235 = arith.constant 0 : i32
      %dma_start3A_236 = tpu.memref_slice %arg8[%dma_start3A_232, %dma_start3A_233, %dma_start3A_234, %dma_start3A_235] : memref<2x4x128x16xf32, #tpu.memory_space<vmem>> -> memref<1x1x128x16xf32, #tpu.memory_space<vmem>>
      %dma_start3A_237 = tpu.memref_squeeze %dma_start3A_236 : memref<1x1x128x16xf32, #tpu.memory_space<vmem>> -> memref<128x16xf32, #tpu.memory_space<vmem>>
      %dma_start3A_238 = arith.constant 0 : i32
      %dma_start3A_239 = tpu.memref_slice %arg6[%add3A_231, %dma_start3A_238] : memref<96x128xi32, #tpu.memory_space<vmem>> -> memref<1x128xi32, #tpu.memory_space<vmem>>
      %dma_start3A_240 = tpu.memref_squeeze %dma_start3A_239 : memref<1x128xi32, #tpu.memory_space<vmem>> -> memref<128xi32, #tpu.memory_space<vmem>>
      %dma_start3A_241 = arith.constant 0 : i32
      %dma_start3A_242 = arith.constant 0 : i32
      %dma_start3A_243 = tpu.memref_slice %arg11[%dma_start3A_241, %dma_start3A_242] : memref<10112x16xf32, #tpu.memory_space<vmem_shared>> -> memref<10112x16xf32, #tpu.memory_space<vmem_shared>>
      tpu.enqueue_indirect_dma source(%dma_start3A_243 : memref<10112x16xf32, #tpu.memory_space<vmem_shared>>) target(%dma_start3A_237 : memref<128x16xf32, #tpu.memory_space<vmem>>) offsets(%dma_start3A_240 : memref<128xi32, #tpu.memory_space<vmem>>) semaphore(%arg13 : memref<!tpu.dma_semaphore, #tpu.memory_space<semaphore_mem>>)
      %mul3A_244 = arith.constant 4 : i32
      %mul3A_245 = arith.muli %add3A_195, %mul3A_244 : i32
      %add3A_246 = arith.constant 3 : i32
      %add3A_247 = arith.addi %mul3A_245, %add3A_246 : i32
      %dma_start3A_248 = arith.constant 1 : i32
      %dma_start3A_249 = arith.constant 3 : i32
      %dma_start3A_250 = arith.constant 0 : i32
      %dma_start3A_251 = arith.constant 0 : i32
      %dma_start3A_252 = tpu.memref_slice %arg8[%dma_start3A_248, %dma_start3A_249, %dma_start3A_250, %dma_start3A_251] : memref<2x4x128x16xf32, #tpu.memory_space<vmem>> -> memref<1x1x128x16xf32, #tpu.memory_space<vmem>>
      %dma_start3A_253 = tpu.memref_squeeze %dma_start3A_252 : memref<1x1x128x16xf32, #tpu.memory_space<vmem>> -> memref<128x16xf32, #tpu.memory_space<vmem>>
      %dma_start3A_254 = arith.constant 0 : i32
      %dma_start3A_255 = tpu.memref_slice %arg6[%add3A_247, %dma_start3A_254] : memref<96x128xi32, #tpu.memory_space<vmem>> -> memref<1x128xi32, #tpu.memory_space<vmem>>
      %dma_start3A_256 = tpu.memref_squeeze %dma_start3A_255 : memref<1x128xi32, #tpu.memory_space<vmem>> -> memref<128xi32, #tpu.memory_space<vmem>>
      %dma_start3A_257 = arith.constant 0 : i32
      %dma_start3A_258 = arith.constant 0 : i32
      %dma_start3A_259 = tpu.memref_slice %arg11[%dma_start3A_257, %dma_start3A_258] : memref<10112x16xf32, #tpu.memory_space<vmem_shared>> -> memref<10112x16xf32, #tpu.memory_space<vmem_shared>>
      tpu.enqueue_indirect_dma source(%dma_start3A_259 : memref<10112x16xf32, #tpu.memory_space<vmem_shared>>) target(%dma_start3A_253 : memref<128x16xf32, #tpu.memory_space<vmem>>) offsets(%dma_start3A_256 : memref<128xi32, #tpu.memory_space<vmem>>) semaphore(%arg13 : memref<!tpu.dma_semaphore, #tpu.memory_space<semaphore_mem>>)
      %mul3A_260 = arith.constant 4 : i32
      %mul3A_261 = arith.muli %mul3A_138, %mul3A_260 : i32
      %add3A_262 = arith.constant 0 : i32
      %add3A_263 = arith.addi %mul3A_261, %add3A_262 : i32
      %dma_start3A_264 = arith.constant 0 : i32
      %dma_start3A_265 = arith.constant 0 : i32
      %dma_start3A_266 = arith.constant 0 : i32
      %dma_start3A_267 = arith.constant 0 : i32
      %dma_start3A_268 = tpu.memref_slice %arg8[%dma_start3A_264, %dma_start3A_265, %dma_start3A_266, %dma_start3A_267] : memref<2x4x128x16xf32, #tpu.memory_space<vmem>> -> memref<1x1x128x16xf32, #tpu.memory_space<vmem>>
      %dma_start3A_269 = tpu.memref_squeeze %dma_start3A_268 : memref<1x1x128x16xf32, #tpu.memory_space<vmem>> -> memref<128x16xf32, #tpu.memory_space<vmem>>
      %dma_start3A_270 = arith.constant 0 : i32
      %dma_start3A_271 = tpu.memref_slice %arg7[%add3A_263, %dma_start3A_270] : memref<96x128xi32, #tpu.memory_space<vmem>> -> memref<1x128xi32, #tpu.memory_space<vmem>>
      %dma_start3A_272 = tpu.memref_squeeze %dma_start3A_271 : memref<1x128xi32, #tpu.memory_space<vmem>> -> memref<128xi32, #tpu.memory_space<vmem>>
      %dma_start3A_273 = arith.constant 0 : i32
      %dma_start3A_274 = arith.constant 0 : i32
      %dma_start3A_275 = tpu.memref_slice %arg10[%dma_start3A_273, %dma_start3A_274] : memref<10112x16xf32, #tpu.memory_space<vmem_shared>> -> memref<10112x16xf32, #tpu.memory_space<vmem_shared>>
      tpu.enqueue_indirect_dma source(%dma_start3A_269 : memref<128x16xf32, #tpu.memory_space<vmem>>) target(%dma_start3A_275 : memref<10112x16xf32, #tpu.memory_space<vmem_shared>>) offsets(%dma_start3A_272 : memref<128xi32, #tpu.memory_space<vmem>>) semaphore(%arg14 : memref<!tpu.dma_semaphore, #tpu.memory_space<semaphore_mem>>) {add = true}
      %mul3A_276 = arith.constant 4 : i32
      %mul3A_277 = arith.muli %mul3A_138, %mul3A_276 : i32
      %add3A_278 = arith.constant 1 : i32
      %add3A_279 = arith.addi %mul3A_277, %add3A_278 : i32
      %dma_start3A_280 = arith.constant 0 : i32
      %dma_start3A_281 = arith.constant 1 : i32
      %dma_start3A_282 = arith.constant 0 : i32
      %dma_start3A_283 = arith.constant 0 : i32
      %dma_start3A_284 = tpu.memref_slice %arg8[%dma_start3A_280, %dma_start3A_281, %dma_start3A_282, %dma_start3A_283] : memref<2x4x128x16xf32, #tpu.memory_space<vmem>> -> memref<1x1x128x16xf32, #tpu.memory_space<vmem>>
      %dma_start3A_285 = tpu.memref_squeeze %dma_start3A_284 : memref<1x1x128x16xf32, #tpu.memory_space<vmem>> -> memref<128x16xf32, #tpu.memory_space<vmem>>
      %dma_start3A_286 = arith.constant 0 : i32
      %dma_start3A_287 = tpu.memref_slice %arg7[%add3A_279, %dma_start3A_286] : memref<96x128xi32, #tpu.memory_space<vmem>> -> memref<1x128xi32, #tpu.memory_space<vmem>>
      %dma_start3A_288 = tpu.memref_squeeze %dma_start3A_287 : memref<1x128xi32, #tpu.memory_space<vmem>> -> memref<128xi32, #tpu.memory_space<vmem>>
      %dma_start3A_289 = arith.constant 0 : i32
      %dma_start3A_290 = arith.constant 0 : i32
      %dma_start3A_291 = tpu.memref_slice %arg10[%dma_start3A_289, %dma_start3A_290] : memref<10112x16xf32, #tpu.memory_space<vmem_shared>> -> memref<10112x16xf32, #tpu.memory_space<vmem_shared>>
      tpu.enqueue_indirect_dma source(%dma_start3A_285 : memref<128x16xf32, #tpu.memory_space<vmem>>) target(%dma_start3A_291 : memref<10112x16xf32, #tpu.memory_space<vmem_shared>>) offsets(%dma_start3A_288 : memref<128xi32, #tpu.memory_space<vmem>>) semaphore(%arg14 : memref<!tpu.dma_semaphore, #tpu.memory_space<semaphore_mem>>) {add = true}
      %mul3A_292 = arith.constant 4 : i32
      %mul3A_293 = arith.muli %mul3A_138, %mul3A_292 : i32
      %add3A_294 = arith.constant 2 : i32
      %add3A_295 = arith.addi %mul3A_293, %add3A_294 : i32
      %dma_start3A_296 = arith.constant 0 : i32
      %dma_start3A_297 = arith.constant 2 : i32
      %dma_start3A_298 = arith.constant 0 : i32
      %dma_start3A_299 = arith.constant 0 : i32
      %dma_start3A_300 = tpu.memref_slice %arg8[%dma_start3A_296, %dma_start3A_297, %dma_start3A_298, %dma_start3A_299] : memref<2x4x128x16xf32, #tpu.memory_space<vmem>> -> memref<1x1x128x16xf32, #tpu.memory_space<vmem>>
      %dma_start3A_301 = tpu.memref_squeeze %dma_start3A_300 : memref<1x1x128x16xf32, #tpu.memory_space<vmem>> -> memref<128x16xf32, #tpu.memory_space<vmem>>
      %dma_start3A_302 = arith.constant 0 : i32
      %dma_start3A_303 = tpu.memref_slice %arg7[%add3A_295, %dma_start3A_302] : memref<96x128xi32, #tpu.memory_space<vmem>> -> memref<1x128xi32, #tpu.memory_space<vmem>>
      %dma_start3A_304 = tpu.memref_squeeze %dma_start3A_303 : memref<1x128xi32, #tpu.memory_space<vmem>> -> memref<128xi32, #tpu.memory_space<vmem>>
      %dma_start3A_305 = arith.constant 0 : i32
      %dma_start3A_306 = arith.constant 0 : i32
      %dma_start3A_307 = tpu.memref_slice %arg10[%dma_start3A_305, %dma_start3A_306] : memref<10112x16xf32, #tpu.memory_space<vmem_shared>> -> memref<10112x16xf32, #tpu.memory_space<vmem_shared>>
      tpu.enqueue_indirect_dma source(%dma_start3A_301 : memref<128x16xf32, #tpu.memory_space<vmem>>) target(%dma_start3A_307 : memref<10112x16xf32, #tpu.memory_space<vmem_shared>>) offsets(%dma_start3A_304 : memref<128xi32, #tpu.memory_space<vmem>>) semaphore(%arg14 : memref<!tpu.dma_semaphore, #tpu.memory_space<semaphore_mem>>) {add = true}
      %mul3A_308 = arith.constant 4 : i32
      %mul3A_309 = arith.muli %mul3A_138, %mul3A_308 : i32
      %add3A_310 = arith.constant 3 : i32
      %add3A_311 = arith.addi %mul3A_309, %add3A_310 : i32
      %dma_start3A_312 = arith.constant 0 : i32
      %dma_start3A_313 = arith.constant 3 : i32
      %dma_start3A_314 = arith.constant 0 : i32
      %dma_start3A_315 = arith.constant 0 : i32
      %dma_start3A_316 = tpu.memref_slice %arg8[%dma_start3A_312, %dma_start3A_313, %dma_start3A_314, %dma_start3A_315] : memref<2x4x128x16xf32, #tpu.memory_space<vmem>> -> memref<1x1x128x16xf32, #tpu.memory_space<vmem>>
      %dma_start3A_317 = tpu.memref_squeeze %dma_start3A_316 : memref<1x1x128x16xf32, #tpu.memory_space<vmem>> -> memref<128x16xf32, #tpu.memory_space<vmem>>
      %dma_start3A_318 = arith.constant 0 : i32
      %dma_start3A_319 = tpu.memref_slice %arg7[%add3A_311, %dma_start3A_318] : memref<96x128xi32, #tpu.memory_space<vmem>> -> memref<1x128xi32, #tpu.memory_space<vmem>>
      %dma_start3A_320 = tpu.memref_squeeze %dma_start3A_319 : memref<1x128xi32, #tpu.memory_space<vmem>> -> memref<128xi32, #tpu.memory_space<vmem>>
      %dma_start3A_321 = arith.constant 0 : i32
      %dma_start3A_322 = arith.constant 0 : i32
      %dma_start3A_323 = tpu.memref_slice %arg10[%dma_start3A_321, %dma_start3A_322] : memref<10112x16xf32, #tpu.memory_space<vmem_shared>> -> memref<10112x16xf32, #tpu.memory_space<vmem_shared>>
      tpu.enqueue_indirect_dma source(%dma_start3A_317 : memref<128x16xf32, #tpu.memory_space<vmem>>) target(%dma_start3A_323 : memref<10112x16xf32, #tpu.memory_space<vmem_shared>>) offsets(%dma_start3A_320 : memref<128xi32, #tpu.memory_space<vmem>>) semaphore(%arg14 : memref<!tpu.dma_semaphore, #tpu.memory_space<semaphore_mem>>) {add = true}
      %dma_wait3A_324 = arith.constant 0 : i32
      %dma_wait3A_325 = arith.constant 1 : i32
      %dma_wait3A_326 = arith.constant 0 : i32
      %dma_wait3A_327 = arith.constant 0 : i32
      %dma_wait3A_328 = arith.constant 0 : i32
      %dma_wait3A_329 = tpu.memref_slice %arg8[%dma_wait3A_325, %dma_wait3A_326, %dma_wait3A_327, %dma_wait3A_328] : memref<2x4x128x16xf32, #tpu.memory_space<vmem>> -> memref<1x1x128x16xf32, #tpu.memory_space<vmem>>
      %dma_wait3A_330 = tpu.memref_squeeze %dma_wait3A_329 : memref<1x1x128x16xf32, #tpu.memory_space<vmem>> -> memref<128x16xf32, #tpu.memory_space<vmem>>
      %dma_wait3A_331 = arith.constant 0 : i32
      %dma_wait3A_332 = tpu.memref_slice %arg6[%dma_wait3A_324, %dma_wait3A_331] : memref<96x128xi32, #tpu.memory_space<vmem>> -> memref<1x128xi32, #tpu.memory_space<vmem>>
      %dma_wait3A_333 = tpu.memref_squeeze %dma_wait3A_332 : memref<1x128xi32, #tpu.memory_space<vmem>> -> memref<128xi32, #tpu.memory_space<vmem>>
      %dma_wait3A_334 = arith.constant 0 : i32
      %dma_wait3A_335 = arith.constant 0 : i32
      %dma_wait3A_336 = tpu.memref_slice %arg11[%dma_wait3A_334, %dma_wait3A_335] : memref<10112x16xf32, #tpu.memory_space<vmem_shared>> -> memref<10112x16xf32, #tpu.memory_space<vmem_shared>>
      tpu.wait_indirect_dma semaphore(%arg13 : memref<!tpu.dma_semaphore, #tpu.memory_space<semaphore_mem>>) src(%dma_wait3A_336 : memref<10112x16xf32, #tpu.memory_space<vmem_shared>>) dst(%dma_wait3A_330 : memref<128x16xf32, #tpu.memory_space<vmem>>)
      %dma_wait3A_337 = arith.constant 1 : i32
      %dma_wait3A_338 = arith.constant 1 : i32
      %dma_wait3A_339 = arith.constant 1 : i32
      %dma_wait3A_340 = arith.constant 0 : i32
      %dma_wait3A_341 = arith.constant 0 : i32
      %dma_wait3A_342 = tpu.memref_slice %arg8[%dma_wait3A_338, %dma_wait3A_339, %dma_wait3A_340, %dma_wait3A_341] : memref<2x4x128x16xf32, #tpu.memory_space<vmem>> -> memref<1x1x128x16xf32, #tpu.memory_space<vmem>>
      %dma_wait3A_343 = tpu.memref_squeeze %dma_wait3A_342 : memref<1x1x128x16xf32, #tpu.memory_space<vmem>> -> memref<128x16xf32, #tpu.memory_space<vmem>>
      %dma_wait3A_344 = arith.constant 0 : i32
      %dma_wait3A_345 = tpu.memref_slice %arg6[%dma_wait3A_337, %dma_wait3A_344] : memref<96x128xi32, #tpu.memory_space<vmem>> -> memref<1x128xi32, #tpu.memory_space<vmem>>
      %dma_wait3A_346 = tpu.memref_squeeze %dma_wait3A_345 : memref<1x128xi32, #tpu.memory_space<vmem>> -> memref<128xi32, #tpu.memory_space<vmem>>
      %dma_wait3A_347 = arith.constant 0 : i32
      %dma_wait3A_348 = arith.constant 0 : i32
      %dma_wait3A_349 = tpu.memref_slice %arg11[%dma_wait3A_347, %dma_wait3A_348] : memref<10112x16xf32, #tpu.memory_space<vmem_shared>> -> memref<10112x16xf32, #tpu.memory_space<vmem_shared>>
      tpu.wait_indirect_dma semaphore(%arg13 : memref<!tpu.dma_semaphore, #tpu.memory_space<semaphore_mem>>) src(%dma_wait3A_349 : memref<10112x16xf32, #tpu.memory_space<vmem_shared>>) dst(%dma_wait3A_343 : memref<128x16xf32, #tpu.memory_space<vmem>>)
      %dma_wait3A_350 = arith.constant 2 : i32
      %dma_wait3A_351 = arith.constant 1 : i32
      %dma_wait3A_352 = arith.constant 2 : i32
      %dma_wait3A_353 = arith.constant 0 : i32
      %dma_wait3A_354 = arith.constant 0 : i32
      %dma_wait3A_355 = tpu.memref_slice %arg8[%dma_wait3A_351, %dma_wait3A_352, %dma_wait3A_353, %dma_wait3A_354] : memref<2x4x128x16xf32, #tpu.memory_space<vmem>> -> memref<1x1x128x16xf32, #tpu.memory_space<vmem>>
      %dma_wait3A_356 = tpu.memref_squeeze %dma_wait3A_355 : memref<1x1x128x16xf32, #tpu.memory_space<vmem>> -> memref<128x16xf32, #tpu.memory_space<vmem>>
      %dma_wait3A_357 = arith.constant 0 : i32
      %dma_wait3A_358 = tpu.memref_slice %arg6[%dma_wait3A_350, %dma_wait3A_357] : memref<96x128xi32, #tpu.memory_space<vmem>> -> memref<1x128xi32, #tpu.memory_space<vmem>>
      %dma_wait3A_359 = tpu.memref_squeeze %dma_wait3A_358 : memref<1x128xi32, #tpu.memory_space<vmem>> -> memref<128xi32, #tpu.memory_space<vmem>>
      %dma_wait3A_360 = arith.constant 0 : i32
      %dma_wait3A_361 = arith.constant 0 : i32
      %dma_wait3A_362 = tpu.memref_slice %arg11[%dma_wait3A_360, %dma_wait3A_361] : memref<10112x16xf32, #tpu.memory_space<vmem_shared>> -> memref<10112x16xf32, #tpu.memory_space<vmem_shared>>
      tpu.wait_indirect_dma semaphore(%arg13 : memref<!tpu.dma_semaphore, #tpu.memory_space<semaphore_mem>>) src(%dma_wait3A_362 : memref<10112x16xf32, #tpu.memory_space<vmem_shared>>) dst(%dma_wait3A_356 : memref<128x16xf32, #tpu.memory_space<vmem>>)
      %dma_wait3A_363 = arith.constant 3 : i32
      %dma_wait3A_364 = arith.constant 1 : i32
      %dma_wait3A_365 = arith.constant 3 : i32
      %dma_wait3A_366 = arith.constant 0 : i32
      %dma_wait3A_367 = arith.constant 0 : i32
      %dma_wait3A_368 = tpu.memref_slice %arg8[%dma_wait3A_364, %dma_wait3A_365, %dma_wait3A_366, %dma_wait3A_367] : memref<2x4x128x16xf32, #tpu.memory_space<vmem>> -> memref<1x1x128x16xf32, #tpu.memory_space<vmem>>
      %dma_wait3A_369 = tpu.memref_squeeze %dma_wait3A_368 : memref<1x1x128x16xf32, #tpu.memory_space<vmem>> -> memref<128x16xf32, #tpu.memory_space<vmem>>
      %dma_wait3A_370 = arith.constant 0 : i32
      %dma_wait3A_371 = tpu.memref_slice %arg6[%dma_wait3A_363, %dma_wait3A_370] : memref<96x128xi32, #tpu.memory_space<vmem>> -> memref<1x128xi32, #tpu.memory_space<vmem>>
      %dma_wait3A_372 = tpu.memref_squeeze %dma_wait3A_371 : memref<1x128xi32, #tpu.memory_space<vmem>> -> memref<128xi32, #tpu.memory_space<vmem>>
      %dma_wait3A_373 = arith.constant 0 : i32
      %dma_wait3A_374 = arith.constant 0 : i32
      %dma_wait3A_375 = tpu.memref_slice %arg11[%dma_wait3A_373, %dma_wait3A_374] : memref<10112x16xf32, #tpu.memory_space<vmem_shared>> -> memref<10112x16xf32, #tpu.memory_space<vmem_shared>>
      tpu.wait_indirect_dma semaphore(%arg13 : memref<!tpu.dma_semaphore, #tpu.memory_space<semaphore_mem>>) src(%dma_wait3A_375 : memref<10112x16xf32, #tpu.memory_space<vmem_shared>>) dst(%dma_wait3A_369 : memref<128x16xf32, #tpu.memory_space<vmem>>)
      %dma_wait3A_376 = arith.constant 0 : i32
      %dma_wait3A_377 = arith.constant 0 : i32
      %dma_wait3A_378 = arith.constant 0 : i32
      %dma_wait3A_379 = arith.constant 0 : i32
      %dma_wait3A_380 = arith.constant 0 : i32
      %dma_wait3A_381 = tpu.memref_slice %arg8[%dma_wait3A_376, %dma_wait3A_377, %dma_wait3A_379, %dma_wait3A_380] : memref<2x4x128x16xf32, #tpu.memory_space<vmem>> -> memref<1x1x128x16xf32, #tpu.memory_space<vmem>>
      %dma_wait3A_382 = tpu.memref_squeeze %dma_wait3A_381 : memref<1x1x128x16xf32, #tpu.memory_space<vmem>> -> memref<128x16xf32, #tpu.memory_space<vmem>>
      %dma_wait3A_383 = arith.constant 0 : i32
      %dma_wait3A_384 = tpu.memref_slice %arg7[%dma_wait3A_378, %dma_wait3A_383] : memref<96x128xi32, #tpu.memory_space<vmem>> -> memref<1x128xi32, #tpu.memory_space<vmem>>
      %dma_wait3A_385 = tpu.memref_squeeze %dma_wait3A_384 : memref<1x128xi32, #tpu.memory_space<vmem>> -> memref<128xi32, #tpu.memory_space<vmem>>
      %dma_wait3A_386 = arith.constant 0 : i32
      %dma_wait3A_387 = arith.constant 0 : i32
      %dma_wait3A_388 = tpu.memref_slice %arg10[%dma_wait3A_386, %dma_wait3A_387] : memref<10112x16xf32, #tpu.memory_space<vmem_shared>> -> memref<10112x16xf32, #tpu.memory_space<vmem_shared>>
      tpu.wait_indirect_dma semaphore(%arg14 : memref<!tpu.dma_semaphore, #tpu.memory_space<semaphore_mem>>) src(%dma_wait3A_382 : memref<128x16xf32, #tpu.memory_space<vmem>>) dst(%dma_wait3A_388 : memref<10112x16xf32, #tpu.memory_space<vmem_shared>>)
      %dma_wait3A_389 = arith.constant 0 : i32
      %dma_wait3A_390 = arith.constant 1 : i32
      %dma_wait3A_391 = arith.constant 1 : i32
      %dma_wait3A_392 = arith.constant 0 : i32
      %dma_wait3A_393 = arith.constant 0 : i32
      %dma_wait3A_394 = tpu.memref_slice %arg8[%dma_wait3A_389, %dma_wait3A_390, %dma_wait3A_392, %dma_wait3A_393] : memref<2x4x128x16xf32, #tpu.memory_space<vmem>> -> memref<1x1x128x16xf32, #tpu.memory_space<vmem>>
      %dma_wait3A_395 = tpu.memref_squeeze %dma_wait3A_394 : memref<1x1x128x16xf32, #tpu.memory_space<vmem>> -> memref<128x16xf32, #tpu.memory_space<vmem>>
      %dma_wait3A_396 = arith.constant 0 : i32
      %dma_wait3A_397 = tpu.memref_slice %arg7[%dma_wait3A_391, %dma_wait3A_396] : memref<96x128xi32, #tpu.memory_space<vmem>> -> memref<1x128xi32, #tpu.memory_space<vmem>>
      %dma_wait3A_398 = tpu.memref_squeeze %dma_wait3A_397 : memref<1x128xi32, #tpu.memory_space<vmem>> -> memref<128xi32, #tpu.memory_space<vmem>>
      %dma_wait3A_399 = arith.constant 0 : i32
      %dma_wait3A_400 = arith.constant 0 : i32
      %dma_wait3A_401 = tpu.memref_slice %arg10[%dma_wait3A_399, %dma_wait3A_400] : memref<10112x16xf32, #tpu.memory_space<vmem_shared>> -> memref<10112x16xf32, #tpu.memory_space<vmem_shared>>
      tpu.wait_indirect_dma semaphore(%arg14 : memref<!tpu.dma_semaphore, #tpu.memory_space<semaphore_mem>>) src(%dma_wait3A_395 : memref<128x16xf32, #tpu.memory_space<vmem>>) dst(%dma_wait3A_401 : memref<10112x16xf32, #tpu.memory_space<vmem_shared>>)
      %dma_wait3A_402 = arith.constant 0 : i32
      %dma_wait3A_403 = arith.constant 2 : i32
      %dma_wait3A_404 = arith.constant 2 : i32
      %dma_wait3A_405 = arith.constant 0 : i32
      %dma_wait3A_406 = arith.constant 0 : i32
      %dma_wait3A_407 = tpu.memref_slice %arg8[%dma_wait3A_402, %dma_wait3A_403, %dma_wait3A_405, %dma_wait3A_406] : memref<2x4x128x16xf32, #tpu.memory_space<vmem>> -> memref<1x1x128x16xf32, #tpu.memory_space<vmem>>
      %dma_wait3A_408 = tpu.memref_squeeze %dma_wait3A_407 : memref<1x1x128x16xf32, #tpu.memory_space<vmem>> -> memref<128x16xf32, #tpu.memory_space<vmem>>
      %dma_wait3A_409 = arith.constant 0 : i32
      %dma_wait3A_410 = tpu.memref_slice %arg7[%dma_wait3A_404, %dma_wait3A_409] : memref<96x128xi32, #tpu.memory_space<vmem>> -> memref<1x128xi32, #tpu.memory_space<vmem>>
      %dma_wait3A_411 = tpu.memref_squeeze %dma_wait3A_410 : memref<1x128xi32, #tpu.memory_space<vmem>> -> memref<128xi32, #tpu.memory_space<vmem>>
      %dma_wait3A_412 = arith.constant 0 : i32
      %dma_wait3A_413 = arith.constant 0 : i32
      %dma_wait3A_414 = tpu.memref_slice %arg10[%dma_wait3A_412, %dma_wait3A_413] : memref<10112x16xf32, #tpu.memory_space<vmem_shared>> -> memref<10112x16xf32, #tpu.memory_space<vmem_shared>>
      tpu.wait_indirect_dma semaphore(%arg14 : memref<!tpu.dma_semaphore, #tpu.memory_space<semaphore_mem>>) src(%dma_wait3A_408 : memref<128x16xf32, #tpu.memory_space<vmem>>) dst(%dma_wait3A_414 : memref<10112x16xf32, #tpu.memory_space<vmem_shared>>)
      %dma_wait3A_415 = arith.constant 0 : i32
      %dma_wait3A_416 = arith.constant 3 : i32
      %dma_wait3A_417 = arith.constant 3 : i32
      %dma_wait3A_418 = arith.constant 0 : i32
      %dma_wait3A_419 = arith.constant 0 : i32
      %dma_wait3A_420 = tpu.memref_slice %arg8[%dma_wait3A_415, %dma_wait3A_416, %dma_wait3A_418, %dma_wait3A_419] : memref<2x4x128x16xf32, #tpu.memory_space<vmem>> -> memref<1x1x128x16xf32, #tpu.memory_space<vmem>>
      %dma_wait3A_421 = tpu.memref_squeeze %dma_wait3A_420 : memref<1x1x128x16xf32, #tpu.memory_space<vmem>> -> memref<128x16xf32, #tpu.memory_space<vmem>>
      %dma_wait3A_422 = arith.constant 0 : i32
      %dma_wait3A_423 = tpu.memref_slice %arg7[%dma_wait3A_417, %dma_wait3A_422] : memref<96x128xi32, #tpu.memory_space<vmem>> -> memref<1x128xi32, #tpu.memory_space<vmem>>
      %dma_wait3A_424 = tpu.memref_squeeze %dma_wait3A_423 : memref<1x128xi32, #tpu.memory_space<vmem>> -> memref<128xi32, #tpu.memory_space<vmem>>
      %dma_wait3A_425 = arith.constant 0 : i32
      %dma_wait3A_426 = arith.constant 0 : i32
      %dma_wait3A_427 = tpu.memref_slice %arg10[%dma_wait3A_425, %dma_wait3A_426] : memref<10112x16xf32, #tpu.memory_space<vmem_shared>> -> memref<10112x16xf32, #tpu.memory_space<vmem_shared>>
      tpu.wait_indirect_dma semaphore(%arg14 : memref<!tpu.dma_semaphore, #tpu.memory_space<semaphore_mem>>) src(%dma_wait3A_421 : memref<128x16xf32, #tpu.memory_space<vmem>>) dst(%dma_wait3A_427 : memref<10112x16xf32, #tpu.memory_space<vmem_shared>>)
      %add3A_428 = arith.constant 2 : i32
      %add3A_429 = arith.addi %mul3A_138, %add3A_428 : i32
      %mul3A_430 = arith.constant 2 : i32
      %mul3A_431 = arith.muli %mul3A_430, %select_n3A : i32
      %lt3A = arith.cmpi slt, %add3A_429, %mul3A_431 : i32
      %convert_element_type3A_432 = arith.extui %lt3A : i1 to i32
      %cond3A_433 = arith.constant 0 : i32
      %cond3A_434 = arith.cmpi ne, %convert_element_type3A_432, %cond3A_433 : i32
      scf.if %cond3A_434 {
        %add3A_501 = arith.constant 2 : i32
        %add3A_502 = arith.addi %mul3A_138, %add3A_501 : i32
        %mul3A_503 = arith.constant 4 : i32
        %mul3A_504 = arith.muli %add3A_502, %mul3A_503 : i32
        %add3A_505 = arith.constant 0 : i32
        %add3A_506 = arith.addi %mul3A_504, %add3A_505 : i32
        %dma_start3A_507 = arith.constant 0 : i32
        %dma_start3A_508 = arith.constant 0 : i32
        %dma_start3A_509 = arith.constant 0 : i32
        %dma_start3A_510 = arith.constant 0 : i32
        %dma_start3A_511 = tpu.memref_slice %arg8[%dma_start3A_507, %dma_start3A_508, %dma_start3A_509, %dma_start3A_510] : memref<2x4x128x16xf32, #tpu.memory_space<vmem>> -> memref<1x1x128x16xf32, #tpu.memory_space<vmem>>
        %dma_start3A_512 = tpu.memref_squeeze %dma_start3A_511 : memref<1x1x128x16xf32, #tpu.memory_space<vmem>> -> memref<128x16xf32, #tpu.memory_space<vmem>>
        %dma_start3A_513 = arith.constant 0 : i32
        %dma_start3A_514 = tpu.memref_slice %arg6[%add3A_506, %dma_start3A_513] : memref<96x128xi32, #tpu.memory_space<vmem>> -> memref<1x128xi32, #tpu.memory_space<vmem>>
        %dma_start3A_515 = tpu.memref_squeeze %dma_start3A_514 : memref<1x128xi32, #tpu.memory_space<vmem>> -> memref<128xi32, #tpu.memory_space<vmem>>
        %dma_start3A_516 = arith.constant 0 : i32
        %dma_start3A_517 = arith.constant 0 : i32
        %dma_start3A_518 = tpu.memref_slice %arg11[%dma_start3A_516, %dma_start3A_517] : memref<10112x16xf32, #tpu.memory_space<vmem_shared>> -> memref<10112x16xf32, #tpu.memory_space<vmem_shared>>
        tpu.enqueue_indirect_dma source(%dma_start3A_518 : memref<10112x16xf32, #tpu.memory_space<vmem_shared>>) target(%dma_start3A_512 : memref<128x16xf32, #tpu.memory_space<vmem>>) offsets(%dma_start3A_515 : memref<128xi32, #tpu.memory_space<vmem>>) semaphore(%arg12 : memref<!tpu.dma_semaphore, #tpu.memory_space<semaphore_mem>>)
        %mul3A_519 = arith.constant 4 : i32
        %mul3A_520 = arith.muli %add3A_502, %mul3A_519 : i32
        %add3A_521 = arith.constant 1 : i32
        %add3A_522 = arith.addi %mul3A_520, %add3A_521 : i32
        %dma_start3A_523 = arith.constant 0 : i32
        %dma_start3A_524 = arith.constant 1 : i32
        %dma_start3A_525 = arith.constant 0 : i32
        %dma_start3A_526 = arith.constant 0 : i32
        %dma_start3A_527 = tpu.memref_slice %arg8[%dma_start3A_523, %dma_start3A_524, %dma_start3A_525, %dma_start3A_526] : memref<2x4x128x16xf32, #tpu.memory_space<vmem>> -> memref<1x1x128x16xf32, #tpu.memory_space<vmem>>
        %dma_start3A_528 = tpu.memref_squeeze %dma_start3A_527 : memref<1x1x128x16xf32, #tpu.memory_space<vmem>> -> memref<128x16xf32, #tpu.memory_space<vmem>>
        %dma_start3A_529 = arith.constant 0 : i32
        %dma_start3A_530 = tpu.memref_slice %arg6[%add3A_522, %dma_start3A_529] : memref<96x128xi32, #tpu.memory_space<vmem>> -> memref<1x128xi32, #tpu.memory_space<vmem>>
        %dma_start3A_531 = tpu.memref_squeeze %dma_start3A_530 : memref<1x128xi32, #tpu.memory_space<vmem>> -> memref<128xi32, #tpu.memory_space<vmem>>
        %dma_start3A_532 = arith.constant 0 : i32
        %dma_start3A_533 = arith.constant 0 : i32
        %dma_start3A_534 = tpu.memref_slice %arg11[%dma_start3A_532, %dma_start3A_533] : memref<10112x16xf32, #tpu.memory_space<vmem_shared>> -> memref<10112x16xf32, #tpu.memory_space<vmem_shared>>
        tpu.enqueue_indirect_dma source(%dma_start3A_534 : memref<10112x16xf32, #tpu.memory_space<vmem_shared>>) target(%dma_start3A_528 : memref<128x16xf32, #tpu.memory_space<vmem>>) offsets(%dma_start3A_531 : memref<128xi32, #tpu.memory_space<vmem>>) semaphore(%arg12 : memref<!tpu.dma_semaphore, #tpu.memory_space<semaphore_mem>>)
        %mul3A_535 = arith.constant 4 : i32
        %mul3A_536 = arith.muli %add3A_502, %mul3A_535 : i32
        %add3A_537 = arith.constant 2 : i32
        %add3A_538 = arith.addi %mul3A_536, %add3A_537 : i32
        %dma_start3A_539 = arith.constant 0 : i32
        %dma_start3A_540 = arith.constant 2 : i32
        %dma_start3A_541 = arith.constant 0 : i32
        %dma_start3A_542 = arith.constant 0 : i32
        %dma_start3A_543 = tpu.memref_slice %arg8[%dma_start3A_539, %dma_start3A_540, %dma_start3A_541, %dma_start3A_542] : memref<2x4x128x16xf32, #tpu.memory_space<vmem>> -> memref<1x1x128x16xf32, #tpu.memory_space<vmem>>
        %dma_start3A_544 = tpu.memref_squeeze %dma_start3A_543 : memref<1x1x128x16xf32, #tpu.memory_space<vmem>> -> memref<128x16xf32, #tpu.memory_space<vmem>>
        %dma_start3A_545 = arith.constant 0 : i32
        %dma_start3A_546 = tpu.memref_slice %arg6[%add3A_538, %dma_start3A_545] : memref<96x128xi32, #tpu.memory_space<vmem>> -> memref<1x128xi32, #tpu.memory_space<vmem>>
        %dma_start3A_547 = tpu.memref_squeeze %dma_start3A_546 : memref<1x128xi32, #tpu.memory_space<vmem>> -> memref<128xi32, #tpu.memory_space<vmem>>
        %dma_start3A_548 = arith.constant 0 : i32
        %dma_start3A_549 = arith.constant 0 : i32
        %dma_start3A_550 = tpu.memref_slice %arg11[%dma_start3A_548, %dma_start3A_549] : memref<10112x16xf32, #tpu.memory_space<vmem_shared>> -> memref<10112x16xf32, #tpu.memory_space<vmem_shared>>
        tpu.enqueue_indirect_dma source(%dma_start3A_550 : memref<10112x16xf32, #tpu.memory_space<vmem_shared>>) target(%dma_start3A_544 : memref<128x16xf32, #tpu.memory_space<vmem>>) offsets(%dma_start3A_547 : memref<128xi32, #tpu.memory_space<vmem>>) semaphore(%arg12 : memref<!tpu.dma_semaphore, #tpu.memory_space<semaphore_mem>>)
        %mul3A_551 = arith.constant 4 : i32
        %mul3A_552 = arith.muli %add3A_502, %mul3A_551 : i32
        %add3A_553 = arith.constant 3 : i32
        %add3A_554 = arith.addi %mul3A_552, %add3A_553 : i32
        %dma_start3A_555 = arith.constant 0 : i32
        %dma_start3A_556 = arith.constant 3 : i32
        %dma_start3A_557 = arith.constant 0 : i32
        %dma_start3A_558 = arith.constant 0 : i32
        %dma_start3A_559 = tpu.memref_slice %arg8[%dma_start3A_555, %dma_start3A_556, %dma_start3A_557, %dma_start3A_558] : memref<2x4x128x16xf32, #tpu.memory_space<vmem>> -> memref<1x1x128x16xf32, #tpu.memory_space<vmem>>
        %dma_start3A_560 = tpu.memref_squeeze %dma_start3A_559 : memref<1x1x128x16xf32, #tpu.memory_space<vmem>> -> memref<128x16xf32, #tpu.memory_space<vmem>>
        %dma_start3A_561 = arith.constant 0 : i32
        %dma_start3A_562 = tpu.memref_slice %arg6[%add3A_554, %dma_start3A_561] : memref<96x128xi32, #tpu.memory_space<vmem>> -> memref<1x128xi32, #tpu.memory_space<vmem>>
        %dma_start3A_563 = tpu.memref_squeeze %dma_start3A_562 : memref<1x128xi32, #tpu.memory_space<vmem>> -> memref<128xi32, #tpu.memory_space<vmem>>
        %dma_start3A_564 = arith.constant 0 : i32
        %dma_start3A_565 = arith.constant 0 : i32
        %dma_start3A_566 = tpu.memref_slice %arg11[%dma_start3A_564, %dma_start3A_565] : memref<10112x16xf32, #tpu.memory_space<vmem_shared>> -> memref<10112x16xf32, #tpu.memory_space<vmem_shared>>
        tpu.enqueue_indirect_dma source(%dma_start3A_566 : memref<10112x16xf32, #tpu.memory_space<vmem_shared>>) target(%dma_start3A_560 : memref<128x16xf32, #tpu.memory_space<vmem>>) offsets(%dma_start3A_563 : memref<128xi32, #tpu.memory_space<vmem>>) semaphore(%arg12 : memref<!tpu.dma_semaphore, #tpu.memory_space<semaphore_mem>>)
      } else {
      }
      %add3A_435 = arith.constant 1 : i32
      %add3A_436 = arith.addi %mul3A_138, %add3A_435 : i32
      %mul3A_437 = arith.constant 4 : i32
      %mul3A_438 = arith.muli %add3A_436, %mul3A_437 : i32
      %add3A_439 = arith.constant 0 : i32
      %add3A_440 = arith.addi %mul3A_438, %add3A_439 : i32
      %dma_start3A_441 = arith.constant 1 : i32
      %dma_start3A_442 = arith.constant 0 : i32
      %dma_start3A_443 = arith.constant 0 : i32
      %dma_start3A_444 = arith.constant 0 : i32
      %dma_start3A_445 = tpu.memref_slice %arg8[%dma_start3A_441, %dma_start3A_442, %dma_start3A_443, %dma_start3A_444] : memref<2x4x128x16xf32, #tpu.memory_space<vmem>> -> memref<1x1x128x16xf32, #tpu.memory_space<vmem>>
      %dma_start3A_446 = tpu.memref_squeeze %dma_start3A_445 : memref<1x1x128x16xf32, #tpu.memory_space<vmem>> -> memref<128x16xf32, #tpu.memory_space<vmem>>
      %dma_start3A_447 = arith.constant 0 : i32
      %dma_start3A_448 = tpu.memref_slice %arg7[%add3A_440, %dma_start3A_447] : memref<96x128xi32, #tpu.memory_space<vmem>> -> memref<1x128xi32, #tpu.memory_space<vmem>>
      %dma_start3A_449 = tpu.memref_squeeze %dma_start3A_448 : memref<1x128xi32, #tpu.memory_space<vmem>> -> memref<128xi32, #tpu.memory_space<vmem>>
      %dma_start3A_450 = arith.constant 0 : i32
      %dma_start3A_451 = arith.constant 0 : i32
      %dma_start3A_452 = tpu.memref_slice %arg10[%dma_start3A_450, %dma_start3A_451] : memref<10112x16xf32, #tpu.memory_space<vmem_shared>> -> memref<10112x16xf32, #tpu.memory_space<vmem_shared>>
      tpu.enqueue_indirect_dma source(%dma_start3A_446 : memref<128x16xf32, #tpu.memory_space<vmem>>) target(%dma_start3A_452 : memref<10112x16xf32, #tpu.memory_space<vmem_shared>>) offsets(%dma_start3A_449 : memref<128xi32, #tpu.memory_space<vmem>>) semaphore(%arg15 : memref<!tpu.dma_semaphore, #tpu.memory_space<semaphore_mem>>) {add = true}
      %mul3A_453 = arith.constant 4 : i32
      %mul3A_454 = arith.muli %add3A_436, %mul3A_453 : i32
      %add3A_455 = arith.constant 1 : i32
      %add3A_456 = arith.addi %mul3A_454, %add3A_455 : i32
      %dma_start3A_457 = arith.constant 1 : i32
      %dma_start3A_458 = arith.constant 1 : i32
      %dma_start3A_459 = arith.constant 0 : i32
      %dma_start3A_460 = arith.constant 0 : i32
      %dma_start3A_461 = tpu.memref_slice %arg8[%dma_start3A_457, %dma_start3A_458, %dma_start3A_459, %dma_start3A_460] : memref<2x4x128x16xf32, #tpu.memory_space<vmem>> -> memref<1x1x128x16xf32, #tpu.memory_space<vmem>>
      %dma_start3A_462 = tpu.memref_squeeze %dma_start3A_461 : memref<1x1x128x16xf32, #tpu.memory_space<vmem>> -> memref<128x16xf32, #tpu.memory_space<vmem>>
      %dma_start3A_463 = arith.constant 0 : i32
      %dma_start3A_464 = tpu.memref_slice %arg7[%add3A_456, %dma_start3A_463] : memref<96x128xi32, #tpu.memory_space<vmem>> -> memref<1x128xi32, #tpu.memory_space<vmem>>
      %dma_start3A_465 = tpu.memref_squeeze %dma_start3A_464 : memref<1x128xi32, #tpu.memory_space<vmem>> -> memref<128xi32, #tpu.memory_space<vmem>>
      %dma_start3A_466 = arith.constant 0 : i32
      %dma_start3A_467 = arith.constant 0 : i32
      %dma_start3A_468 = tpu.memref_slice %arg10[%dma_start3A_466, %dma_start3A_467] : memref<10112x16xf32, #tpu.memory_space<vmem_shared>> -> memref<10112x16xf32, #tpu.memory_space<vmem_shared>>
      tpu.enqueue_indirect_dma source(%dma_start3A_462 : memref<128x16xf32, #tpu.memory_space<vmem>>) target(%dma_start3A_468 : memref<10112x16xf32, #tpu.memory_space<vmem_shared>>) offsets(%dma_start3A_465 : memref<128xi32, #tpu.memory_space<vmem>>) semaphore(%arg15 : memref<!tpu.dma_semaphore, #tpu.memory_space<semaphore_mem>>) {add = true}
      %mul3A_469 = arith.constant 4 : i32
      %mul3A_470 = arith.muli %add3A_436, %mul3A_469 : i32
      %add3A_471 = arith.constant 2 : i32
      %add3A_472 = arith.addi %mul3A_470, %add3A_471 : i32
      %dma_start3A_473 = arith.constant 1 : i32
      %dma_start3A_474 = arith.constant 2 : i32
      %dma_start3A_475 = arith.constant 0 : i32
      %dma_start3A_476 = arith.constant 0 : i32
      %dma_start3A_477 = tpu.memref_slice %arg8[%dma_start3A_473, %dma_start3A_474, %dma_start3A_475, %dma_start3A_476] : memref<2x4x128x16xf32, #tpu.memory_space<vmem>> -> memref<1x1x128x16xf32, #tpu.memory_space<vmem>>
      %dma_start3A_478 = tpu.memref_squeeze %dma_start3A_477 : memref<1x1x128x16xf32, #tpu.memory_space<vmem>> -> memref<128x16xf32, #tpu.memory_space<vmem>>
      %dma_start3A_479 = arith.constant 0 : i32
      %dma_start3A_480 = tpu.memref_slice %arg7[%add3A_472, %dma_start3A_479] : memref<96x128xi32, #tpu.memory_space<vmem>> -> memref<1x128xi32, #tpu.memory_space<vmem>>
      %dma_start3A_481 = tpu.memref_squeeze %dma_start3A_480 : memref<1x128xi32, #tpu.memory_space<vmem>> -> memref<128xi32, #tpu.memory_space<vmem>>
      %dma_start3A_482 = arith.constant 0 : i32
      %dma_start3A_483 = arith.constant 0 : i32
      %dma_start3A_484 = tpu.memref_slice %arg10[%dma_start3A_482, %dma_start3A_483] : memref<10112x16xf32, #tpu.memory_space<vmem_shared>> -> memref<10112x16xf32, #tpu.memory_space<vmem_shared>>
      tpu.enqueue_indirect_dma source(%dma_start3A_478 : memref<128x16xf32, #tpu.memory_space<vmem>>) target(%dma_start3A_484 : memref<10112x16xf32, #tpu.memory_space<vmem_shared>>) offsets(%dma_start3A_481 : memref<128xi32, #tpu.memory_space<vmem>>) semaphore(%arg15 : memref<!tpu.dma_semaphore, #tpu.memory_space<semaphore_mem>>) {add = true}
      %mul3A_485 = arith.constant 4 : i32
      %mul3A_486 = arith.muli %add3A_436, %mul3A_485 : i32
      %add3A_487 = arith.constant 3 : i32
      %add3A_488 = arith.addi %mul3A_486, %add3A_487 : i32
      %dma_start3A_489 = arith.constant 1 : i32
      %dma_start3A_490 = arith.constant 3 : i32
      %dma_start3A_491 = arith.constant 0 : i32
      %dma_start3A_492 = arith.constant 0 : i32
      %dma_start3A_493 = tpu.memref_slice %arg8[%dma_start3A_489, %dma_start3A_490, %dma_start3A_491, %dma_start3A_492] : memref<2x4x128x16xf32, #tpu.memory_space<vmem>> -> memref<1x1x128x16xf32, #tpu.memory_space<vmem>>
      %dma_start3A_494 = tpu.memref_squeeze %dma_start3A_493 : memref<1x1x128x16xf32, #tpu.memory_space<vmem>> -> memref<128x16xf32, #tpu.memory_space<vmem>>
      %dma_start3A_495 = arith.constant 0 : i32
      %dma_start3A_496 = tpu.memref_slice %arg7[%add3A_488, %dma_start3A_495] : memref<96x128xi32, #tpu.memory_space<vmem>> -> memref<1x128xi32, #tpu.memory_space<vmem>>
      %dma_start3A_497 = tpu.memref_squeeze %dma_start3A_496 : memref<1x128xi32, #tpu.memory_space<vmem>> -> memref<128xi32, #tpu.memory_space<vmem>>
      %dma_start3A_498 = arith.constant 0 : i32
      %dma_start3A_499 = arith.constant 0 : i32
      %dma_start3A_500 = tpu.memref_slice %arg10[%dma_start3A_498, %dma_start3A_499] : memref<10112x16xf32, #tpu.memory_space<vmem_shared>> -> memref<10112x16xf32, #tpu.memory_space<vmem_shared>>
      tpu.enqueue_indirect_dma source(%dma_start3A_494 : memref<128x16xf32, #tpu.memory_space<vmem>>) target(%dma_start3A_500 : memref<10112x16xf32, #tpu.memory_space<vmem_shared>>) offsets(%dma_start3A_497 : memref<128xi32, #tpu.memory_space<vmem>>) semaphore(%arg15 : memref<!tpu.dma_semaphore, #tpu.memory_space<semaphore_mem>>) {add = true}
    }
    %dma_wait3A = arith.constant 1 : i32
    %dma_wait3A_80 = arith.constant 0 : i32
    %dma_wait3A_81 = arith.constant 0 : i32
    %dma_wait3A_82 = arith.constant 0 : i32
    %dma_wait3A_83 = arith.constant 0 : i32
    %dma_wait3A_84 = tpu.memref_slice %arg8[%dma_wait3A, %dma_wait3A_80, %dma_wait3A_82, %dma_wait3A_83] : memref<2x4x128x16xf32, #tpu.memory_space<vmem>> -> memref<1x1x128x16xf32, #tpu.memory_space<vmem>>
    %dma_wait3A_85 = tpu.memref_squeeze %dma_wait3A_84 : memref<1x1x128x16xf32, #tpu.memory_space<vmem>> -> memref<128x16xf32, #tpu.memory_space<vmem>>
    %dma_wait3A_86 = arith.constant 0 : i32
    %dma_wait3A_87 = tpu.memref_slice %arg7[%dma_wait3A_81, %dma_wait3A_86] : memref<96x128xi32, #tpu.memory_space<vmem>> -> memref<1x128xi32, #tpu.memory_space<vmem>>
    %dma_wait3A_88 = tpu.memref_squeeze %dma_wait3A_87 : memref<1x128xi32, #tpu.memory_space<vmem>> -> memref<128xi32, #tpu.memory_space<vmem>>
    %dma_wait3A_89 = arith.constant 0 : i32
    %dma_wait3A_90 = arith.constant 0 : i32
    %dma_wait3A_91 = tpu.memref_slice %arg10[%dma_wait3A_89, %dma_wait3A_90] : memref<10112x16xf32, #tpu.memory_space<vmem_shared>> -> memref<10112x16xf32, #tpu.memory_space<vmem_shared>>
    tpu.wait_indirect_dma semaphore(%arg15 : memref<!tpu.dma_semaphore, #tpu.memory_space<semaphore_mem>>) src(%dma_wait3A_85 : memref<128x16xf32, #tpu.memory_space<vmem>>) dst(%dma_wait3A_91 : memref<10112x16xf32, #tpu.memory_space<vmem_shared>>)
    %dma_wait3A_92 = arith.constant 1 : i32
    %dma_wait3A_93 = arith.constant 1 : i32
    %dma_wait3A_94 = arith.constant 1 : i32
    %dma_wait3A_95 = arith.constant 0 : i32
    %dma_wait3A_96 = arith.constant 0 : i32
    %dma_wait3A_97 = tpu.memref_slice %arg8[%dma_wait3A_92, %dma_wait3A_93, %dma_wait3A_95, %dma_wait3A_96] : memref<2x4x128x16xf32, #tpu.memory_space<vmem>> -> memref<1x1x128x16xf32, #tpu.memory_space<vmem>>
    %dma_wait3A_98 = tpu.memref_squeeze %dma_wait3A_97 : memref<1x1x128x16xf32, #tpu.memory_space<vmem>> -> memref<128x16xf32, #tpu.memory_space<vmem>>
    %dma_wait3A_99 = arith.constant 0 : i32
    %dma_wait3A_100 = tpu.memref_slice %arg7[%dma_wait3A_94, %dma_wait3A_99] : memref<96x128xi32, #tpu.memory_space<vmem>> -> memref<1x128xi32, #tpu.memory_space<vmem>>
    %dma_wait3A_101 = tpu.memref_squeeze %dma_wait3A_100 : memref<1x128xi32, #tpu.memory_space<vmem>> -> memref<128xi32, #tpu.memory_space<vmem>>
    %dma_wait3A_102 = arith.constant 0 : i32
    %dma_wait3A_103 = arith.constant 0 : i32
    %dma_wait3A_104 = tpu.memref_slice %arg10[%dma_wait3A_102, %dma_wait3A_103] : memref<10112x16xf32, #tpu.memory_space<vmem_shared>> -> memref<10112x16xf32, #tpu.memory_space<vmem_shared>>
    tpu.wait_indirect_dma semaphore(%arg15 : memref<!tpu.dma_semaphore, #tpu.memory_space<semaphore_mem>>) src(%dma_wait3A_98 : memref<128x16xf32, #tpu.memory_space<vmem>>) dst(%dma_wait3A_104 : memref<10112x16xf32, #tpu.memory_space<vmem_shared>>)
    %dma_wait3A_105 = arith.constant 1 : i32
    %dma_wait3A_106 = arith.constant 2 : i32
    %dma_wait3A_107 = arith.constant 2 : i32
    %dma_wait3A_108 = arith.constant 0 : i32
    %dma_wait3A_109 = arith.constant 0 : i32
    %dma_wait3A_110 = tpu.memref_slice %arg8[%dma_wait3A_105, %dma_wait3A_106, %dma_wait3A_108, %dma_wait3A_109] : memref<2x4x128x16xf32, #tpu.memory_space<vmem>> -> memref<1x1x128x16xf32, #tpu.memory_space<vmem>>
    %dma_wait3A_111 = tpu.memref_squeeze %dma_wait3A_110 : memref<1x1x128x16xf32, #tpu.memory_space<vmem>> -> memref<128x16xf32, #tpu.memory_space<vmem>>
    %dma_wait3A_112 = arith.constant 0 : i32
    %dma_wait3A_113 = tpu.memref_slice %arg7[%dma_wait3A_107, %dma_wait3A_112] : memref<96x128xi32, #tpu.memory_space<vmem>> -> memref<1x128xi32, #tpu.memory_space<vmem>>
    %dma_wait3A_114 = tpu.memref_squeeze %dma_wait3A_113 : memref<1x128xi32, #tpu.memory_space<vmem>> -> memref<128xi32, #tpu.memory_space<vmem>>
    %dma_wait3A_115 = arith.constant 0 : i32
    %dma_wait3A_116 = arith.constant 0 : i32
    %dma_wait3A_117 = tpu.memref_slice %arg10[%dma_wait3A_115, %dma_wait3A_116] : memref<10112x16xf32, #tpu.memory_space<vmem_shared>> -> memref<10112x16xf32, #tpu.memory_space<vmem_shared>>
    tpu.wait_indirect_dma semaphore(%arg15 : memref<!tpu.dma_semaphore, #tpu.memory_space<semaphore_mem>>) src(%dma_wait3A_111 : memref<128x16xf32, #tpu.memory_space<vmem>>) dst(%dma_wait3A_117 : memref<10112x16xf32, #tpu.memory_space<vmem_shared>>)
    %dma_wait3A_118 = arith.constant 1 : i32
    %dma_wait3A_119 = arith.constant 3 : i32
    %dma_wait3A_120 = arith.constant 3 : i32
    %dma_wait3A_121 = arith.constant 0 : i32
    %dma_wait3A_122 = arith.constant 0 : i32
    %dma_wait3A_123 = tpu.memref_slice %arg8[%dma_wait3A_118, %dma_wait3A_119, %dma_wait3A_121, %dma_wait3A_122] : memref<2x4x128x16xf32, #tpu.memory_space<vmem>> -> memref<1x1x128x16xf32, #tpu.memory_space<vmem>>
    %dma_wait3A_124 = tpu.memref_squeeze %dma_wait3A_123 : memref<1x1x128x16xf32, #tpu.memory_space<vmem>> -> memref<128x16xf32, #tpu.memory_space<vmem>>
    %dma_wait3A_125 = arith.constant 0 : i32
    %dma_wait3A_126 = tpu.memref_slice %arg7[%dma_wait3A_120, %dma_wait3A_125] : memref<96x128xi32, #tpu.memory_space<vmem>> -> memref<1x128xi32, #tpu.memory_space<vmem>>
    %dma_wait3A_127 = tpu.memref_squeeze %dma_wait3A_126 : memref<1x128xi32, #tpu.memory_space<vmem>> -> memref<128xi32, #tpu.memory_space<vmem>>
    %dma_wait3A_128 = arith.constant 0 : i32
    %dma_wait3A_129 = arith.constant 0 : i32
    %dma_wait3A_130 = tpu.memref_slice %arg10[%dma_wait3A_128, %dma_wait3A_129] : memref<10112x16xf32, #tpu.memory_space<vmem_shared>> -> memref<10112x16xf32, #tpu.memory_space<vmem_shared>>
    tpu.wait_indirect_dma semaphore(%arg15 : memref<!tpu.dma_semaphore, #tpu.memory_space<semaphore_mem>>) src(%dma_wait3A_124 : memref<128x16xf32, #tpu.memory_space<vmem>>) dst(%dma_wait3A_130 : memref<10112x16xf32, #tpu.memory_space<vmem_shared>>)
    %barrier3A_131 = arith.constant 0 : index
    tpu.barrier barrier_id(%barrier3A_131)
    %mul3A_132 = arith.constant 632 : i32
    %mul3A_133 = arith.muli %arg1, %mul3A_132 : i32
    "tpu.region"() ({
      %run_scoped3A = tpu.sem_alloc : memref<!tpu.dma_semaphore, #tpu.memory_space<semaphore_mem>>
      %dma_start3A_136 = arith.constant 0 : i32
      %dma_start3A_137 = tpu.memref_slice %arg10[%mul3A_133, %dma_start3A_136] : memref<10112x16xf32, #tpu.memory_space<vmem_shared>> -> memref<632x16xf32, #tpu.memory_space<vmem_shared>>
      %dma_start3A_138 = arith.constant 0 : i32
      %dma_start3A_139 = tpu.memref_slice %arg10[%mul3A_133, %dma_start3A_138] : memref<10112x16xf32, #tpu.memory_space<vmem_shared>> -> memref<632x16xf32, #tpu.memory_space<vmem_shared>>
      tpu.enqueue_dma source(%dma_start3A_139 : memref<632x16xf32, #tpu.memory_space<vmem_shared>>) target(%arg9 : memref<632x16xf32, #tpu.memory_space<vmem>>) target_semaphore(%run_scoped3A : memref<!tpu.dma_semaphore, #tpu.memory_space<semaphore_mem>>)
      %dma_wait3A_140 = arith.constant 0 : i32
      %dma_wait3A_141 = tpu.memref_slice %arg10[%mul3A_133, %dma_wait3A_140] : memref<10112x16xf32, #tpu.memory_space<vmem_shared>> -> memref<632x16xf32, #tpu.memory_space<vmem_shared>>
      %dma_wait3A_142 = arith.constant 0 : i32
      %dma_wait3A_143 = tpu.memref_slice %arg10[%mul3A_133, %dma_wait3A_142] : memref<10112x16xf32, #tpu.memory_space<vmem_shared>> -> memref<632x16xf32, #tpu.memory_space<vmem_shared>>
      tpu.wait_dma2 semaphore(%run_scoped3A : memref<!tpu.dma_semaphore, #tpu.memory_space<semaphore_mem>>) src(%dma_wait3A_143 : memref<632x16xf32, #tpu.memory_space<vmem_shared>>) dst(%arg9 : memref<632x16xf32, #tpu.memory_space<vmem>>)
      tpu.yield
    }) : () -> ()
    %mul3A_134 = arith.constant 632 : i32
    %mul3A_135 = arith.muli %arg1, %mul3A_134 : i32
    "tpu.region"() ({
      %run_scoped3A = tpu.sem_alloc : memref<!tpu.dma_semaphore, #tpu.memory_space<semaphore_mem>>
      %dma_start3A_136 = arith.constant 0 : i32
      %dma_start3A_137 = tpu.memref_slice %arg5[%arg0, %mul3A_135, %dma_start3A_136] : memref<2x10112x16xf32, #tpu.memory_space<hbm>> -> memref<1x632x16xf32, #tpu.memory_space<hbm>>
      %dma_start3A_138 = tpu.memref_squeeze %dma_start3A_137 : memref<1x632x16xf32, #tpu.memory_space<hbm>> -> memref<632x16xf32, #tpu.memory_space<hbm>>
      %dma_start3A_139 = arith.constant 0 : i32
      %dma_start3A_140 = tpu.memref_slice %arg5[%arg0, %mul3A_135, %dma_start3A_139] : memref<2x10112x16xf32, #tpu.memory_space<hbm>> -> memref<1x632x16xf32, #tpu.memory_space<hbm>>
      %dma_start3A_141 = tpu.memref_squeeze %dma_start3A_140 : memref<1x632x16xf32, #tpu.memory_space<hbm>> -> memref<632x16xf32, #tpu.memory_space<hbm>>
      tpu.enqueue_dma source(%arg9 : memref<632x16xf32, #tpu.memory_space<vmem>>) target(%dma_start3A_141 : memref<632x16xf32, #tpu.memory_space<hbm>>) target_semaphore(%run_scoped3A : memref<!tpu.dma_semaphore, #tpu.memory_space<semaphore_mem>>)
      %dma_wait3A_142 = arith.constant 0 : i32
      %dma_wait3A_143 = tpu.memref_slice %arg5[%arg0, %mul3A_135, %dma_wait3A_142] : memref<2x10112x16xf32, #tpu.memory_space<hbm>> -> memref<1x632x16xf32, #tpu.memory_space<hbm>>
      %dma_wait3A_144 = tpu.memref_squeeze %dma_wait3A_143 : memref<1x632x16xf32, #tpu.memory_space<hbm>> -> memref<632x16xf32, #tpu.memory_space<hbm>>
      %dma_wait3A_145 = arith.constant 0 : i32
      %dma_wait3A_146 = tpu.memref_slice %arg5[%arg0, %mul3A_135, %dma_wait3A_145] : memref<2x10112x16xf32, #tpu.memory_space<hbm>> -> memref<1x632x16xf32, #tpu.memory_space<hbm>>
      %dma_wait3A_147 = tpu.memref_squeeze %dma_wait3A_146 : memref<1x632x16xf32, #tpu.memory_space<hbm>> -> memref<632x16xf32, #tpu.memory_space<hbm>>
      tpu.wait_dma2 semaphore(%run_scoped3A : memref<!tpu.dma_semaphore, #tpu.memory_space<semaphore_mem>>) src(%arg9 : memref<632x16xf32, #tpu.memory_space<vmem>>) dst(%dma_wait3A_147 : memref<632x16xf32, #tpu.memory_space<hbm>>)
      tpu.yield
    }) : () -> ()
    return
  }
}

#map = affine_map<(d0, d1) -> (0, 0)>
#map1 = affine_map<(d0, d1) -> (0, 0, 0)>
module attributes {stable_mosaic.version = 14 : i64} {
  func.func @_segsum_body(%arg0: i32, %arg1: i32, %arg2: memref<10112x16xf32, #tpu.memory_space<hbm>>, %arg3: memref<2560x128xi32, #tpu.memory_space<hbm>>, %arg4: memref<2560x128xi32, #tpu.memory_space<hbm>>, %arg5: memref<2x10112x16xf32, #tpu.memory_space<hbm>>, %arg6: memref<96x128xi32, #tpu.memory_space<vmem>>, %arg7: memref<96x128xi32, #tpu.memory_space<vmem>>, %arg8: memref<2x4x128x16xf32, #tpu.memory_space<vmem>>, %arg9: memref<632x16xf32, #tpu.memory_space<vmem>>, %arg10: memref<10112x16xf32, #tpu.memory_space<vmem_shared>>, %arg11: memref<10112x16xf32, #tpu.memory_space<vmem_shared>>, %arg12: memref<!tpu.dma_semaphore, #tpu.memory_space<semaphore_mem>>, %arg13: memref<!tpu.dma_semaphore, #tpu.memory_space<semaphore_mem>>, %arg14: memref<!tpu.dma_semaphore, #tpu.memory_space<semaphore_mem>>, %arg15: memref<!tpu.dma_semaphore, #tpu.memory_space<semaphore_mem>>) attributes {dimension_semantics = [#tpu.dimension_semantics<core_parallel>, #tpu.dimension_semantics<subcore_parallel>], iteration_bounds = array<i64: 2, 16>, scalar_prefetch = 0 : i64, scratch_operands = 10 : i64, tpu.core_type = #tpu.core_type<sc_vector_subcore>, window_params = [{transform_indices = #map}, {transform_indices = #map}, {transform_indices = #map}, {transform_indices = #map1}]} {
    %mul3A = arith.constant 632 : i32
    %mul3A_0 = arith.muli %arg1, %mul3A : i32
    %mul3A_1 = arith.constant 632 : i32
    %mul3A_2 = arith.muli %arg1, %mul3A_1 : i32
    "tpu.region"() ({
      %run_scoped3A = tpu.sem_alloc : memref<!tpu.dma_semaphore, #tpu.memory_space<semaphore_mem>>
      %dma_start3A_136 = arith.constant 0 : i32
      %dma_start3A_137 = tpu.memref_slice %arg11[%mul3A_2, %dma_start3A_136] : memref<10112x16xf32, #tpu.memory_space<vmem_shared>> -> memref<632x16xf32, #tpu.memory_space<vmem_shared>>
      %dma_start3A_138 = arith.constant 0 : i32
      %dma_start3A_139 = tpu.memref_slice %arg2[%mul3A_0, %dma_start3A_138] : memref<10112x16xf32, #tpu.memory_space<hbm>> -> memref<632x16xf32, #tpu.memory_space<hbm>>
      tpu.enqueue_dma source(%dma_start3A_139 : memref<632x16xf32, #tpu.memory_space<hbm>>) target(%dma_start3A_137 : memref<632x16xf32, #tpu.memory_space<vmem_shared>>) target_semaphore(%run_scoped3A : memref<!tpu.dma_semaphore, #tpu.memory_space<semaphore_mem>>)
      %dma_wait3A_140 = arith.constant 0 : i32
      %dma_wait3A_141 = tpu.memref_slice %arg11[%mul3A_2, %dma_wait3A_140] : memref<10112x16xf32, #tpu.memory_space<vmem_shared>> -> memref<632x16xf32, #tpu.memory_space<vmem_shared>>
      %dma_wait3A_142 = arith.constant 0 : i32
      %dma_wait3A_143 = tpu.memref_slice %arg2[%mul3A_0, %dma_wait3A_142] : memref<10112x16xf32, #tpu.memory_space<hbm>> -> memref<632x16xf32, #tpu.memory_space<hbm>>
      tpu.wait_dma2 semaphore(%run_scoped3A : memref<!tpu.dma_semaphore, #tpu.memory_space<semaphore_mem>>) src(%dma_wait3A_143 : memref<632x16xf32, #tpu.memory_space<hbm>>) dst(%dma_wait3A_141 : memref<632x16xf32, #tpu.memory_space<vmem_shared>>)
      tpu.yield
    }) : () -> ()
    %scan3A = arith.constant 0 : i32
    %scan3A_3 = arith.constant 0 : i32
    %scan3A_4 = arith.constant 632 : i32
    %scan3A_5 = arith.addi %scan3A_3, %scan3A_4 : i32
    %scan3A_6 = arith.constant 1 : i32
    scf.for %scan3A_136 = %scan3A_3 to %scan3A_5 step %scan3A_6  : i32 {
      %broadcast_in_dim3A = arith.constant 0.000000e+00 : f32
      %broadcast_in_dim3A_137 = vector.broadcast %broadcast_in_dim3A : f32 to vector<16xf32>
      %swap3A = arith.index_cast %scan3A_136 : i32 to index
      %swap3A_138 = arith.constant 0 : index
      %swap3A_139 = tpu.vector_load %arg9[%swap3A, %swap3A_138] {strides = array<i32>} : memref<632x16xf32, #tpu.memory_space<vmem>>, vector<1x16xf32>,
      %swap3A_140 = vector.shape_cast %swap3A_139 : vector<1x16xf32> to vector<16xf32>
      %swap3A_141 = vector.shape_cast %broadcast_in_dim3A_137 : vector<16xf32> to vector<1x16xf32>
      tpu.vector_store %arg9[%swap3A, %swap3A_138], %swap3A_141 {strides = array<i32>} : memref<632x16xf32, #tpu.memory_space<vmem>>, vector<1x16xf32>,
    }
    %scan3A_7 = arith.constant 632 : i32
    %mul3A_8 = arith.constant 632 : i32
    %mul3A_9 = arith.muli %arg1, %mul3A_8 : i32
    "tpu.region"() ({
      %run_scoped3A = tpu.sem_alloc : memref<!tpu.dma_semaphore, #tpu.memory_space<semaphore_mem>>
      %dma_start3A_136 = arith.constant 0 : i32
      %dma_start3A_137 = tpu.memref_slice %arg10[%mul3A_9, %dma_start3A_136] : memref<10112x16xf32, #tpu.memory_space<vmem_shared>> -> memref<632x16xf32, #tpu.memory_space<vmem_shared>>
      %dma_start3A_138 = arith.constant 0 : i32
      %dma_start3A_139 = tpu.memref_slice %arg10[%mul3A_9, %dma_start3A_138] : memref<10112x16xf32, #tpu.memory_space<vmem_shared>> -> memref<632x16xf32, #tpu.memory_space<vmem_shared>>
      tpu.enqueue_dma source(%arg9 : memref<632x16xf32, #tpu.memory_space<vmem>>) target(%dma_start3A_139 : memref<632x16xf32, #tpu.memory_space<vmem_shared>>) target_semaphore(%run_scoped3A : memref<!tpu.dma_semaphore, #tpu.memory_space<semaphore_mem>>)
      %dma_wait3A_140 = arith.constant 0 : i32
      %dma_wait3A_141 = tpu.memref_slice %arg10[%mul3A_9, %dma_wait3A_140] : memref<10112x16xf32, #tpu.memory_space<vmem_shared>> -> memref<632x16xf32, #tpu.memory_space<vmem_shared>>
      %dma_wait3A_142 = arith.constant 0 : i32
      %dma_wait3A_143 = tpu.memref_slice %arg10[%mul3A_9, %dma_wait3A_142] : memref<10112x16xf32, #tpu.memory_space<vmem_shared>> -> memref<632x16xf32, #tpu.memory_space<vmem_shared>>
      tpu.wait_dma2 semaphore(%run_scoped3A : memref<!tpu.dma_semaphore, #tpu.memory_space<semaphore_mem>>) src(%arg9 : memref<632x16xf32, #tpu.memory_space<vmem>>) dst(%dma_wait3A_143 : memref<632x16xf32, #tpu.memory_space<vmem_shared>>)
      tpu.yield
    }) : () -> ()
    %eq3A = arith.constant 0 : i32
    %eq3A_10 = arith.cmpi eq, %arg0, %eq3A : i32
    %convert_element_type3A = arith.extui %eq3A_10 : i1 to i32
    %cond3A = arith.constant 0 : i32
    %cond3A_11 = arith.cmpi ne, %convert_element_type3A, %cond3A : i32
    scf.if %cond3A_11 {
      %mul3A_136 = arith.constant 96 : i32
      %mul3A_137 = arith.muli %arg1, %mul3A_136 : i32
      "tpu.region"() ({
        %run_scoped3A = tpu.sem_alloc : memref<!tpu.dma_semaphore, #tpu.memory_space<semaphore_mem>>
        %dma_start3A_140 = arith.constant 0 : i32
        %dma_start3A_141 = tpu.memref_slice %arg3[%mul3A_137, %dma_start3A_140] : memref<2560x128xi32, #tpu.memory_space<hbm>> -> memref<96x128xi32, #tpu.memory_space<hbm>>
        %dma_start3A_142 = arith.constant 0 : i32
        %dma_start3A_143 = tpu.memref_slice %arg3[%mul3A_137, %dma_start3A_142] : memref<2560x128xi32, #tpu.memory_space<hbm>> -> memref<96x128xi32, #tpu.memory_space<hbm>>
        tpu.enqueue_dma source(%dma_start3A_143 : memref<96x128xi32, #tpu.memory_space<hbm>>) target(%arg6 : memref<96x128xi32, #tpu.memory_space<vmem>>) target_semaphore(%run_scoped3A : memref<!tpu.dma_semaphore, #tpu.memory_space<semaphore_mem>>)
        %dma_wait3A_144 = arith.constant 0 : i32
        %dma_wait3A_145 = tpu.memref_slice %arg3[%mul3A_137, %dma_wait3A_144] : memref<2560x128xi32, #tpu.memory_space<hbm>> -> memref<96x128xi32, #tpu.memory_space<hbm>>
        %dma_wait3A_146 = arith.constant 0 : i32
        %dma_wait3A_147 = tpu.memref_slice %arg3[%mul3A_137, %dma_wait3A_146] : memref<2560x128xi32, #tpu.memory_space<hbm>> -> memref<96x128xi32, #tpu.memory_space<hbm>>
        tpu.wait_dma2 semaphore(%run_scoped3A : memref<!tpu.dma_semaphore, #tpu.memory_space<semaphore_mem>>) src(%dma_wait3A_147 : memref<96x128xi32, #tpu.memory_space<hbm>>) dst(%arg6 : memref<96x128xi32, #tpu.memory_space<vmem>>)
        tpu.yield
      }) : () -> ()
      %mul3A_138 = arith.constant 96 : i32
      %mul3A_139 = arith.muli %arg1, %mul3A_138 : i32
      "tpu.region"() ({
        %run_scoped3A = tpu.sem_alloc : memref<!tpu.dma_semaphore, #tpu.memory_space<semaphore_mem>>
        %dma_start3A_140 = arith.constant 0 : i32
        %dma_start3A_141 = tpu.memref_slice %arg4[%mul3A_139, %dma_start3A_140] : memref<2560x128xi32, #tpu.memory_space<hbm>> -> memref<96x128xi32, #tpu.memory_space<hbm>>
        %dma_start3A_142 = arith.constant 0 : i32
        %dma_start3A_143 = tpu.memref_slice %arg4[%mul3A_139, %dma_start3A_142] : memref<2560x128xi32, #tpu.memory_space<hbm>> -> memref<96x128xi32, #tpu.memory_space<hbm>>
        tpu.enqueue_dma source(%dma_start3A_143 : memref<96x128xi32, #tpu.memory_space<hbm>>) target(%arg7 : memref<96x128xi32, #tpu.memory_space<vmem>>) target_semaphore(%run_scoped3A : memref<!tpu.dma_semaphore, #tpu.memory_space<semaphore_mem>>)
        %dma_wait3A_144 = arith.constant 0 : i32
        %dma_wait3A_145 = tpu.memref_slice %arg4[%mul3A_139, %dma_wait3A_144] : memref<2560x128xi32, #tpu.memory_space<hbm>> -> memref<96x128xi32, #tpu.memory_space<hbm>>
        %dma_wait3A_146 = arith.constant 0 : i32
        %dma_wait3A_147 = tpu.memref_slice %arg4[%mul3A_139, %dma_wait3A_146] : memref<2560x128xi32, #tpu.memory_space<hbm>> -> memref<96x128xi32, #tpu.memory_space<hbm>>
        tpu.wait_dma2 semaphore(%run_scoped3A : memref<!tpu.dma_semaphore, #tpu.memory_space<semaphore_mem>>) src(%dma_wait3A_147 : memref<96x128xi32, #tpu.memory_space<hbm>>) dst(%arg7 : memref<96x128xi32, #tpu.memory_space<vmem>>)
        tpu.yield
      }) : () -> ()
    } else {
    }
    %eq3A_12 = arith.constant 1 : i32
    %eq3A_13 = arith.cmpi eq, %arg0, %eq3A_12 : i32
    %convert_element_type3A_14 = arith.extui %eq3A_13 : i1 to i32
    %cond3A_15 = arith.constant 0 : i32
    %cond3A_16 = arith.cmpi ne, %convert_element_type3A_14, %cond3A_15 : i32
    scf.if %cond3A_16 {
      %mul3A_136 = arith.constant 64 : i32
      %mul3A_137 = arith.muli %arg1, %mul3A_136 : i32
      %add3A = arith.constant 1536 : i32
      %add3A_138 = arith.addi %add3A, %mul3A_137 : i32
      "tpu.region"() ({
        %run_scoped3A = tpu.sem_alloc : memref<!tpu.dma_semaphore, #tpu.memory_space<semaphore_mem>>
        %dma_start3A_143 = arith.constant 0 : i32
        %dma_start3A_144 = arith.constant 0 : i32
        %dma_start3A_145 = tpu.memref_slice %arg6[%dma_start3A_143, %dma_start3A_144] : memref<96x128xi32, #tpu.memory_space<vmem>> -> memref<64x128xi32, #tpu.memory_space<vmem>>
        %dma_start3A_146 = arith.constant 0 : i32
        %dma_start3A_147 = tpu.memref_slice %arg3[%add3A_138, %dma_start3A_146] : memref<2560x128xi32, #tpu.memory_space<hbm>> -> memref<64x128xi32, #tpu.memory_space<hbm>>
        %dma_start3A_148 = arith.constant 0 : i32
        %dma_start3A_149 = arith.constant 0 : i32
        %dma_start3A_150 = tpu.memref_slice %arg6[%dma_start3A_148, %dma_start3A_149] : memref<96x128xi32, #tpu.memory_space<vmem>> -> memref<64x128xi32, #tpu.memory_space<vmem>>
        %dma_start3A_151 = arith.constant 0 : i32
        %dma_start3A_152 = tpu.memref_slice %arg3[%add3A_138, %dma_start3A_151] : memref<2560x128xi32, #tpu.memory_space<hbm>> -> memref<64x128xi32, #tpu.memory_space<hbm>>
        tpu.enqueue_dma source(%dma_start3A_152 : memref<64x128xi32, #tpu.memory_space<hbm>>) target(%dma_start3A_150 : memref<64x128xi32, #tpu.memory_space<vmem>>) target_semaphore(%run_scoped3A : memref<!tpu.dma_semaphore, #tpu.memory_space<semaphore_mem>>)
        %dma_wait3A_153 = arith.constant 0 : i32
        %dma_wait3A_154 = arith.constant 0 : i32
        %dma_wait3A_155 = tpu.memref_slice %arg6[%dma_wait3A_153, %dma_wait3A_154] : memref<96x128xi32, #tpu.memory_space<vmem>> -> memref<64x128xi32, #tpu.memory_space<vmem>>
        %dma_wait3A_156 = arith.constant 0 : i32
        %dma_wait3A_157 = tpu.memref_slice %arg3[%add3A_138, %dma_wait3A_156] : memref<2560x128xi32, #tpu.memory_space<hbm>> -> memref<64x128xi32, #tpu.memory_space<hbm>>
        %dma_wait3A_158 = arith.constant 0 : i32
        %dma_wait3A_159 = arith.constant 0 : i32
        %dma_wait3A_160 = tpu.memref_slice %arg6[%dma_wait3A_158, %dma_wait3A_159] : memref<96x128xi32, #tpu.memory_space<vmem>> -> memref<64x128xi32, #tpu.memory_space<vmem>>
        %dma_wait3A_161 = arith.constant 0 : i32
        %dma_wait3A_162 = tpu.memref_slice %arg3[%add3A_138, %dma_wait3A_161] : memref<2560x128xi32, #tpu.memory_space<hbm>> -> memref<64x128xi32, #tpu.memory_space<hbm>>
        tpu.wait_dma2 semaphore(%run_scoped3A : memref<!tpu.dma_semaphore, #tpu.memory_space<semaphore_mem>>) src(%dma_wait3A_162 : memref<64x128xi32, #tpu.memory_space<hbm>>) dst(%dma_wait3A_160 : memref<64x128xi32, #tpu.memory_space<vmem>>)
        tpu.yield
      }) : () -> ()
      %mul3A_139 = arith.constant 64 : i32
      %mul3A_140 = arith.muli %arg1, %mul3A_139 : i32
      %add3A_141 = arith.constant 1536 : i32
      %add3A_142 = arith.addi %add3A_141, %mul3A_140 : i32
      "tpu.region"() ({
        %run_scoped3A = tpu.sem_alloc : memref<!tpu.dma_semaphore, #tpu.memory_space<semaphore_mem>>
        %dma_start3A_143 = arith.constant 0 : i32
        %dma_start3A_144 = arith.constant 0 : i32
        %dma_start3A_145 = tpu.memref_slice %arg7[%dma_start3A_143, %dma_start3A_144] : memref<96x128xi32, #tpu.memory_space<vmem>> -> memref<64x128xi32, #tpu.memory_space<vmem>>
        %dma_start3A_146 = arith.constant 0 : i32
        %dma_start3A_147 = tpu.memref_slice %arg4[%add3A_142, %dma_start3A_146] : memref<2560x128xi32, #tpu.memory_space<hbm>> -> memref<64x128xi32, #tpu.memory_space<hbm>>
        %dma_start3A_148 = arith.constant 0 : i32
        %dma_start3A_149 = arith.constant 0 : i32
        %dma_start3A_150 = tpu.memref_slice %arg7[%dma_start3A_148, %dma_start3A_149] : memref<96x128xi32, #tpu.memory_space<vmem>> -> memref<64x128xi32, #tpu.memory_space<vmem>>
        %dma_start3A_151 = arith.constant 0 : i32
        %dma_start3A_152 = tpu.memref_slice %arg4[%add3A_142, %dma_start3A_151] : memref<2560x128xi32, #tpu.memory_space<hbm>> -> memref<64x128xi32, #tpu.memory_space<hbm>>
        tpu.enqueue_dma source(%dma_start3A_152 : memref<64x128xi32, #tpu.memory_space<hbm>>) target(%dma_start3A_150 : memref<64x128xi32, #tpu.memory_space<vmem>>) target_semaphore(%run_scoped3A : memref<!tpu.dma_semaphore, #tpu.memory_space<semaphore_mem>>)
        %dma_wait3A_153 = arith.constant 0 : i32
        %dma_wait3A_154 = arith.constant 0 : i32
        %dma_wait3A_155 = tpu.memref_slice %arg7[%dma_wait3A_153, %dma_wait3A_154] : memref<96x128xi32, #tpu.memory_space<vmem>> -> memref<64x128xi32, #tpu.memory_space<vmem>>
        %dma_wait3A_156 = arith.constant 0 : i32
        %dma_wait3A_157 = tpu.memref_slice %arg4[%add3A_142, %dma_wait3A_156] : memref<2560x128xi32, #tpu.memory_space<hbm>> -> memref<64x128xi32, #tpu.memory_space<hbm>>
        %dma_wait3A_158 = arith.constant 0 : i32
        %dma_wait3A_159 = arith.constant 0 : i32
        %dma_wait3A_160 = tpu.memref_slice %arg7[%dma_wait3A_158, %dma_wait3A_159] : memref<96x128xi32, #tpu.memory_space<vmem>> -> memref<64x128xi32, #tpu.memory_space<vmem>>
        %dma_wait3A_161 = arith.constant 0 : i32
        %dma_wait3A_162 = tpu.memref_slice %arg4[%add3A_142, %dma_wait3A_161] : memref<2560x128xi32, #tpu.memory_space<hbm>> -> memref<64x128xi32, #tpu.memory_space<hbm>>
        tpu.wait_dma2 semaphore(%run_scoped3A : memref<!tpu.dma_semaphore, #tpu.memory_space<semaphore_mem>>) src(%dma_wait3A_162 : memref<64x128xi32, #tpu.memory_space<hbm>>) dst(%dma_wait3A_160 : memref<64x128xi32, #tpu.memory_space<vmem>>)
        tpu.yield
      }) : () -> ()
    } else {
    }
    %barrier3A = arith.constant 0 : index
    tpu.barrier barrier_id(%barrier3A)
    %eq3A_17 = arith.constant 0 : i32
    %eq3A_18 = arith.cmpi eq, %arg0, %eq3A_17 : i32
    %jit3A = arith.constant 12 : i32
    %jit3A_19 = arith.constant 8 : i32
    %select_n3A = arith.select %eq3A_18, %jit3A, %jit3A_19 : i32
    %dma_start3A = arith.constant 0 : i32
    %dma_start3A_20 = arith.constant 0 : i32
    %dma_start3A_21 = arith.constant 0 : i32
    %dma_start3A_22 = arith.constant 0 : i32
    %dma_start3A_23 = arith.constant 0 : i32
    %dma_start3A_24 = tpu.memref_slice %arg8[%dma_start3A_20, %dma_start3A_21, %dma_start3A_22, %dma_start3A_23] : memref<2x4x128x16xf32, #tpu.memory_space<vmem>> -> memref<1x1x128x16xf32, #tpu.memory_space<vmem>>
    %dma_start3A_25 = tpu.memref_squeeze %dma_start3A_24 : memref<1x1x128x16xf32, #tpu.memory_space<vmem>> -> memref<128x16xf32, #tpu.memory_space<vmem>>
    %dma_start3A_26 = arith.constant 0 : i32
    %dma_start3A_27 = tpu.memref_slice %arg6[%dma_start3A, %dma_start3A_26] : memref<96x128xi32, #tpu.memory_space<vmem>> -> memref<1x128xi32, #tpu.memory_space<vmem>>
    %dma_start3A_28 = tpu.memref_squeeze %dma_start3A_27 : memref<1x128xi32, #tpu.memory_space<vmem>> -> memref<128xi32, #tpu.memory_space<vmem>>
    %dma_start3A_29 = arith.constant 0 : i32
    %dma_start3A_30 = arith.constant 0 : i32
    %dma_start3A_31 = tpu.memref_slice %arg11[%dma_start3A_29, %dma_start3A_30] : memref<10112x16xf32, #tpu.memory_space<vmem_shared>> -> memref<10112x16xf32, #tpu.memory_space<vmem_shared>>
    tpu.enqueue_indirect_dma source(%dma_start3A_31 : memref<10112x16xf32, #tpu.memory_space<vmem_shared>>) target(%dma_start3A_25 : memref<128x16xf32, #tpu.memory_space<vmem>>) offsets(%dma_start3A_28 : memref<128xi32, #tpu.memory_space<vmem>>) semaphore(%arg12 : memref<!tpu.dma_semaphore, #tpu.memory_space<semaphore_mem>>)
    %dma_start3A_32 = arith.constant 1 : i32
    %dma_start3A_33 = arith.constant 0 : i32
    %dma_start3A_34 = arith.constant 1 : i32
    %dma_start3A_35 = arith.constant 0 : i32
    %dma_start3A_36 = arith.constant 0 : i32
    %dma_start3A_37 = tpu.memref_slice %arg8[%dma_start3A_33, %dma_start3A_34, %dma_start3A_35, %dma_start3A_36] : memref<2x4x128x16xf32, #tpu.memory_space<vmem>> -> memref<1x1x128x16xf32, #tpu.memory_space<vmem>>
    %dma_start3A_38 = tpu.memref_squeeze %dma_start3A_37 : memref<1x1x128x16xf32, #tpu.memory_space<vmem>> -> memref<128x16xf32, #tpu.memory_space<vmem>>
    %dma_start3A_39 = arith.constant 0 : i32
    %dma_start3A_40 = tpu.memref_slice %arg6[%dma_start3A_32, %dma_start3A_39] : memref<96x128xi32, #tpu.memory_space<vmem>> -> memref<1x128xi32, #tpu.memory_space<vmem>>
    %dma_start3A_41 = tpu.memref_squeeze %dma_start3A_40 : memref<1x128xi32, #tpu.memory_space<vmem>> -> memref<128xi32, #tpu.memory_space<vmem>>
    %dma_start3A_42 = arith.constant 0 : i32
    %dma_start3A_43 = arith.constant 0 : i32
    %dma_start3A_44 = tpu.memref_slice %arg11[%dma_start3A_42, %dma_start3A_43] : memref<10112x16xf32, #tpu.memory_space<vmem_shared>> -> memref<10112x16xf32, #tpu.memory_space<vmem_shared>>
    tpu.enqueue_indirect_dma source(%dma_start3A_44 : memref<10112x16xf32, #tpu.memory_space<vmem_shared>>) target(%dma_start3A_38 : memref<128x16xf32, #tpu.memory_space<vmem>>) offsets(%dma_start3A_41 : memref<128xi32, #tpu.memory_space<vmem>>) semaphore(%arg12 : memref<!tpu.dma_semaphore, #tpu.memory_space<semaphore_mem>>)
    %dma_start3A_45 = arith.constant 2 : i32
    %dma_start3A_46 = arith.constant 0 : i32
    %dma_start3A_47 = arith.constant 2 : i32
    %dma_start3A_48 = arith.constant 0 : i32
    %dma_start3A_49 = arith.constant 0 : i32
    %dma_start3A_50 = tpu.memref_slice %arg8[%dma_start3A_46, %dma_start3A_47, %dma_start3A_48, %dma_start3A_49] : memref<2x4x128x16xf32, #tpu.memory_space<vmem>> -> memref<1x1x128x16xf32, #tpu.memory_space<vmem>>
    %dma_start3A_51 = tpu.memref_squeeze %dma_start3A_50 : memref<1x1x128x16xf32, #tpu.memory_space<vmem>> -> memref<128x16xf32, #tpu.memory_space<vmem>>
    %dma_start3A_52 = arith.constant 0 : i32
    %dma_start3A_53 = tpu.memref_slice %arg6[%dma_start3A_45, %dma_start3A_52] : memref<96x128xi32, #tpu.memory_space<vmem>> -> memref<1x128xi32, #tpu.memory_space<vmem>>
    %dma_start3A_54 = tpu.memref_squeeze %dma_start3A_53 : memref<1x128xi32, #tpu.memory_space<vmem>> -> memref<128xi32, #tpu.memory_space<vmem>>
    %dma_start3A_55 = arith.constant 0 : i32
    %dma_start3A_56 = arith.constant 0 : i32
    %dma_start3A_57 = tpu.memref_slice %arg11[%dma_start3A_55, %dma_start3A_56] : memref<10112x16xf32, #tpu.memory_space<vmem_shared>> -> memref<10112x16xf32, #tpu.memory_space<vmem_shared>>
    tpu.enqueue_indirect_dma source(%dma_start3A_57 : memref<10112x16xf32, #tpu.memory_space<vmem_shared>>) target(%dma_start3A_51 : memref<128x16xf32, #tpu.memory_space<vmem>>) offsets(%dma_start3A_54 : memref<128xi32, #tpu.memory_space<vmem>>) semaphore(%arg12 : memref<!tpu.dma_semaphore, #tpu.memory_space<semaphore_mem>>)
    %dma_start3A_58 = arith.constant 3 : i32
    %dma_start3A_59 = arith.constant 0 : i32
    %dma_start3A_60 = arith.constant 3 : i32
    %dma_start3A_61 = arith.constant 0 : i32
    %dma_start3A_62 = arith.constant 0 : i32
    %dma_start3A_63 = tpu.memref_slice %arg8[%dma_start3A_59, %dma_start3A_60, %dma_start3A_61, %dma_start3A_62] : memref<2x4x128x16xf32, #tpu.memory_space<vmem>> -> memref<1x1x128x16xf32, #tpu.memory_space<vmem>>
    %dma_start3A_64 = tpu.memref_squeeze %dma_start3A_63 : memref<1x1x128x16xf32, #tpu.memory_space<vmem>> -> memref<128x16xf32, #tpu.memory_space<vmem>>
    %dma_start3A_65 = arith.constant 0 : i32
    %dma_start3A_66 = tpu.memref_slice %arg6[%dma_start3A_58, %dma_start3A_65] : memref<96x128xi32, #tpu.memory_space<vmem>> -> memref<1x128xi32, #tpu.memory_space<vmem>>
    %dma_start3A_67 = tpu.memref_squeeze %dma_start3A_66 : memref<1x128xi32, #tpu.memory_space<vmem>> -> memref<128xi32, #tpu.memory_space<vmem>>
    %dma_start3A_68 = arith.constant 0 : i32
    %dma_start3A_69 = arith.constant 0 : i32
    %dma_start3A_70 = tpu.memref_slice %arg11[%dma_start3A_68, %dma_start3A_69] : memref<10112x16xf32, #tpu.memory_space<vmem_shared>> -> memref<10112x16xf32, #tpu.memory_space<vmem_shared>>
    tpu.enqueue_indirect_dma source(%dma_start3A_70 : memref<10112x16xf32, #tpu.memory_space<vmem_shared>>) target(%dma_start3A_64 : memref<128x16xf32, #tpu.memory_space<vmem>>) offsets(%dma_start3A_67 : memref<128xi32, #tpu.memory_space<vmem>>) semaphore(%arg12 : memref<!tpu.dma_semaphore, #tpu.memory_space<semaphore_mem>>)
    %while3A = arith.constant 0 : i32
    %while3A_71 = arith.constant 0 : i32
    %while3A_72 = arith.subi %select_n3A, %while3A_71 : i32
    %while3A_73 = arith.addi %while3A_71, %while3A_72 : i32
    %while3A_74 = arith.constant 1 : i32
    %while3A_75 = arith.divsi %while3A_72, %while3A_74 : i32
    %while3A_76 = arith.muli %while3A_75, %while3A_74 : i32
    %while3A_77 = arith.addi %while3A_71, %while3A_76 : i32
    %while3A_78 = arith.constant 1 : i32
    scf.for %while3A_136 = %while3A_71 to %while3A_77 step %while3A_78  : i32 {
      %mul3A_137 = arith.constant 2 : i32
      %mul3A_138 = arith.muli %mul3A_137, %while3A_136 : i32
      %dma_wait3A_139 = arith.constant 0 : i32
      %dma_wait3A_140 = arith.constant 0 : i32
      %dma_wait3A_141 = arith.constant 0 : i32
      %dma_wait3A_142 = arith.constant 0 : i32
      %dma_wait3A_143 = arith.constant 0 : i32
      %dma_wait3A_144 = tpu.memref_slice %arg8[%dma_wait3A_140, %dma_wait3A_141, %dma_wait3A_142, %dma_wait3A_143] : memref<2x4x128x16xf32, #tpu.memory_space<vmem>> -> memref<1x1x128x16xf32, #tpu.memory_space<vmem>>
      %dma_wait3A_145 = tpu.memref_squeeze %dma_wait3A_144 : memref<1x1x128x16xf32, #tpu.memory_space<vmem>> -> memref<128x16xf32, #tpu.memory_space<vmem>>
      %dma_wait3A_146 = arith.constant 0 : i32
      %dma_wait3A_147 = tpu.memref_slice %arg6[%dma_wait3A_139, %dma_wait3A_146] : memref<96x128xi32, #tpu.memory_space<vmem>> -> memref<1x128xi32, #tpu.memory_space<vmem>>
      %dma_wait3A_148 = tpu.memref_squeeze %dma_wait3A_147 : memref<1x128xi32, #tpu.memory_space<vmem>> -> memref<128xi32, #tpu.memory_space<vmem>>
      %dma_wait3A_149 = arith.constant 0 : i32
      %dma_wait3A_150 = arith.constant 0 : i32
      %dma_wait3A_151 = tpu.memref_slice %arg11[%dma_wait3A_149, %dma_wait3A_150] : memref<10112x16xf32, #tpu.memory_space<vmem_shared>> -> memref<10112x16xf32, #tpu.memory_space<vmem_shared>>
      tpu.wait_indirect_dma semaphore(%arg12 : memref<!tpu.dma_semaphore, #tpu.memory_space<semaphore_mem>>) src(%dma_wait3A_151 : memref<10112x16xf32, #tpu.memory_space<vmem_shared>>) dst(%dma_wait3A_145 : memref<128x16xf32, #tpu.memory_space<vmem>>)
      %dma_wait3A_152 = arith.constant 1 : i32
      %dma_wait3A_153 = arith.constant 0 : i32
      %dma_wait3A_154 = arith.constant 1 : i32
      %dma_wait3A_155 = arith.constant 0 : i32
      %dma_wait3A_156 = arith.constant 0 : i32
      %dma_wait3A_157 = tpu.memref_slice %arg8[%dma_wait3A_153, %dma_wait3A_154, %dma_wait3A_155, %dma_wait3A_156] : memref<2x4x128x16xf32, #tpu.memory_space<vmem>> -> memref<1x1x128x16xf32, #tpu.memory_space<vmem>>
      %dma_wait3A_158 = tpu.memref_squeeze %dma_wait3A_157 : memref<1x1x128x16xf32, #tpu.memory_space<vmem>> -> memref<128x16xf32, #tpu.memory_space<vmem>>
      %dma_wait3A_159 = arith.constant 0 : i32
      %dma_wait3A_160 = tpu.memref_slice %arg6[%dma_wait3A_152, %dma_wait3A_159] : memref<96x128xi32, #tpu.memory_space<vmem>> -> memref<1x128xi32, #tpu.memory_space<vmem>>
      %dma_wait3A_161 = tpu.memref_squeeze %dma_wait3A_160 : memref<1x128xi32, #tpu.memory_space<vmem>> -> memref<128xi32, #tpu.memory_space<vmem>>
      %dma_wait3A_162 = arith.constant 0 : i32
      %dma_wait3A_163 = arith.constant 0 : i32
      %dma_wait3A_164 = tpu.memref_slice %arg11[%dma_wait3A_162, %dma_wait3A_163] : memref<10112x16xf32, #tpu.memory_space<vmem_shared>> -> memref<10112x16xf32, #tpu.memory_space<vmem_shared>>
      tpu.wait_indirect_dma semaphore(%arg12 : memref<!tpu.dma_semaphore, #tpu.memory_space<semaphore_mem>>) src(%dma_wait3A_164 : memref<10112x16xf32, #tpu.memory_space<vmem_shared>>) dst(%dma_wait3A_158 : memref<128x16xf32, #tpu.memory_space<vmem>>)
      %dma_wait3A_165 = arith.constant 2 : i32
      %dma_wait3A_166 = arith.constant 0 : i32
      %dma_wait3A_167 = arith.constant 2 : i32
      %dma_wait3A_168 = arith.constant 0 : i32
      %dma_wait3A_169 = arith.constant 0 : i32
      %dma_wait3A_170 = tpu.memref_slice %arg8[%dma_wait3A_166, %dma_wait3A_167, %dma_wait3A_168, %dma_wait3A_169] : memref<2x4x128x16xf32, #tpu.memory_space<vmem>> -> memref<1x1x128x16xf32, #tpu.memory_space<vmem>>
      %dma_wait3A_171 = tpu.memref_squeeze %dma_wait3A_170 : memref<1x1x128x16xf32, #tpu.memory_space<vmem>> -> memref<128x16xf32, #tpu.memory_space<vmem>>
      %dma_wait3A_172 = arith.constant 0 : i32
      %dma_wait3A_173 = tpu.memref_slice %arg6[%dma_wait3A_165, %dma_wait3A_172] : memref<96x128xi32, #tpu.memory_space<vmem>> -> memref<1x128xi32, #tpu.memory_space<vmem>>
      %dma_wait3A_174 = tpu.memref_squeeze %dma_wait3A_173 : memref<1x128xi32, #tpu.memory_space<vmem>> -> memref<128xi32, #tpu.memory_space<vmem>>
      %dma_wait3A_175 = arith.constant 0 : i32
      %dma_wait3A_176 = arith.constant 0 : i32
      %dma_wait3A_177 = tpu.memref_slice %arg11[%dma_wait3A_175, %dma_wait3A_176] : memref<10112x16xf32, #tpu.memory_space<vmem_shared>> -> memref<10112x16xf32, #tpu.memory_space<vmem_shared>>
      tpu.wait_indirect_dma semaphore(%arg12 : memref<!tpu.dma_semaphore, #tpu.memory_space<semaphore_mem>>) src(%dma_wait3A_177 : memref<10112x16xf32, #tpu.memory_space<vmem_shared>>) dst(%dma_wait3A_171 : memref<128x16xf32, #tpu.memory_space<vmem>>)
      %dma_wait3A_178 = arith.constant 3 : i32
      %dma_wait3A_179 = arith.constant 0 : i32
      %dma_wait3A_180 = arith.constant 3 : i32
      %dma_wait3A_181 = arith.constant 0 : i32
      %dma_wait3A_182 = arith.constant 0 : i32
      %dma_wait3A_183 = tpu.memref_slice %arg8[%dma_wait3A_179, %dma_wait3A_180, %dma_wait3A_181, %dma_wait3A_182] : memref<2x4x128x16xf32, #tpu.memory_space<vmem>> -> memref<1x1x128x16xf32, #tpu.memory_space<vmem>>
      %dma_wait3A_184 = tpu.memref_squeeze %dma_wait3A_183 : memref<1x1x128x16xf32, #tpu.memory_space<vmem>> -> memref<128x16xf32, #tpu.memory_space<vmem>>
      %dma_wait3A_185 = arith.constant 0 : i32
      %dma_wait3A_186 = tpu.memref_slice %arg6[%dma_wait3A_178, %dma_wait3A_185] : memref<96x128xi32, #tpu.memory_space<vmem>> -> memref<1x128xi32, #tpu.memory_space<vmem>>
      %dma_wait3A_187 = tpu.memref_squeeze %dma_wait3A_186 : memref<1x128xi32, #tpu.memory_space<vmem>> -> memref<128xi32, #tpu.memory_space<vmem>>
      %dma_wait3A_188 = arith.constant 0 : i32
      %dma_wait3A_189 = arith.constant 0 : i32
      %dma_wait3A_190 = tpu.memref_slice %arg11[%dma_wait3A_188, %dma_wait3A_189] : memref<10112x16xf32, #tpu.memory_space<vmem_shared>> -> memref<10112x16xf32, #tpu.memory_space<vmem_shared>>
      tpu.wait_indirect_dma semaphore(%arg12 : memref<!tpu.dma_semaphore, #tpu.memory_space<semaphore_mem>>) src(%dma_wait3A_190 : memref<10112x16xf32, #tpu.memory_space<vmem_shared>>) dst(%dma_wait3A_184 : memref<128x16xf32, #tpu.memory_space<vmem>>)
      %ge3A = arith.constant 1 : i32
      %ge3A_191 = arith.cmpi sge, %while3A_136, %ge3A : i32
      %convert_element_type3A_192 = arith.extui %ge3A_191 : i1 to i32
      %cond3A_193 = arith.constant 0 : i32
      %cond3A_194 = arith.cmpi ne, %convert_element_type3A_192, %cond3A_193 : i32
      scf.if %cond3A_194 {
        %dma_wait3A_501 = arith.constant 1 : i32
        %dma_wait3A_502 = arith.constant 0 : i32
        %dma_wait3A_503 = arith.constant 0 : i32
        %dma_wait3A_504 = arith.constant 0 : i32
        %dma_wait3A_505 = arith.constant 0 : i32
        %dma_wait3A_506 = tpu.memref_slice %arg8[%dma_wait3A_501, %dma_wait3A_502, %dma_wait3A_504, %dma_wait3A_505] : memref<2x4x128x16xf32, #tpu.memory_space<vmem>> -> memref<1x1x128x16xf32, #tpu.memory_space<vmem>>
        %dma_wait3A_507 = tpu.memref_squeeze %dma_wait3A_506 : memref<1x1x128x16xf32, #tpu.memory_space<vmem>> -> memref<128x16xf32, #tpu.memory_space<vmem>>
        %dma_wait3A_508 = arith.constant 0 : i32
        %dma_wait3A_509 = tpu.memref_slice %arg7[%dma_wait3A_503, %dma_wait3A_508] : memref<96x128xi32, #tpu.memory_space<vmem>> -> memref<1x128xi32, #tpu.memory_space<vmem>>
        %dma_wait3A_510 = tpu.memref_squeeze %dma_wait3A_509 : memref<1x128xi32, #tpu.memory_space<vmem>> -> memref<128xi32, #tpu.memory_space<vmem>>
        %dma_wait3A_511 = arith.constant 0 : i32
        %dma_wait3A_512 = arith.constant 0 : i32
        %dma_wait3A_513 = tpu.memref_slice %arg10[%dma_wait3A_511, %dma_wait3A_512] : memref<10112x16xf32, #tpu.memory_space<vmem_shared>> -> memref<10112x16xf32, #tpu.memory_space<vmem_shared>>
        tpu.wait_indirect_dma semaphore(%arg15 : memref<!tpu.dma_semaphore, #tpu.memory_space<semaphore_mem>>) src(%dma_wait3A_507 : memref<128x16xf32, #tpu.memory_space<vmem>>) dst(%dma_wait3A_513 : memref<10112x16xf32, #tpu.memory_space<vmem_shared>>)
        %dma_wait3A_514 = arith.constant 1 : i32
        %dma_wait3A_515 = arith.constant 1 : i32
        %dma_wait3A_516 = arith.constant 1 : i32
        %dma_wait3A_517 = arith.constant 0 : i32
        %dma_wait3A_518 = arith.constant 0 : i32
        %dma_wait3A_519 = tpu.memref_slice %arg8[%dma_wait3A_514, %dma_wait3A_515, %dma_wait3A_517, %dma_wait3A_518] : memref<2x4x128x16xf32, #tpu.memory_space<vmem>> -> memref<1x1x128x16xf32, #tpu.memory_space<vmem>>
        %dma_wait3A_520 = tpu.memref_squeeze %dma_wait3A_519 : memref<1x1x128x16xf32, #tpu.memory_space<vmem>> -> memref<128x16xf32, #tpu.memory_space<vmem>>
        %dma_wait3A_521 = arith.constant 0 : i32
        %dma_wait3A_522 = tpu.memref_slice %arg7[%dma_wait3A_516, %dma_wait3A_521] : memref<96x128xi32, #tpu.memory_space<vmem>> -> memref<1x128xi32, #tpu.memory_space<vmem>>
        %dma_wait3A_523 = tpu.memref_squeeze %dma_wait3A_522 : memref<1x128xi32, #tpu.memory_space<vmem>> -> memref<128xi32, #tpu.memory_space<vmem>>
        %dma_wait3A_524 = arith.constant 0 : i32
        %dma_wait3A_525 = arith.constant 0 : i32
        %dma_wait3A_526 = tpu.memref_slice %arg10[%dma_wait3A_524, %dma_wait3A_525] : memref<10112x16xf32, #tpu.memory_space<vmem_shared>> -> memref<10112x16xf32, #tpu.memory_space<vmem_shared>>
        tpu.wait_indirect_dma semaphore(%arg15 : memref<!tpu.dma_semaphore, #tpu.memory_space<semaphore_mem>>) src(%dma_wait3A_520 : memref<128x16xf32, #tpu.memory_space<vmem>>) dst(%dma_wait3A_526 : memref<10112x16xf32, #tpu.memory_space<vmem_shared>>)
        %dma_wait3A_527 = arith.constant 1 : i32
        %dma_wait3A_528 = arith.constant 2 : i32
        %dma_wait3A_529 = arith.constant 2 : i32
        %dma_wait3A_530 = arith.constant 0 : i32
        %dma_wait3A_531 = arith.constant 0 : i32
        %dma_wait3A_532 = tpu.memref_slice %arg8[%dma_wait3A_527, %dma_wait3A_528, %dma_wait3A_530, %dma_wait3A_531] : memref<2x4x128x16xf32, #tpu.memory_space<vmem>> -> memref<1x1x128x16xf32, #tpu.memory_space<vmem>>
        %dma_wait3A_533 = tpu.memref_squeeze %dma_wait3A_532 : memref<1x1x128x16xf32, #tpu.memory_space<vmem>> -> memref<128x16xf32, #tpu.memory_space<vmem>>
        %dma_wait3A_534 = arith.constant 0 : i32
        %dma_wait3A_535 = tpu.memref_slice %arg7[%dma_wait3A_529, %dma_wait3A_534] : memref<96x128xi32, #tpu.memory_space<vmem>> -> memref<1x128xi32, #tpu.memory_space<vmem>>
        %dma_wait3A_536 = tpu.memref_squeeze %dma_wait3A_535 : memref<1x128xi32, #tpu.memory_space<vmem>> -> memref<128xi32, #tpu.memory_space<vmem>>
        %dma_wait3A_537 = arith.constant 0 : i32
        %dma_wait3A_538 = arith.constant 0 : i32
        %dma_wait3A_539 = tpu.memref_slice %arg10[%dma_wait3A_537, %dma_wait3A_538] : memref<10112x16xf32, #tpu.memory_space<vmem_shared>> -> memref<10112x16xf32, #tpu.memory_space<vmem_shared>>
        tpu.wait_indirect_dma semaphore(%arg15 : memref<!tpu.dma_semaphore, #tpu.memory_space<semaphore_mem>>) src(%dma_wait3A_533 : memref<128x16xf32, #tpu.memory_space<vmem>>) dst(%dma_wait3A_539 : memref<10112x16xf32, #tpu.memory_space<vmem_shared>>)
        %dma_wait3A_540 = arith.constant 1 : i32
        %dma_wait3A_541 = arith.constant 3 : i32
        %dma_wait3A_542 = arith.constant 3 : i32
        %dma_wait3A_543 = arith.constant 0 : i32
        %dma_wait3A_544 = arith.constant 0 : i32
        %dma_wait3A_545 = tpu.memref_slice %arg8[%dma_wait3A_540, %dma_wait3A_541, %dma_wait3A_543, %dma_wait3A_544] : memref<2x4x128x16xf32, #tpu.memory_space<vmem>> -> memref<1x1x128x16xf32, #tpu.memory_space<vmem>>
        %dma_wait3A_546 = tpu.memref_squeeze %dma_wait3A_545 : memref<1x1x128x16xf32, #tpu.memory_space<vmem>> -> memref<128x16xf32, #tpu.memory_space<vmem>>
        %dma_wait3A_547 = arith.constant 0 : i32
        %dma_wait3A_548 = tpu.memref_slice %arg7[%dma_wait3A_542, %dma_wait3A_547] : memref<96x128xi32, #tpu.memory_space<vmem>> -> memref<1x128xi32, #tpu.memory_space<vmem>>
        %dma_wait3A_549 = tpu.memref_squeeze %dma_wait3A_548 : memref<1x128xi32, #tpu.memory_space<vmem>> -> memref<128xi32, #tpu.memory_space<vmem>>
        %dma_wait3A_550 = arith.constant 0 : i32
        %dma_wait3A_551 = arith.constant 0 : i32
        %dma_wait3A_552 = tpu.memref_slice %arg10[%dma_wait3A_550, %dma_wait3A_551] : memref<10112x16xf32, #tpu.memory_space<vmem_shared>> -> memref<10112x16xf32, #tpu.memory_space<vmem_shared>>
        tpu.wait_indirect_dma semaphore(%arg15 : memref<!tpu.dma_semaphore, #tpu.memory_space<semaphore_mem>>) src(%dma_wait3A_546 : memref<128x16xf32, #tpu.memory_space<vmem>>) dst(%dma_wait3A_552 : memref<10112x16xf32, #tpu.memory_space<vmem_shared>>)
      } else {
      }
      %add3A = arith.constant 1 : i32
      %add3A_195 = arith.addi %mul3A_138, %add3A : i32
      %mul3A_196 = arith.constant 4 : i32
      %mul3A_197 = arith.muli %add3A_195, %mul3A_196 : i32
      %add3A_198 = arith.constant 0 : i32
      %add3A_199 = arith.addi %mul3A_197, %add3A_198 : i32
      %dma_start3A_200 = arith.constant 1 : i32
      %dma_start3A_201 = arith.constant 0 : i32
      %dma_start3A_202 = arith.constant 0 : i32
      %dma_start3A_203 = arith.constant 0 : i32
      %dma_start3A_204 = tpu.memref_slice %arg8[%dma_start3A_200, %dma_start3A_201, %dma_start3A_202, %dma_start3A_203] : memref<2x4x128x16xf32, #tpu.memory_space<vmem>> -> memref<1x1x128x16xf32, #tpu.memory_space<vmem>>
      %dma_start3A_205 = tpu.memref_squeeze %dma_start3A_204 : memref<1x1x128x16xf32, #tpu.memory_space<vmem>> -> memref<128x16xf32, #tpu.memory_space<vmem>>
      %dma_start3A_206 = arith.constant 0 : i32
      %dma_start3A_207 = tpu.memref_slice %arg6[%add3A_199, %dma_start3A_206] : memref<96x128xi32, #tpu.memory_space<vmem>> -> memref<1x128xi32, #tpu.memory_space<vmem>>
      %dma_start3A_208 = tpu.memref_squeeze %dma_start3A_207 : memref<1x128xi32, #tpu.memory_space<vmem>> -> memref<128xi32, #tpu.memory_space<vmem>>
      %dma_start3A_209 = arith.constant 0 : i32
      %dma_start3A_210 = arith.constant 0 : i32
      %dma_start3A_211 = tpu.memref_slice %arg11[%dma_start3A_209, %dma_start3A_210] : memref<10112x16xf32, #tpu.memory_space<vmem_shared>> -> memref<10112x16xf32, #tpu.memory_space<vmem_shared>>
      tpu.enqueue_indirect_dma source(%dma_start3A_211 : memref<10112x16xf32, #tpu.memory_space<vmem_shared>>) target(%dma_start3A_205 : memref<128x16xf32, #tpu.memory_space<vmem>>) offsets(%dma_start3A_208 : memref<128xi32, #tpu.memory_space<vmem>>) semaphore(%arg13 : memref<!tpu.dma_semaphore, #tpu.memory_space<semaphore_mem>>)
      %mul3A_212 = arith.constant 4 : i32
      %mul3A_213 = arith.muli %add3A_195, %mul3A_212 : i32
      %add3A_214 = arith.constant 1 : i32
      %add3A_215 = arith.addi %mul3A_213, %add3A_214 : i32
      %dma_start3A_216 = arith.constant 1 : i32
      %dma_start3A_217 = arith.constant 1 : i32
      %dma_start3A_218 = arith.constant 0 : i32
      %dma_start3A_219 = arith.constant 0 : i32
      %dma_start3A_220 = tpu.memref_slice %arg8[%dma_start3A_216, %dma_start3A_217, %dma_start3A_218, %dma_start3A_219] : memref<2x4x128x16xf32, #tpu.memory_space<vmem>> -> memref<1x1x128x16xf32, #tpu.memory_space<vmem>>
      %dma_start3A_221 = tpu.memref_squeeze %dma_start3A_220 : memref<1x1x128x16xf32, #tpu.memory_space<vmem>> -> memref<128x16xf32, #tpu.memory_space<vmem>>
      %dma_start3A_222 = arith.constant 0 : i32
      %dma_start3A_223 = tpu.memref_slice %arg6[%add3A_215, %dma_start3A_222] : memref<96x128xi32, #tpu.memory_space<vmem>> -> memref<1x128xi32, #tpu.memory_space<vmem>>
      %dma_start3A_224 = tpu.memref_squeeze %dma_start3A_223 : memref<1x128xi32, #tpu.memory_space<vmem>> -> memref<128xi32, #tpu.memory_space<vmem>>
      %dma_start3A_225 = arith.constant 0 : i32
      %dma_start3A_226 = arith.constant 0 : i32
      %dma_start3A_227 = tpu.memref_slice %arg11[%dma_start3A_225, %dma_start3A_226] : memref<10112x16xf32, #tpu.memory_space<vmem_shared>> -> memref<10112x16xf32, #tpu.memory_space<vmem_shared>>
      tpu.enqueue_indirect_dma source(%dma_start3A_227 : memref<10112x16xf32, #tpu.memory_space<vmem_shared>>) target(%dma_start3A_221 : memref<128x16xf32, #tpu.memory_space<vmem>>) offsets(%dma_start3A_224 : memref<128xi32, #tpu.memory_space<vmem>>) semaphore(%arg13 : memref<!tpu.dma_semaphore, #tpu.memory_space<semaphore_mem>>)
      %mul3A_228 = arith.constant 4 : i32
      %mul3A_229 = arith.muli %add3A_195, %mul3A_228 : i32
      %add3A_230 = arith.constant 2 : i32
      %add3A_231 = arith.addi %mul3A_229, %add3A_230 : i32
      %dma_start3A_232 = arith.constant 1 : i32
      %dma_start3A_233 = arith.constant 2 : i32
      %dma_start3A_234 = arith.constant 0 : i32
      %dma_start3A_235 = arith.constant 0 : i32
      %dma_start3A_236 = tpu.memref_slice %arg8[%dma_start3A_232, %dma_start3A_233, %dma_start3A_234, %dma_start3A_235] : memref<2x4x128x16xf32, #tpu.memory_space<vmem>> -> memref<1x1x128x16xf32, #tpu.memory_space<vmem>>
      %dma_start3A_237 = tpu.memref_squeeze %dma_start3A_236 : memref<1x1x128x16xf32, #tpu.memory_space<vmem>> -> memref<128x16xf32, #tpu.memory_space<vmem>>
      %dma_start3A_238 = arith.constant 0 : i32
      %dma_start3A_239 = tpu.memref_slice %arg6[%add3A_231, %dma_start3A_238] : memref<96x128xi32, #tpu.memory_space<vmem>> -> memref<1x128xi32, #tpu.memory_space<vmem>>
      %dma_start3A_240 = tpu.memref_squeeze %dma_start3A_239 : memref<1x128xi32, #tpu.memory_space<vmem>> -> memref<128xi32, #tpu.memory_space<vmem>>
      %dma_start3A_241 = arith.constant 0 : i32
      %dma_start3A_242 = arith.constant 0 : i32
      %dma_start3A_243 = tpu.memref_slice %arg11[%dma_start3A_241, %dma_start3A_242] : memref<10112x16xf32, #tpu.memory_space<vmem_shared>> -> memref<10112x16xf32, #tpu.memory_space<vmem_shared>>
      tpu.enqueue_indirect_dma source(%dma_start3A_243 : memref<10112x16xf32, #tpu.memory_space<vmem_shared>>) target(%dma_start3A_237 : memref<128x16xf32, #tpu.memory_space<vmem>>) offsets(%dma_start3A_240 : memref<128xi32, #tpu.memory_space<vmem>>) semaphore(%arg13 : memref<!tpu.dma_semaphore, #tpu.memory_space<semaphore_mem>>)
      %mul3A_244 = arith.constant 4 : i32
      %mul3A_245 = arith.muli %add3A_195, %mul3A_244 : i32
      %add3A_246 = arith.constant 3 : i32
      %add3A_247 = arith.addi %mul3A_245, %add3A_246 : i32
      %dma_start3A_248 = arith.constant 1 : i32
      %dma_start3A_249 = arith.constant 3 : i32
      %dma_start3A_250 = arith.constant 0 : i32
      %dma_start3A_251 = arith.constant 0 : i32
      %dma_start3A_252 = tpu.memref_slice %arg8[%dma_start3A_248, %dma_start3A_249, %dma_start3A_250, %dma_start3A_251] : memref<2x4x128x16xf32, #tpu.memory_space<vmem>> -> memref<1x1x128x16xf32, #tpu.memory_space<vmem>>
      %dma_start3A_253 = tpu.memref_squeeze %dma_start3A_252 : memref<1x1x128x16xf32, #tpu.memory_space<vmem>> -> memref<128x16xf32, #tpu.memory_space<vmem>>
      %dma_start3A_254 = arith.constant 0 : i32
      %dma_start3A_255 = tpu.memref_slice %arg6[%add3A_247, %dma_start3A_254] : memref<96x128xi32, #tpu.memory_space<vmem>> -> memref<1x128xi32, #tpu.memory_space<vmem>>
      %dma_start3A_256 = tpu.memref_squeeze %dma_start3A_255 : memref<1x128xi32, #tpu.memory_space<vmem>> -> memref<128xi32, #tpu.memory_space<vmem>>
      %dma_start3A_257 = arith.constant 0 : i32
      %dma_start3A_258 = arith.constant 0 : i32
      %dma_start3A_259 = tpu.memref_slice %arg11[%dma_start3A_257, %dma_start3A_258] : memref<10112x16xf32, #tpu.memory_space<vmem_shared>> -> memref<10112x16xf32, #tpu.memory_space<vmem_shared>>
      tpu.enqueue_indirect_dma source(%dma_start3A_259 : memref<10112x16xf32, #tpu.memory_space<vmem_shared>>) target(%dma_start3A_253 : memref<128x16xf32, #tpu.memory_space<vmem>>) offsets(%dma_start3A_256 : memref<128xi32, #tpu.memory_space<vmem>>) semaphore(%arg13 : memref<!tpu.dma_semaphore, #tpu.memory_space<semaphore_mem>>)
      %mul3A_260 = arith.constant 4 : i32
      %mul3A_261 = arith.muli %mul3A_138, %mul3A_260 : i32
      %add3A_262 = arith.constant 0 : i32
      %add3A_263 = arith.addi %mul3A_261, %add3A_262 : i32
      %dma_start3A_264 = arith.constant 0 : i32
      %dma_start3A_265 = arith.constant 0 : i32
      %dma_start3A_266 = arith.constant 0 : i32
      %dma_start3A_267 = arith.constant 0 : i32
      %dma_start3A_268 = tpu.memref_slice %arg8[%dma_start3A_264, %dma_start3A_265, %dma_start3A_266, %dma_start3A_267] : memref<2x4x128x16xf32, #tpu.memory_space<vmem>> -> memref<1x1x128x16xf32, #tpu.memory_space<vmem>>
      %dma_start3A_269 = tpu.memref_squeeze %dma_start3A_268 : memref<1x1x128x16xf32, #tpu.memory_space<vmem>> -> memref<128x16xf32, #tpu.memory_space<vmem>>
      %dma_start3A_270 = arith.constant 0 : i32
      %dma_start3A_271 = tpu.memref_slice %arg7[%add3A_263, %dma_start3A_270] : memref<96x128xi32, #tpu.memory_space<vmem>> -> memref<1x128xi32, #tpu.memory_space<vmem>>
      %dma_start3A_272 = tpu.memref_squeeze %dma_start3A_271 : memref<1x128xi32, #tpu.memory_space<vmem>> -> memref<128xi32, #tpu.memory_space<vmem>>
      %dma_start3A_273 = arith.constant 0 : i32
      %dma_start3A_274 = arith.constant 0 : i32
      %dma_start3A_275 = tpu.memref_slice %arg10[%dma_start3A_273, %dma_start3A_274] : memref<10112x16xf32, #tpu.memory_space<vmem_shared>> -> memref<10112x16xf32, #tpu.memory_space<vmem_shared>>
      tpu.enqueue_indirect_dma source(%dma_start3A_269 : memref<128x16xf32, #tpu.memory_space<vmem>>) target(%dma_start3A_275 : memref<10112x16xf32, #tpu.memory_space<vmem_shared>>) offsets(%dma_start3A_272 : memref<128xi32, #tpu.memory_space<vmem>>) semaphore(%arg14 : memref<!tpu.dma_semaphore, #tpu.memory_space<semaphore_mem>>) {add = true}
      %mul3A_276 = arith.constant 4 : i32
      %mul3A_277 = arith.muli %mul3A_138, %mul3A_276 : i32
      %add3A_278 = arith.constant 1 : i32
      %add3A_279 = arith.addi %mul3A_277, %add3A_278 : i32
      %dma_start3A_280 = arith.constant 0 : i32
      %dma_start3A_281 = arith.constant 1 : i32
      %dma_start3A_282 = arith.constant 0 : i32
      %dma_start3A_283 = arith.constant 0 : i32
      %dma_start3A_284 = tpu.memref_slice %arg8[%dma_start3A_280, %dma_start3A_281, %dma_start3A_282, %dma_start3A_283] : memref<2x4x128x16xf32, #tpu.memory_space<vmem>> -> memref<1x1x128x16xf32, #tpu.memory_space<vmem>>
      %dma_start3A_285 = tpu.memref_squeeze %dma_start3A_284 : memref<1x1x128x16xf32, #tpu.memory_space<vmem>> -> memref<128x16xf32, #tpu.memory_space<vmem>>
      %dma_start3A_286 = arith.constant 0 : i32
      %dma_start3A_287 = tpu.memref_slice %arg7[%add3A_279, %dma_start3A_286] : memref<96x128xi32, #tpu.memory_space<vmem>> -> memref<1x128xi32, #tpu.memory_space<vmem>>
      %dma_start3A_288 = tpu.memref_squeeze %dma_start3A_287 : memref<1x128xi32, #tpu.memory_space<vmem>> -> memref<128xi32, #tpu.memory_space<vmem>>
      %dma_start3A_289 = arith.constant 0 : i32
      %dma_start3A_290 = arith.constant 0 : i32
      %dma_start3A_291 = tpu.memref_slice %arg10[%dma_start3A_289, %dma_start3A_290] : memref<10112x16xf32, #tpu.memory_space<vmem_shared>> -> memref<10112x16xf32, #tpu.memory_space<vmem_shared>>
      tpu.enqueue_indirect_dma source(%dma_start3A_285 : memref<128x16xf32, #tpu.memory_space<vmem>>) target(%dma_start3A_291 : memref<10112x16xf32, #tpu.memory_space<vmem_shared>>) offsets(%dma_start3A_288 : memref<128xi32, #tpu.memory_space<vmem>>) semaphore(%arg14 : memref<!tpu.dma_semaphore, #tpu.memory_space<semaphore_mem>>) {add = true}
      %mul3A_292 = arith.constant 4 : i32
      %mul3A_293 = arith.muli %mul3A_138, %mul3A_292 : i32
      %add3A_294 = arith.constant 2 : i32
      %add3A_295 = arith.addi %mul3A_293, %add3A_294 : i32
      %dma_start3A_296 = arith.constant 0 : i32
      %dma_start3A_297 = arith.constant 2 : i32
      %dma_start3A_298 = arith.constant 0 : i32
      %dma_start3A_299 = arith.constant 0 : i32
      %dma_start3A_300 = tpu.memref_slice %arg8[%dma_start3A_296, %dma_start3A_297, %dma_start3A_298, %dma_start3A_299] : memref<2x4x128x16xf32, #tpu.memory_space<vmem>> -> memref<1x1x128x16xf32, #tpu.memory_space<vmem>>
      %dma_start3A_301 = tpu.memref_squeeze %dma_start3A_300 : memref<1x1x128x16xf32, #tpu.memory_space<vmem>> -> memref<128x16xf32, #tpu.memory_space<vmem>>
      %dma_start3A_302 = arith.constant 0 : i32
      %dma_start3A_303 = tpu.memref_slice %arg7[%add3A_295, %dma_start3A_302] : memref<96x128xi32, #tpu.memory_space<vmem>> -> memref<1x128xi32, #tpu.memory_space<vmem>>
      %dma_start3A_304 = tpu.memref_squeeze %dma_start3A_303 : memref<1x128xi32, #tpu.memory_space<vmem>> -> memref<128xi32, #tpu.memory_space<vmem>>
      %dma_start3A_305 = arith.constant 0 : i32
      %dma_start3A_306 = arith.constant 0 : i32
      %dma_start3A_307 = tpu.memref_slice %arg10[%dma_start3A_305, %dma_start3A_306] : memref<10112x16xf32, #tpu.memory_space<vmem_shared>> -> memref<10112x16xf32, #tpu.memory_space<vmem_shared>>
      tpu.enqueue_indirect_dma source(%dma_start3A_301 : memref<128x16xf32, #tpu.memory_space<vmem>>) target(%dma_start3A_307 : memref<10112x16xf32, #tpu.memory_space<vmem_shared>>) offsets(%dma_start3A_304 : memref<128xi32, #tpu.memory_space<vmem>>) semaphore(%arg14 : memref<!tpu.dma_semaphore, #tpu.memory_space<semaphore_mem>>) {add = true}
      %mul3A_308 = arith.constant 4 : i32
      %mul3A_309 = arith.muli %mul3A_138, %mul3A_308 : i32
      %add3A_310 = arith.constant 3 : i32
      %add3A_311 = arith.addi %mul3A_309, %add3A_310 : i32
      %dma_start3A_312 = arith.constant 0 : i32
      %dma_start3A_313 = arith.constant 3 : i32
      %dma_start3A_314 = arith.constant 0 : i32
      %dma_start3A_315 = arith.constant 0 : i32
      %dma_start3A_316 = tpu.memref_slice %arg8[%dma_start3A_312, %dma_start3A_313, %dma_start3A_314, %dma_start3A_315] : memref<2x4x128x16xf32, #tpu.memory_space<vmem>> -> memref<1x1x128x16xf32, #tpu.memory_space<vmem>>
      %dma_start3A_317 = tpu.memref_squeeze %dma_start3A_316 : memref<1x1x128x16xf32, #tpu.memory_space<vmem>> -> memref<128x16xf32, #tpu.memory_space<vmem>>
      %dma_start3A_318 = arith.constant 0 : i32
      %dma_start3A_319 = tpu.memref_slice %arg7[%add3A_311, %dma_start3A_318] : memref<96x128xi32, #tpu.memory_space<vmem>> -> memref<1x128xi32, #tpu.memory_space<vmem>>
      %dma_start3A_320 = tpu.memref_squeeze %dma_start3A_319 : memref<1x128xi32, #tpu.memory_space<vmem>> -> memref<128xi32, #tpu.memory_space<vmem>>
      %dma_start3A_321 = arith.constant 0 : i32
      %dma_start3A_322 = arith.constant 0 : i32
      %dma_start3A_323 = tpu.memref_slice %arg10[%dma_start3A_321, %dma_start3A_322] : memref<10112x16xf32, #tpu.memory_space<vmem_shared>> -> memref<10112x16xf32, #tpu.memory_space<vmem_shared>>
      tpu.enqueue_indirect_dma source(%dma_start3A_317 : memref<128x16xf32, #tpu.memory_space<vmem>>) target(%dma_start3A_323 : memref<10112x16xf32, #tpu.memory_space<vmem_shared>>) offsets(%dma_start3A_320 : memref<128xi32, #tpu.memory_space<vmem>>) semaphore(%arg14 : memref<!tpu.dma_semaphore, #tpu.memory_space<semaphore_mem>>) {add = true}
      %dma_wait3A_324 = arith.constant 0 : i32
      %dma_wait3A_325 = arith.constant 1 : i32
      %dma_wait3A_326 = arith.constant 0 : i32
      %dma_wait3A_327 = arith.constant 0 : i32
      %dma_wait3A_328 = arith.constant 0 : i32
      %dma_wait3A_329 = tpu.memref_slice %arg8[%dma_wait3A_325, %dma_wait3A_326, %dma_wait3A_327, %dma_wait3A_328] : memref<2x4x128x16xf32, #tpu.memory_space<vmem>> -> memref<1x1x128x16xf32, #tpu.memory_space<vmem>>
      %dma_wait3A_330 = tpu.memref_squeeze %dma_wait3A_329 : memref<1x1x128x16xf32, #tpu.memory_space<vmem>> -> memref<128x16xf32, #tpu.memory_space<vmem>>
      %dma_wait3A_331 = arith.constant 0 : i32
      %dma_wait3A_332 = tpu.memref_slice %arg6[%dma_wait3A_324, %dma_wait3A_331] : memref<96x128xi32, #tpu.memory_space<vmem>> -> memref<1x128xi32, #tpu.memory_space<vmem>>
      %dma_wait3A_333 = tpu.memref_squeeze %dma_wait3A_332 : memref<1x128xi32, #tpu.memory_space<vmem>> -> memref<128xi32, #tpu.memory_space<vmem>>
      %dma_wait3A_334 = arith.constant 0 : i32
      %dma_wait3A_335 = arith.constant 0 : i32
      %dma_wait3A_336 = tpu.memref_slice %arg11[%dma_wait3A_334, %dma_wait3A_335] : memref<10112x16xf32, #tpu.memory_space<vmem_shared>> -> memref<10112x16xf32, #tpu.memory_space<vmem_shared>>
      tpu.wait_indirect_dma semaphore(%arg13 : memref<!tpu.dma_semaphore, #tpu.memory_space<semaphore_mem>>) src(%dma_wait3A_336 : memref<10112x16xf32, #tpu.memory_space<vmem_shared>>) dst(%dma_wait3A_330 : memref<128x16xf32, #tpu.memory_space<vmem>>)
      %dma_wait3A_337 = arith.constant 1 : i32
      %dma_wait3A_338 = arith.constant 1 : i32
      %dma_wait3A_339 = arith.constant 1 : i32
      %dma_wait3A_340 = arith.constant 0 : i32
      %dma_wait3A_341 = arith.constant 0 : i32
      %dma_wait3A_342 = tpu.memref_slice %arg8[%dma_wait3A_338, %dma_wait3A_339, %dma_wait3A_340, %dma_wait3A_341] : memref<2x4x128x16xf32, #tpu.memory_space<vmem>> -> memref<1x1x128x16xf32, #tpu.memory_space<vmem>>
      %dma_wait3A_343 = tpu.memref_squeeze %dma_wait3A_342 : memref<1x1x128x16xf32, #tpu.memory_space<vmem>> -> memref<128x16xf32, #tpu.memory_space<vmem>>
      %dma_wait3A_344 = arith.constant 0 : i32
      %dma_wait3A_345 = tpu.memref_slice %arg6[%dma_wait3A_337, %dma_wait3A_344] : memref<96x128xi32, #tpu.memory_space<vmem>> -> memref<1x128xi32, #tpu.memory_space<vmem>>
      %dma_wait3A_346 = tpu.memref_squeeze %dma_wait3A_345 : memref<1x128xi32, #tpu.memory_space<vmem>> -> memref<128xi32, #tpu.memory_space<vmem>>
      %dma_wait3A_347 = arith.constant 0 : i32
      %dma_wait3A_348 = arith.constant 0 : i32
      %dma_wait3A_349 = tpu.memref_slice %arg11[%dma_wait3A_347, %dma_wait3A_348] : memref<10112x16xf32, #tpu.memory_space<vmem_shared>> -> memref<10112x16xf32, #tpu.memory_space<vmem_shared>>
      tpu.wait_indirect_dma semaphore(%arg13 : memref<!tpu.dma_semaphore, #tpu.memory_space<semaphore_mem>>) src(%dma_wait3A_349 : memref<10112x16xf32, #tpu.memory_space<vmem_shared>>) dst(%dma_wait3A_343 : memref<128x16xf32, #tpu.memory_space<vmem>>)
      %dma_wait3A_350 = arith.constant 2 : i32
      %dma_wait3A_351 = arith.constant 1 : i32
      %dma_wait3A_352 = arith.constant 2 : i32
      %dma_wait3A_353 = arith.constant 0 : i32
      %dma_wait3A_354 = arith.constant 0 : i32
      %dma_wait3A_355 = tpu.memref_slice %arg8[%dma_wait3A_351, %dma_wait3A_352, %dma_wait3A_353, %dma_wait3A_354] : memref<2x4x128x16xf32, #tpu.memory_space<vmem>> -> memref<1x1x128x16xf32, #tpu.memory_space<vmem>>
      %dma_wait3A_356 = tpu.memref_squeeze %dma_wait3A_355 : memref<1x1x128x16xf32, #tpu.memory_space<vmem>> -> memref<128x16xf32, #tpu.memory_space<vmem>>
      %dma_wait3A_357 = arith.constant 0 : i32
      %dma_wait3A_358 = tpu.memref_slice %arg6[%dma_wait3A_350, %dma_wait3A_357] : memref<96x128xi32, #tpu.memory_space<vmem>> -> memref<1x128xi32, #tpu.memory_space<vmem>>
      %dma_wait3A_359 = tpu.memref_squeeze %dma_wait3A_358 : memref<1x128xi32, #tpu.memory_space<vmem>> -> memref<128xi32, #tpu.memory_space<vmem>>
      %dma_wait3A_360 = arith.constant 0 : i32
      %dma_wait3A_361 = arith.constant 0 : i32
      %dma_wait3A_362 = tpu.memref_slice %arg11[%dma_wait3A_360, %dma_wait3A_361] : memref<10112x16xf32, #tpu.memory_space<vmem_shared>> -> memref<10112x16xf32, #tpu.memory_space<vmem_shared>>
      tpu.wait_indirect_dma semaphore(%arg13 : memref<!tpu.dma_semaphore, #tpu.memory_space<semaphore_mem>>) src(%dma_wait3A_362 : memref<10112x16xf32, #tpu.memory_space<vmem_shared>>) dst(%dma_wait3A_356 : memref<128x16xf32, #tpu.memory_space<vmem>>)
      %dma_wait3A_363 = arith.constant 3 : i32
      %dma_wait3A_364 = arith.constant 1 : i32
      %dma_wait3A_365 = arith.constant 3 : i32
      %dma_wait3A_366 = arith.constant 0 : i32
      %dma_wait3A_367 = arith.constant 0 : i32
      %dma_wait3A_368 = tpu.memref_slice %arg8[%dma_wait3A_364, %dma_wait3A_365, %dma_wait3A_366, %dma_wait3A_367] : memref<2x4x128x16xf32, #tpu.memory_space<vmem>> -> memref<1x1x128x16xf32, #tpu.memory_space<vmem>>
      %dma_wait3A_369 = tpu.memref_squeeze %dma_wait3A_368 : memref<1x1x128x16xf32, #tpu.memory_space<vmem>> -> memref<128x16xf32, #tpu.memory_space<vmem>>
      %dma_wait3A_370 = arith.constant 0 : i32
      %dma_wait3A_371 = tpu.memref_slice %arg6[%dma_wait3A_363, %dma_wait3A_370] : memref<96x128xi32, #tpu.memory_space<vmem>> -> memref<1x128xi32, #tpu.memory_space<vmem>>
      %dma_wait3A_372 = tpu.memref_squeeze %dma_wait3A_371 : memref<1x128xi32, #tpu.memory_space<vmem>> -> memref<128xi32, #tpu.memory_space<vmem>>
      %dma_wait3A_373 = arith.constant 0 : i32
      %dma_wait3A_374 = arith.constant 0 : i32
      %dma_wait3A_375 = tpu.memref_slice %arg11[%dma_wait3A_373, %dma_wait3A_374] : memref<10112x16xf32, #tpu.memory_space<vmem_shared>> -> memref<10112x16xf32, #tpu.memory_space<vmem_shared>>
      tpu.wait_indirect_dma semaphore(%arg13 : memref<!tpu.dma_semaphore, #tpu.memory_space<semaphore_mem>>) src(%dma_wait3A_375 : memref<10112x16xf32, #tpu.memory_space<vmem_shared>>) dst(%dma_wait3A_369 : memref<128x16xf32, #tpu.memory_space<vmem>>)
      %dma_wait3A_376 = arith.constant 0 : i32
      %dma_wait3A_377 = arith.constant 0 : i32
      %dma_wait3A_378 = arith.constant 0 : i32
      %dma_wait3A_379 = arith.constant 0 : i32
      %dma_wait3A_380 = arith.constant 0 : i32
      %dma_wait3A_381 = tpu.memref_slice %arg8[%dma_wait3A_376, %dma_wait3A_377, %dma_wait3A_379, %dma_wait3A_380] : memref<2x4x128x16xf32, #tpu.memory_space<vmem>> -> memref<1x1x128x16xf32, #tpu.memory_space<vmem>>
      %dma_wait3A_382 = tpu.memref_squeeze %dma_wait3A_381 : memref<1x1x128x16xf32, #tpu.memory_space<vmem>> -> memref<128x16xf32, #tpu.memory_space<vmem>>
      %dma_wait3A_383 = arith.constant 0 : i32
      %dma_wait3A_384 = tpu.memref_slice %arg7[%dma_wait3A_378, %dma_wait3A_383] : memref<96x128xi32, #tpu.memory_space<vmem>> -> memref<1x128xi32, #tpu.memory_space<vmem>>
      %dma_wait3A_385 = tpu.memref_squeeze %dma_wait3A_384 : memref<1x128xi32, #tpu.memory_space<vmem>> -> memref<128xi32, #tpu.memory_space<vmem>>
      %dma_wait3A_386 = arith.constant 0 : i32
      %dma_wait3A_387 = arith.constant 0 : i32
      %dma_wait3A_388 = tpu.memref_slice %arg10[%dma_wait3A_386, %dma_wait3A_387] : memref<10112x16xf32, #tpu.memory_space<vmem_shared>> -> memref<10112x16xf32, #tpu.memory_space<vmem_shared>>
      tpu.wait_indirect_dma semaphore(%arg14 : memref<!tpu.dma_semaphore, #tpu.memory_space<semaphore_mem>>) src(%dma_wait3A_382 : memref<128x16xf32, #tpu.memory_space<vmem>>) dst(%dma_wait3A_388 : memref<10112x16xf32, #tpu.memory_space<vmem_shared>>)
      %dma_wait3A_389 = arith.constant 0 : i32
      %dma_wait3A_390 = arith.constant 1 : i32
      %dma_wait3A_391 = arith.constant 1 : i32
      %dma_wait3A_392 = arith.constant 0 : i32
      %dma_wait3A_393 = arith.constant 0 : i32
      %dma_wait3A_394 = tpu.memref_slice %arg8[%dma_wait3A_389, %dma_wait3A_390, %dma_wait3A_392, %dma_wait3A_393] : memref<2x4x128x16xf32, #tpu.memory_space<vmem>> -> memref<1x1x128x16xf32, #tpu.memory_space<vmem>>
      %dma_wait3A_395 = tpu.memref_squeeze %dma_wait3A_394 : memref<1x1x128x16xf32, #tpu.memory_space<vmem>> -> memref<128x16xf32, #tpu.memory_space<vmem>>
      %dma_wait3A_396 = arith.constant 0 : i32
      %dma_wait3A_397 = tpu.memref_slice %arg7[%dma_wait3A_391, %dma_wait3A_396] : memref<96x128xi32, #tpu.memory_space<vmem>> -> memref<1x128xi32, #tpu.memory_space<vmem>>
      %dma_wait3A_398 = tpu.memref_squeeze %dma_wait3A_397 : memref<1x128xi32, #tpu.memory_space<vmem>> -> memref<128xi32, #tpu.memory_space<vmem>>
      %dma_wait3A_399 = arith.constant 0 : i32
      %dma_wait3A_400 = arith.constant 0 : i32
      %dma_wait3A_401 = tpu.memref_slice %arg10[%dma_wait3A_399, %dma_wait3A_400] : memref<10112x16xf32, #tpu.memory_space<vmem_shared>> -> memref<10112x16xf32, #tpu.memory_space<vmem_shared>>
      tpu.wait_indirect_dma semaphore(%arg14 : memref<!tpu.dma_semaphore, #tpu.memory_space<semaphore_mem>>) src(%dma_wait3A_395 : memref<128x16xf32, #tpu.memory_space<vmem>>) dst(%dma_wait3A_401 : memref<10112x16xf32, #tpu.memory_space<vmem_shared>>)
      %dma_wait3A_402 = arith.constant 0 : i32
      %dma_wait3A_403 = arith.constant 2 : i32
      %dma_wait3A_404 = arith.constant 2 : i32
      %dma_wait3A_405 = arith.constant 0 : i32
      %dma_wait3A_406 = arith.constant 0 : i32
      %dma_wait3A_407 = tpu.memref_slice %arg8[%dma_wait3A_402, %dma_wait3A_403, %dma_wait3A_405, %dma_wait3A_406] : memref<2x4x128x16xf32, #tpu.memory_space<vmem>> -> memref<1x1x128x16xf32, #tpu.memory_space<vmem>>
      %dma_wait3A_408 = tpu.memref_squeeze %dma_wait3A_407 : memref<1x1x128x16xf32, #tpu.memory_space<vmem>> -> memref<128x16xf32, #tpu.memory_space<vmem>>
      %dma_wait3A_409 = arith.constant 0 : i32
      %dma_wait3A_410 = tpu.memref_slice %arg7[%dma_wait3A_404, %dma_wait3A_409] : memref<96x128xi32, #tpu.memory_space<vmem>> -> memref<1x128xi32, #tpu.memory_space<vmem>>
      %dma_wait3A_411 = tpu.memref_squeeze %dma_wait3A_410 : memref<1x128xi32, #tpu.memory_space<vmem>> -> memref<128xi32, #tpu.memory_space<vmem>>
      %dma_wait3A_412 = arith.constant 0 : i32
      %dma_wait3A_413 = arith.constant 0 : i32
      %dma_wait3A_414 = tpu.memref_slice %arg10[%dma_wait3A_412, %dma_wait3A_413] : memref<10112x16xf32, #tpu.memory_space<vmem_shared>> -> memref<10112x16xf32, #tpu.memory_space<vmem_shared>>
      tpu.wait_indirect_dma semaphore(%arg14 : memref<!tpu.dma_semaphore, #tpu.memory_space<semaphore_mem>>) src(%dma_wait3A_408 : memref<128x16xf32, #tpu.memory_space<vmem>>) dst(%dma_wait3A_414 : memref<10112x16xf32, #tpu.memory_space<vmem_shared>>)
      %dma_wait3A_415 = arith.constant 0 : i32
      %dma_wait3A_416 = arith.constant 3 : i32
      %dma_wait3A_417 = arith.constant 3 : i32
      %dma_wait3A_418 = arith.constant 0 : i32
      %dma_wait3A_419 = arith.constant 0 : i32
      %dma_wait3A_420 = tpu.memref_slice %arg8[%dma_wait3A_415, %dma_wait3A_416, %dma_wait3A_418, %dma_wait3A_419] : memref<2x4x128x16xf32, #tpu.memory_space<vmem>> -> memref<1x1x128x16xf32, #tpu.memory_space<vmem>>
      %dma_wait3A_421 = tpu.memref_squeeze %dma_wait3A_420 : memref<1x1x128x16xf32, #tpu.memory_space<vmem>> -> memref<128x16xf32, #tpu.memory_space<vmem>>
      %dma_wait3A_422 = arith.constant 0 : i32
      %dma_wait3A_423 = tpu.memref_slice %arg7[%dma_wait3A_417, %dma_wait3A_422] : memref<96x128xi32, #tpu.memory_space<vmem>> -> memref<1x128xi32, #tpu.memory_space<vmem>>
      %dma_wait3A_424 = tpu.memref_squeeze %dma_wait3A_423 : memref<1x128xi32, #tpu.memory_space<vmem>> -> memref<128xi32, #tpu.memory_space<vmem>>
      %dma_wait3A_425 = arith.constant 0 : i32
      %dma_wait3A_426 = arith.constant 0 : i32
      %dma_wait3A_427 = tpu.memref_slice %arg10[%dma_wait3A_425, %dma_wait3A_426] : memref<10112x16xf32, #tpu.memory_space<vmem_shared>> -> memref<10112x16xf32, #tpu.memory_space<vmem_shared>>
      tpu.wait_indirect_dma semaphore(%arg14 : memref<!tpu.dma_semaphore, #tpu.memory_space<semaphore_mem>>) src(%dma_wait3A_421 : memref<128x16xf32, #tpu.memory_space<vmem>>) dst(%dma_wait3A_427 : memref<10112x16xf32, #tpu.memory_space<vmem_shared>>)
      %add3A_428 = arith.constant 2 : i32
      %add3A_429 = arith.addi %mul3A_138, %add3A_428 : i32
      %mul3A_430 = arith.constant 2 : i32
      %mul3A_431 = arith.muli %mul3A_430, %select_n3A : i32
      %lt3A = arith.cmpi slt, %add3A_429, %mul3A_431 : i32
      %convert_element_type3A_432 = arith.extui %lt3A : i1 to i32
      %cond3A_433 = arith.constant 0 : i32
      %cond3A_434 = arith.cmpi ne, %convert_element_type3A_432, %cond3A_433 : i32
      scf.if %cond3A_434 {
        %add3A_501 = arith.constant 2 : i32
        %add3A_502 = arith.addi %mul3A_138, %add3A_501 : i32
        %mul3A_503 = arith.constant 4 : i32
        %mul3A_504 = arith.muli %add3A_502, %mul3A_503 : i32
        %add3A_505 = arith.constant 0 : i32
        %add3A_506 = arith.addi %mul3A_504, %add3A_505 : i32
        %dma_start3A_507 = arith.constant 0 : i32
        %dma_start3A_508 = arith.constant 0 : i32
        %dma_start3A_509 = arith.constant 0 : i32
        %dma_start3A_510 = arith.constant 0 : i32
        %dma_start3A_511 = tpu.memref_slice %arg8[%dma_start3A_507, %dma_start3A_508, %dma_start3A_509, %dma_start3A_510] : memref<2x4x128x16xf32, #tpu.memory_space<vmem>> -> memref<1x1x128x16xf32, #tpu.memory_space<vmem>>
        %dma_start3A_512 = tpu.memref_squeeze %dma_start3A_511 : memref<1x1x128x16xf32, #tpu.memory_space<vmem>> -> memref<128x16xf32, #tpu.memory_space<vmem>>
        %dma_start3A_513 = arith.constant 0 : i32
        %dma_start3A_514 = tpu.memref_slice %arg6[%add3A_506, %dma_start3A_513] : memref<96x128xi32, #tpu.memory_space<vmem>> -> memref<1x128xi32, #tpu.memory_space<vmem>>
        %dma_start3A_515 = tpu.memref_squeeze %dma_start3A_514 : memref<1x128xi32, #tpu.memory_space<vmem>> -> memref<128xi32, #tpu.memory_space<vmem>>
        %dma_start3A_516 = arith.constant 0 : i32
        %dma_start3A_517 = arith.constant 0 : i32
        %dma_start3A_518 = tpu.memref_slice %arg11[%dma_start3A_516, %dma_start3A_517] : memref<10112x16xf32, #tpu.memory_space<vmem_shared>> -> memref<10112x16xf32, #tpu.memory_space<vmem_shared>>
        tpu.enqueue_indirect_dma source(%dma_start3A_518 : memref<10112x16xf32, #tpu.memory_space<vmem_shared>>) target(%dma_start3A_512 : memref<128x16xf32, #tpu.memory_space<vmem>>) offsets(%dma_start3A_515 : memref<128xi32, #tpu.memory_space<vmem>>) semaphore(%arg12 : memref<!tpu.dma_semaphore, #tpu.memory_space<semaphore_mem>>)
        %mul3A_519 = arith.constant 4 : i32
        %mul3A_520 = arith.muli %add3A_502, %mul3A_519 : i32
        %add3A_521 = arith.constant 1 : i32
        %add3A_522 = arith.addi %mul3A_520, %add3A_521 : i32
        %dma_start3A_523 = arith.constant 0 : i32
        %dma_start3A_524 = arith.constant 1 : i32
        %dma_start3A_525 = arith.constant 0 : i32
        %dma_start3A_526 = arith.constant 0 : i32
        %dma_start3A_527 = tpu.memref_slice %arg8[%dma_start3A_523, %dma_start3A_524, %dma_start3A_525, %dma_start3A_526] : memref<2x4x128x16xf32, #tpu.memory_space<vmem>> -> memref<1x1x128x16xf32, #tpu.memory_space<vmem>>
        %dma_start3A_528 = tpu.memref_squeeze %dma_start3A_527 : memref<1x1x128x16xf32, #tpu.memory_space<vmem>> -> memref<128x16xf32, #tpu.memory_space<vmem>>
        %dma_start3A_529 = arith.constant 0 : i32
        %dma_start3A_530 = tpu.memref_slice %arg6[%add3A_522, %dma_start3A_529] : memref<96x128xi32, #tpu.memory_space<vmem>> -> memref<1x128xi32, #tpu.memory_space<vmem>>
        %dma_start3A_531 = tpu.memref_squeeze %dma_start3A_530 : memref<1x128xi32, #tpu.memory_space<vmem>> -> memref<128xi32, #tpu.memory_space<vmem>>
        %dma_start3A_532 = arith.constant 0 : i32
        %dma_start3A_533 = arith.constant 0 : i32
        %dma_start3A_534 = tpu.memref_slice %arg11[%dma_start3A_532, %dma_start3A_533] : memref<10112x16xf32, #tpu.memory_space<vmem_shared>> -> memref<10112x16xf32, #tpu.memory_space<vmem_shared>>
        tpu.enqueue_indirect_dma source(%dma_start3A_534 : memref<10112x16xf32, #tpu.memory_space<vmem_shared>>) target(%dma_start3A_528 : memref<128x16xf32, #tpu.memory_space<vmem>>) offsets(%dma_start3A_531 : memref<128xi32, #tpu.memory_space<vmem>>) semaphore(%arg12 : memref<!tpu.dma_semaphore, #tpu.memory_space<semaphore_mem>>)
        %mul3A_535 = arith.constant 4 : i32
        %mul3A_536 = arith.muli %add3A_502, %mul3A_535 : i32
        %add3A_537 = arith.constant 2 : i32
        %add3A_538 = arith.addi %mul3A_536, %add3A_537 : i32
        %dma_start3A_539 = arith.constant 0 : i32
        %dma_start3A_540 = arith.constant 2 : i32
        %dma_start3A_541 = arith.constant 0 : i32
        %dma_start3A_542 = arith.constant 0 : i32
        %dma_start3A_543 = tpu.memref_slice %arg8[%dma_start3A_539, %dma_start3A_540, %dma_start3A_541, %dma_start3A_542] : memref<2x4x128x16xf32, #tpu.memory_space<vmem>> -> memref<1x1x128x16xf32, #tpu.memory_space<vmem>>
        %dma_start3A_544 = tpu.memref_squeeze %dma_start3A_543 : memref<1x1x128x16xf32, #tpu.memory_space<vmem>> -> memref<128x16xf32, #tpu.memory_space<vmem>>
        %dma_start3A_545 = arith.constant 0 : i32
        %dma_start3A_546 = tpu.memref_slice %arg6[%add3A_538, %dma_start3A_545] : memref<96x128xi32, #tpu.memory_space<vmem>> -> memref<1x128xi32, #tpu.memory_space<vmem>>
        %dma_start3A_547 = tpu.memref_squeeze %dma_start3A_546 : memref<1x128xi32, #tpu.memory_space<vmem>> -> memref<128xi32, #tpu.memory_space<vmem>>
        %dma_start3A_548 = arith.constant 0 : i32
        %dma_start3A_549 = arith.constant 0 : i32
        %dma_start3A_550 = tpu.memref_slice %arg11[%dma_start3A_548, %dma_start3A_549] : memref<10112x16xf32, #tpu.memory_space<vmem_shared>> -> memref<10112x16xf32, #tpu.memory_space<vmem_shared>>
        tpu.enqueue_indirect_dma source(%dma_start3A_550 : memref<10112x16xf32, #tpu.memory_space<vmem_shared>>) target(%dma_start3A_544 : memref<128x16xf32, #tpu.memory_space<vmem>>) offsets(%dma_start3A_547 : memref<128xi32, #tpu.memory_space<vmem>>) semaphore(%arg12 : memref<!tpu.dma_semaphore, #tpu.memory_space<semaphore_mem>>)
        %mul3A_551 = arith.constant 4 : i32
        %mul3A_552 = arith.muli %add3A_502, %mul3A_551 : i32
        %add3A_553 = arith.constant 3 : i32
        %add3A_554 = arith.addi %mul3A_552, %add3A_553 : i32
        %dma_start3A_555 = arith.constant 0 : i32
        %dma_start3A_556 = arith.constant 3 : i32
        %dma_start3A_557 = arith.constant 0 : i32
        %dma_start3A_558 = arith.constant 0 : i32
        %dma_start3A_559 = tpu.memref_slice %arg8[%dma_start3A_555, %dma_start3A_556, %dma_start3A_557, %dma_start3A_558] : memref<2x4x128x16xf32, #tpu.memory_space<vmem>> -> memref<1x1x128x16xf32, #tpu.memory_space<vmem>>
        %dma_start3A_560 = tpu.memref_squeeze %dma_start3A_559 : memref<1x1x128x16xf32, #tpu.memory_space<vmem>> -> memref<128x16xf32, #tpu.memory_space<vmem>>
        %dma_start3A_561 = arith.constant 0 : i32
        %dma_start3A_562 = tpu.memref_slice %arg6[%add3A_554, %dma_start3A_561] : memref<96x128xi32, #tpu.memory_space<vmem>> -> memref<1x128xi32, #tpu.memory_space<vmem>>
        %dma_start3A_563 = tpu.memref_squeeze %dma_start3A_562 : memref<1x128xi32, #tpu.memory_space<vmem>> -> memref<128xi32, #tpu.memory_space<vmem>>
        %dma_start3A_564 = arith.constant 0 : i32
        %dma_start3A_565 = arith.constant 0 : i32
        %dma_start3A_566 = tpu.memref_slice %arg11[%dma_start3A_564, %dma_start3A_565] : memref<10112x16xf32, #tpu.memory_space<vmem_shared>> -> memref<10112x16xf32, #tpu.memory_space<vmem_shared>>
        tpu.enqueue_indirect_dma source(%dma_start3A_566 : memref<10112x16xf32, #tpu.memory_space<vmem_shared>>) target(%dma_start3A_560 : memref<128x16xf32, #tpu.memory_space<vmem>>) offsets(%dma_start3A_563 : memref<128xi32, #tpu.memory_space<vmem>>) semaphore(%arg12 : memref<!tpu.dma_semaphore, #tpu.memory_space<semaphore_mem>>)
      } else {
      }
      %add3A_435 = arith.constant 1 : i32
      %add3A_436 = arith.addi %mul3A_138, %add3A_435 : i32
      %mul3A_437 = arith.constant 4 : i32
      %mul3A_438 = arith.muli %add3A_436, %mul3A_437 : i32
      %add3A_439 = arith.constant 0 : i32
      %add3A_440 = arith.addi %mul3A_438, %add3A_439 : i32
      %dma_start3A_441 = arith.constant 1 : i32
      %dma_start3A_442 = arith.constant 0 : i32
      %dma_start3A_443 = arith.constant 0 : i32
      %dma_start3A_444 = arith.constant 0 : i32
      %dma_start3A_445 = tpu.memref_slice %arg8[%dma_start3A_441, %dma_start3A_442, %dma_start3A_443, %dma_start3A_444] : memref<2x4x128x16xf32, #tpu.memory_space<vmem>> -> memref<1x1x128x16xf32, #tpu.memory_space<vmem>>
      %dma_start3A_446 = tpu.memref_squeeze %dma_start3A_445 : memref<1x1x128x16xf32, #tpu.memory_space<vmem>> -> memref<128x16xf32, #tpu.memory_space<vmem>>
      %dma_start3A_447 = arith.constant 0 : i32
      %dma_start3A_448 = tpu.memref_slice %arg7[%add3A_440, %dma_start3A_447] : memref<96x128xi32, #tpu.memory_space<vmem>> -> memref<1x128xi32, #tpu.memory_space<vmem>>
      %dma_start3A_449 = tpu.memref_squeeze %dma_start3A_448 : memref<1x128xi32, #tpu.memory_space<vmem>> -> memref<128xi32, #tpu.memory_space<vmem>>
      %dma_start3A_450 = arith.constant 0 : i32
      %dma_start3A_451 = arith.constant 0 : i32
      %dma_start3A_452 = tpu.memref_slice %arg10[%dma_start3A_450, %dma_start3A_451] : memref<10112x16xf32, #tpu.memory_space<vmem_shared>> -> memref<10112x16xf32, #tpu.memory_space<vmem_shared>>
      tpu.enqueue_indirect_dma source(%dma_start3A_446 : memref<128x16xf32, #tpu.memory_space<vmem>>) target(%dma_start3A_452 : memref<10112x16xf32, #tpu.memory_space<vmem_shared>>) offsets(%dma_start3A_449 : memref<128xi32, #tpu.memory_space<vmem>>) semaphore(%arg15 : memref<!tpu.dma_semaphore, #tpu.memory_space<semaphore_mem>>) {add = true}
      %mul3A_453 = arith.constant 4 : i32
      %mul3A_454 = arith.muli %add3A_436, %mul3A_453 : i32
      %add3A_455 = arith.constant 1 : i32
      %add3A_456 = arith.addi %mul3A_454, %add3A_455 : i32
      %dma_start3A_457 = arith.constant 1 : i32
      %dma_start3A_458 = arith.constant 1 : i32
      %dma_start3A_459 = arith.constant 0 : i32
      %dma_start3A_460 = arith.constant 0 : i32
      %dma_start3A_461 = tpu.memref_slice %arg8[%dma_start3A_457, %dma_start3A_458, %dma_start3A_459, %dma_start3A_460] : memref<2x4x128x16xf32, #tpu.memory_space<vmem>> -> memref<1x1x128x16xf32, #tpu.memory_space<vmem>>
      %dma_start3A_462 = tpu.memref_squeeze %dma_start3A_461 : memref<1x1x128x16xf32, #tpu.memory_space<vmem>> -> memref<128x16xf32, #tpu.memory_space<vmem>>
      %dma_start3A_463 = arith.constant 0 : i32
      %dma_start3A_464 = tpu.memref_slice %arg7[%add3A_456, %dma_start3A_463] : memref<96x128xi32, #tpu.memory_space<vmem>> -> memref<1x128xi32, #tpu.memory_space<vmem>>
      %dma_start3A_465 = tpu.memref_squeeze %dma_start3A_464 : memref<1x128xi32, #tpu.memory_space<vmem>> -> memref<128xi32, #tpu.memory_space<vmem>>
      %dma_start3A_466 = arith.constant 0 : i32
      %dma_start3A_467 = arith.constant 0 : i32
      %dma_start3A_468 = tpu.memref_slice %arg10[%dma_start3A_466, %dma_start3A_467] : memref<10112x16xf32, #tpu.memory_space<vmem_shared>> -> memref<10112x16xf32, #tpu.memory_space<vmem_shared>>
      tpu.enqueue_indirect_dma source(%dma_start3A_462 : memref<128x16xf32, #tpu.memory_space<vmem>>) target(%dma_start3A_468 : memref<10112x16xf32, #tpu.memory_space<vmem_shared>>) offsets(%dma_start3A_465 : memref<128xi32, #tpu.memory_space<vmem>>) semaphore(%arg15 : memref<!tpu.dma_semaphore, #tpu.memory_space<semaphore_mem>>) {add = true}
      %mul3A_469 = arith.constant 4 : i32
      %mul3A_470 = arith.muli %add3A_436, %mul3A_469 : i32
      %add3A_471 = arith.constant 2 : i32
      %add3A_472 = arith.addi %mul3A_470, %add3A_471 : i32
      %dma_start3A_473 = arith.constant 1 : i32
      %dma_start3A_474 = arith.constant 2 : i32
      %dma_start3A_475 = arith.constant 0 : i32
      %dma_start3A_476 = arith.constant 0 : i32
      %dma_start3A_477 = tpu.memref_slice %arg8[%dma_start3A_473, %dma_start3A_474, %dma_start3A_475, %dma_start3A_476] : memref<2x4x128x16xf32, #tpu.memory_space<vmem>> -> memref<1x1x128x16xf32, #tpu.memory_space<vmem>>
      %dma_start3A_478 = tpu.memref_squeeze %dma_start3A_477 : memref<1x1x128x16xf32, #tpu.memory_space<vmem>> -> memref<128x16xf32, #tpu.memory_space<vmem>>
      %dma_start3A_479 = arith.constant 0 : i32
      %dma_start3A_480 = tpu.memref_slice %arg7[%add3A_472, %dma_start3A_479] : memref<96x128xi32, #tpu.memory_space<vmem>> -> memref<1x128xi32, #tpu.memory_space<vmem>>
      %dma_start3A_481 = tpu.memref_squeeze %dma_start3A_480 : memref<1x128xi32, #tpu.memory_space<vmem>> -> memref<128xi32, #tpu.memory_space<vmem>>
      %dma_start3A_482 = arith.constant 0 : i32
      %dma_start3A_483 = arith.constant 0 : i32
      %dma_start3A_484 = tpu.memref_slice %arg10[%dma_start3A_482, %dma_start3A_483] : memref<10112x16xf32, #tpu.memory_space<vmem_shared>> -> memref<10112x16xf32, #tpu.memory_space<vmem_shared>>
      tpu.enqueue_indirect_dma source(%dma_start3A_478 : memref<128x16xf32, #tpu.memory_space<vmem>>) target(%dma_start3A_484 : memref<10112x16xf32, #tpu.memory_space<vmem_shared>>) offsets(%dma_start3A_481 : memref<128xi32, #tpu.memory_space<vmem>>) semaphore(%arg15 : memref<!tpu.dma_semaphore, #tpu.memory_space<semaphore_mem>>) {add = true}
      %mul3A_485 = arith.constant 4 : i32
      %mul3A_486 = arith.muli %add3A_436, %mul3A_485 : i32
      %add3A_487 = arith.constant 3 : i32
      %add3A_488 = arith.addi %mul3A_486, %add3A_487 : i32
      %dma_start3A_489 = arith.constant 1 : i32
      %dma_start3A_490 = arith.constant 3 : i32
      %dma_start3A_491 = arith.constant 0 : i32
      %dma_start3A_492 = arith.constant 0 : i32
      %dma_start3A_493 = tpu.memref_slice %arg8[%dma_start3A_489, %dma_start3A_490, %dma_start3A_491, %dma_start3A_492] : memref<2x4x128x16xf32, #tpu.memory_space<vmem>> -> memref<1x1x128x16xf32, #tpu.memory_space<vmem>>
      %dma_start3A_494 = tpu.memref_squeeze %dma_start3A_493 : memref<1x1x128x16xf32, #tpu.memory_space<vmem>> -> memref<128x16xf32, #tpu.memory_space<vmem>>
      %dma_start3A_495 = arith.constant 0 : i32
      %dma_start3A_496 = tpu.memref_slice %arg7[%add3A_488, %dma_start3A_495] : memref<96x128xi32, #tpu.memory_space<vmem>> -> memref<1x128xi32, #tpu.memory_space<vmem>>
      %dma_start3A_497 = tpu.memref_squeeze %dma_start3A_496 : memref<1x128xi32, #tpu.memory_space<vmem>> -> memref<128xi32, #tpu.memory_space<vmem>>
      %dma_start3A_498 = arith.constant 0 : i32
      %dma_start3A_499 = arith.constant 0 : i32
      %dma_start3A_500 = tpu.memref_slice %arg10[%dma_start3A_498, %dma_start3A_499] : memref<10112x16xf32, #tpu.memory_space<vmem_shared>> -> memref<10112x16xf32, #tpu.memory_space<vmem_shared>>
      tpu.enqueue_indirect_dma source(%dma_start3A_494 : memref<128x16xf32, #tpu.memory_space<vmem>>) target(%dma_start3A_500 : memref<10112x16xf32, #tpu.memory_space<vmem_shared>>) offsets(%dma_start3A_497 : memref<128xi32, #tpu.memory_space<vmem>>) semaphore(%arg15 : memref<!tpu.dma_semaphore, #tpu.memory_space<semaphore_mem>>) {add = true}
    }
    %while3A_79 = arith.constant 1 : i32
    scf.for %while3A_136 = %while3A_77 to %while3A_73 step %while3A_79  : i32 {
      %mul3A_137 = arith.constant 2 : i32
      %mul3A_138 = arith.muli %mul3A_137, %while3A_136 : i32
      %dma_wait3A_139 = arith.constant 0 : i32
      %dma_wait3A_140 = arith.constant 0 : i32
      %dma_wait3A_141 = arith.constant 0 : i32
      %dma_wait3A_142 = arith.constant 0 : i32
      %dma_wait3A_143 = arith.constant 0 : i32
      %dma_wait3A_144 = tpu.memref_slice %arg8[%dma_wait3A_140, %dma_wait3A_141, %dma_wait3A_142, %dma_wait3A_143] : memref<2x4x128x16xf32, #tpu.memory_space<vmem>> -> memref<1x1x128x16xf32, #tpu.memory_space<vmem>>
      %dma_wait3A_145 = tpu.memref_squeeze %dma_wait3A_144 : memref<1x1x128x16xf32, #tpu.memory_space<vmem>> -> memref<128x16xf32, #tpu.memory_space<vmem>>
      %dma_wait3A_146 = arith.constant 0 : i32
      %dma_wait3A_147 = tpu.memref_slice %arg6[%dma_wait3A_139, %dma_wait3A_146] : memref<96x128xi32, #tpu.memory_space<vmem>> -> memref<1x128xi32, #tpu.memory_space<vmem>>
      %dma_wait3A_148 = tpu.memref_squeeze %dma_wait3A_147 : memref<1x128xi32, #tpu.memory_space<vmem>> -> memref<128xi32, #tpu.memory_space<vmem>>
      %dma_wait3A_149 = arith.constant 0 : i32
      %dma_wait3A_150 = arith.constant 0 : i32
      %dma_wait3A_151 = tpu.memref_slice %arg11[%dma_wait3A_149, %dma_wait3A_150] : memref<10112x16xf32, #tpu.memory_space<vmem_shared>> -> memref<10112x16xf32, #tpu.memory_space<vmem_shared>>
      tpu.wait_indirect_dma semaphore(%arg12 : memref<!tpu.dma_semaphore, #tpu.memory_space<semaphore_mem>>) src(%dma_wait3A_151 : memref<10112x16xf32, #tpu.memory_space<vmem_shared>>) dst(%dma_wait3A_145 : memref<128x16xf32, #tpu.memory_space<vmem>>)
      %dma_wait3A_152 = arith.constant 1 : i32
      %dma_wait3A_153 = arith.constant 0 : i32
      %dma_wait3A_154 = arith.constant 1 : i32
      %dma_wait3A_155 = arith.constant 0 : i32
      %dma_wait3A_156 = arith.constant 0 : i32
      %dma_wait3A_157 = tpu.memref_slice %arg8[%dma_wait3A_153, %dma_wait3A_154, %dma_wait3A_155, %dma_wait3A_156] : memref<2x4x128x16xf32, #tpu.memory_space<vmem>> -> memref<1x1x128x16xf32, #tpu.memory_space<vmem>>
      %dma_wait3A_158 = tpu.memref_squeeze %dma_wait3A_157 : memref<1x1x128x16xf32, #tpu.memory_space<vmem>> -> memref<128x16xf32, #tpu.memory_space<vmem>>
      %dma_wait3A_159 = arith.constant 0 : i32
      %dma_wait3A_160 = tpu.memref_slice %arg6[%dma_wait3A_152, %dma_wait3A_159] : memref<96x128xi32, #tpu.memory_space<vmem>> -> memref<1x128xi32, #tpu.memory_space<vmem>>
      %dma_wait3A_161 = tpu.memref_squeeze %dma_wait3A_160 : memref<1x128xi32, #tpu.memory_space<vmem>> -> memref<128xi32, #tpu.memory_space<vmem>>
      %dma_wait3A_162 = arith.constant 0 : i32
      %dma_wait3A_163 = arith.constant 0 : i32
      %dma_wait3A_164 = tpu.memref_slice %arg11[%dma_wait3A_162, %dma_wait3A_163] : memref<10112x16xf32, #tpu.memory_space<vmem_shared>> -> memref<10112x16xf32, #tpu.memory_space<vmem_shared>>
      tpu.wait_indirect_dma semaphore(%arg12 : memref<!tpu.dma_semaphore, #tpu.memory_space<semaphore_mem>>) src(%dma_wait3A_164 : memref<10112x16xf32, #tpu.memory_space<vmem_shared>>) dst(%dma_wait3A_158 : memref<128x16xf32, #tpu.memory_space<vmem>>)
      %dma_wait3A_165 = arith.constant 2 : i32
      %dma_wait3A_166 = arith.constant 0 : i32
      %dma_wait3A_167 = arith.constant 2 : i32
      %dma_wait3A_168 = arith.constant 0 : i32
      %dma_wait3A_169 = arith.constant 0 : i32
      %dma_wait3A_170 = tpu.memref_slice %arg8[%dma_wait3A_166, %dma_wait3A_167, %dma_wait3A_168, %dma_wait3A_169] : memref<2x4x128x16xf32, #tpu.memory_space<vmem>> -> memref<1x1x128x16xf32, #tpu.memory_space<vmem>>
      %dma_wait3A_171 = tpu.memref_squeeze %dma_wait3A_170 : memref<1x1x128x16xf32, #tpu.memory_space<vmem>> -> memref<128x16xf32, #tpu.memory_space<vmem>>
      %dma_wait3A_172 = arith.constant 0 : i32
      %dma_wait3A_173 = tpu.memref_slice %arg6[%dma_wait3A_165, %dma_wait3A_172] : memref<96x128xi32, #tpu.memory_space<vmem>> -> memref<1x128xi32, #tpu.memory_space<vmem>>
      %dma_wait3A_174 = tpu.memref_squeeze %dma_wait3A_173 : memref<1x128xi32, #tpu.memory_space<vmem>> -> memref<128xi32, #tpu.memory_space<vmem>>
      %dma_wait3A_175 = arith.constant 0 : i32
      %dma_wait3A_176 = arith.constant 0 : i32
      %dma_wait3A_177 = tpu.memref_slice %arg11[%dma_wait3A_175, %dma_wait3A_176] : memref<10112x16xf32, #tpu.memory_space<vmem_shared>> -> memref<10112x16xf32, #tpu.memory_space<vmem_shared>>
      tpu.wait_indirect_dma semaphore(%arg12 : memref<!tpu.dma_semaphore, #tpu.memory_space<semaphore_mem>>) src(%dma_wait3A_177 : memref<10112x16xf32, #tpu.memory_space<vmem_shared>>) dst(%dma_wait3A_171 : memref<128x16xf32, #tpu.memory_space<vmem>>)
      %dma_wait3A_178 = arith.constant 3 : i32
      %dma_wait3A_179 = arith.constant 0 : i32
      %dma_wait3A_180 = arith.constant 3 : i32
      %dma_wait3A_181 = arith.constant 0 : i32
      %dma_wait3A_182 = arith.constant 0 : i32
      %dma_wait3A_183 = tpu.memref_slice %arg8[%dma_wait3A_179, %dma_wait3A_180, %dma_wait3A_181, %dma_wait3A_182] : memref<2x4x128x16xf32, #tpu.memory_space<vmem>> -> memref<1x1x128x16xf32, #tpu.memory_space<vmem>>
      %dma_wait3A_184 = tpu.memref_squeeze %dma_wait3A_183 : memref<1x1x128x16xf32, #tpu.memory_space<vmem>> -> memref<128x16xf32, #tpu.memory_space<vmem>>
      %dma_wait3A_185 = arith.constant 0 : i32
      %dma_wait3A_186 = tpu.memref_slice %arg6[%dma_wait3A_178, %dma_wait3A_185] : memref<96x128xi32, #tpu.memory_space<vmem>> -> memref<1x128xi32, #tpu.memory_space<vmem>>
      %dma_wait3A_187 = tpu.memref_squeeze %dma_wait3A_186 : memref<1x128xi32, #tpu.memory_space<vmem>> -> memref<128xi32, #tpu.memory_space<vmem>>
      %dma_wait3A_188 = arith.constant 0 : i32
      %dma_wait3A_189 = arith.constant 0 : i32
      %dma_wait3A_190 = tpu.memref_slice %arg11[%dma_wait3A_188, %dma_wait3A_189] : memref<10112x16xf32, #tpu.memory_space<vmem_shared>> -> memref<10112x16xf32, #tpu.memory_space<vmem_shared>>
      tpu.wait_indirect_dma semaphore(%arg12 : memref<!tpu.dma_semaphore, #tpu.memory_space<semaphore_mem>>) src(%dma_wait3A_190 : memref<10112x16xf32, #tpu.memory_space<vmem_shared>>) dst(%dma_wait3A_184 : memref<128x16xf32, #tpu.memory_space<vmem>>)
      %ge3A = arith.constant 1 : i32
      %ge3A_191 = arith.cmpi sge, %while3A_136, %ge3A : i32
      %convert_element_type3A_192 = arith.extui %ge3A_191 : i1 to i32
      %cond3A_193 = arith.constant 0 : i32
      %cond3A_194 = arith.cmpi ne, %convert_element_type3A_192, %cond3A_193 : i32
      scf.if %cond3A_194 {
        %dma_wait3A_501 = arith.constant 1 : i32
        %dma_wait3A_502 = arith.constant 0 : i32
        %dma_wait3A_503 = arith.constant 0 : i32
        %dma_wait3A_504 = arith.constant 0 : i32
        %dma_wait3A_505 = arith.constant 0 : i32
        %dma_wait3A_506 = tpu.memref_slice %arg8[%dma_wait3A_501, %dma_wait3A_502, %dma_wait3A_504, %dma_wait3A_505] : memref<2x4x128x16xf32, #tpu.memory_space<vmem>> -> memref<1x1x128x16xf32, #tpu.memory_space<vmem>>
        %dma_wait3A_507 = tpu.memref_squeeze %dma_wait3A_506 : memref<1x1x128x16xf32, #tpu.memory_space<vmem>> -> memref<128x16xf32, #tpu.memory_space<vmem>>
        %dma_wait3A_508 = arith.constant 0 : i32
        %dma_wait3A_509 = tpu.memref_slice %arg7[%dma_wait3A_503, %dma_wait3A_508] : memref<96x128xi32, #tpu.memory_space<vmem>> -> memref<1x128xi32, #tpu.memory_space<vmem>>
        %dma_wait3A_510 = tpu.memref_squeeze %dma_wait3A_509 : memref<1x128xi32, #tpu.memory_space<vmem>> -> memref<128xi32, #tpu.memory_space<vmem>>
        %dma_wait3A_511 = arith.constant 0 : i32
        %dma_wait3A_512 = arith.constant 0 : i32
        %dma_wait3A_513 = tpu.memref_slice %arg10[%dma_wait3A_511, %dma_wait3A_512] : memref<10112x16xf32, #tpu.memory_space<vmem_shared>> -> memref<10112x16xf32, #tpu.memory_space<vmem_shared>>
        tpu.wait_indirect_dma semaphore(%arg15 : memref<!tpu.dma_semaphore, #tpu.memory_space<semaphore_mem>>) src(%dma_wait3A_507 : memref<128x16xf32, #tpu.memory_space<vmem>>) dst(%dma_wait3A_513 : memref<10112x16xf32, #tpu.memory_space<vmem_shared>>)
        %dma_wait3A_514 = arith.constant 1 : i32
        %dma_wait3A_515 = arith.constant 1 : i32
        %dma_wait3A_516 = arith.constant 1 : i32
        %dma_wait3A_517 = arith.constant 0 : i32
        %dma_wait3A_518 = arith.constant 0 : i32
        %dma_wait3A_519 = tpu.memref_slice %arg8[%dma_wait3A_514, %dma_wait3A_515, %dma_wait3A_517, %dma_wait3A_518] : memref<2x4x128x16xf32, #tpu.memory_space<vmem>> -> memref<1x1x128x16xf32, #tpu.memory_space<vmem>>
        %dma_wait3A_520 = tpu.memref_squeeze %dma_wait3A_519 : memref<1x1x128x16xf32, #tpu.memory_space<vmem>> -> memref<128x16xf32, #tpu.memory_space<vmem>>
        %dma_wait3A_521 = arith.constant 0 : i32
        %dma_wait3A_522 = tpu.memref_slice %arg7[%dma_wait3A_516, %dma_wait3A_521] : memref<96x128xi32, #tpu.memory_space<vmem>> -> memref<1x128xi32, #tpu.memory_space<vmem>>
        %dma_wait3A_523 = tpu.memref_squeeze %dma_wait3A_522 : memref<1x128xi32, #tpu.memory_space<vmem>> -> memref<128xi32, #tpu.memory_space<vmem>>
        %dma_wait3A_524 = arith.constant 0 : i32
        %dma_wait3A_525 = arith.constant 0 : i32
        %dma_wait3A_526 = tpu.memref_slice %arg10[%dma_wait3A_524, %dma_wait3A_525] : memref<10112x16xf32, #tpu.memory_space<vmem_shared>> -> memref<10112x16xf32, #tpu.memory_space<vmem_shared>>
        tpu.wait_indirect_dma semaphore(%arg15 : memref<!tpu.dma_semaphore, #tpu.memory_space<semaphore_mem>>) src(%dma_wait3A_520 : memref<128x16xf32, #tpu.memory_space<vmem>>) dst(%dma_wait3A_526 : memref<10112x16xf32, #tpu.memory_space<vmem_shared>>)
        %dma_wait3A_527 = arith.constant 1 : i32
        %dma_wait3A_528 = arith.constant 2 : i32
        %dma_wait3A_529 = arith.constant 2 : i32
        %dma_wait3A_530 = arith.constant 0 : i32
        %dma_wait3A_531 = arith.constant 0 : i32
        %dma_wait3A_532 = tpu.memref_slice %arg8[%dma_wait3A_527, %dma_wait3A_528, %dma_wait3A_530, %dma_wait3A_531] : memref<2x4x128x16xf32, #tpu.memory_space<vmem>> -> memref<1x1x128x16xf32, #tpu.memory_space<vmem>>
        %dma_wait3A_533 = tpu.memref_squeeze %dma_wait3A_532 : memref<1x1x128x16xf32, #tpu.memory_space<vmem>> -> memref<128x16xf32, #tpu.memory_space<vmem>>
        %dma_wait3A_534 = arith.constant 0 : i32
        %dma_wait3A_535 = tpu.memref_slice %arg7[%dma_wait3A_529, %dma_wait3A_534] : memref<96x128xi32, #tpu.memory_space<vmem>> -> memref<1x128xi32, #tpu.memory_space<vmem>>
        %dma_wait3A_536 = tpu.memref_squeeze %dma_wait3A_535 : memref<1x128xi32, #tpu.memory_space<vmem>> -> memref<128xi32, #tpu.memory_space<vmem>>
        %dma_wait3A_537 = arith.constant 0 : i32
        %dma_wait3A_538 = arith.constant 0 : i32
        %dma_wait3A_539 = tpu.memref_slice %arg10[%dma_wait3A_537, %dma_wait3A_538] : memref<10112x16xf32, #tpu.memory_space<vmem_shared>> -> memref<10112x16xf32, #tpu.memory_space<vmem_shared>>
        tpu.wait_indirect_dma semaphore(%arg15 : memref<!tpu.dma_semaphore, #tpu.memory_space<semaphore_mem>>) src(%dma_wait3A_533 : memref<128x16xf32, #tpu.memory_space<vmem>>) dst(%dma_wait3A_539 : memref<10112x16xf32, #tpu.memory_space<vmem_shared>>)
        %dma_wait3A_540 = arith.constant 1 : i32
        %dma_wait3A_541 = arith.constant 3 : i32
        %dma_wait3A_542 = arith.constant 3 : i32
        %dma_wait3A_543 = arith.constant 0 : i32
        %dma_wait3A_544 = arith.constant 0 : i32
        %dma_wait3A_545 = tpu.memref_slice %arg8[%dma_wait3A_540, %dma_wait3A_541, %dma_wait3A_543, %dma_wait3A_544] : memref<2x4x128x16xf32, #tpu.memory_space<vmem>> -> memref<1x1x128x16xf32, #tpu.memory_space<vmem>>
        %dma_wait3A_546 = tpu.memref_squeeze %dma_wait3A_545 : memref<1x1x128x16xf32, #tpu.memory_space<vmem>> -> memref<128x16xf32, #tpu.memory_space<vmem>>
        %dma_wait3A_547 = arith.constant 0 : i32
        %dma_wait3A_548 = tpu.memref_slice %arg7[%dma_wait3A_542, %dma_wait3A_547] : memref<96x128xi32, #tpu.memory_space<vmem>> -> memref<1x128xi32, #tpu.memory_space<vmem>>
        %dma_wait3A_549 = tpu.memref_squeeze %dma_wait3A_548 : memref<1x128xi32, #tpu.memory_space<vmem>> -> memref<128xi32, #tpu.memory_space<vmem>>
        %dma_wait3A_550 = arith.constant 0 : i32
        %dma_wait3A_551 = arith.constant 0 : i32
        %dma_wait3A_552 = tpu.memref_slice %arg10[%dma_wait3A_550, %dma_wait3A_551] : memref<10112x16xf32, #tpu.memory_space<vmem_shared>> -> memref<10112x16xf32, #tpu.memory_space<vmem_shared>>
        tpu.wait_indirect_dma semaphore(%arg15 : memref<!tpu.dma_semaphore, #tpu.memory_space<semaphore_mem>>) src(%dma_wait3A_546 : memref<128x16xf32, #tpu.memory_space<vmem>>) dst(%dma_wait3A_552 : memref<10112x16xf32, #tpu.memory_space<vmem_shared>>)
      } else {
      }
      %add3A = arith.constant 1 : i32
      %add3A_195 = arith.addi %mul3A_138, %add3A : i32
      %mul3A_196 = arith.constant 4 : i32
      %mul3A_197 = arith.muli %add3A_195, %mul3A_196 : i32
      %add3A_198 = arith.constant 0 : i32
      %add3A_199 = arith.addi %mul3A_197, %add3A_198 : i32
      %dma_start3A_200 = arith.constant 1 : i32
      %dma_start3A_201 = arith.constant 0 : i32
      %dma_start3A_202 = arith.constant 0 : i32
      %dma_start3A_203 = arith.constant 0 : i32
      %dma_start3A_204 = tpu.memref_slice %arg8[%dma_start3A_200, %dma_start3A_201, %dma_start3A_202, %dma_start3A_203] : memref<2x4x128x16xf32, #tpu.memory_space<vmem>> -> memref<1x1x128x16xf32, #tpu.memory_space<vmem>>
      %dma_start3A_205 = tpu.memref_squeeze %dma_start3A_204 : memref<1x1x128x16xf32, #tpu.memory_space<vmem>> -> memref<128x16xf32, #tpu.memory_space<vmem>>
      %dma_start3A_206 = arith.constant 0 : i32
      %dma_start3A_207 = tpu.memref_slice %arg6[%add3A_199, %dma_start3A_206] : memref<96x128xi32, #tpu.memory_space<vmem>> -> memref<1x128xi32, #tpu.memory_space<vmem>>
      %dma_start3A_208 = tpu.memref_squeeze %dma_start3A_207 : memref<1x128xi32, #tpu.memory_space<vmem>> -> memref<128xi32, #tpu.memory_space<vmem>>
      %dma_start3A_209 = arith.constant 0 : i32
      %dma_start3A_210 = arith.constant 0 : i32
      %dma_start3A_211 = tpu.memref_slice %arg11[%dma_start3A_209, %dma_start3A_210] : memref<10112x16xf32, #tpu.memory_space<vmem_shared>> -> memref<10112x16xf32, #tpu.memory_space<vmem_shared>>
      tpu.enqueue_indirect_dma source(%dma_start3A_211 : memref<10112x16xf32, #tpu.memory_space<vmem_shared>>) target(%dma_start3A_205 : memref<128x16xf32, #tpu.memory_space<vmem>>) offsets(%dma_start3A_208 : memref<128xi32, #tpu.memory_space<vmem>>) semaphore(%arg13 : memref<!tpu.dma_semaphore, #tpu.memory_space<semaphore_mem>>)
      %mul3A_212 = arith.constant 4 : i32
      %mul3A_213 = arith.muli %add3A_195, %mul3A_212 : i32
      %add3A_214 = arith.constant 1 : i32
      %add3A_215 = arith.addi %mul3A_213, %add3A_214 : i32
      %dma_start3A_216 = arith.constant 1 : i32
      %dma_start3A_217 = arith.constant 1 : i32
      %dma_start3A_218 = arith.constant 0 : i32
      %dma_start3A_219 = arith.constant 0 : i32
      %dma_start3A_220 = tpu.memref_slice %arg8[%dma_start3A_216, %dma_start3A_217, %dma_start3A_218, %dma_start3A_219] : memref<2x4x128x16xf32, #tpu.memory_space<vmem>> -> memref<1x1x128x16xf32, #tpu.memory_space<vmem>>
      %dma_start3A_221 = tpu.memref_squeeze %dma_start3A_220 : memref<1x1x128x16xf32, #tpu.memory_space<vmem>> -> memref<128x16xf32, #tpu.memory_space<vmem>>
      %dma_start3A_222 = arith.constant 0 : i32
      %dma_start3A_223 = tpu.memref_slice %arg6[%add3A_215, %dma_start3A_222] : memref<96x128xi32, #tpu.memory_space<vmem>> -> memref<1x128xi32, #tpu.memory_space<vmem>>
      %dma_start3A_224 = tpu.memref_squeeze %dma_start3A_223 : memref<1x128xi32, #tpu.memory_space<vmem>> -> memref<128xi32, #tpu.memory_space<vmem>>
      %dma_start3A_225 = arith.constant 0 : i32
      %dma_start3A_226 = arith.constant 0 : i32
      %dma_start3A_227 = tpu.memref_slice %arg11[%dma_start3A_225, %dma_start3A_226] : memref<10112x16xf32, #tpu.memory_space<vmem_shared>> -> memref<10112x16xf32, #tpu.memory_space<vmem_shared>>
      tpu.enqueue_indirect_dma source(%dma_start3A_227 : memref<10112x16xf32, #tpu.memory_space<vmem_shared>>) target(%dma_start3A_221 : memref<128x16xf32, #tpu.memory_space<vmem>>) offsets(%dma_start3A_224 : memref<128xi32, #tpu.memory_space<vmem>>) semaphore(%arg13 : memref<!tpu.dma_semaphore, #tpu.memory_space<semaphore_mem>>)
      %mul3A_228 = arith.constant 4 : i32
      %mul3A_229 = arith.muli %add3A_195, %mul3A_228 : i32
      %add3A_230 = arith.constant 2 : i32
      %add3A_231 = arith.addi %mul3A_229, %add3A_230 : i32
      %dma_start3A_232 = arith.constant 1 : i32
      %dma_start3A_233 = arith.constant 2 : i32
      %dma_start3A_234 = arith.constant 0 : i32
      %dma_start3A_235 = arith.constant 0 : i32
      %dma_start3A_236 = tpu.memref_slice %arg8[%dma_start3A_232, %dma_start3A_233, %dma_start3A_234, %dma_start3A_235] : memref<2x4x128x16xf32, #tpu.memory_space<vmem>> -> memref<1x1x128x16xf32, #tpu.memory_space<vmem>>
      %dma_start3A_237 = tpu.memref_squeeze %dma_start3A_236 : memref<1x1x128x16xf32, #tpu.memory_space<vmem>> -> memref<128x16xf32, #tpu.memory_space<vmem>>
      %dma_start3A_238 = arith.constant 0 : i32
      %dma_start3A_239 = tpu.memref_slice %arg6[%add3A_231, %dma_start3A_238] : memref<96x128xi32, #tpu.memory_space<vmem>> -> memref<1x128xi32, #tpu.memory_space<vmem>>
      %dma_start3A_240 = tpu.memref_squeeze %dma_start3A_239 : memref<1x128xi32, #tpu.memory_space<vmem>> -> memref<128xi32, #tpu.memory_space<vmem>>
      %dma_start3A_241 = arith.constant 0 : i32
      %dma_start3A_242 = arith.constant 0 : i32
      %dma_start3A_243 = tpu.memref_slice %arg11[%dma_start3A_241, %dma_start3A_242] : memref<10112x16xf32, #tpu.memory_space<vmem_shared>> -> memref<10112x16xf32, #tpu.memory_space<vmem_shared>>
      tpu.enqueue_indirect_dma source(%dma_start3A_243 : memref<10112x16xf32, #tpu.memory_space<vmem_shared>>) target(%dma_start3A_237 : memref<128x16xf32, #tpu.memory_space<vmem>>) offsets(%dma_start3A_240 : memref<128xi32, #tpu.memory_space<vmem>>) semaphore(%arg13 : memref<!tpu.dma_semaphore, #tpu.memory_space<semaphore_mem>>)
      %mul3A_244 = arith.constant 4 : i32
      %mul3A_245 = arith.muli %add3A_195, %mul3A_244 : i32
      %add3A_246 = arith.constant 3 : i32
      %add3A_247 = arith.addi %mul3A_245, %add3A_246 : i32
      %dma_start3A_248 = arith.constant 1 : i32
      %dma_start3A_249 = arith.constant 3 : i32
      %dma_start3A_250 = arith.constant 0 : i32
      %dma_start3A_251 = arith.constant 0 : i32
      %dma_start3A_252 = tpu.memref_slice %arg8[%dma_start3A_248, %dma_start3A_249, %dma_start3A_250, %dma_start3A_251] : memref<2x4x128x16xf32, #tpu.memory_space<vmem>> -> memref<1x1x128x16xf32, #tpu.memory_space<vmem>>
      %dma_start3A_253 = tpu.memref_squeeze %dma_start3A_252 : memref<1x1x128x16xf32, #tpu.memory_space<vmem>> -> memref<128x16xf32, #tpu.memory_space<vmem>>
      %dma_start3A_254 = arith.constant 0 : i32
      %dma_start3A_255 = tpu.memref_slice %arg6[%add3A_247, %dma_start3A_254] : memref<96x128xi32, #tpu.memory_space<vmem>> -> memref<1x128xi32, #tpu.memory_space<vmem>>
      %dma_start3A_256 = tpu.memref_squeeze %dma_start3A_255 : memref<1x128xi32, #tpu.memory_space<vmem>> -> memref<128xi32, #tpu.memory_space<vmem>>
      %dma_start3A_257 = arith.constant 0 : i32
      %dma_start3A_258 = arith.constant 0 : i32
      %dma_start3A_259 = tpu.memref_slice %arg11[%dma_start3A_257, %dma_start3A_258] : memref<10112x16xf32, #tpu.memory_space<vmem_shared>> -> memref<10112x16xf32, #tpu.memory_space<vmem_shared>>
      tpu.enqueue_indirect_dma source(%dma_start3A_259 : memref<10112x16xf32, #tpu.memory_space<vmem_shared>>) target(%dma_start3A_253 : memref<128x16xf32, #tpu.memory_space<vmem>>) offsets(%dma_start3A_256 : memref<128xi32, #tpu.memory_space<vmem>>) semaphore(%arg13 : memref<!tpu.dma_semaphore, #tpu.memory_space<semaphore_mem>>)
      %mul3A_260 = arith.constant 4 : i32
      %mul3A_261 = arith.muli %mul3A_138, %mul3A_260 : i32
      %add3A_262 = arith.constant 0 : i32
      %add3A_263 = arith.addi %mul3A_261, %add3A_262 : i32
      %dma_start3A_264 = arith.constant 0 : i32
      %dma_start3A_265 = arith.constant 0 : i32
      %dma_start3A_266 = arith.constant 0 : i32
      %dma_start3A_267 = arith.constant 0 : i32
      %dma_start3A_268 = tpu.memref_slice %arg8[%dma_start3A_264, %dma_start3A_265, %dma_start3A_266, %dma_start3A_267] : memref<2x4x128x16xf32, #tpu.memory_space<vmem>> -> memref<1x1x128x16xf32, #tpu.memory_space<vmem>>
      %dma_start3A_269 = tpu.memref_squeeze %dma_start3A_268 : memref<1x1x128x16xf32, #tpu.memory_space<vmem>> -> memref<128x16xf32, #tpu.memory_space<vmem>>
      %dma_start3A_270 = arith.constant 0 : i32
      %dma_start3A_271 = tpu.memref_slice %arg7[%add3A_263, %dma_start3A_270] : memref<96x128xi32, #tpu.memory_space<vmem>> -> memref<1x128xi32, #tpu.memory_space<vmem>>
      %dma_start3A_272 = tpu.memref_squeeze %dma_start3A_271 : memref<1x128xi32, #tpu.memory_space<vmem>> -> memref<128xi32, #tpu.memory_space<vmem>>
      %dma_start3A_273 = arith.constant 0 : i32
      %dma_start3A_274 = arith.constant 0 : i32
      %dma_start3A_275 = tpu.memref_slice %arg10[%dma_start3A_273, %dma_start3A_274] : memref<10112x16xf32, #tpu.memory_space<vmem_shared>> -> memref<10112x16xf32, #tpu.memory_space<vmem_shared>>
      tpu.enqueue_indirect_dma source(%dma_start3A_269 : memref<128x16xf32, #tpu.memory_space<vmem>>) target(%dma_start3A_275 : memref<10112x16xf32, #tpu.memory_space<vmem_shared>>) offsets(%dma_start3A_272 : memref<128xi32, #tpu.memory_space<vmem>>) semaphore(%arg14 : memref<!tpu.dma_semaphore, #tpu.memory_space<semaphore_mem>>) {add = true}
      %mul3A_276 = arith.constant 4 : i32
      %mul3A_277 = arith.muli %mul3A_138, %mul3A_276 : i32
      %add3A_278 = arith.constant 1 : i32
      %add3A_279 = arith.addi %mul3A_277, %add3A_278 : i32
      %dma_start3A_280 = arith.constant 0 : i32
      %dma_start3A_281 = arith.constant 1 : i32
      %dma_start3A_282 = arith.constant 0 : i32
      %dma_start3A_283 = arith.constant 0 : i32
      %dma_start3A_284 = tpu.memref_slice %arg8[%dma_start3A_280, %dma_start3A_281, %dma_start3A_282, %dma_start3A_283] : memref<2x4x128x16xf32, #tpu.memory_space<vmem>> -> memref<1x1x128x16xf32, #tpu.memory_space<vmem>>
      %dma_start3A_285 = tpu.memref_squeeze %dma_start3A_284 : memref<1x1x128x16xf32, #tpu.memory_space<vmem>> -> memref<128x16xf32, #tpu.memory_space<vmem>>
      %dma_start3A_286 = arith.constant 0 : i32
      %dma_start3A_287 = tpu.memref_slice %arg7[%add3A_279, %dma_start3A_286] : memref<96x128xi32, #tpu.memory_space<vmem>> -> memref<1x128xi32, #tpu.memory_space<vmem>>
      %dma_start3A_288 = tpu.memref_squeeze %dma_start3A_287 : memref<1x128xi32, #tpu.memory_space<vmem>> -> memref<128xi32, #tpu.memory_space<vmem>>
      %dma_start3A_289 = arith.constant 0 : i32
      %dma_start3A_290 = arith.constant 0 : i32
      %dma_start3A_291 = tpu.memref_slice %arg10[%dma_start3A_289, %dma_start3A_290] : memref<10112x16xf32, #tpu.memory_space<vmem_shared>> -> memref<10112x16xf32, #tpu.memory_space<vmem_shared>>
      tpu.enqueue_indirect_dma source(%dma_start3A_285 : memref<128x16xf32, #tpu.memory_space<vmem>>) target(%dma_start3A_291 : memref<10112x16xf32, #tpu.memory_space<vmem_shared>>) offsets(%dma_start3A_288 : memref<128xi32, #tpu.memory_space<vmem>>) semaphore(%arg14 : memref<!tpu.dma_semaphore, #tpu.memory_space<semaphore_mem>>) {add = true}
      %mul3A_292 = arith.constant 4 : i32
      %mul3A_293 = arith.muli %mul3A_138, %mul3A_292 : i32
      %add3A_294 = arith.constant 2 : i32
      %add3A_295 = arith.addi %mul3A_293, %add3A_294 : i32
      %dma_start3A_296 = arith.constant 0 : i32
      %dma_start3A_297 = arith.constant 2 : i32
      %dma_start3A_298 = arith.constant 0 : i32
      %dma_start3A_299 = arith.constant 0 : i32
      %dma_start3A_300 = tpu.memref_slice %arg8[%dma_start3A_296, %dma_start3A_297, %dma_start3A_298, %dma_start3A_299] : memref<2x4x128x16xf32, #tpu.memory_space<vmem>> -> memref<1x1x128x16xf32, #tpu.memory_space<vmem>>
      %dma_start3A_301 = tpu.memref_squeeze %dma_start3A_300 : memref<1x1x128x16xf32, #tpu.memory_space<vmem>> -> memref<128x16xf32, #tpu.memory_space<vmem>>
      %dma_start3A_302 = arith.constant 0 : i32
      %dma_start3A_303 = tpu.memref_slice %arg7[%add3A_295, %dma_start3A_302] : memref<96x128xi32, #tpu.memory_space<vmem>> -> memref<1x128xi32, #tpu.memory_space<vmem>>
      %dma_start3A_304 = tpu.memref_squeeze %dma_start3A_303 : memref<1x128xi32, #tpu.memory_space<vmem>> -> memref<128xi32, #tpu.memory_space<vmem>>
      %dma_start3A_305 = arith.constant 0 : i32
      %dma_start3A_306 = arith.constant 0 : i32
      %dma_start3A_307 = tpu.memref_slice %arg10[%dma_start3A_305, %dma_start3A_306] : memref<10112x16xf32, #tpu.memory_space<vmem_shared>> -> memref<10112x16xf32, #tpu.memory_space<vmem_shared>>
      tpu.enqueue_indirect_dma source(%dma_start3A_301 : memref<128x16xf32, #tpu.memory_space<vmem>>) target(%dma_start3A_307 : memref<10112x16xf32, #tpu.memory_space<vmem_shared>>) offsets(%dma_start3A_304 : memref<128xi32, #tpu.memory_space<vmem>>) semaphore(%arg14 : memref<!tpu.dma_semaphore, #tpu.memory_space<semaphore_mem>>) {add = true}
      %mul3A_308 = arith.constant 4 : i32
      %mul3A_309 = arith.muli %mul3A_138, %mul3A_308 : i32
      %add3A_310 = arith.constant 3 : i32
      %add3A_311 = arith.addi %mul3A_309, %add3A_310 : i32
      %dma_start3A_312 = arith.constant 0 : i32
      %dma_start3A_313 = arith.constant 3 : i32
      %dma_start3A_314 = arith.constant 0 : i32
      %dma_start3A_315 = arith.constant 0 : i32
      %dma_start3A_316 = tpu.memref_slice %arg8[%dma_start3A_312, %dma_start3A_313, %dma_start3A_314, %dma_start3A_315] : memref<2x4x128x16xf32, #tpu.memory_space<vmem>> -> memref<1x1x128x16xf32, #tpu.memory_space<vmem>>
      %dma_start3A_317 = tpu.memref_squeeze %dma_start3A_316 : memref<1x1x128x16xf32, #tpu.memory_space<vmem>> -> memref<128x16xf32, #tpu.memory_space<vmem>>
      %dma_start3A_318 = arith.constant 0 : i32
      %dma_start3A_319 = tpu.memref_slice %arg7[%add3A_311, %dma_start3A_318] : memref<96x128xi32, #tpu.memory_space<vmem>> -> memref<1x128xi32, #tpu.memory_space<vmem>>
      %dma_start3A_320 = tpu.memref_squeeze %dma_start3A_319 : memref<1x128xi32, #tpu.memory_space<vmem>> -> memref<128xi32, #tpu.memory_space<vmem>>
      %dma_start3A_321 = arith.constant 0 : i32
      %dma_start3A_322 = arith.constant 0 : i32
      %dma_start3A_323 = tpu.memref_slice %arg10[%dma_start3A_321, %dma_start3A_322] : memref<10112x16xf32, #tpu.memory_space<vmem_shared>> -> memref<10112x16xf32, #tpu.memory_space<vmem_shared>>
      tpu.enqueue_indirect_dma source(%dma_start3A_317 : memref<128x16xf32, #tpu.memory_space<vmem>>) target(%dma_start3A_323 : memref<10112x16xf32, #tpu.memory_space<vmem_shared>>) offsets(%dma_start3A_320 : memref<128xi32, #tpu.memory_space<vmem>>) semaphore(%arg14 : memref<!tpu.dma_semaphore, #tpu.memory_space<semaphore_mem>>) {add = true}
      %dma_wait3A_324 = arith.constant 0 : i32
      %dma_wait3A_325 = arith.constant 1 : i32
      %dma_wait3A_326 = arith.constant 0 : i32
      %dma_wait3A_327 = arith.constant 0 : i32
      %dma_wait3A_328 = arith.constant 0 : i32
      %dma_wait3A_329 = tpu.memref_slice %arg8[%dma_wait3A_325, %dma_wait3A_326, %dma_wait3A_327, %dma_wait3A_328] : memref<2x4x128x16xf32, #tpu.memory_space<vmem>> -> memref<1x1x128x16xf32, #tpu.memory_space<vmem>>
      %dma_wait3A_330 = tpu.memref_squeeze %dma_wait3A_329 : memref<1x1x128x16xf32, #tpu.memory_space<vmem>> -> memref<128x16xf32, #tpu.memory_space<vmem>>
      %dma_wait3A_331 = arith.constant 0 : i32
      %dma_wait3A_332 = tpu.memref_slice %arg6[%dma_wait3A_324, %dma_wait3A_331] : memref<96x128xi32, #tpu.memory_space<vmem>> -> memref<1x128xi32, #tpu.memory_space<vmem>>
      %dma_wait3A_333 = tpu.memref_squeeze %dma_wait3A_332 : memref<1x128xi32, #tpu.memory_space<vmem>> -> memref<128xi32, #tpu.memory_space<vmem>>
      %dma_wait3A_334 = arith.constant 0 : i32
      %dma_wait3A_335 = arith.constant 0 : i32
      %dma_wait3A_336 = tpu.memref_slice %arg11[%dma_wait3A_334, %dma_wait3A_335] : memref<10112x16xf32, #tpu.memory_space<vmem_shared>> -> memref<10112x16xf32, #tpu.memory_space<vmem_shared>>
      tpu.wait_indirect_dma semaphore(%arg13 : memref<!tpu.dma_semaphore, #tpu.memory_space<semaphore_mem>>) src(%dma_wait3A_336 : memref<10112x16xf32, #tpu.memory_space<vmem_shared>>) dst(%dma_wait3A_330 : memref<128x16xf32, #tpu.memory_space<vmem>>)
      %dma_wait3A_337 = arith.constant 1 : i32
      %dma_wait3A_338 = arith.constant 1 : i32
      %dma_wait3A_339 = arith.constant 1 : i32
      %dma_wait3A_340 = arith.constant 0 : i32
      %dma_wait3A_341 = arith.constant 0 : i32
      %dma_wait3A_342 = tpu.memref_slice %arg8[%dma_wait3A_338, %dma_wait3A_339, %dma_wait3A_340, %dma_wait3A_341] : memref<2x4x128x16xf32, #tpu.memory_space<vmem>> -> memref<1x1x128x16xf32, #tpu.memory_space<vmem>>
      %dma_wait3A_343 = tpu.memref_squeeze %dma_wait3A_342 : memref<1x1x128x16xf32, #tpu.memory_space<vmem>> -> memref<128x16xf32, #tpu.memory_space<vmem>>
      %dma_wait3A_344 = arith.constant 0 : i32
      %dma_wait3A_345 = tpu.memref_slice %arg6[%dma_wait3A_337, %dma_wait3A_344] : memref<96x128xi32, #tpu.memory_space<vmem>> -> memref<1x128xi32, #tpu.memory_space<vmem>>
      %dma_wait3A_346 = tpu.memref_squeeze %dma_wait3A_345 : memref<1x128xi32, #tpu.memory_space<vmem>> -> memref<128xi32, #tpu.memory_space<vmem>>
      %dma_wait3A_347 = arith.constant 0 : i32
      %dma_wait3A_348 = arith.constant 0 : i32
      %dma_wait3A_349 = tpu.memref_slice %arg11[%dma_wait3A_347, %dma_wait3A_348] : memref<10112x16xf32, #tpu.memory_space<vmem_shared>> -> memref<10112x16xf32, #tpu.memory_space<vmem_shared>>
      tpu.wait_indirect_dma semaphore(%arg13 : memref<!tpu.dma_semaphore, #tpu.memory_space<semaphore_mem>>) src(%dma_wait3A_349 : memref<10112x16xf32, #tpu.memory_space<vmem_shared>>) dst(%dma_wait3A_343 : memref<128x16xf32, #tpu.memory_space<vmem>>)
      %dma_wait3A_350 = arith.constant 2 : i32
      %dma_wait3A_351 = arith.constant 1 : i32
      %dma_wait3A_352 = arith.constant 2 : i32
      %dma_wait3A_353 = arith.constant 0 : i32
      %dma_wait3A_354 = arith.constant 0 : i32
      %dma_wait3A_355 = tpu.memref_slice %arg8[%dma_wait3A_351, %dma_wait3A_352, %dma_wait3A_353, %dma_wait3A_354] : memref<2x4x128x16xf32, #tpu.memory_space<vmem>> -> memref<1x1x128x16xf32, #tpu.memory_space<vmem>>
      %dma_wait3A_356 = tpu.memref_squeeze %dma_wait3A_355 : memref<1x1x128x16xf32, #tpu.memory_space<vmem>> -> memref<128x16xf32, #tpu.memory_space<vmem>>
      %dma_wait3A_357 = arith.constant 0 : i32
      %dma_wait3A_358 = tpu.memref_slice %arg6[%dma_wait3A_350, %dma_wait3A_357] : memref<96x128xi32, #tpu.memory_space<vmem>> -> memref<1x128xi32, #tpu.memory_space<vmem>>
      %dma_wait3A_359 = tpu.memref_squeeze %dma_wait3A_358 : memref<1x128xi32, #tpu.memory_space<vmem>> -> memref<128xi32, #tpu.memory_space<vmem>>
      %dma_wait3A_360 = arith.constant 0 : i32
      %dma_wait3A_361 = arith.constant 0 : i32
      %dma_wait3A_362 = tpu.memref_slice %arg11[%dma_wait3A_360, %dma_wait3A_361] : memref<10112x16xf32, #tpu.memory_space<vmem_shared>> -> memref<10112x16xf32, #tpu.memory_space<vmem_shared>>
      tpu.wait_indirect_dma semaphore(%arg13 : memref<!tpu.dma_semaphore, #tpu.memory_space<semaphore_mem>>) src(%dma_wait3A_362 : memref<10112x16xf32, #tpu.memory_space<vmem_shared>>) dst(%dma_wait3A_356 : memref<128x16xf32, #tpu.memory_space<vmem>>)
      %dma_wait3A_363 = arith.constant 3 : i32
      %dma_wait3A_364 = arith.constant 1 : i32
      %dma_wait3A_365 = arith.constant 3 : i32
      %dma_wait3A_366 = arith.constant 0 : i32
      %dma_wait3A_367 = arith.constant 0 : i32
      %dma_wait3A_368 = tpu.memref_slice %arg8[%dma_wait3A_364, %dma_wait3A_365, %dma_wait3A_366, %dma_wait3A_367] : memref<2x4x128x16xf32, #tpu.memory_space<vmem>> -> memref<1x1x128x16xf32, #tpu.memory_space<vmem>>
      %dma_wait3A_369 = tpu.memref_squeeze %dma_wait3A_368 : memref<1x1x128x16xf32, #tpu.memory_space<vmem>> -> memref<128x16xf32, #tpu.memory_space<vmem>>
      %dma_wait3A_370 = arith.constant 0 : i32
      %dma_wait3A_371 = tpu.memref_slice %arg6[%dma_wait3A_363, %dma_wait3A_370] : memref<96x128xi32, #tpu.memory_space<vmem>> -> memref<1x128xi32, #tpu.memory_space<vmem>>
      %dma_wait3A_372 = tpu.memref_squeeze %dma_wait3A_371 : memref<1x128xi32, #tpu.memory_space<vmem>> -> memref<128xi32, #tpu.memory_space<vmem>>
      %dma_wait3A_373 = arith.constant 0 : i32
      %dma_wait3A_374 = arith.constant 0 : i32
      %dma_wait3A_375 = tpu.memref_slice %arg11[%dma_wait3A_373, %dma_wait3A_374] : memref<10112x16xf32, #tpu.memory_space<vmem_shared>> -> memref<10112x16xf32, #tpu.memory_space<vmem_shared>>
      tpu.wait_indirect_dma semaphore(%arg13 : memref<!tpu.dma_semaphore, #tpu.memory_space<semaphore_mem>>) src(%dma_wait3A_375 : memref<10112x16xf32, #tpu.memory_space<vmem_shared>>) dst(%dma_wait3A_369 : memref<128x16xf32, #tpu.memory_space<vmem>>)
      %dma_wait3A_376 = arith.constant 0 : i32
      %dma_wait3A_377 = arith.constant 0 : i32
      %dma_wait3A_378 = arith.constant 0 : i32
      %dma_wait3A_379 = arith.constant 0 : i32
      %dma_wait3A_380 = arith.constant 0 : i32
      %dma_wait3A_381 = tpu.memref_slice %arg8[%dma_wait3A_376, %dma_wait3A_377, %dma_wait3A_379, %dma_wait3A_380] : memref<2x4x128x16xf32, #tpu.memory_space<vmem>> -> memref<1x1x128x16xf32, #tpu.memory_space<vmem>>
      %dma_wait3A_382 = tpu.memref_squeeze %dma_wait3A_381 : memref<1x1x128x16xf32, #tpu.memory_space<vmem>> -> memref<128x16xf32, #tpu.memory_space<vmem>>
      %dma_wait3A_383 = arith.constant 0 : i32
      %dma_wait3A_384 = tpu.memref_slice %arg7[%dma_wait3A_378, %dma_wait3A_383] : memref<96x128xi32, #tpu.memory_space<vmem>> -> memref<1x128xi32, #tpu.memory_space<vmem>>
      %dma_wait3A_385 = tpu.memref_squeeze %dma_wait3A_384 : memref<1x128xi32, #tpu.memory_space<vmem>> -> memref<128xi32, #tpu.memory_space<vmem>>
      %dma_wait3A_386 = arith.constant 0 : i32
      %dma_wait3A_387 = arith.constant 0 : i32
      %dma_wait3A_388 = tpu.memref_slice %arg10[%dma_wait3A_386, %dma_wait3A_387] : memref<10112x16xf32, #tpu.memory_space<vmem_shared>> -> memref<10112x16xf32, #tpu.memory_space<vmem_shared>>
      tpu.wait_indirect_dma semaphore(%arg14 : memref<!tpu.dma_semaphore, #tpu.memory_space<semaphore_mem>>) src(%dma_wait3A_382 : memref<128x16xf32, #tpu.memory_space<vmem>>) dst(%dma_wait3A_388 : memref<10112x16xf32, #tpu.memory_space<vmem_shared>>)
      %dma_wait3A_389 = arith.constant 0 : i32
      %dma_wait3A_390 = arith.constant 1 : i32
      %dma_wait3A_391 = arith.constant 1 : i32
      %dma_wait3A_392 = arith.constant 0 : i32
      %dma_wait3A_393 = arith.constant 0 : i32
      %dma_wait3A_394 = tpu.memref_slice %arg8[%dma_wait3A_389, %dma_wait3A_390, %dma_wait3A_392, %dma_wait3A_393] : memref<2x4x128x16xf32, #tpu.memory_space<vmem>> -> memref<1x1x128x16xf32, #tpu.memory_space<vmem>>
      %dma_wait3A_395 = tpu.memref_squeeze %dma_wait3A_394 : memref<1x1x128x16xf32, #tpu.memory_space<vmem>> -> memref<128x16xf32, #tpu.memory_space<vmem>>
      %dma_wait3A_396 = arith.constant 0 : i32
      %dma_wait3A_397 = tpu.memref_slice %arg7[%dma_wait3A_391, %dma_wait3A_396] : memref<96x128xi32, #tpu.memory_space<vmem>> -> memref<1x128xi32, #tpu.memory_space<vmem>>
      %dma_wait3A_398 = tpu.memref_squeeze %dma_wait3A_397 : memref<1x128xi32, #tpu.memory_space<vmem>> -> memref<128xi32, #tpu.memory_space<vmem>>
      %dma_wait3A_399 = arith.constant 0 : i32
      %dma_wait3A_400 = arith.constant 0 : i32
      %dma_wait3A_401 = tpu.memref_slice %arg10[%dma_wait3A_399, %dma_wait3A_400] : memref<10112x16xf32, #tpu.memory_space<vmem_shared>> -> memref<10112x16xf32, #tpu.memory_space<vmem_shared>>
      tpu.wait_indirect_dma semaphore(%arg14 : memref<!tpu.dma_semaphore, #tpu.memory_space<semaphore_mem>>) src(%dma_wait3A_395 : memref<128x16xf32, #tpu.memory_space<vmem>>) dst(%dma_wait3A_401 : memref<10112x16xf32, #tpu.memory_space<vmem_shared>>)
      %dma_wait3A_402 = arith.constant 0 : i32
      %dma_wait3A_403 = arith.constant 2 : i32
      %dma_wait3A_404 = arith.constant 2 : i32
      %dma_wait3A_405 = arith.constant 0 : i32
      %dma_wait3A_406 = arith.constant 0 : i32
      %dma_wait3A_407 = tpu.memref_slice %arg8[%dma_wait3A_402, %dma_wait3A_403, %dma_wait3A_405, %dma_wait3A_406] : memref<2x4x128x16xf32, #tpu.memory_space<vmem>> -> memref<1x1x128x16xf32, #tpu.memory_space<vmem>>
      %dma_wait3A_408 = tpu.memref_squeeze %dma_wait3A_407 : memref<1x1x128x16xf32, #tpu.memory_space<vmem>> -> memref<128x16xf32, #tpu.memory_space<vmem>>
      %dma_wait3A_409 = arith.constant 0 : i32
      %dma_wait3A_410 = tpu.memref_slice %arg7[%dma_wait3A_404, %dma_wait3A_409] : memref<96x128xi32, #tpu.memory_space<vmem>> -> memref<1x128xi32, #tpu.memory_space<vmem>>
      %dma_wait3A_411 = tpu.memref_squeeze %dma_wait3A_410 : memref<1x128xi32, #tpu.memory_space<vmem>> -> memref<128xi32, #tpu.memory_space<vmem>>
      %dma_wait3A_412 = arith.constant 0 : i32
      %dma_wait3A_413 = arith.constant 0 : i32
      %dma_wait3A_414 = tpu.memref_slice %arg10[%dma_wait3A_412, %dma_wait3A_413] : memref<10112x16xf32, #tpu.memory_space<vmem_shared>> -> memref<10112x16xf32, #tpu.memory_space<vmem_shared>>
      tpu.wait_indirect_dma semaphore(%arg14 : memref<!tpu.dma_semaphore, #tpu.memory_space<semaphore_mem>>) src(%dma_wait3A_408 : memref<128x16xf32, #tpu.memory_space<vmem>>) dst(%dma_wait3A_414 : memref<10112x16xf32, #tpu.memory_space<vmem_shared>>)
      %dma_wait3A_415 = arith.constant 0 : i32
      %dma_wait3A_416 = arith.constant 3 : i32
      %dma_wait3A_417 = arith.constant 3 : i32
      %dma_wait3A_418 = arith.constant 0 : i32
      %dma_wait3A_419 = arith.constant 0 : i32
      %dma_wait3A_420 = tpu.memref_slice %arg8[%dma_wait3A_415, %dma_wait3A_416, %dma_wait3A_418, %dma_wait3A_419] : memref<2x4x128x16xf32, #tpu.memory_space<vmem>> -> memref<1x1x128x16xf32, #tpu.memory_space<vmem>>
      %dma_wait3A_421 = tpu.memref_squeeze %dma_wait3A_420 : memref<1x1x128x16xf32, #tpu.memory_space<vmem>> -> memref<128x16xf32, #tpu.memory_space<vmem>>
      %dma_wait3A_422 = arith.constant 0 : i32
      %dma_wait3A_423 = tpu.memref_slice %arg7[%dma_wait3A_417, %dma_wait3A_422] : memref<96x128xi32, #tpu.memory_space<vmem>> -> memref<1x128xi32, #tpu.memory_space<vmem>>
      %dma_wait3A_424 = tpu.memref_squeeze %dma_wait3A_423 : memref<1x128xi32, #tpu.memory_space<vmem>> -> memref<128xi32, #tpu.memory_space<vmem>>
      %dma_wait3A_425 = arith.constant 0 : i32
      %dma_wait3A_426 = arith.constant 0 : i32
      %dma_wait3A_427 = tpu.memref_slice %arg10[%dma_wait3A_425, %dma_wait3A_426] : memref<10112x16xf32, #tpu.memory_space<vmem_shared>> -> memref<10112x16xf32, #tpu.memory_space<vmem_shared>>
      tpu.wait_indirect_dma semaphore(%arg14 : memref<!tpu.dma_semaphore, #tpu.memory_space<semaphore_mem>>) src(%dma_wait3A_421 : memref<128x16xf32, #tpu.memory_space<vmem>>) dst(%dma_wait3A_427 : memref<10112x16xf32, #tpu.memory_space<vmem_shared>>)
      %add3A_428 = arith.constant 2 : i32
      %add3A_429 = arith.addi %mul3A_138, %add3A_428 : i32
      %mul3A_430 = arith.constant 2 : i32
      %mul3A_431 = arith.muli %mul3A_430, %select_n3A : i32
      %lt3A = arith.cmpi slt, %add3A_429, %mul3A_431 : i32
      %convert_element_type3A_432 = arith.extui %lt3A : i1 to i32
      %cond3A_433 = arith.constant 0 : i32
      %cond3A_434 = arith.cmpi ne, %convert_element_type3A_432, %cond3A_433 : i32
      scf.if %cond3A_434 {
        %add3A_501 = arith.constant 2 : i32
        %add3A_502 = arith.addi %mul3A_138, %add3A_501 : i32
        %mul3A_503 = arith.constant 4 : i32
        %mul3A_504 = arith.muli %add3A_502, %mul3A_503 : i32
        %add3A_505 = arith.constant 0 : i32
        %add3A_506 = arith.addi %mul3A_504, %add3A_505 : i32
        %dma_start3A_507 = arith.constant 0 : i32
        %dma_start3A_508 = arith.constant 0 : i32
        %dma_start3A_509 = arith.constant 0 : i32
        %dma_start3A_510 = arith.constant 0 : i32
        %dma_start3A_511 = tpu.memref_slice %arg8[%dma_start3A_507, %dma_start3A_508, %dma_start3A_509, %dma_start3A_510] : memref<2x4x128x16xf32, #tpu.memory_space<vmem>> -> memref<1x1x128x16xf32, #tpu.memory_space<vmem>>
        %dma_start3A_512 = tpu.memref_squeeze %dma_start3A_511 : memref<1x1x128x16xf32, #tpu.memory_space<vmem>> -> memref<128x16xf32, #tpu.memory_space<vmem>>
        %dma_start3A_513 = arith.constant 0 : i32
        %dma_start3A_514 = tpu.memref_slice %arg6[%add3A_506, %dma_start3A_513] : memref<96x128xi32, #tpu.memory_space<vmem>> -> memref<1x128xi32, #tpu.memory_space<vmem>>
        %dma_start3A_515 = tpu.memref_squeeze %dma_start3A_514 : memref<1x128xi32, #tpu.memory_space<vmem>> -> memref<128xi32, #tpu.memory_space<vmem>>
        %dma_start3A_516 = arith.constant 0 : i32
        %dma_start3A_517 = arith.constant 0 : i32
        %dma_start3A_518 = tpu.memref_slice %arg11[%dma_start3A_516, %dma_start3A_517] : memref<10112x16xf32, #tpu.memory_space<vmem_shared>> -> memref<10112x16xf32, #tpu.memory_space<vmem_shared>>
        tpu.enqueue_indirect_dma source(%dma_start3A_518 : memref<10112x16xf32, #tpu.memory_space<vmem_shared>>) target(%dma_start3A_512 : memref<128x16xf32, #tpu.memory_space<vmem>>) offsets(%dma_start3A_515 : memref<128xi32, #tpu.memory_space<vmem>>) semaphore(%arg12 : memref<!tpu.dma_semaphore, #tpu.memory_space<semaphore_mem>>)
        %mul3A_519 = arith.constant 4 : i32
        %mul3A_520 = arith.muli %add3A_502, %mul3A_519 : i32
        %add3A_521 = arith.constant 1 : i32
        %add3A_522 = arith.addi %mul3A_520, %add3A_521 : i32
        %dma_start3A_523 = arith.constant 0 : i32
        %dma_start3A_524 = arith.constant 1 : i32
        %dma_start3A_525 = arith.constant 0 : i32
        %dma_start3A_526 = arith.constant 0 : i32
        %dma_start3A_527 = tpu.memref_slice %arg8[%dma_start3A_523, %dma_start3A_524, %dma_start3A_525, %dma_start3A_526] : memref<2x4x128x16xf32, #tpu.memory_space<vmem>> -> memref<1x1x128x16xf32, #tpu.memory_space<vmem>>
        %dma_start3A_528 = tpu.memref_squeeze %dma_start3A_527 : memref<1x1x128x16xf32, #tpu.memory_space<vmem>> -> memref<128x16xf32, #tpu.memory_space<vmem>>
        %dma_start3A_529 = arith.constant 0 : i32
        %dma_start3A_530 = tpu.memref_slice %arg6[%add3A_522, %dma_start3A_529] : memref<96x128xi32, #tpu.memory_space<vmem>> -> memref<1x128xi32, #tpu.memory_space<vmem>>
        %dma_start3A_531 = tpu.memref_squeeze %dma_start3A_530 : memref<1x128xi32, #tpu.memory_space<vmem>> -> memref<128xi32, #tpu.memory_space<vmem>>
        %dma_start3A_532 = arith.constant 0 : i32
        %dma_start3A_533 = arith.constant 0 : i32
        %dma_start3A_534 = tpu.memref_slice %arg11[%dma_start3A_532, %dma_start3A_533] : memref<10112x16xf32, #tpu.memory_space<vmem_shared>> -> memref<10112x16xf32, #tpu.memory_space<vmem_shared>>
        tpu.enqueue_indirect_dma source(%dma_start3A_534 : memref<10112x16xf32, #tpu.memory_space<vmem_shared>>) target(%dma_start3A_528 : memref<128x16xf32, #tpu.memory_space<vmem>>) offsets(%dma_start3A_531 : memref<128xi32, #tpu.memory_space<vmem>>) semaphore(%arg12 : memref<!tpu.dma_semaphore, #tpu.memory_space<semaphore_mem>>)
        %mul3A_535 = arith.constant 4 : i32
        %mul3A_536 = arith.muli %add3A_502, %mul3A_535 : i32
        %add3A_537 = arith.constant 2 : i32
        %add3A_538 = arith.addi %mul3A_536, %add3A_537 : i32
        %dma_start3A_539 = arith.constant 0 : i32
        %dma_start3A_540 = arith.constant 2 : i32
        %dma_start3A_541 = arith.constant 0 : i32
        %dma_start3A_542 = arith.constant 0 : i32
        %dma_start3A_543 = tpu.memref_slice %arg8[%dma_start3A_539, %dma_start3A_540, %dma_start3A_541, %dma_start3A_542] : memref<2x4x128x16xf32, #tpu.memory_space<vmem>> -> memref<1x1x128x16xf32, #tpu.memory_space<vmem>>
        %dma_start3A_544 = tpu.memref_squeeze %dma_start3A_543 : memref<1x1x128x16xf32, #tpu.memory_space<vmem>> -> memref<128x16xf32, #tpu.memory_space<vmem>>
        %dma_start3A_545 = arith.constant 0 : i32
        %dma_start3A_546 = tpu.memref_slice %arg6[%add3A_538, %dma_start3A_545] : memref<96x128xi32, #tpu.memory_space<vmem>> -> memref<1x128xi32, #tpu.memory_space<vmem>>
        %dma_start3A_547 = tpu.memref_squeeze %dma_start3A_546 : memref<1x128xi32, #tpu.memory_space<vmem>> -> memref<128xi32, #tpu.memory_space<vmem>>
        %dma_start3A_548 = arith.constant 0 : i32
        %dma_start3A_549 = arith.constant 0 : i32
        %dma_start3A_550 = tpu.memref_slice %arg11[%dma_start3A_548, %dma_start3A_549] : memref<10112x16xf32, #tpu.memory_space<vmem_shared>> -> memref<10112x16xf32, #tpu.memory_space<vmem_shared>>
        tpu.enqueue_indirect_dma source(%dma_start3A_550 : memref<10112x16xf32, #tpu.memory_space<vmem_shared>>) target(%dma_start3A_544 : memref<128x16xf32, #tpu.memory_space<vmem>>) offsets(%dma_start3A_547 : memref<128xi32, #tpu.memory_space<vmem>>) semaphore(%arg12 : memref<!tpu.dma_semaphore, #tpu.memory_space<semaphore_mem>>)
        %mul3A_551 = arith.constant 4 : i32
        %mul3A_552 = arith.muli %add3A_502, %mul3A_551 : i32
        %add3A_553 = arith.constant 3 : i32
        %add3A_554 = arith.addi %mul3A_552, %add3A_553 : i32
        %dma_start3A_555 = arith.constant 0 : i32
        %dma_start3A_556 = arith.constant 3 : i32
        %dma_start3A_557 = arith.constant 0 : i32
        %dma_start3A_558 = arith.constant 0 : i32
        %dma_start3A_559 = tpu.memref_slice %arg8[%dma_start3A_555, %dma_start3A_556, %dma_start3A_557, %dma_start3A_558] : memref<2x4x128x16xf32, #tpu.memory_space<vmem>> -> memref<1x1x128x16xf32, #tpu.memory_space<vmem>>
        %dma_start3A_560 = tpu.memref_squeeze %dma_start3A_559 : memref<1x1x128x16xf32, #tpu.memory_space<vmem>> -> memref<128x16xf32, #tpu.memory_space<vmem>>
        %dma_start3A_561 = arith.constant 0 : i32
        %dma_start3A_562 = tpu.memref_slice %arg6[%add3A_554, %dma_start3A_561] : memref<96x128xi32, #tpu.memory_space<vmem>> -> memref<1x128xi32, #tpu.memory_space<vmem>>
        %dma_start3A_563 = tpu.memref_squeeze %dma_start3A_562 : memref<1x128xi32, #tpu.memory_space<vmem>> -> memref<128xi32, #tpu.memory_space<vmem>>
        %dma_start3A_564 = arith.constant 0 : i32
        %dma_start3A_565 = arith.constant 0 : i32
        %dma_start3A_566 = tpu.memref_slice %arg11[%dma_start3A_564, %dma_start3A_565] : memref<10112x16xf32, #tpu.memory_space<vmem_shared>> -> memref<10112x16xf32, #tpu.memory_space<vmem_shared>>
        tpu.enqueue_indirect_dma source(%dma_start3A_566 : memref<10112x16xf32, #tpu.memory_space<vmem_shared>>) target(%dma_start3A_560 : memref<128x16xf32, #tpu.memory_space<vmem>>) offsets(%dma_start3A_563 : memref<128xi32, #tpu.memory_space<vmem>>) semaphore(%arg12 : memref<!tpu.dma_semaphore, #tpu.memory_space<semaphore_mem>>)
      } else {
      }
      %add3A_435 = arith.constant 1 : i32
      %add3A_436 = arith.addi %mul3A_138, %add3A_435 : i32
      %mul3A_437 = arith.constant 4 : i32
      %mul3A_438 = arith.muli %add3A_436, %mul3A_437 : i32
      %add3A_439 = arith.constant 0 : i32
      %add3A_440 = arith.addi %mul3A_438, %add3A_439 : i32
      %dma_start3A_441 = arith.constant 1 : i32
      %dma_start3A_442 = arith.constant 0 : i32
      %dma_start3A_443 = arith.constant 0 : i32
      %dma_start3A_444 = arith.constant 0 : i32
      %dma_start3A_445 = tpu.memref_slice %arg8[%dma_start3A_441, %dma_start3A_442, %dma_start3A_443, %dma_start3A_444] : memref<2x4x128x16xf32, #tpu.memory_space<vmem>> -> memref<1x1x128x16xf32, #tpu.memory_space<vmem>>
      %dma_start3A_446 = tpu.memref_squeeze %dma_start3A_445 : memref<1x1x128x16xf32, #tpu.memory_space<vmem>> -> memref<128x16xf32, #tpu.memory_space<vmem>>
      %dma_start3A_447 = arith.constant 0 : i32
      %dma_start3A_448 = tpu.memref_slice %arg7[%add3A_440, %dma_start3A_447] : memref<96x128xi32, #tpu.memory_space<vmem>> -> memref<1x128xi32, #tpu.memory_space<vmem>>
      %dma_start3A_449 = tpu.memref_squeeze %dma_start3A_448 : memref<1x128xi32, #tpu.memory_space<vmem>> -> memref<128xi32, #tpu.memory_space<vmem>>
      %dma_start3A_450 = arith.constant 0 : i32
      %dma_start3A_451 = arith.constant 0 : i32
      %dma_start3A_452 = tpu.memref_slice %arg10[%dma_start3A_450, %dma_start3A_451] : memref<10112x16xf32, #tpu.memory_space<vmem_shared>> -> memref<10112x16xf32, #tpu.memory_space<vmem_shared>>
      tpu.enqueue_indirect_dma source(%dma_start3A_446 : memref<128x16xf32, #tpu.memory_space<vmem>>) target(%dma_start3A_452 : memref<10112x16xf32, #tpu.memory_space<vmem_shared>>) offsets(%dma_start3A_449 : memref<128xi32, #tpu.memory_space<vmem>>) semaphore(%arg15 : memref<!tpu.dma_semaphore, #tpu.memory_space<semaphore_mem>>) {add = true}
      %mul3A_453 = arith.constant 4 : i32
      %mul3A_454 = arith.muli %add3A_436, %mul3A_453 : i32
      %add3A_455 = arith.constant 1 : i32
      %add3A_456 = arith.addi %mul3A_454, %add3A_455 : i32
      %dma_start3A_457 = arith.constant 1 : i32
      %dma_start3A_458 = arith.constant 1 : i32
      %dma_start3A_459 = arith.constant 0 : i32
      %dma_start3A_460 = arith.constant 0 : i32
      %dma_start3A_461 = tpu.memref_slice %arg8[%dma_start3A_457, %dma_start3A_458, %dma_start3A_459, %dma_start3A_460] : memref<2x4x128x16xf32, #tpu.memory_space<vmem>> -> memref<1x1x128x16xf32, #tpu.memory_space<vmem>>
      %dma_start3A_462 = tpu.memref_squeeze %dma_start3A_461 : memref<1x1x128x16xf32, #tpu.memory_space<vmem>> -> memref<128x16xf32, #tpu.memory_space<vmem>>
      %dma_start3A_463 = arith.constant 0 : i32
      %dma_start3A_464 = tpu.memref_slice %arg7[%add3A_456, %dma_start3A_463] : memref<96x128xi32, #tpu.memory_space<vmem>> -> memref<1x128xi32, #tpu.memory_space<vmem>>
      %dma_start3A_465 = tpu.memref_squeeze %dma_start3A_464 : memref<1x128xi32, #tpu.memory_space<vmem>> -> memref<128xi32, #tpu.memory_space<vmem>>
      %dma_start3A_466 = arith.constant 0 : i32
      %dma_start3A_467 = arith.constant 0 : i32
      %dma_start3A_468 = tpu.memref_slice %arg10[%dma_start3A_466, %dma_start3A_467] : memref<10112x16xf32, #tpu.memory_space<vmem_shared>> -> memref<10112x16xf32, #tpu.memory_space<vmem_shared>>
      tpu.enqueue_indirect_dma source(%dma_start3A_462 : memref<128x16xf32, #tpu.memory_space<vmem>>) target(%dma_start3A_468 : memref<10112x16xf32, #tpu.memory_space<vmem_shared>>) offsets(%dma_start3A_465 : memref<128xi32, #tpu.memory_space<vmem>>) semaphore(%arg15 : memref<!tpu.dma_semaphore, #tpu.memory_space<semaphore_mem>>) {add = true}
      %mul3A_469 = arith.constant 4 : i32
      %mul3A_470 = arith.muli %add3A_436, %mul3A_469 : i32
      %add3A_471 = arith.constant 2 : i32
      %add3A_472 = arith.addi %mul3A_470, %add3A_471 : i32
      %dma_start3A_473 = arith.constant 1 : i32
      %dma_start3A_474 = arith.constant 2 : i32
      %dma_start3A_475 = arith.constant 0 : i32
      %dma_start3A_476 = arith.constant 0 : i32
      %dma_start3A_477 = tpu.memref_slice %arg8[%dma_start3A_473, %dma_start3A_474, %dma_start3A_475, %dma_start3A_476] : memref<2x4x128x16xf32, #tpu.memory_space<vmem>> -> memref<1x1x128x16xf32, #tpu.memory_space<vmem>>
      %dma_start3A_478 = tpu.memref_squeeze %dma_start3A_477 : memref<1x1x128x16xf32, #tpu.memory_space<vmem>> -> memref<128x16xf32, #tpu.memory_space<vmem>>
      %dma_start3A_479 = arith.constant 0 : i32
      %dma_start3A_480 = tpu.memref_slice %arg7[%add3A_472, %dma_start3A_479] : memref<96x128xi32, #tpu.memory_space<vmem>> -> memref<1x128xi32, #tpu.memory_space<vmem>>
      %dma_start3A_481 = tpu.memref_squeeze %dma_start3A_480 : memref<1x128xi32, #tpu.memory_space<vmem>> -> memref<128xi32, #tpu.memory_space<vmem>>
      %dma_start3A_482 = arith.constant 0 : i32
      %dma_start3A_483 = arith.constant 0 : i32
      %dma_start3A_484 = tpu.memref_slice %arg10[%dma_start3A_482, %dma_start3A_483] : memref<10112x16xf32, #tpu.memory_space<vmem_shared>> -> memref<10112x16xf32, #tpu.memory_space<vmem_shared>>
      tpu.enqueue_indirect_dma source(%dma_start3A_478 : memref<128x16xf32, #tpu.memory_space<vmem>>) target(%dma_start3A_484 : memref<10112x16xf32, #tpu.memory_space<vmem_shared>>) offsets(%dma_start3A_481 : memref<128xi32, #tpu.memory_space<vmem>>) semaphore(%arg15 : memref<!tpu.dma_semaphore, #tpu.memory_space<semaphore_mem>>) {add = true}
      %mul3A_485 = arith.constant 4 : i32
      %mul3A_486 = arith.muli %add3A_436, %mul3A_485 : i32
      %add3A_487 = arith.constant 3 : i32
      %add3A_488 = arith.addi %mul3A_486, %add3A_487 : i32
      %dma_start3A_489 = arith.constant 1 : i32
      %dma_start3A_490 = arith.constant 3 : i32
      %dma_start3A_491 = arith.constant 0 : i32
      %dma_start3A_492 = arith.constant 0 : i32
      %dma_start3A_493 = tpu.memref_slice %arg8[%dma_start3A_489, %dma_start3A_490, %dma_start3A_491, %dma_start3A_492] : memref<2x4x128x16xf32, #tpu.memory_space<vmem>> -> memref<1x1x128x16xf32, #tpu.memory_space<vmem>>
      %dma_start3A_494 = tpu.memref_squeeze %dma_start3A_493 : memref<1x1x128x16xf32, #tpu.memory_space<vmem>> -> memref<128x16xf32, #tpu.memory_space<vmem>>
      %dma_start3A_495 = arith.constant 0 : i32
      %dma_start3A_496 = tpu.memref_slice %arg7[%add3A_488, %dma_start3A_495] : memref<96x128xi32, #tpu.memory_space<vmem>> -> memref<1x128xi32, #tpu.memory_space<vmem>>
      %dma_start3A_497 = tpu.memref_squeeze %dma_start3A_496 : memref<1x128xi32, #tpu.memory_space<vmem>> -> memref<128xi32, #tpu.memory_space<vmem>>
      %dma_start3A_498 = arith.constant 0 : i32
      %dma_start3A_499 = arith.constant 0 : i32
      %dma_start3A_500 = tpu.memref_slice %arg10[%dma_start3A_498, %dma_start3A_499] : memref<10112x16xf32, #tpu.memory_space<vmem_shared>> -> memref<10112x16xf32, #tpu.memory_space<vmem_shared>>
      tpu.enqueue_indirect_dma source(%dma_start3A_494 : memref<128x16xf32, #tpu.memory_space<vmem>>) target(%dma_start3A_500 : memref<10112x16xf32, #tpu.memory_space<vmem_shared>>) offsets(%dma_start3A_497 : memref<128xi32, #tpu.memory_space<vmem>>) semaphore(%arg15 : memref<!tpu.dma_semaphore, #tpu.memory_space<semaphore_mem>>) {add = true}
    }
    %dma_wait3A = arith.constant 1 : i32
    %dma_wait3A_80 = arith.constant 0 : i32
    %dma_wait3A_81 = arith.constant 0 : i32
    %dma_wait3A_82 = arith.constant 0 : i32
    %dma_wait3A_83 = arith.constant 0 : i32
    %dma_wait3A_84 = tpu.memref_slice %arg8[%dma_wait3A, %dma_wait3A_80, %dma_wait3A_82, %dma_wait3A_83] : memref<2x4x128x16xf32, #tpu.memory_space<vmem>> -> memref<1x1x128x16xf32, #tpu.memory_space<vmem>>
    %dma_wait3A_85 = tpu.memref_squeeze %dma_wait3A_84 : memref<1x1x128x16xf32, #tpu.memory_space<vmem>> -> memref<128x16xf32, #tpu.memory_space<vmem>>
    %dma_wait3A_86 = arith.constant 0 : i32
    %dma_wait3A_87 = tpu.memref_slice %arg7[%dma_wait3A_81, %dma_wait3A_86] : memref<96x128xi32, #tpu.memory_space<vmem>> -> memref<1x128xi32, #tpu.memory_space<vmem>>
    %dma_wait3A_88 = tpu.memref_squeeze %dma_wait3A_87 : memref<1x128xi32, #tpu.memory_space<vmem>> -> memref<128xi32, #tpu.memory_space<vmem>>
    %dma_wait3A_89 = arith.constant 0 : i32
    %dma_wait3A_90 = arith.constant 0 : i32
    %dma_wait3A_91 = tpu.memref_slice %arg10[%dma_wait3A_89, %dma_wait3A_90] : memref<10112x16xf32, #tpu.memory_space<vmem_shared>> -> memref<10112x16xf32, #tpu.memory_space<vmem_shared>>
    tpu.wait_indirect_dma semaphore(%arg15 : memref<!tpu.dma_semaphore, #tpu.memory_space<semaphore_mem>>) src(%dma_wait3A_85 : memref<128x16xf32, #tpu.memory_space<vmem>>) dst(%dma_wait3A_91 : memref<10112x16xf32, #tpu.memory_space<vmem_shared>>)
    %dma_wait3A_92 = arith.constant 1 : i32
    %dma_wait3A_93 = arith.constant 1 : i32
    %dma_wait3A_94 = arith.constant 1 : i32
    %dma_wait3A_95 = arith.constant 0 : i32
    %dma_wait3A_96 = arith.constant 0 : i32
    %dma_wait3A_97 = tpu.memref_slice %arg8[%dma_wait3A_92, %dma_wait3A_93, %dma_wait3A_95, %dma_wait3A_96] : memref<2x4x128x16xf32, #tpu.memory_space<vmem>> -> memref<1x1x128x16xf32, #tpu.memory_space<vmem>>
    %dma_wait3A_98 = tpu.memref_squeeze %dma_wait3A_97 : memref<1x1x128x16xf32, #tpu.memory_space<vmem>> -> memref<128x16xf32, #tpu.memory_space<vmem>>
    %dma_wait3A_99 = arith.constant 0 : i32
    %dma_wait3A_100 = tpu.memref_slice %arg7[%dma_wait3A_94, %dma_wait3A_99] : memref<96x128xi32, #tpu.memory_space<vmem>> -> memref<1x128xi32, #tpu.memory_space<vmem>>
    %dma_wait3A_101 = tpu.memref_squeeze %dma_wait3A_100 : memref<1x128xi32, #tpu.memory_space<vmem>> -> memref<128xi32, #tpu.memory_space<vmem>>
    %dma_wait3A_102 = arith.constant 0 : i32
    %dma_wait3A_103 = arith.constant 0 : i32
    %dma_wait3A_104 = tpu.memref_slice %arg10[%dma_wait3A_102, %dma_wait3A_103] : memref<10112x16xf32, #tpu.memory_space<vmem_shared>> -> memref<10112x16xf32, #tpu.memory_space<vmem_shared>>
    tpu.wait_indirect_dma semaphore(%arg15 : memref<!tpu.dma_semaphore, #tpu.memory_space<semaphore_mem>>) src(%dma_wait3A_98 : memref<128x16xf32, #tpu.memory_space<vmem>>) dst(%dma_wait3A_104 : memref<10112x16xf32, #tpu.memory_space<vmem_shared>>)
    %dma_wait3A_105 = arith.constant 1 : i32
    %dma_wait3A_106 = arith.constant 2 : i32
    %dma_wait3A_107 = arith.constant 2 : i32
    %dma_wait3A_108 = arith.constant 0 : i32
    %dma_wait3A_109 = arith.constant 0 : i32
    %dma_wait3A_110 = tpu.memref_slice %arg8[%dma_wait3A_105, %dma_wait3A_106, %dma_wait3A_108, %dma_wait3A_109] : memref<2x4x128x16xf32, #tpu.memory_space<vmem>> -> memref<1x1x128x16xf32, #tpu.memory_space<vmem>>
    %dma_wait3A_111 = tpu.memref_squeeze %dma_wait3A_110 : memref<1x1x128x16xf32, #tpu.memory_space<vmem>> -> memref<128x16xf32, #tpu.memory_space<vmem>>
    %dma_wait3A_112 = arith.constant 0 : i32
    %dma_wait3A_113 = tpu.memref_slice %arg7[%dma_wait3A_107, %dma_wait3A_112] : memref<96x128xi32, #tpu.memory_space<vmem>> -> memref<1x128xi32, #tpu.memory_space<vmem>>
    %dma_wait3A_114 = tpu.memref_squeeze %dma_wait3A_113 : memref<1x128xi32, #tpu.memory_space<vmem>> -> memref<128xi32, #tpu.memory_space<vmem>>
    %dma_wait3A_115 = arith.constant 0 : i32
    %dma_wait3A_116 = arith.constant 0 : i32
    %dma_wait3A_117 = tpu.memref_slice %arg10[%dma_wait3A_115, %dma_wait3A_116] : memref<10112x16xf32, #tpu.memory_space<vmem_shared>> -> memref<10112x16xf32, #tpu.memory_space<vmem_shared>>
    tpu.wait_indirect_dma semaphore(%arg15 : memref<!tpu.dma_semaphore, #tpu.memory_space<semaphore_mem>>) src(%dma_wait3A_111 : memref<128x16xf32, #tpu.memory_space<vmem>>) dst(%dma_wait3A_117 : memref<10112x16xf32, #tpu.memory_space<vmem_shared>>)
    %dma_wait3A_118 = arith.constant 1 : i32
    %dma_wait3A_119 = arith.constant 3 : i32
    %dma_wait3A_120 = arith.constant 3 : i32
    %dma_wait3A_121 = arith.constant 0 : i32
    %dma_wait3A_122 = arith.constant 0 : i32
    %dma_wait3A_123 = tpu.memref_slice %arg8[%dma_wait3A_118, %dma_wait3A_119, %dma_wait3A_121, %dma_wait3A_122] : memref<2x4x128x16xf32, #tpu.memory_space<vmem>> -> memref<1x1x128x16xf32, #tpu.memory_space<vmem>>
    %dma_wait3A_124 = tpu.memref_squeeze %dma_wait3A_123 : memref<1x1x128x16xf32, #tpu.memory_space<vmem>> -> memref<128x16xf32, #tpu.memory_space<vmem>>
    %dma_wait3A_125 = arith.constant 0 : i32
    %dma_wait3A_126 = tpu.memref_slice %arg7[%dma_wait3A_120, %dma_wait3A_125] : memref<96x128xi32, #tpu.memory_space<vmem>> -> memref<1x128xi32, #tpu.memory_space<vmem>>
    %dma_wait3A_127 = tpu.memref_squeeze %dma_wait3A_126 : memref<1x128xi32, #tpu.memory_space<vmem>> -> memref<128xi32, #tpu.memory_space<vmem>>
    %dma_wait3A_128 = arith.constant 0 : i32
    %dma_wait3A_129 = arith.constant 0 : i32
    %dma_wait3A_130 = tpu.memref_slice %arg10[%dma_wait3A_128, %dma_wait3A_129] : memref<10112x16xf32, #tpu.memory_space<vmem_shared>> -> memref<10112x16xf32, #tpu.memory_space<vmem_shared>>
    tpu.wait_indirect_dma semaphore(%arg15 : memref<!tpu.dma_semaphore, #tpu.memory_space<semaphore_mem>>) src(%dma_wait3A_124 : memref<128x16xf32, #tpu.memory_space<vmem>>) dst(%dma_wait3A_130 : memref<10112x16xf32, #tpu.memory_space<vmem_shared>>)
    %barrier3A_131 = arith.constant 0 : index
    tpu.barrier barrier_id(%barrier3A_131)
    %mul3A_132 = arith.constant 632 : i32
    %mul3A_133 = arith.muli %arg1, %mul3A_132 : i32
    "tpu.region"() ({
      %run_scoped3A = tpu.sem_alloc : memref<!tpu.dma_semaphore, #tpu.memory_space<semaphore_mem>>
      %dma_start3A_136 = arith.constant 0 : i32
      %dma_start3A_137 = tpu.memref_slice %arg10[%mul3A_133, %dma_start3A_136] : memref<10112x16xf32, #tpu.memory_space<vmem_shared>> -> memref<632x16xf32, #tpu.memory_space<vmem_shared>>
      %dma_start3A_138 = arith.constant 0 : i32
      %dma_start3A_139 = tpu.memref_slice %arg10[%mul3A_133, %dma_start3A_138] : memref<10112x16xf32, #tpu.memory_space<vmem_shared>> -> memref<632x16xf32, #tpu.memory_space<vmem_shared>>
      tpu.enqueue_dma source(%dma_start3A_139 : memref<632x16xf32, #tpu.memory_space<vmem_shared>>) target(%arg9 : memref<632x16xf32, #tpu.memory_space<vmem>>) target_semaphore(%run_scoped3A : memref<!tpu.dma_semaphore, #tpu.memory_space<semaphore_mem>>)
      %dma_wait3A_140 = arith.constant 0 : i32
      %dma_wait3A_141 = tpu.memref_slice %arg10[%mul3A_133, %dma_wait3A_140] : memref<10112x16xf32, #tpu.memory_space<vmem_shared>> -> memref<632x16xf32, #tpu.memory_space<vmem_shared>>
      %dma_wait3A_142 = arith.constant 0 : i32
      %dma_wait3A_143 = tpu.memref_slice %arg10[%mul3A_133, %dma_wait3A_142] : memref<10112x16xf32, #tpu.memory_space<vmem_shared>> -> memref<632x16xf32, #tpu.memory_space<vmem_shared>>
      tpu.wait_dma2 semaphore(%run_scoped3A : memref<!tpu.dma_semaphore, #tpu.memory_space<semaphore_mem>>) src(%dma_wait3A_143 : memref<632x16xf32, #tpu.memory_space<vmem_shared>>) dst(%arg9 : memref<632x16xf32, #tpu.memory_space<vmem>>)
      tpu.yield
    }) : () -> ()
    %mul3A_134 = arith.constant 632 : i32
    %mul3A_135 = arith.muli %arg1, %mul3A_134 : i32
    "tpu.region"() ({
      %run_scoped3A = tpu.sem_alloc : memref<!tpu.dma_semaphore, #tpu.memory_space<semaphore_mem>>
      %dma_start3A_136 = arith.constant 0 : i32
      %dma_start3A_137 = tpu.memref_slice %arg5[%arg0, %mul3A_135, %dma_start3A_136] : memref<2x10112x16xf32, #tpu.memory_space<hbm>> -> memref<1x632x16xf32, #tpu.memory_space<hbm>>
      %dma_start3A_138 = tpu.memref_squeeze %dma_start3A_137 : memref<1x632x16xf32, #tpu.memory_space<hbm>> -> memref<632x16xf32, #tpu.memory_space<hbm>>
      %dma_start3A_139 = arith.constant 0 : i32
      %dma_start3A_140 = tpu.memref_slice %arg5[%arg0, %mul3A_135, %dma_start3A_139] : memref<2x10112x16xf32, #tpu.memory_space<hbm>> -> memref<1x632x16xf32, #tpu.memory_space<hbm>>
      %dma_start3A_141 = tpu.memref_squeeze %dma_start3A_140 : memref<1x632x16xf32, #tpu.memory_space<hbm>> -> memref<632x16xf32, #tpu.memory_space<hbm>>
      tpu.enqueue_dma source(%arg9 : memref<632x16xf32, #tpu.memory_space<vmem>>) target(%dma_start3A_141 : memref<632x16xf32, #tpu.memory_space<hbm>>) target_semaphore(%run_scoped3A : memref<!tpu.dma_semaphore, #tpu.memory_space<semaphore_mem>>)
      %dma_wait3A_142 = arith.constant 0 : i32
      %dma_wait3A_143 = tpu.memref_slice %arg5[%arg0, %mul3A_135, %dma_wait3A_142] : memref<2x10112x16xf32, #tpu.memory_space<hbm>> -> memref<1x632x16xf32, #tpu.memory_space<hbm>>
      %dma_wait3A_144 = tpu.memref_squeeze %dma_wait3A_143 : memref<1x632x16xf32, #tpu.memory_space<hbm>> -> memref<632x16xf32, #tpu.memory_space<hbm>>
      %dma_wait3A_145 = arith.constant 0 : i32
      %dma_wait3A_146 = tpu.memref_slice %arg5[%arg0, %mul3A_135, %dma_wait3A_145] : memref<2x10112x16xf32, #tpu.memory_space<hbm>> -> memref<1x632x16xf32, #tpu.memory_space<hbm>>
      %dma_wait3A_147 = tpu.memref_squeeze %dma_wait3A_146 : memref<1x632x16xf32, #tpu.memory_space<hbm>> -> memref<632x16xf32, #tpu.memory_space<hbm>>
      tpu.wait_dma2 semaphore(%run_scoped3A : memref<!tpu.dma_semaphore, #tpu.memory_space<semaphore_mem>>) src(%arg9 : memref<632x16xf32, #tpu.memory_space<vmem>>) dst(%dma_wait3A_147 : memref<632x16xf32, #tpu.memory_space<hbm>>)
      tpu.yield
    }) : () -> ()
    return
  }
}

#map = affine_map<(d0, d1) -> (0, 0)>
#map1 = affine_map<(d0, d1) -> (0, 0, 0)>
module attributes {stable_mosaic.version = 14 : i64} {
  func.func @_segsum_body(%arg0: i32, %arg1: i32, %arg2: memref<10112x16xf32, #tpu.memory_space<hbm>>, %arg3: memref<2560x128xi32, #tpu.memory_space<hbm>>, %arg4: memref<2560x128xi32, #tpu.memory_space<hbm>>, %arg5: memref<2x10112x16xf32, #tpu.memory_space<hbm>>, %arg6: memref<96x128xi32, #tpu.memory_space<vmem>>, %arg7: memref<96x128xi32, #tpu.memory_space<vmem>>, %arg8: memref<2x4x128x16xf32, #tpu.memory_space<vmem>>, %arg9: memref<632x16xf32, #tpu.memory_space<vmem>>, %arg10: memref<10112x16xf32, #tpu.memory_space<vmem_shared>>, %arg11: memref<10112x16xf32, #tpu.memory_space<vmem_shared>>, %arg12: memref<!tpu.dma_semaphore, #tpu.memory_space<semaphore_mem>>, %arg13: memref<!tpu.dma_semaphore, #tpu.memory_space<semaphore_mem>>, %arg14: memref<!tpu.dma_semaphore, #tpu.memory_space<semaphore_mem>>, %arg15: memref<!tpu.dma_semaphore, #tpu.memory_space<semaphore_mem>>) attributes {dimension_semantics = [#tpu.dimension_semantics<core_parallel>, #tpu.dimension_semantics<subcore_parallel>], iteration_bounds = array<i64: 2, 16>, scalar_prefetch = 0 : i64, scratch_operands = 10 : i64, tpu.core_type = #tpu.core_type<sc_vector_subcore>, window_params = [{transform_indices = #map}, {transform_indices = #map}, {transform_indices = #map}, {transform_indices = #map1}]} {
    %mul3A = arith.constant 632 : i32
    %mul3A_0 = arith.muli %arg1, %mul3A : i32
    %mul3A_1 = arith.constant 632 : i32
    %mul3A_2 = arith.muli %arg1, %mul3A_1 : i32
    "tpu.region"() ({
      %run_scoped3A = tpu.sem_alloc : memref<!tpu.dma_semaphore, #tpu.memory_space<semaphore_mem>>
      %dma_start3A_136 = arith.constant 0 : i32
      %dma_start3A_137 = tpu.memref_slice %arg11[%mul3A_2, %dma_start3A_136] : memref<10112x16xf32, #tpu.memory_space<vmem_shared>> -> memref<632x16xf32, #tpu.memory_space<vmem_shared>>
      %dma_start3A_138 = arith.constant 0 : i32
      %dma_start3A_139 = tpu.memref_slice %arg2[%mul3A_0, %dma_start3A_138] : memref<10112x16xf32, #tpu.memory_space<hbm>> -> memref<632x16xf32, #tpu.memory_space<hbm>>
      tpu.enqueue_dma source(%dma_start3A_139 : memref<632x16xf32, #tpu.memory_space<hbm>>) target(%dma_start3A_137 : memref<632x16xf32, #tpu.memory_space<vmem_shared>>) target_semaphore(%run_scoped3A : memref<!tpu.dma_semaphore, #tpu.memory_space<semaphore_mem>>)
      %dma_wait3A_140 = arith.constant 0 : i32
      %dma_wait3A_141 = tpu.memref_slice %arg11[%mul3A_2, %dma_wait3A_140] : memref<10112x16xf32, #tpu.memory_space<vmem_shared>> -> memref<632x16xf32, #tpu.memory_space<vmem_shared>>
      %dma_wait3A_142 = arith.constant 0 : i32
      %dma_wait3A_143 = tpu.memref_slice %arg2[%mul3A_0, %dma_wait3A_142] : memref<10112x16xf32, #tpu.memory_space<hbm>> -> memref<632x16xf32, #tpu.memory_space<hbm>>
      tpu.wait_dma2 semaphore(%run_scoped3A : memref<!tpu.dma_semaphore, #tpu.memory_space<semaphore_mem>>) src(%dma_wait3A_143 : memref<632x16xf32, #tpu.memory_space<hbm>>) dst(%dma_wait3A_141 : memref<632x16xf32, #tpu.memory_space<vmem_shared>>)
      tpu.yield
    }) : () -> ()
    %scan3A = arith.constant 0 : i32
    %scan3A_3 = arith.constant 0 : i32
    %scan3A_4 = arith.constant 632 : i32
    %scan3A_5 = arith.addi %scan3A_3, %scan3A_4 : i32
    %scan3A_6 = arith.constant 1 : i32
    scf.for %scan3A_136 = %scan3A_3 to %scan3A_5 step %scan3A_6  : i32 {
      %broadcast_in_dim3A = arith.constant 0.000000e+00 : f32
      %broadcast_in_dim3A_137 = vector.broadcast %broadcast_in_dim3A : f32 to vector<16xf32>
      %swap3A = arith.index_cast %scan3A_136 : i32 to index
      %swap3A_138 = arith.constant 0 : index
      %swap3A_139 = tpu.vector_load %arg9[%swap3A, %swap3A_138] {strides = array<i32>} : memref<632x16xf32, #tpu.memory_space<vmem>>, vector<1x16xf32>,
      %swap3A_140 = vector.shape_cast %swap3A_139 : vector<1x16xf32> to vector<16xf32>
      %swap3A_141 = vector.shape_cast %broadcast_in_dim3A_137 : vector<16xf32> to vector<1x16xf32>
      tpu.vector_store %arg9[%swap3A, %swap3A_138], %swap3A_141 {strides = array<i32>} : memref<632x16xf32, #tpu.memory_space<vmem>>, vector<1x16xf32>,
    }
    %scan3A_7 = arith.constant 632 : i32
    %mul3A_8 = arith.constant 632 : i32
    %mul3A_9 = arith.muli %arg1, %mul3A_8 : i32
    "tpu.region"() ({
      %run_scoped3A = tpu.sem_alloc : memref<!tpu.dma_semaphore, #tpu.memory_space<semaphore_mem>>
      %dma_start3A_136 = arith.constant 0 : i32
      %dma_start3A_137 = tpu.memref_slice %arg10[%mul3A_9, %dma_start3A_136] : memref<10112x16xf32, #tpu.memory_space<vmem_shared>> -> memref<632x16xf32, #tpu.memory_space<vmem_shared>>
      %dma_start3A_138 = arith.constant 0 : i32
      %dma_start3A_139 = tpu.memref_slice %arg10[%mul3A_9, %dma_start3A_138] : memref<10112x16xf32, #tpu.memory_space<vmem_shared>> -> memref<632x16xf32, #tpu.memory_space<vmem_shared>>
      tpu.enqueue_dma source(%arg9 : memref<632x16xf32, #tpu.memory_space<vmem>>) target(%dma_start3A_139 : memref<632x16xf32, #tpu.memory_space<vmem_shared>>) target_semaphore(%run_scoped3A : memref<!tpu.dma_semaphore, #tpu.memory_space<semaphore_mem>>)
      %dma_wait3A_140 = arith.constant 0 : i32
      %dma_wait3A_141 = tpu.memref_slice %arg10[%mul3A_9, %dma_wait3A_140] : memref<10112x16xf32, #tpu.memory_space<vmem_shared>> -> memref<632x16xf32, #tpu.memory_space<vmem_shared>>
      %dma_wait3A_142 = arith.constant 0 : i32
      %dma_wait3A_143 = tpu.memref_slice %arg10[%mul3A_9, %dma_wait3A_142] : memref<10112x16xf32, #tpu.memory_space<vmem_shared>> -> memref<632x16xf32, #tpu.memory_space<vmem_shared>>
      tpu.wait_dma2 semaphore(%run_scoped3A : memref<!tpu.dma_semaphore, #tpu.memory_space<semaphore_mem>>) src(%arg9 : memref<632x16xf32, #tpu.memory_space<vmem>>) dst(%dma_wait3A_143 : memref<632x16xf32, #tpu.memory_space<vmem_shared>>)
      tpu.yield
    }) : () -> ()
    %eq3A = arith.constant 0 : i32
    %eq3A_10 = arith.cmpi eq, %arg0, %eq3A : i32
    %convert_element_type3A = arith.extui %eq3A_10 : i1 to i32
    %cond3A = arith.constant 0 : i32
    %cond3A_11 = arith.cmpi ne, %convert_element_type3A, %cond3A : i32
    scf.if %cond3A_11 {
      %mul3A_136 = arith.constant 96 : i32
      %mul3A_137 = arith.muli %arg1, %mul3A_136 : i32
      "tpu.region"() ({
        %run_scoped3A = tpu.sem_alloc : memref<!tpu.dma_semaphore, #tpu.memory_space<semaphore_mem>>
        %dma_start3A_140 = arith.constant 0 : i32
        %dma_start3A_141 = tpu.memref_slice %arg3[%mul3A_137, %dma_start3A_140] : memref<2560x128xi32, #tpu.memory_space<hbm>> -> memref<96x128xi32, #tpu.memory_space<hbm>>
        %dma_start3A_142 = arith.constant 0 : i32
        %dma_start3A_143 = tpu.memref_slice %arg3[%mul3A_137, %dma_start3A_142] : memref<2560x128xi32, #tpu.memory_space<hbm>> -> memref<96x128xi32, #tpu.memory_space<hbm>>
        tpu.enqueue_dma source(%dma_start3A_143 : memref<96x128xi32, #tpu.memory_space<hbm>>) target(%arg6 : memref<96x128xi32, #tpu.memory_space<vmem>>) target_semaphore(%run_scoped3A : memref<!tpu.dma_semaphore, #tpu.memory_space<semaphore_mem>>)
        %dma_wait3A_144 = arith.constant 0 : i32
        %dma_wait3A_145 = tpu.memref_slice %arg3[%mul3A_137, %dma_wait3A_144] : memref<2560x128xi32, #tpu.memory_space<hbm>> -> memref<96x128xi32, #tpu.memory_space<hbm>>
        %dma_wait3A_146 = arith.constant 0 : i32
        %dma_wait3A_147 = tpu.memref_slice %arg3[%mul3A_137, %dma_wait3A_146] : memref<2560x128xi32, #tpu.memory_space<hbm>> -> memref<96x128xi32, #tpu.memory_space<hbm>>
        tpu.wait_dma2 semaphore(%run_scoped3A : memref<!tpu.dma_semaphore, #tpu.memory_space<semaphore_mem>>) src(%dma_wait3A_147 : memref<96x128xi32, #tpu.memory_space<hbm>>) dst(%arg6 : memref<96x128xi32, #tpu.memory_space<vmem>>)
        tpu.yield
      }) : () -> ()
      %mul3A_138 = arith.constant 96 : i32
      %mul3A_139 = arith.muli %arg1, %mul3A_138 : i32
      "tpu.region"() ({
        %run_scoped3A = tpu.sem_alloc : memref<!tpu.dma_semaphore, #tpu.memory_space<semaphore_mem>>
        %dma_start3A_140 = arith.constant 0 : i32
        %dma_start3A_141 = tpu.memref_slice %arg4[%mul3A_139, %dma_start3A_140] : memref<2560x128xi32, #tpu.memory_space<hbm>> -> memref<96x128xi32, #tpu.memory_space<hbm>>
        %dma_start3A_142 = arith.constant 0 : i32
        %dma_start3A_143 = tpu.memref_slice %arg4[%mul3A_139, %dma_start3A_142] : memref<2560x128xi32, #tpu.memory_space<hbm>> -> memref<96x128xi32, #tpu.memory_space<hbm>>
        tpu.enqueue_dma source(%dma_start3A_143 : memref<96x128xi32, #tpu.memory_space<hbm>>) target(%arg7 : memref<96x128xi32, #tpu.memory_space<vmem>>) target_semaphore(%run_scoped3A : memref<!tpu.dma_semaphore, #tpu.memory_space<semaphore_mem>>)
        %dma_wait3A_144 = arith.constant 0 : i32
        %dma_wait3A_145 = tpu.memref_slice %arg4[%mul3A_139, %dma_wait3A_144] : memref<2560x128xi32, #tpu.memory_space<hbm>> -> memref<96x128xi32, #tpu.memory_space<hbm>>
        %dma_wait3A_146 = arith.constant 0 : i32
        %dma_wait3A_147 = tpu.memref_slice %arg4[%mul3A_139, %dma_wait3A_146] : memref<2560x128xi32, #tpu.memory_space<hbm>> -> memref<96x128xi32, #tpu.memory_space<hbm>>
        tpu.wait_dma2 semaphore(%run_scoped3A : memref<!tpu.dma_semaphore, #tpu.memory_space<semaphore_mem>>) src(%dma_wait3A_147 : memref<96x128xi32, #tpu.memory_space<hbm>>) dst(%arg7 : memref<96x128xi32, #tpu.memory_space<vmem>>)
        tpu.yield
      }) : () -> ()
    } else {
    }
    %eq3A_12 = arith.constant 1 : i32
    %eq3A_13 = arith.cmpi eq, %arg0, %eq3A_12 : i32
    %convert_element_type3A_14 = arith.extui %eq3A_13 : i1 to i32
    %cond3A_15 = arith.constant 0 : i32
    %cond3A_16 = arith.cmpi ne, %convert_element_type3A_14, %cond3A_15 : i32
    scf.if %cond3A_16 {
      %mul3A_136 = arith.constant 64 : i32
      %mul3A_137 = arith.muli %arg1, %mul3A_136 : i32
      %add3A = arith.constant 1536 : i32
      %add3A_138 = arith.addi %add3A, %mul3A_137 : i32
      "tpu.region"() ({
        %run_scoped3A = tpu.sem_alloc : memref<!tpu.dma_semaphore, #tpu.memory_space<semaphore_mem>>
        %dma_start3A_143 = arith.constant 0 : i32
        %dma_start3A_144 = arith.constant 0 : i32
        %dma_start3A_145 = tpu.memref_slice %arg6[%dma_start3A_143, %dma_start3A_144] : memref<96x128xi32, #tpu.memory_space<vmem>> -> memref<64x128xi32, #tpu.memory_space<vmem>>
        %dma_start3A_146 = arith.constant 0 : i32
        %dma_start3A_147 = tpu.memref_slice %arg3[%add3A_138, %dma_start3A_146] : memref<2560x128xi32, #tpu.memory_space<hbm>> -> memref<64x128xi32, #tpu.memory_space<hbm>>
        %dma_start3A_148 = arith.constant 0 : i32
        %dma_start3A_149 = arith.constant 0 : i32
        %dma_start3A_150 = tpu.memref_slice %arg6[%dma_start3A_148, %dma_start3A_149] : memref<96x128xi32, #tpu.memory_space<vmem>> -> memref<64x128xi32, #tpu.memory_space<vmem>>
        %dma_start3A_151 = arith.constant 0 : i32
        %dma_start3A_152 = tpu.memref_slice %arg3[%add3A_138, %dma_start3A_151] : memref<2560x128xi32, #tpu.memory_space<hbm>> -> memref<64x128xi32, #tpu.memory_space<hbm>>
        tpu.enqueue_dma source(%dma_start3A_152 : memref<64x128xi32, #tpu.memory_space<hbm>>) target(%dma_start3A_150 : memref<64x128xi32, #tpu.memory_space<vmem>>) target_semaphore(%run_scoped3A : memref<!tpu.dma_semaphore, #tpu.memory_space<semaphore_mem>>)
        %dma_wait3A_153 = arith.constant 0 : i32
        %dma_wait3A_154 = arith.constant 0 : i32
        %dma_wait3A_155 = tpu.memref_slice %arg6[%dma_wait3A_153, %dma_wait3A_154] : memref<96x128xi32, #tpu.memory_space<vmem>> -> memref<64x128xi32, #tpu.memory_space<vmem>>
        %dma_wait3A_156 = arith.constant 0 : i32
        %dma_wait3A_157 = tpu.memref_slice %arg3[%add3A_138, %dma_wait3A_156] : memref<2560x128xi32, #tpu.memory_space<hbm>> -> memref<64x128xi32, #tpu.memory_space<hbm>>
        %dma_wait3A_158 = arith.constant 0 : i32
        %dma_wait3A_159 = arith.constant 0 : i32
        %dma_wait3A_160 = tpu.memref_slice %arg6[%dma_wait3A_158, %dma_wait3A_159] : memref<96x128xi32, #tpu.memory_space<vmem>> -> memref<64x128xi32, #tpu.memory_space<vmem>>
        %dma_wait3A_161 = arith.constant 0 : i32
        %dma_wait3A_162 = tpu.memref_slice %arg3[%add3A_138, %dma_wait3A_161] : memref<2560x128xi32, #tpu.memory_space<hbm>> -> memref<64x128xi32, #tpu.memory_space<hbm>>
        tpu.wait_dma2 semaphore(%run_scoped3A : memref<!tpu.dma_semaphore, #tpu.memory_space<semaphore_mem>>) src(%dma_wait3A_162 : memref<64x128xi32, #tpu.memory_space<hbm>>) dst(%dma_wait3A_160 : memref<64x128xi32, #tpu.memory_space<vmem>>)
        tpu.yield
      }) : () -> ()
      %mul3A_139 = arith.constant 64 : i32
      %mul3A_140 = arith.muli %arg1, %mul3A_139 : i32
      %add3A_141 = arith.constant 1536 : i32
      %add3A_142 = arith.addi %add3A_141, %mul3A_140 : i32
      "tpu.region"() ({
        %run_scoped3A = tpu.sem_alloc : memref<!tpu.dma_semaphore, #tpu.memory_space<semaphore_mem>>
        %dma_start3A_143 = arith.constant 0 : i32
        %dma_start3A_144 = arith.constant 0 : i32
        %dma_start3A_145 = tpu.memref_slice %arg7[%dma_start3A_143, %dma_start3A_144] : memref<96x128xi32, #tpu.memory_space<vmem>> -> memref<64x128xi32, #tpu.memory_space<vmem>>
        %dma_start3A_146 = arith.constant 0 : i32
        %dma_start3A_147 = tpu.memref_slice %arg4[%add3A_142, %dma_start3A_146] : memref<2560x128xi32, #tpu.memory_space<hbm>> -> memref<64x128xi32, #tpu.memory_space<hbm>>
        %dma_start3A_148 = arith.constant 0 : i32
        %dma_start3A_149 = arith.constant 0 : i32
        %dma_start3A_150 = tpu.memref_slice %arg7[%dma_start3A_148, %dma_start3A_149] : memref<96x128xi32, #tpu.memory_space<vmem>> -> memref<64x128xi32, #tpu.memory_space<vmem>>
        %dma_start3A_151 = arith.constant 0 : i32
        %dma_start3A_152 = tpu.memref_slice %arg4[%add3A_142, %dma_start3A_151] : memref<2560x128xi32, #tpu.memory_space<hbm>> -> memref<64x128xi32, #tpu.memory_space<hbm>>
        tpu.enqueue_dma source(%dma_start3A_152 : memref<64x128xi32, #tpu.memory_space<hbm>>) target(%dma_start3A_150 : memref<64x128xi32, #tpu.memory_space<vmem>>) target_semaphore(%run_scoped3A : memref<!tpu.dma_semaphore, #tpu.memory_space<semaphore_mem>>)
        %dma_wait3A_153 = arith.constant 0 : i32
        %dma_wait3A_154 = arith.constant 0 : i32
        %dma_wait3A_155 = tpu.memref_slice %arg7[%dma_wait3A_153, %dma_wait3A_154] : memref<96x128xi32, #tpu.memory_space<vmem>> -> memref<64x128xi32, #tpu.memory_space<vmem>>
        %dma_wait3A_156 = arith.constant 0 : i32
        %dma_wait3A_157 = tpu.memref_slice %arg4[%add3A_142, %dma_wait3A_156] : memref<2560x128xi32, #tpu.memory_space<hbm>> -> memref<64x128xi32, #tpu.memory_space<hbm>>
        %dma_wait3A_158 = arith.constant 0 : i32
        %dma_wait3A_159 = arith.constant 0 : i32
        %dma_wait3A_160 = tpu.memref_slice %arg7[%dma_wait3A_158, %dma_wait3A_159] : memref<96x128xi32, #tpu.memory_space<vmem>> -> memref<64x128xi32, #tpu.memory_space<vmem>>
        %dma_wait3A_161 = arith.constant 0 : i32
        %dma_wait3A_162 = tpu.memref_slice %arg4[%add3A_142, %dma_wait3A_161] : memref<2560x128xi32, #tpu.memory_space<hbm>> -> memref<64x128xi32, #tpu.memory_space<hbm>>
        tpu.wait_dma2 semaphore(%run_scoped3A : memref<!tpu.dma_semaphore, #tpu.memory_space<semaphore_mem>>) src(%dma_wait3A_162 : memref<64x128xi32, #tpu.memory_space<hbm>>) dst(%dma_wait3A_160 : memref<64x128xi32, #tpu.memory_space<vmem>>)
        tpu.yield
      }) : () -> ()
    } else {
    }
    %barrier3A = arith.constant 0 : index
    tpu.barrier barrier_id(%barrier3A)
    %eq3A_17 = arith.constant 0 : i32
    %eq3A_18 = arith.cmpi eq, %arg0, %eq3A_17 : i32
    %jit3A = arith.constant 12 : i32
    %jit3A_19 = arith.constant 8 : i32
    %select_n3A = arith.select %eq3A_18, %jit3A, %jit3A_19 : i32
    %dma_start3A = arith.constant 0 : i32
    %dma_start3A_20 = arith.constant 0 : i32
    %dma_start3A_21 = arith.constant 0 : i32
    %dma_start3A_22 = arith.constant 0 : i32
    %dma_start3A_23 = arith.constant 0 : i32
    %dma_start3A_24 = tpu.memref_slice %arg8[%dma_start3A_20, %dma_start3A_21, %dma_start3A_22, %dma_start3A_23] : memref<2x4x128x16xf32, #tpu.memory_space<vmem>> -> memref<1x1x128x16xf32, #tpu.memory_space<vmem>>
    %dma_start3A_25 = tpu.memref_squeeze %dma_start3A_24 : memref<1x1x128x16xf32, #tpu.memory_space<vmem>> -> memref<128x16xf32, #tpu.memory_space<vmem>>
    %dma_start3A_26 = arith.constant 0 : i32
    %dma_start3A_27 = tpu.memref_slice %arg6[%dma_start3A, %dma_start3A_26] : memref<96x128xi32, #tpu.memory_space<vmem>> -> memref<1x128xi32, #tpu.memory_space<vmem>>
    %dma_start3A_28 = tpu.memref_squeeze %dma_start3A_27 : memref<1x128xi32, #tpu.memory_space<vmem>> -> memref<128xi32, #tpu.memory_space<vmem>>
    %dma_start3A_29 = arith.constant 0 : i32
    %dma_start3A_30 = arith.constant 0 : i32
    %dma_start3A_31 = tpu.memref_slice %arg11[%dma_start3A_29, %dma_start3A_30] : memref<10112x16xf32, #tpu.memory_space<vmem_shared>> -> memref<10112x16xf32, #tpu.memory_space<vmem_shared>>
    tpu.enqueue_indirect_dma source(%dma_start3A_31 : memref<10112x16xf32, #tpu.memory_space<vmem_shared>>) target(%dma_start3A_25 : memref<128x16xf32, #tpu.memory_space<vmem>>) offsets(%dma_start3A_28 : memref<128xi32, #tpu.memory_space<vmem>>) semaphore(%arg12 : memref<!tpu.dma_semaphore, #tpu.memory_space<semaphore_mem>>)
    %dma_start3A_32 = arith.constant 1 : i32
    %dma_start3A_33 = arith.constant 0 : i32
    %dma_start3A_34 = arith.constant 1 : i32
    %dma_start3A_35 = arith.constant 0 : i32
    %dma_start3A_36 = arith.constant 0 : i32
    %dma_start3A_37 = tpu.memref_slice %arg8[%dma_start3A_33, %dma_start3A_34, %dma_start3A_35, %dma_start3A_36] : memref<2x4x128x16xf32, #tpu.memory_space<vmem>> -> memref<1x1x128x16xf32, #tpu.memory_space<vmem>>
    %dma_start3A_38 = tpu.memref_squeeze %dma_start3A_37 : memref<1x1x128x16xf32, #tpu.memory_space<vmem>> -> memref<128x16xf32, #tpu.memory_space<vmem>>
    %dma_start3A_39 = arith.constant 0 : i32
    %dma_start3A_40 = tpu.memref_slice %arg6[%dma_start3A_32, %dma_start3A_39] : memref<96x128xi32, #tpu.memory_space<vmem>> -> memref<1x128xi32, #tpu.memory_space<vmem>>
    %dma_start3A_41 = tpu.memref_squeeze %dma_start3A_40 : memref<1x128xi32, #tpu.memory_space<vmem>> -> memref<128xi32, #tpu.memory_space<vmem>>
    %dma_start3A_42 = arith.constant 0 : i32
    %dma_start3A_43 = arith.constant 0 : i32
    %dma_start3A_44 = tpu.memref_slice %arg11[%dma_start3A_42, %dma_start3A_43] : memref<10112x16xf32, #tpu.memory_space<vmem_shared>> -> memref<10112x16xf32, #tpu.memory_space<vmem_shared>>
    tpu.enqueue_indirect_dma source(%dma_start3A_44 : memref<10112x16xf32, #tpu.memory_space<vmem_shared>>) target(%dma_start3A_38 : memref<128x16xf32, #tpu.memory_space<vmem>>) offsets(%dma_start3A_41 : memref<128xi32, #tpu.memory_space<vmem>>) semaphore(%arg12 : memref<!tpu.dma_semaphore, #tpu.memory_space<semaphore_mem>>)
    %dma_start3A_45 = arith.constant 2 : i32
    %dma_start3A_46 = arith.constant 0 : i32
    %dma_start3A_47 = arith.constant 2 : i32
    %dma_start3A_48 = arith.constant 0 : i32
    %dma_start3A_49 = arith.constant 0 : i32
    %dma_start3A_50 = tpu.memref_slice %arg8[%dma_start3A_46, %dma_start3A_47, %dma_start3A_48, %dma_start3A_49] : memref<2x4x128x16xf32, #tpu.memory_space<vmem>> -> memref<1x1x128x16xf32, #tpu.memory_space<vmem>>
    %dma_start3A_51 = tpu.memref_squeeze %dma_start3A_50 : memref<1x1x128x16xf32, #tpu.memory_space<vmem>> -> memref<128x16xf32, #tpu.memory_space<vmem>>
    %dma_start3A_52 = arith.constant 0 : i32
    %dma_start3A_53 = tpu.memref_slice %arg6[%dma_start3A_45, %dma_start3A_52] : memref<96x128xi32, #tpu.memory_space<vmem>> -> memref<1x128xi32, #tpu.memory_space<vmem>>
    %dma_start3A_54 = tpu.memref_squeeze %dma_start3A_53 : memref<1x128xi32, #tpu.memory_space<vmem>> -> memref<128xi32, #tpu.memory_space<vmem>>
    %dma_start3A_55 = arith.constant 0 : i32
    %dma_start3A_56 = arith.constant 0 : i32
    %dma_start3A_57 = tpu.memref_slice %arg11[%dma_start3A_55, %dma_start3A_56] : memref<10112x16xf32, #tpu.memory_space<vmem_shared>> -> memref<10112x16xf32, #tpu.memory_space<vmem_shared>>
    tpu.enqueue_indirect_dma source(%dma_start3A_57 : memref<10112x16xf32, #tpu.memory_space<vmem_shared>>) target(%dma_start3A_51 : memref<128x16xf32, #tpu.memory_space<vmem>>) offsets(%dma_start3A_54 : memref<128xi32, #tpu.memory_space<vmem>>) semaphore(%arg12 : memref<!tpu.dma_semaphore, #tpu.memory_space<semaphore_mem>>)
    %dma_start3A_58 = arith.constant 3 : i32
    %dma_start3A_59 = arith.constant 0 : i32
    %dma_start3A_60 = arith.constant 3 : i32
    %dma_start3A_61 = arith.constant 0 : i32
    %dma_start3A_62 = arith.constant 0 : i32
    %dma_start3A_63 = tpu.memref_slice %arg8[%dma_start3A_59, %dma_start3A_60, %dma_start3A_61, %dma_start3A_62] : memref<2x4x128x16xf32, #tpu.memory_space<vmem>> -> memref<1x1x128x16xf32, #tpu.memory_space<vmem>>
    %dma_start3A_64 = tpu.memref_squeeze %dma_start3A_63 : memref<1x1x128x16xf32, #tpu.memory_space<vmem>> -> memref<128x16xf32, #tpu.memory_space<vmem>>
    %dma_start3A_65 = arith.constant 0 : i32
    %dma_start3A_66 = tpu.memref_slice %arg6[%dma_start3A_58, %dma_start3A_65] : memref<96x128xi32, #tpu.memory_space<vmem>> -> memref<1x128xi32, #tpu.memory_space<vmem>>
    %dma_start3A_67 = tpu.memref_squeeze %dma_start3A_66 : memref<1x128xi32, #tpu.memory_space<vmem>> -> memref<128xi32, #tpu.memory_space<vmem>>
    %dma_start3A_68 = arith.constant 0 : i32
    %dma_start3A_69 = arith.constant 0 : i32
    %dma_start3A_70 = tpu.memref_slice %arg11[%dma_start3A_68, %dma_start3A_69] : memref<10112x16xf32, #tpu.memory_space<vmem_shared>> -> memref<10112x16xf32, #tpu.memory_space<vmem_shared>>
    tpu.enqueue_indirect_dma source(%dma_start3A_70 : memref<10112x16xf32, #tpu.memory_space<vmem_shared>>) target(%dma_start3A_64 : memref<128x16xf32, #tpu.memory_space<vmem>>) offsets(%dma_start3A_67 : memref<128xi32, #tpu.memory_space<vmem>>) semaphore(%arg12 : memref<!tpu.dma_semaphore, #tpu.memory_space<semaphore_mem>>)
    %while3A = arith.constant 0 : i32
    %while3A_71 = arith.constant 0 : i32
    %while3A_72 = arith.subi %select_n3A, %while3A_71 : i32
    %while3A_73 = arith.addi %while3A_71, %while3A_72 : i32
    %while3A_74 = arith.constant 1 : i32
    %while3A_75 = arith.divsi %while3A_72, %while3A_74 : i32
    %while3A_76 = arith.muli %while3A_75, %while3A_74 : i32
    %while3A_77 = arith.addi %while3A_71, %while3A_76 : i32
    %while3A_78 = arith.constant 1 : i32
    scf.for %while3A_136 = %while3A_71 to %while3A_77 step %while3A_78  : i32 {
      %mul3A_137 = arith.constant 2 : i32
      %mul3A_138 = arith.muli %mul3A_137, %while3A_136 : i32
      %dma_wait3A_139 = arith.constant 0 : i32
      %dma_wait3A_140 = arith.constant 0 : i32
      %dma_wait3A_141 = arith.constant 0 : i32
      %dma_wait3A_142 = arith.constant 0 : i32
      %dma_wait3A_143 = arith.constant 0 : i32
      %dma_wait3A_144 = tpu.memref_slice %arg8[%dma_wait3A_140, %dma_wait3A_141, %dma_wait3A_142, %dma_wait3A_143] : memref<2x4x128x16xf32, #tpu.memory_space<vmem>> -> memref<1x1x128x16xf32, #tpu.memory_space<vmem>>
      %dma_wait3A_145 = tpu.memref_squeeze %dma_wait3A_144 : memref<1x1x128x16xf32, #tpu.memory_space<vmem>> -> memref<128x16xf32, #tpu.memory_space<vmem>>
      %dma_wait3A_146 = arith.constant 0 : i32
      %dma_wait3A_147 = tpu.memref_slice %arg6[%dma_wait3A_139, %dma_wait3A_146] : memref<96x128xi32, #tpu.memory_space<vmem>> -> memref<1x128xi32, #tpu.memory_space<vmem>>
      %dma_wait3A_148 = tpu.memref_squeeze %dma_wait3A_147 : memref<1x128xi32, #tpu.memory_space<vmem>> -> memref<128xi32, #tpu.memory_space<vmem>>
      %dma_wait3A_149 = arith.constant 0 : i32
      %dma_wait3A_150 = arith.constant 0 : i32
      %dma_wait3A_151 = tpu.memref_slice %arg11[%dma_wait3A_149, %dma_wait3A_150] : memref<10112x16xf32, #tpu.memory_space<vmem_shared>> -> memref<10112x16xf32, #tpu.memory_space<vmem_shared>>
      tpu.wait_indirect_dma semaphore(%arg12 : memref<!tpu.dma_semaphore, #tpu.memory_space<semaphore_mem>>) src(%dma_wait3A_151 : memref<10112x16xf32, #tpu.memory_space<vmem_shared>>) dst(%dma_wait3A_145 : memref<128x16xf32, #tpu.memory_space<vmem>>)
      %dma_wait3A_152 = arith.constant 1 : i32
      %dma_wait3A_153 = arith.constant 0 : i32
      %dma_wait3A_154 = arith.constant 1 : i32
      %dma_wait3A_155 = arith.constant 0 : i32
      %dma_wait3A_156 = arith.constant 0 : i32
      %dma_wait3A_157 = tpu.memref_slice %arg8[%dma_wait3A_153, %dma_wait3A_154, %dma_wait3A_155, %dma_wait3A_156] : memref<2x4x128x16xf32, #tpu.memory_space<vmem>> -> memref<1x1x128x16xf32, #tpu.memory_space<vmem>>
      %dma_wait3A_158 = tpu.memref_squeeze %dma_wait3A_157 : memref<1x1x128x16xf32, #tpu.memory_space<vmem>> -> memref<128x16xf32, #tpu.memory_space<vmem>>
      %dma_wait3A_159 = arith.constant 0 : i32
      %dma_wait3A_160 = tpu.memref_slice %arg6[%dma_wait3A_152, %dma_wait3A_159] : memref<96x128xi32, #tpu.memory_space<vmem>> -> memref<1x128xi32, #tpu.memory_space<vmem>>
      %dma_wait3A_161 = tpu.memref_squeeze %dma_wait3A_160 : memref<1x128xi32, #tpu.memory_space<vmem>> -> memref<128xi32, #tpu.memory_space<vmem>>
      %dma_wait3A_162 = arith.constant 0 : i32
      %dma_wait3A_163 = arith.constant 0 : i32
      %dma_wait3A_164 = tpu.memref_slice %arg11[%dma_wait3A_162, %dma_wait3A_163] : memref<10112x16xf32, #tpu.memory_space<vmem_shared>> -> memref<10112x16xf32, #tpu.memory_space<vmem_shared>>
      tpu.wait_indirect_dma semaphore(%arg12 : memref<!tpu.dma_semaphore, #tpu.memory_space<semaphore_mem>>) src(%dma_wait3A_164 : memref<10112x16xf32, #tpu.memory_space<vmem_shared>>) dst(%dma_wait3A_158 : memref<128x16xf32, #tpu.memory_space<vmem>>)
      %dma_wait3A_165 = arith.constant 2 : i32
      %dma_wait3A_166 = arith.constant 0 : i32
      %dma_wait3A_167 = arith.constant 2 : i32
      %dma_wait3A_168 = arith.constant 0 : i32
      %dma_wait3A_169 = arith.constant 0 : i32
      %dma_wait3A_170 = tpu.memref_slice %arg8[%dma_wait3A_166, %dma_wait3A_167, %dma_wait3A_168, %dma_wait3A_169] : memref<2x4x128x16xf32, #tpu.memory_space<vmem>> -> memref<1x1x128x16xf32, #tpu.memory_space<vmem>>
      %dma_wait3A_171 = tpu.memref_squeeze %dma_wait3A_170 : memref<1x1x128x16xf32, #tpu.memory_space<vmem>> -> memref<128x16xf32, #tpu.memory_space<vmem>>
      %dma_wait3A_172 = arith.constant 0 : i32
      %dma_wait3A_173 = tpu.memref_slice %arg6[%dma_wait3A_165, %dma_wait3A_172] : memref<96x128xi32, #tpu.memory_space<vmem>> -> memref<1x128xi32, #tpu.memory_space<vmem>>
      %dma_wait3A_174 = tpu.memref_squeeze %dma_wait3A_173 : memref<1x128xi32, #tpu.memory_space<vmem>> -> memref<128xi32, #tpu.memory_space<vmem>>
      %dma_wait3A_175 = arith.constant 0 : i32
      %dma_wait3A_176 = arith.constant 0 : i32
      %dma_wait3A_177 = tpu.memref_slice %arg11[%dma_wait3A_175, %dma_wait3A_176] : memref<10112x16xf32, #tpu.memory_space<vmem_shared>> -> memref<10112x16xf32, #tpu.memory_space<vmem_shared>>
      tpu.wait_indirect_dma semaphore(%arg12 : memref<!tpu.dma_semaphore, #tpu.memory_space<semaphore_mem>>) src(%dma_wait3A_177 : memref<10112x16xf32, #tpu.memory_space<vmem_shared>>) dst(%dma_wait3A_171 : memref<128x16xf32, #tpu.memory_space<vmem>>)
      %dma_wait3A_178 = arith.constant 3 : i32
      %dma_wait3A_179 = arith.constant 0 : i32
      %dma_wait3A_180 = arith.constant 3 : i32
      %dma_wait3A_181 = arith.constant 0 : i32
      %dma_wait3A_182 = arith.constant 0 : i32
      %dma_wait3A_183 = tpu.memref_slice %arg8[%dma_wait3A_179, %dma_wait3A_180, %dma_wait3A_181, %dma_wait3A_182] : memref<2x4x128x16xf32, #tpu.memory_space<vmem>> -> memref<1x1x128x16xf32, #tpu.memory_space<vmem>>
      %dma_wait3A_184 = tpu.memref_squeeze %dma_wait3A_183 : memref<1x1x128x16xf32, #tpu.memory_space<vmem>> -> memref<128x16xf32, #tpu.memory_space<vmem>>
      %dma_wait3A_185 = arith.constant 0 : i32
      %dma_wait3A_186 = tpu.memref_slice %arg6[%dma_wait3A_178, %dma_wait3A_185] : memref<96x128xi32, #tpu.memory_space<vmem>> -> memref<1x128xi32, #tpu.memory_space<vmem>>
      %dma_wait3A_187 = tpu.memref_squeeze %dma_wait3A_186 : memref<1x128xi32, #tpu.memory_space<vmem>> -> memref<128xi32, #tpu.memory_space<vmem>>
      %dma_wait3A_188 = arith.constant 0 : i32
      %dma_wait3A_189 = arith.constant 0 : i32
      %dma_wait3A_190 = tpu.memref_slice %arg11[%dma_wait3A_188, %dma_wait3A_189] : memref<10112x16xf32, #tpu.memory_space<vmem_shared>> -> memref<10112x16xf32, #tpu.memory_space<vmem_shared>>
      tpu.wait_indirect_dma semaphore(%arg12 : memref<!tpu.dma_semaphore, #tpu.memory_space<semaphore_mem>>) src(%dma_wait3A_190 : memref<10112x16xf32, #tpu.memory_space<vmem_shared>>) dst(%dma_wait3A_184 : memref<128x16xf32, #tpu.memory_space<vmem>>)
      %ge3A = arith.constant 1 : i32
      %ge3A_191 = arith.cmpi sge, %while3A_136, %ge3A : i32
      %convert_element_type3A_192 = arith.extui %ge3A_191 : i1 to i32
      %cond3A_193 = arith.constant 0 : i32
      %cond3A_194 = arith.cmpi ne, %convert_element_type3A_192, %cond3A_193 : i32
      scf.if %cond3A_194 {
        %dma_wait3A_501 = arith.constant 1 : i32
        %dma_wait3A_502 = arith.constant 0 : i32
        %dma_wait3A_503 = arith.constant 0 : i32
        %dma_wait3A_504 = arith.constant 0 : i32
        %dma_wait3A_505 = arith.constant 0 : i32
        %dma_wait3A_506 = tpu.memref_slice %arg8[%dma_wait3A_501, %dma_wait3A_502, %dma_wait3A_504, %dma_wait3A_505] : memref<2x4x128x16xf32, #tpu.memory_space<vmem>> -> memref<1x1x128x16xf32, #tpu.memory_space<vmem>>
        %dma_wait3A_507 = tpu.memref_squeeze %dma_wait3A_506 : memref<1x1x128x16xf32, #tpu.memory_space<vmem>> -> memref<128x16xf32, #tpu.memory_space<vmem>>
        %dma_wait3A_508 = arith.constant 0 : i32
        %dma_wait3A_509 = tpu.memref_slice %arg7[%dma_wait3A_503, %dma_wait3A_508] : memref<96x128xi32, #tpu.memory_space<vmem>> -> memref<1x128xi32, #tpu.memory_space<vmem>>
        %dma_wait3A_510 = tpu.memref_squeeze %dma_wait3A_509 : memref<1x128xi32, #tpu.memory_space<vmem>> -> memref<128xi32, #tpu.memory_space<vmem>>
        %dma_wait3A_511 = arith.constant 0 : i32
        %dma_wait3A_512 = arith.constant 0 : i32
        %dma_wait3A_513 = tpu.memref_slice %arg10[%dma_wait3A_511, %dma_wait3A_512] : memref<10112x16xf32, #tpu.memory_space<vmem_shared>> -> memref<10112x16xf32, #tpu.memory_space<vmem_shared>>
        tpu.wait_indirect_dma semaphore(%arg15 : memref<!tpu.dma_semaphore, #tpu.memory_space<semaphore_mem>>) src(%dma_wait3A_507 : memref<128x16xf32, #tpu.memory_space<vmem>>) dst(%dma_wait3A_513 : memref<10112x16xf32, #tpu.memory_space<vmem_shared>>)
        %dma_wait3A_514 = arith.constant 1 : i32
        %dma_wait3A_515 = arith.constant 1 : i32
        %dma_wait3A_516 = arith.constant 1 : i32
        %dma_wait3A_517 = arith.constant 0 : i32
        %dma_wait3A_518 = arith.constant 0 : i32
        %dma_wait3A_519 = tpu.memref_slice %arg8[%dma_wait3A_514, %dma_wait3A_515, %dma_wait3A_517, %dma_wait3A_518] : memref<2x4x128x16xf32, #tpu.memory_space<vmem>> -> memref<1x1x128x16xf32, #tpu.memory_space<vmem>>
        %dma_wait3A_520 = tpu.memref_squeeze %dma_wait3A_519 : memref<1x1x128x16xf32, #tpu.memory_space<vmem>> -> memref<128x16xf32, #tpu.memory_space<vmem>>
        %dma_wait3A_521 = arith.constant 0 : i32
        %dma_wait3A_522 = tpu.memref_slice %arg7[%dma_wait3A_516, %dma_wait3A_521] : memref<96x128xi32, #tpu.memory_space<vmem>> -> memref<1x128xi32, #tpu.memory_space<vmem>>
        %dma_wait3A_523 = tpu.memref_squeeze %dma_wait3A_522 : memref<1x128xi32, #tpu.memory_space<vmem>> -> memref<128xi32, #tpu.memory_space<vmem>>
        %dma_wait3A_524 = arith.constant 0 : i32
        %dma_wait3A_525 = arith.constant 0 : i32
        %dma_wait3A_526 = tpu.memref_slice %arg10[%dma_wait3A_524, %dma_wait3A_525] : memref<10112x16xf32, #tpu.memory_space<vmem_shared>> -> memref<10112x16xf32, #tpu.memory_space<vmem_shared>>
        tpu.wait_indirect_dma semaphore(%arg15 : memref<!tpu.dma_semaphore, #tpu.memory_space<semaphore_mem>>) src(%dma_wait3A_520 : memref<128x16xf32, #tpu.memory_space<vmem>>) dst(%dma_wait3A_526 : memref<10112x16xf32, #tpu.memory_space<vmem_shared>>)
        %dma_wait3A_527 = arith.constant 1 : i32
        %dma_wait3A_528 = arith.constant 2 : i32
        %dma_wait3A_529 = arith.constant 2 : i32
        %dma_wait3A_530 = arith.constant 0 : i32
        %dma_wait3A_531 = arith.constant 0 : i32
        %dma_wait3A_532 = tpu.memref_slice %arg8[%dma_wait3A_527, %dma_wait3A_528, %dma_wait3A_530, %dma_wait3A_531] : memref<2x4x128x16xf32, #tpu.memory_space<vmem>> -> memref<1x1x128x16xf32, #tpu.memory_space<vmem>>
        %dma_wait3A_533 = tpu.memref_squeeze %dma_wait3A_532 : memref<1x1x128x16xf32, #tpu.memory_space<vmem>> -> memref<128x16xf32, #tpu.memory_space<vmem>>
        %dma_wait3A_534 = arith.constant 0 : i32
        %dma_wait3A_535 = tpu.memref_slice %arg7[%dma_wait3A_529, %dma_wait3A_534] : memref<96x128xi32, #tpu.memory_space<vmem>> -> memref<1x128xi32, #tpu.memory_space<vmem>>
        %dma_wait3A_536 = tpu.memref_squeeze %dma_wait3A_535 : memref<1x128xi32, #tpu.memory_space<vmem>> -> memref<128xi32, #tpu.memory_space<vmem>>
        %dma_wait3A_537 = arith.constant 0 : i32
        %dma_wait3A_538 = arith.constant 0 : i32
        %dma_wait3A_539 = tpu.memref_slice %arg10[%dma_wait3A_537, %dma_wait3A_538] : memref<10112x16xf32, #tpu.memory_space<vmem_shared>> -> memref<10112x16xf32, #tpu.memory_space<vmem_shared>>
        tpu.wait_indirect_dma semaphore(%arg15 : memref<!tpu.dma_semaphore, #tpu.memory_space<semaphore_mem>>) src(%dma_wait3A_533 : memref<128x16xf32, #tpu.memory_space<vmem>>) dst(%dma_wait3A_539 : memref<10112x16xf32, #tpu.memory_space<vmem_shared>>)
        %dma_wait3A_540 = arith.constant 1 : i32
        %dma_wait3A_541 = arith.constant 3 : i32
        %dma_wait3A_542 = arith.constant 3 : i32
        %dma_wait3A_543 = arith.constant 0 : i32
        %dma_wait3A_544 = arith.constant 0 : i32
        %dma_wait3A_545 = tpu.memref_slice %arg8[%dma_wait3A_540, %dma_wait3A_541, %dma_wait3A_543, %dma_wait3A_544] : memref<2x4x128x16xf32, #tpu.memory_space<vmem>> -> memref<1x1x128x16xf32, #tpu.memory_space<vmem>>
        %dma_wait3A_546 = tpu.memref_squeeze %dma_wait3A_545 : memref<1x1x128x16xf32, #tpu.memory_space<vmem>> -> memref<128x16xf32, #tpu.memory_space<vmem>>
        %dma_wait3A_547 = arith.constant 0 : i32
        %dma_wait3A_548 = tpu.memref_slice %arg7[%dma_wait3A_542, %dma_wait3A_547] : memref<96x128xi32, #tpu.memory_space<vmem>> -> memref<1x128xi32, #tpu.memory_space<vmem>>
        %dma_wait3A_549 = tpu.memref_squeeze %dma_wait3A_548 : memref<1x128xi32, #tpu.memory_space<vmem>> -> memref<128xi32, #tpu.memory_space<vmem>>
        %dma_wait3A_550 = arith.constant 0 : i32
        %dma_wait3A_551 = arith.constant 0 : i32
        %dma_wait3A_552 = tpu.memref_slice %arg10[%dma_wait3A_550, %dma_wait3A_551] : memref<10112x16xf32, #tpu.memory_space<vmem_shared>> -> memref<10112x16xf32, #tpu.memory_space<vmem_shared>>
        tpu.wait_indirect_dma semaphore(%arg15 : memref<!tpu.dma_semaphore, #tpu.memory_space<semaphore_mem>>) src(%dma_wait3A_546 : memref<128x16xf32, #tpu.memory_space<vmem>>) dst(%dma_wait3A_552 : memref<10112x16xf32, #tpu.memory_space<vmem_shared>>)
      } else {
      }
      %add3A = arith.constant 1 : i32
      %add3A_195 = arith.addi %mul3A_138, %add3A : i32
      %mul3A_196 = arith.constant 4 : i32
      %mul3A_197 = arith.muli %add3A_195, %mul3A_196 : i32
      %add3A_198 = arith.constant 0 : i32
      %add3A_199 = arith.addi %mul3A_197, %add3A_198 : i32
      %dma_start3A_200 = arith.constant 1 : i32
      %dma_start3A_201 = arith.constant 0 : i32
      %dma_start3A_202 = arith.constant 0 : i32
      %dma_start3A_203 = arith.constant 0 : i32
      %dma_start3A_204 = tpu.memref_slice %arg8[%dma_start3A_200, %dma_start3A_201, %dma_start3A_202, %dma_start3A_203] : memref<2x4x128x16xf32, #tpu.memory_space<vmem>> -> memref<1x1x128x16xf32, #tpu.memory_space<vmem>>
      %dma_start3A_205 = tpu.memref_squeeze %dma_start3A_204 : memref<1x1x128x16xf32, #tpu.memory_space<vmem>> -> memref<128x16xf32, #tpu.memory_space<vmem>>
      %dma_start3A_206 = arith.constant 0 : i32
      %dma_start3A_207 = tpu.memref_slice %arg6[%add3A_199, %dma_start3A_206] : memref<96x128xi32, #tpu.memory_space<vmem>> -> memref<1x128xi32, #tpu.memory_space<vmem>>
      %dma_start3A_208 = tpu.memref_squeeze %dma_start3A_207 : memref<1x128xi32, #tpu.memory_space<vmem>> -> memref<128xi32, #tpu.memory_space<vmem>>
      %dma_start3A_209 = arith.constant 0 : i32
      %dma_start3A_210 = arith.constant 0 : i32
      %dma_start3A_211 = tpu.memref_slice %arg11[%dma_start3A_209, %dma_start3A_210] : memref<10112x16xf32, #tpu.memory_space<vmem_shared>> -> memref<10112x16xf32, #tpu.memory_space<vmem_shared>>
      tpu.enqueue_indirect_dma source(%dma_start3A_211 : memref<10112x16xf32, #tpu.memory_space<vmem_shared>>) target(%dma_start3A_205 : memref<128x16xf32, #tpu.memory_space<vmem>>) offsets(%dma_start3A_208 : memref<128xi32, #tpu.memory_space<vmem>>) semaphore(%arg13 : memref<!tpu.dma_semaphore, #tpu.memory_space<semaphore_mem>>)
      %mul3A_212 = arith.constant 4 : i32
      %mul3A_213 = arith.muli %add3A_195, %mul3A_212 : i32
      %add3A_214 = arith.constant 1 : i32
      %add3A_215 = arith.addi %mul3A_213, %add3A_214 : i32
      %dma_start3A_216 = arith.constant 1 : i32
      %dma_start3A_217 = arith.constant 1 : i32
      %dma_start3A_218 = arith.constant 0 : i32
      %dma_start3A_219 = arith.constant 0 : i32
      %dma_start3A_220 = tpu.memref_slice %arg8[%dma_start3A_216, %dma_start3A_217, %dma_start3A_218, %dma_start3A_219] : memref<2x4x128x16xf32, #tpu.memory_space<vmem>> -> memref<1x1x128x16xf32, #tpu.memory_space<vmem>>
      %dma_start3A_221 = tpu.memref_squeeze %dma_start3A_220 : memref<1x1x128x16xf32, #tpu.memory_space<vmem>> -> memref<128x16xf32, #tpu.memory_space<vmem>>
      %dma_start3A_222 = arith.constant 0 : i32
      %dma_start3A_223 = tpu.memref_slice %arg6[%add3A_215, %dma_start3A_222] : memref<96x128xi32, #tpu.memory_space<vmem>> -> memref<1x128xi32, #tpu.memory_space<vmem>>
      %dma_start3A_224 = tpu.memref_squeeze %dma_start3A_223 : memref<1x128xi32, #tpu.memory_space<vmem>> -> memref<128xi32, #tpu.memory_space<vmem>>
      %dma_start3A_225 = arith.constant 0 : i32
      %dma_start3A_226 = arith.constant 0 : i32
      %dma_start3A_227 = tpu.memref_slice %arg11[%dma_start3A_225, %dma_start3A_226] : memref<10112x16xf32, #tpu.memory_space<vmem_shared>> -> memref<10112x16xf32, #tpu.memory_space<vmem_shared>>
      tpu.enqueue_indirect_dma source(%dma_start3A_227 : memref<10112x16xf32, #tpu.memory_space<vmem_shared>>) target(%dma_start3A_221 : memref<128x16xf32, #tpu.memory_space<vmem>>) offsets(%dma_start3A_224 : memref<128xi32, #tpu.memory_space<vmem>>) semaphore(%arg13 : memref<!tpu.dma_semaphore, #tpu.memory_space<semaphore_mem>>)
      %mul3A_228 = arith.constant 4 : i32
      %mul3A_229 = arith.muli %add3A_195, %mul3A_228 : i32
      %add3A_230 = arith.constant 2 : i32
      %add3A_231 = arith.addi %mul3A_229, %add3A_230 : i32
      %dma_start3A_232 = arith.constant 1 : i32
      %dma_start3A_233 = arith.constant 2 : i32
      %dma_start3A_234 = arith.constant 0 : i32
      %dma_start3A_235 = arith.constant 0 : i32
      %dma_start3A_236 = tpu.memref_slice %arg8[%dma_start3A_232, %dma_start3A_233, %dma_start3A_234, %dma_start3A_235] : memref<2x4x128x16xf32, #tpu.memory_space<vmem>> -> memref<1x1x128x16xf32, #tpu.memory_space<vmem>>
      %dma_start3A_237 = tpu.memref_squeeze %dma_start3A_236 : memref<1x1x128x16xf32, #tpu.memory_space<vmem>> -> memref<128x16xf32, #tpu.memory_space<vmem>>
      %dma_start3A_238 = arith.constant 0 : i32
      %dma_start3A_239 = tpu.memref_slice %arg6[%add3A_231, %dma_start3A_238] : memref<96x128xi32, #tpu.memory_space<vmem>> -> memref<1x128xi32, #tpu.memory_space<vmem>>
      %dma_start3A_240 = tpu.memref_squeeze %dma_start3A_239 : memref<1x128xi32, #tpu.memory_space<vmem>> -> memref<128xi32, #tpu.memory_space<vmem>>
      %dma_start3A_241 = arith.constant 0 : i32
      %dma_start3A_242 = arith.constant 0 : i32
      %dma_start3A_243 = tpu.memref_slice %arg11[%dma_start3A_241, %dma_start3A_242] : memref<10112x16xf32, #tpu.memory_space<vmem_shared>> -> memref<10112x16xf32, #tpu.memory_space<vmem_shared>>
      tpu.enqueue_indirect_dma source(%dma_start3A_243 : memref<10112x16xf32, #tpu.memory_space<vmem_shared>>) target(%dma_start3A_237 : memref<128x16xf32, #tpu.memory_space<vmem>>) offsets(%dma_start3A_240 : memref<128xi32, #tpu.memory_space<vmem>>) semaphore(%arg13 : memref<!tpu.dma_semaphore, #tpu.memory_space<semaphore_mem>>)
      %mul3A_244 = arith.constant 4 : i32
      %mul3A_245 = arith.muli %add3A_195, %mul3A_244 : i32
      %add3A_246 = arith.constant 3 : i32
      %add3A_247 = arith.addi %mul3A_245, %add3A_246 : i32
      %dma_start3A_248 = arith.constant 1 : i32
      %dma_start3A_249 = arith.constant 3 : i32
      %dma_start3A_250 = arith.constant 0 : i32
      %dma_start3A_251 = arith.constant 0 : i32
      %dma_start3A_252 = tpu.memref_slice %arg8[%dma_start3A_248, %dma_start3A_249, %dma_start3A_250, %dma_start3A_251] : memref<2x4x128x16xf32, #tpu.memory_space<vmem>> -> memref<1x1x128x16xf32, #tpu.memory_space<vmem>>
      %dma_start3A_253 = tpu.memref_squeeze %dma_start3A_252 : memref<1x1x128x16xf32, #tpu.memory_space<vmem>> -> memref<128x16xf32, #tpu.memory_space<vmem>>
      %dma_start3A_254 = arith.constant 0 : i32
      %dma_start3A_255 = tpu.memref_slice %arg6[%add3A_247, %dma_start3A_254] : memref<96x128xi32, #tpu.memory_space<vmem>> -> memref<1x128xi32, #tpu.memory_space<vmem>>
      %dma_start3A_256 = tpu.memref_squeeze %dma_start3A_255 : memref<1x128xi32, #tpu.memory_space<vmem>> -> memref<128xi32, #tpu.memory_space<vmem>>
      %dma_start3A_257 = arith.constant 0 : i32
      %dma_start3A_258 = arith.constant 0 : i32
      %dma_start3A_259 = tpu.memref_slice %arg11[%dma_start3A_257, %dma_start3A_258] : memref<10112x16xf32, #tpu.memory_space<vmem_shared>> -> memref<10112x16xf32, #tpu.memory_space<vmem_shared>>
      tpu.enqueue_indirect_dma source(%dma_start3A_259 : memref<10112x16xf32, #tpu.memory_space<vmem_shared>>) target(%dma_start3A_253 : memref<128x16xf32, #tpu.memory_space<vmem>>) offsets(%dma_start3A_256 : memref<128xi32, #tpu.memory_space<vmem>>) semaphore(%arg13 : memref<!tpu.dma_semaphore, #tpu.memory_space<semaphore_mem>>)
      %mul3A_260 = arith.constant 4 : i32
      %mul3A_261 = arith.muli %mul3A_138, %mul3A_260 : i32
      %add3A_262 = arith.constant 0 : i32
      %add3A_263 = arith.addi %mul3A_261, %add3A_262 : i32
      %dma_start3A_264 = arith.constant 0 : i32
      %dma_start3A_265 = arith.constant 0 : i32
      %dma_start3A_266 = arith.constant 0 : i32
      %dma_start3A_267 = arith.constant 0 : i32
      %dma_start3A_268 = tpu.memref_slice %arg8[%dma_start3A_264, %dma_start3A_265, %dma_start3A_266, %dma_start3A_267] : memref<2x4x128x16xf32, #tpu.memory_space<vmem>> -> memref<1x1x128x16xf32, #tpu.memory_space<vmem>>
      %dma_start3A_269 = tpu.memref_squeeze %dma_start3A_268 : memref<1x1x128x16xf32, #tpu.memory_space<vmem>> -> memref<128x16xf32, #tpu.memory_space<vmem>>
      %dma_start3A_270 = arith.constant 0 : i32
      %dma_start3A_271 = tpu.memref_slice %arg7[%add3A_263, %dma_start3A_270] : memref<96x128xi32, #tpu.memory_space<vmem>> -> memref<1x128xi32, #tpu.memory_space<vmem>>
      %dma_start3A_272 = tpu.memref_squeeze %dma_start3A_271 : memref<1x128xi32, #tpu.memory_space<vmem>> -> memref<128xi32, #tpu.memory_space<vmem>>
      %dma_start3A_273 = arith.constant 0 : i32
      %dma_start3A_274 = arith.constant 0 : i32
      %dma_start3A_275 = tpu.memref_slice %arg10[%dma_start3A_273, %dma_start3A_274] : memref<10112x16xf32, #tpu.memory_space<vmem_shared>> -> memref<10112x16xf32, #tpu.memory_space<vmem_shared>>
      tpu.enqueue_indirect_dma source(%dma_start3A_269 : memref<128x16xf32, #tpu.memory_space<vmem>>) target(%dma_start3A_275 : memref<10112x16xf32, #tpu.memory_space<vmem_shared>>) offsets(%dma_start3A_272 : memref<128xi32, #tpu.memory_space<vmem>>) semaphore(%arg14 : memref<!tpu.dma_semaphore, #tpu.memory_space<semaphore_mem>>) {add = true}
      %mul3A_276 = arith.constant 4 : i32
      %mul3A_277 = arith.muli %mul3A_138, %mul3A_276 : i32
      %add3A_278 = arith.constant 1 : i32
      %add3A_279 = arith.addi %mul3A_277, %add3A_278 : i32
      %dma_start3A_280 = arith.constant 0 : i32
      %dma_start3A_281 = arith.constant 1 : i32
      %dma_start3A_282 = arith.constant 0 : i32
      %dma_start3A_283 = arith.constant 0 : i32
      %dma_start3A_284 = tpu.memref_slice %arg8[%dma_start3A_280, %dma_start3A_281, %dma_start3A_282, %dma_start3A_283] : memref<2x4x128x16xf32, #tpu.memory_space<vmem>> -> memref<1x1x128x16xf32, #tpu.memory_space<vmem>>
      %dma_start3A_285 = tpu.memref_squeeze %dma_start3A_284 : memref<1x1x128x16xf32, #tpu.memory_space<vmem>> -> memref<128x16xf32, #tpu.memory_space<vmem>>
      %dma_start3A_286 = arith.constant 0 : i32
      %dma_start3A_287 = tpu.memref_slice %arg7[%add3A_279, %dma_start3A_286] : memref<96x128xi32, #tpu.memory_space<vmem>> -> memref<1x128xi32, #tpu.memory_space<vmem>>
      %dma_start3A_288 = tpu.memref_squeeze %dma_start3A_287 : memref<1x128xi32, #tpu.memory_space<vmem>> -> memref<128xi32, #tpu.memory_space<vmem>>
      %dma_start3A_289 = arith.constant 0 : i32
      %dma_start3A_290 = arith.constant 0 : i32
      %dma_start3A_291 = tpu.memref_slice %arg10[%dma_start3A_289, %dma_start3A_290] : memref<10112x16xf32, #tpu.memory_space<vmem_shared>> -> memref<10112x16xf32, #tpu.memory_space<vmem_shared>>
      tpu.enqueue_indirect_dma source(%dma_start3A_285 : memref<128x16xf32, #tpu.memory_space<vmem>>) target(%dma_start3A_291 : memref<10112x16xf32, #tpu.memory_space<vmem_shared>>) offsets(%dma_start3A_288 : memref<128xi32, #tpu.memory_space<vmem>>) semaphore(%arg14 : memref<!tpu.dma_semaphore, #tpu.memory_space<semaphore_mem>>) {add = true}
      %mul3A_292 = arith.constant 4 : i32
      %mul3A_293 = arith.muli %mul3A_138, %mul3A_292 : i32
      %add3A_294 = arith.constant 2 : i32
      %add3A_295 = arith.addi %mul3A_293, %add3A_294 : i32
      %dma_start3A_296 = arith.constant 0 : i32
      %dma_start3A_297 = arith.constant 2 : i32
      %dma_start3A_298 = arith.constant 0 : i32
      %dma_start3A_299 = arith.constant 0 : i32
      %dma_start3A_300 = tpu.memref_slice %arg8[%dma_start3A_296, %dma_start3A_297, %dma_start3A_298, %dma_start3A_299] : memref<2x4x128x16xf32, #tpu.memory_space<vmem>> -> memref<1x1x128x16xf32, #tpu.memory_space<vmem>>
      %dma_start3A_301 = tpu.memref_squeeze %dma_start3A_300 : memref<1x1x128x16xf32, #tpu.memory_space<vmem>> -> memref<128x16xf32, #tpu.memory_space<vmem>>
      %dma_start3A_302 = arith.constant 0 : i32
      %dma_start3A_303 = tpu.memref_slice %arg7[%add3A_295, %dma_start3A_302] : memref<96x128xi32, #tpu.memory_space<vmem>> -> memref<1x128xi32, #tpu.memory_space<vmem>>
      %dma_start3A_304 = tpu.memref_squeeze %dma_start3A_303 : memref<1x128xi32, #tpu.memory_space<vmem>> -> memref<128xi32, #tpu.memory_space<vmem>>
      %dma_start3A_305 = arith.constant 0 : i32
      %dma_start3A_306 = arith.constant 0 : i32
      %dma_start3A_307 = tpu.memref_slice %arg10[%dma_start3A_305, %dma_start3A_306] : memref<10112x16xf32, #tpu.memory_space<vmem_shared>> -> memref<10112x16xf32, #tpu.memory_space<vmem_shared>>
      tpu.enqueue_indirect_dma source(%dma_start3A_301 : memref<128x16xf32, #tpu.memory_space<vmem>>) target(%dma_start3A_307 : memref<10112x16xf32, #tpu.memory_space<vmem_shared>>) offsets(%dma_start3A_304 : memref<128xi32, #tpu.memory_space<vmem>>) semaphore(%arg14 : memref<!tpu.dma_semaphore, #tpu.memory_space<semaphore_mem>>) {add = true}
      %mul3A_308 = arith.constant 4 : i32
      %mul3A_309 = arith.muli %mul3A_138, %mul3A_308 : i32
      %add3A_310 = arith.constant 3 : i32
      %add3A_311 = arith.addi %mul3A_309, %add3A_310 : i32
      %dma_start3A_312 = arith.constant 0 : i32
      %dma_start3A_313 = arith.constant 3 : i32
      %dma_start3A_314 = arith.constant 0 : i32
      %dma_start3A_315 = arith.constant 0 : i32
      %dma_start3A_316 = tpu.memref_slice %arg8[%dma_start3A_312, %dma_start3A_313, %dma_start3A_314, %dma_start3A_315] : memref<2x4x128x16xf32, #tpu.memory_space<vmem>> -> memref<1x1x128x16xf32, #tpu.memory_space<vmem>>
      %dma_start3A_317 = tpu.memref_squeeze %dma_start3A_316 : memref<1x1x128x16xf32, #tpu.memory_space<vmem>> -> memref<128x16xf32, #tpu.memory_space<vmem>>
      %dma_start3A_318 = arith.constant 0 : i32
      %dma_start3A_319 = tpu.memref_slice %arg7[%add3A_311, %dma_start3A_318] : memref<96x128xi32, #tpu.memory_space<vmem>> -> memref<1x128xi32, #tpu.memory_space<vmem>>
      %dma_start3A_320 = tpu.memref_squeeze %dma_start3A_319 : memref<1x128xi32, #tpu.memory_space<vmem>> -> memref<128xi32, #tpu.memory_space<vmem>>
      %dma_start3A_321 = arith.constant 0 : i32
      %dma_start3A_322 = arith.constant 0 : i32
      %dma_start3A_323 = tpu.memref_slice %arg10[%dma_start3A_321, %dma_start3A_322] : memref<10112x16xf32, #tpu.memory_space<vmem_shared>> -> memref<10112x16xf32, #tpu.memory_space<vmem_shared>>
      tpu.enqueue_indirect_dma source(%dma_start3A_317 : memref<128x16xf32, #tpu.memory_space<vmem>>) target(%dma_start3A_323 : memref<10112x16xf32, #tpu.memory_space<vmem_shared>>) offsets(%dma_start3A_320 : memref<128xi32, #tpu.memory_space<vmem>>) semaphore(%arg14 : memref<!tpu.dma_semaphore, #tpu.memory_space<semaphore_mem>>) {add = true}
      %dma_wait3A_324 = arith.constant 0 : i32
      %dma_wait3A_325 = arith.constant 1 : i32
      %dma_wait3A_326 = arith.constant 0 : i32
      %dma_wait3A_327 = arith.constant 0 : i32
      %dma_wait3A_328 = arith.constant 0 : i32
      %dma_wait3A_329 = tpu.memref_slice %arg8[%dma_wait3A_325, %dma_wait3A_326, %dma_wait3A_327, %dma_wait3A_328] : memref<2x4x128x16xf32, #tpu.memory_space<vmem>> -> memref<1x1x128x16xf32, #tpu.memory_space<vmem>>
      %dma_wait3A_330 = tpu.memref_squeeze %dma_wait3A_329 : memref<1x1x128x16xf32, #tpu.memory_space<vmem>> -> memref<128x16xf32, #tpu.memory_space<vmem>>
      %dma_wait3A_331 = arith.constant 0 : i32
      %dma_wait3A_332 = tpu.memref_slice %arg6[%dma_wait3A_324, %dma_wait3A_331] : memref<96x128xi32, #tpu.memory_space<vmem>> -> memref<1x128xi32, #tpu.memory_space<vmem>>
      %dma_wait3A_333 = tpu.memref_squeeze %dma_wait3A_332 : memref<1x128xi32, #tpu.memory_space<vmem>> -> memref<128xi32, #tpu.memory_space<vmem>>
      %dma_wait3A_334 = arith.constant 0 : i32
      %dma_wait3A_335 = arith.constant 0 : i32
      %dma_wait3A_336 = tpu.memref_slice %arg11[%dma_wait3A_334, %dma_wait3A_335] : memref<10112x16xf32, #tpu.memory_space<vmem_shared>> -> memref<10112x16xf32, #tpu.memory_space<vmem_shared>>
      tpu.wait_indirect_dma semaphore(%arg13 : memref<!tpu.dma_semaphore, #tpu.memory_space<semaphore_mem>>) src(%dma_wait3A_336 : memref<10112x16xf32, #tpu.memory_space<vmem_shared>>) dst(%dma_wait3A_330 : memref<128x16xf32, #tpu.memory_space<vmem>>)
      %dma_wait3A_337 = arith.constant 1 : i32
      %dma_wait3A_338 = arith.constant 1 : i32
      %dma_wait3A_339 = arith.constant 1 : i32
      %dma_wait3A_340 = arith.constant 0 : i32
      %dma_wait3A_341 = arith.constant 0 : i32
      %dma_wait3A_342 = tpu.memref_slice %arg8[%dma_wait3A_338, %dma_wait3A_339, %dma_wait3A_340, %dma_wait3A_341] : memref<2x4x128x16xf32, #tpu.memory_space<vmem>> -> memref<1x1x128x16xf32, #tpu.memory_space<vmem>>
      %dma_wait3A_343 = tpu.memref_squeeze %dma_wait3A_342 : memref<1x1x128x16xf32, #tpu.memory_space<vmem>> -> memref<128x16xf32, #tpu.memory_space<vmem>>
      %dma_wait3A_344 = arith.constant 0 : i32
      %dma_wait3A_345 = tpu.memref_slice %arg6[%dma_wait3A_337, %dma_wait3A_344] : memref<96x128xi32, #tpu.memory_space<vmem>> -> memref<1x128xi32, #tpu.memory_space<vmem>>
      %dma_wait3A_346 = tpu.memref_squeeze %dma_wait3A_345 : memref<1x128xi32, #tpu.memory_space<vmem>> -> memref<128xi32, #tpu.memory_space<vmem>>
      %dma_wait3A_347 = arith.constant 0 : i32
      %dma_wait3A_348 = arith.constant 0 : i32
      %dma_wait3A_349 = tpu.memref_slice %arg11[%dma_wait3A_347, %dma_wait3A_348] : memref<10112x16xf32, #tpu.memory_space<vmem_shared>> -> memref<10112x16xf32, #tpu.memory_space<vmem_shared>>
      tpu.wait_indirect_dma semaphore(%arg13 : memref<!tpu.dma_semaphore, #tpu.memory_space<semaphore_mem>>) src(%dma_wait3A_349 : memref<10112x16xf32, #tpu.memory_space<vmem_shared>>) dst(%dma_wait3A_343 : memref<128x16xf32, #tpu.memory_space<vmem>>)
      %dma_wait3A_350 = arith.constant 2 : i32
      %dma_wait3A_351 = arith.constant 1 : i32
      %dma_wait3A_352 = arith.constant 2 : i32
      %dma_wait3A_353 = arith.constant 0 : i32
      %dma_wait3A_354 = arith.constant 0 : i32
      %dma_wait3A_355 = tpu.memref_slice %arg8[%dma_wait3A_351, %dma_wait3A_352, %dma_wait3A_353, %dma_wait3A_354] : memref<2x4x128x16xf32, #tpu.memory_space<vmem>> -> memref<1x1x128x16xf32, #tpu.memory_space<vmem>>
      %dma_wait3A_356 = tpu.memref_squeeze %dma_wait3A_355 : memref<1x1x128x16xf32, #tpu.memory_space<vmem>> -> memref<128x16xf32, #tpu.memory_space<vmem>>
      %dma_wait3A_357 = arith.constant 0 : i32
      %dma_wait3A_358 = tpu.memref_slice %arg6[%dma_wait3A_350, %dma_wait3A_357] : memref<96x128xi32, #tpu.memory_space<vmem>> -> memref<1x128xi32, #tpu.memory_space<vmem>>
      %dma_wait3A_359 = tpu.memref_squeeze %dma_wait3A_358 : memref<1x128xi32, #tpu.memory_space<vmem>> -> memref<128xi32, #tpu.memory_space<vmem>>
      %dma_wait3A_360 = arith.constant 0 : i32
      %dma_wait3A_361 = arith.constant 0 : i32
      %dma_wait3A_362 = tpu.memref_slice %arg11[%dma_wait3A_360, %dma_wait3A_361] : memref<10112x16xf32, #tpu.memory_space<vmem_shared>> -> memref<10112x16xf32, #tpu.memory_space<vmem_shared>>
      tpu.wait_indirect_dma semaphore(%arg13 : memref<!tpu.dma_semaphore, #tpu.memory_space<semaphore_mem>>) src(%dma_wait3A_362 : memref<10112x16xf32, #tpu.memory_space<vmem_shared>>) dst(%dma_wait3A_356 : memref<128x16xf32, #tpu.memory_space<vmem>>)
      %dma_wait3A_363 = arith.constant 3 : i32
      %dma_wait3A_364 = arith.constant 1 : i32
      %dma_wait3A_365 = arith.constant 3 : i32
      %dma_wait3A_366 = arith.constant 0 : i32
      %dma_wait3A_367 = arith.constant 0 : i32
      %dma_wait3A_368 = tpu.memref_slice %arg8[%dma_wait3A_364, %dma_wait3A_365, %dma_wait3A_366, %dma_wait3A_367] : memref<2x4x128x16xf32, #tpu.memory_space<vmem>> -> memref<1x1x128x16xf32, #tpu.memory_space<vmem>>
      %dma_wait3A_369 = tpu.memref_squeeze %dma_wait3A_368 : memref<1x1x128x16xf32, #tpu.memory_space<vmem>> -> memref<128x16xf32, #tpu.memory_space<vmem>>
      %dma_wait3A_370 = arith.constant 0 : i32
      %dma_wait3A_371 = tpu.memref_slice %arg6[%dma_wait3A_363, %dma_wait3A_370] : memref<96x128xi32, #tpu.memory_space<vmem>> -> memref<1x128xi32, #tpu.memory_space<vmem>>
      %dma_wait3A_372 = tpu.memref_squeeze %dma_wait3A_371 : memref<1x128xi32, #tpu.memory_space<vmem>> -> memref<128xi32, #tpu.memory_space<vmem>>
      %dma_wait3A_373 = arith.constant 0 : i32
      %dma_wait3A_374 = arith.constant 0 : i32
      %dma_wait3A_375 = tpu.memref_slice %arg11[%dma_wait3A_373, %dma_wait3A_374] : memref<10112x16xf32, #tpu.memory_space<vmem_shared>> -> memref<10112x16xf32, #tpu.memory_space<vmem_shared>>
      tpu.wait_indirect_dma semaphore(%arg13 : memref<!tpu.dma_semaphore, #tpu.memory_space<semaphore_mem>>) src(%dma_wait3A_375 : memref<10112x16xf32, #tpu.memory_space<vmem_shared>>) dst(%dma_wait3A_369 : memref<128x16xf32, #tpu.memory_space<vmem>>)
      %dma_wait3A_376 = arith.constant 0 : i32
      %dma_wait3A_377 = arith.constant 0 : i32
      %dma_wait3A_378 = arith.constant 0 : i32
      %dma_wait3A_379 = arith.constant 0 : i32
      %dma_wait3A_380 = arith.constant 0 : i32
      %dma_wait3A_381 = tpu.memref_slice %arg8[%dma_wait3A_376, %dma_wait3A_377, %dma_wait3A_379, %dma_wait3A_380] : memref<2x4x128x16xf32, #tpu.memory_space<vmem>> -> memref<1x1x128x16xf32, #tpu.memory_space<vmem>>
      %dma_wait3A_382 = tpu.memref_squeeze %dma_wait3A_381 : memref<1x1x128x16xf32, #tpu.memory_space<vmem>> -> memref<128x16xf32, #tpu.memory_space<vmem>>
      %dma_wait3A_383 = arith.constant 0 : i32
      %dma_wait3A_384 = tpu.memref_slice %arg7[%dma_wait3A_378, %dma_wait3A_383] : memref<96x128xi32, #tpu.memory_space<vmem>> -> memref<1x128xi32, #tpu.memory_space<vmem>>
      %dma_wait3A_385 = tpu.memref_squeeze %dma_wait3A_384 : memref<1x128xi32, #tpu.memory_space<vmem>> -> memref<128xi32, #tpu.memory_space<vmem>>
      %dma_wait3A_386 = arith.constant 0 : i32
      %dma_wait3A_387 = arith.constant 0 : i32
      %dma_wait3A_388 = tpu.memref_slice %arg10[%dma_wait3A_386, %dma_wait3A_387] : memref<10112x16xf32, #tpu.memory_space<vmem_shared>> -> memref<10112x16xf32, #tpu.memory_space<vmem_shared>>
      tpu.wait_indirect_dma semaphore(%arg14 : memref<!tpu.dma_semaphore, #tpu.memory_space<semaphore_mem>>) src(%dma_wait3A_382 : memref<128x16xf32, #tpu.memory_space<vmem>>) dst(%dma_wait3A_388 : memref<10112x16xf32, #tpu.memory_space<vmem_shared>>)
      %dma_wait3A_389 = arith.constant 0 : i32
      %dma_wait3A_390 = arith.constant 1 : i32
      %dma_wait3A_391 = arith.constant 1 : i32
      %dma_wait3A_392 = arith.constant 0 : i32
      %dma_wait3A_393 = arith.constant 0 : i32
      %dma_wait3A_394 = tpu.memref_slice %arg8[%dma_wait3A_389, %dma_wait3A_390, %dma_wait3A_392, %dma_wait3A_393] : memref<2x4x128x16xf32, #tpu.memory_space<vmem>> -> memref<1x1x128x16xf32, #tpu.memory_space<vmem>>
      %dma_wait3A_395 = tpu.memref_squeeze %dma_wait3A_394 : memref<1x1x128x16xf32, #tpu.memory_space<vmem>> -> memref<128x16xf32, #tpu.memory_space<vmem>>
      %dma_wait3A_396 = arith.constant 0 : i32
      %dma_wait3A_397 = tpu.memref_slice %arg7[%dma_wait3A_391, %dma_wait3A_396] : memref<96x128xi32, #tpu.memory_space<vmem>> -> memref<1x128xi32, #tpu.memory_space<vmem>>
      %dma_wait3A_398 = tpu.memref_squeeze %dma_wait3A_397 : memref<1x128xi32, #tpu.memory_space<vmem>> -> memref<128xi32, #tpu.memory_space<vmem>>
      %dma_wait3A_399 = arith.constant 0 : i32
      %dma_wait3A_400 = arith.constant 0 : i32
      %dma_wait3A_401 = tpu.memref_slice %arg10[%dma_wait3A_399, %dma_wait3A_400] : memref<10112x16xf32, #tpu.memory_space<vmem_shared>> -> memref<10112x16xf32, #tpu.memory_space<vmem_shared>>
      tpu.wait_indirect_dma semaphore(%arg14 : memref<!tpu.dma_semaphore, #tpu.memory_space<semaphore_mem>>) src(%dma_wait3A_395 : memref<128x16xf32, #tpu.memory_space<vmem>>) dst(%dma_wait3A_401 : memref<10112x16xf32, #tpu.memory_space<vmem_shared>>)
      %dma_wait3A_402 = arith.constant 0 : i32
      %dma_wait3A_403 = arith.constant 2 : i32
      %dma_wait3A_404 = arith.constant 2 : i32
      %dma_wait3A_405 = arith.constant 0 : i32
      %dma_wait3A_406 = arith.constant 0 : i32
      %dma_wait3A_407 = tpu.memref_slice %arg8[%dma_wait3A_402, %dma_wait3A_403, %dma_wait3A_405, %dma_wait3A_406] : memref<2x4x128x16xf32, #tpu.memory_space<vmem>> -> memref<1x1x128x16xf32, #tpu.memory_space<vmem>>
      %dma_wait3A_408 = tpu.memref_squeeze %dma_wait3A_407 : memref<1x1x128x16xf32, #tpu.memory_space<vmem>> -> memref<128x16xf32, #tpu.memory_space<vmem>>
      %dma_wait3A_409 = arith.constant 0 : i32
      %dma_wait3A_410 = tpu.memref_slice %arg7[%dma_wait3A_404, %dma_wait3A_409] : memref<96x128xi32, #tpu.memory_space<vmem>> -> memref<1x128xi32, #tpu.memory_space<vmem>>
      %dma_wait3A_411 = tpu.memref_squeeze %dma_wait3A_410 : memref<1x128xi32, #tpu.memory_space<vmem>> -> memref<128xi32, #tpu.memory_space<vmem>>
      %dma_wait3A_412 = arith.constant 0 : i32
      %dma_wait3A_413 = arith.constant 0 : i32
      %dma_wait3A_414 = tpu.memref_slice %arg10[%dma_wait3A_412, %dma_wait3A_413] : memref<10112x16xf32, #tpu.memory_space<vmem_shared>> -> memref<10112x16xf32, #tpu.memory_space<vmem_shared>>
      tpu.wait_indirect_dma semaphore(%arg14 : memref<!tpu.dma_semaphore, #tpu.memory_space<semaphore_mem>>) src(%dma_wait3A_408 : memref<128x16xf32, #tpu.memory_space<vmem>>) dst(%dma_wait3A_414 : memref<10112x16xf32, #tpu.memory_space<vmem_shared>>)
      %dma_wait3A_415 = arith.constant 0 : i32
      %dma_wait3A_416 = arith.constant 3 : i32
      %dma_wait3A_417 = arith.constant 3 : i32
      %dma_wait3A_418 = arith.constant 0 : i32
      %dma_wait3A_419 = arith.constant 0 : i32
      %dma_wait3A_420 = tpu.memref_slice %arg8[%dma_wait3A_415, %dma_wait3A_416, %dma_wait3A_418, %dma_wait3A_419] : memref<2x4x128x16xf32, #tpu.memory_space<vmem>> -> memref<1x1x128x16xf32, #tpu.memory_space<vmem>>
      %dma_wait3A_421 = tpu.memref_squeeze %dma_wait3A_420 : memref<1x1x128x16xf32, #tpu.memory_space<vmem>> -> memref<128x16xf32, #tpu.memory_space<vmem>>
      %dma_wait3A_422 = arith.constant 0 : i32
      %dma_wait3A_423 = tpu.memref_slice %arg7[%dma_wait3A_417, %dma_wait3A_422] : memref<96x128xi32, #tpu.memory_space<vmem>> -> memref<1x128xi32, #tpu.memory_space<vmem>>
      %dma_wait3A_424 = tpu.memref_squeeze %dma_wait3A_423 : memref<1x128xi32, #tpu.memory_space<vmem>> -> memref<128xi32, #tpu.memory_space<vmem>>
      %dma_wait3A_425 = arith.constant 0 : i32
      %dma_wait3A_426 = arith.constant 0 : i32
      %dma_wait3A_427 = tpu.memref_slice %arg10[%dma_wait3A_425, %dma_wait3A_426] : memref<10112x16xf32, #tpu.memory_space<vmem_shared>> -> memref<10112x16xf32, #tpu.memory_space<vmem_shared>>
      tpu.wait_indirect_dma semaphore(%arg14 : memref<!tpu.dma_semaphore, #tpu.memory_space<semaphore_mem>>) src(%dma_wait3A_421 : memref<128x16xf32, #tpu.memory_space<vmem>>) dst(%dma_wait3A_427 : memref<10112x16xf32, #tpu.memory_space<vmem_shared>>)
      %add3A_428 = arith.constant 2 : i32
      %add3A_429 = arith.addi %mul3A_138, %add3A_428 : i32
      %mul3A_430 = arith.constant 2 : i32
      %mul3A_431 = arith.muli %mul3A_430, %select_n3A : i32
      %lt3A = arith.cmpi slt, %add3A_429, %mul3A_431 : i32
      %convert_element_type3A_432 = arith.extui %lt3A : i1 to i32
      %cond3A_433 = arith.constant 0 : i32
      %cond3A_434 = arith.cmpi ne, %convert_element_type3A_432, %cond3A_433 : i32
      scf.if %cond3A_434 {
        %add3A_501 = arith.constant 2 : i32
        %add3A_502 = arith.addi %mul3A_138, %add3A_501 : i32
        %mul3A_503 = arith.constant 4 : i32
        %mul3A_504 = arith.muli %add3A_502, %mul3A_503 : i32
        %add3A_505 = arith.constant 0 : i32
        %add3A_506 = arith.addi %mul3A_504, %add3A_505 : i32
        %dma_start3A_507 = arith.constant 0 : i32
        %dma_start3A_508 = arith.constant 0 : i32
        %dma_start3A_509 = arith.constant 0 : i32
        %dma_start3A_510 = arith.constant 0 : i32
        %dma_start3A_511 = tpu.memref_slice %arg8[%dma_start3A_507, %dma_start3A_508, %dma_start3A_509, %dma_start3A_510] : memref<2x4x128x16xf32, #tpu.memory_space<vmem>> -> memref<1x1x128x16xf32, #tpu.memory_space<vmem>>
        %dma_start3A_512 = tpu.memref_squeeze %dma_start3A_511 : memref<1x1x128x16xf32, #tpu.memory_space<vmem>> -> memref<128x16xf32, #tpu.memory_space<vmem>>
        %dma_start3A_513 = arith.constant 0 : i32
        %dma_start3A_514 = tpu.memref_slice %arg6[%add3A_506, %dma_start3A_513] : memref<96x128xi32, #tpu.memory_space<vmem>> -> memref<1x128xi32, #tpu.memory_space<vmem>>
        %dma_start3A_515 = tpu.memref_squeeze %dma_start3A_514 : memref<1x128xi32, #tpu.memory_space<vmem>> -> memref<128xi32, #tpu.memory_space<vmem>>
        %dma_start3A_516 = arith.constant 0 : i32
        %dma_start3A_517 = arith.constant 0 : i32
        %dma_start3A_518 = tpu.memref_slice %arg11[%dma_start3A_516, %dma_start3A_517] : memref<10112x16xf32, #tpu.memory_space<vmem_shared>> -> memref<10112x16xf32, #tpu.memory_space<vmem_shared>>
        tpu.enqueue_indirect_dma source(%dma_start3A_518 : memref<10112x16xf32, #tpu.memory_space<vmem_shared>>) target(%dma_start3A_512 : memref<128x16xf32, #tpu.memory_space<vmem>>) offsets(%dma_start3A_515 : memref<128xi32, #tpu.memory_space<vmem>>) semaphore(%arg12 : memref<!tpu.dma_semaphore, #tpu.memory_space<semaphore_mem>>)
        %mul3A_519 = arith.constant 4 : i32
        %mul3A_520 = arith.muli %add3A_502, %mul3A_519 : i32
        %add3A_521 = arith.constant 1 : i32
        %add3A_522 = arith.addi %mul3A_520, %add3A_521 : i32
        %dma_start3A_523 = arith.constant 0 : i32
        %dma_start3A_524 = arith.constant 1 : i32
        %dma_start3A_525 = arith.constant 0 : i32
        %dma_start3A_526 = arith.constant 0 : i32
        %dma_start3A_527 = tpu.memref_slice %arg8[%dma_start3A_523, %dma_start3A_524, %dma_start3A_525, %dma_start3A_526] : memref<2x4x128x16xf32, #tpu.memory_space<vmem>> -> memref<1x1x128x16xf32, #tpu.memory_space<vmem>>
        %dma_start3A_528 = tpu.memref_squeeze %dma_start3A_527 : memref<1x1x128x16xf32, #tpu.memory_space<vmem>> -> memref<128x16xf32, #tpu.memory_space<vmem>>
        %dma_start3A_529 = arith.constant 0 : i32
        %dma_start3A_530 = tpu.memref_slice %arg6[%add3A_522, %dma_start3A_529] : memref<96x128xi32, #tpu.memory_space<vmem>> -> memref<1x128xi32, #tpu.memory_space<vmem>>
        %dma_start3A_531 = tpu.memref_squeeze %dma_start3A_530 : memref<1x128xi32, #tpu.memory_space<vmem>> -> memref<128xi32, #tpu.memory_space<vmem>>
        %dma_start3A_532 = arith.constant 0 : i32
        %dma_start3A_533 = arith.constant 0 : i32
        %dma_start3A_534 = tpu.memref_slice %arg11[%dma_start3A_532, %dma_start3A_533] : memref<10112x16xf32, #tpu.memory_space<vmem_shared>> -> memref<10112x16xf32, #tpu.memory_space<vmem_shared>>
        tpu.enqueue_indirect_dma source(%dma_start3A_534 : memref<10112x16xf32, #tpu.memory_space<vmem_shared>>) target(%dma_start3A_528 : memref<128x16xf32, #tpu.memory_space<vmem>>) offsets(%dma_start3A_531 : memref<128xi32, #tpu.memory_space<vmem>>) semaphore(%arg12 : memref<!tpu.dma_semaphore, #tpu.memory_space<semaphore_mem>>)
        %mul3A_535 = arith.constant 4 : i32
        %mul3A_536 = arith.muli %add3A_502, %mul3A_535 : i32
        %add3A_537 = arith.constant 2 : i32
        %add3A_538 = arith.addi %mul3A_536, %add3A_537 : i32
        %dma_start3A_539 = arith.constant 0 : i32
        %dma_start3A_540 = arith.constant 2 : i32
        %dma_start3A_541 = arith.constant 0 : i32
        %dma_start3A_542 = arith.constant 0 : i32
        %dma_start3A_543 = tpu.memref_slice %arg8[%dma_start3A_539, %dma_start3A_540, %dma_start3A_541, %dma_start3A_542] : memref<2x4x128x16xf32, #tpu.memory_space<vmem>> -> memref<1x1x128x16xf32, #tpu.memory_space<vmem>>
        %dma_start3A_544 = tpu.memref_squeeze %dma_start3A_543 : memref<1x1x128x16xf32, #tpu.memory_space<vmem>> -> memref<128x16xf32, #tpu.memory_space<vmem>>
        %dma_start3A_545 = arith.constant 0 : i32
        %dma_start3A_546 = tpu.memref_slice %arg6[%add3A_538, %dma_start3A_545] : memref<96x128xi32, #tpu.memory_space<vmem>> -> memref<1x128xi32, #tpu.memory_space<vmem>>
        %dma_start3A_547 = tpu.memref_squeeze %dma_start3A_546 : memref<1x128xi32, #tpu.memory_space<vmem>> -> memref<128xi32, #tpu.memory_space<vmem>>
        %dma_start3A_548 = arith.constant 0 : i32
        %dma_start3A_549 = arith.constant 0 : i32
        %dma_start3A_550 = tpu.memref_slice %arg11[%dma_start3A_548, %dma_start3A_549] : memref<10112x16xf32, #tpu.memory_space<vmem_shared>> -> memref<10112x16xf32, #tpu.memory_space<vmem_shared>>
        tpu.enqueue_indirect_dma source(%dma_start3A_550 : memref<10112x16xf32, #tpu.memory_space<vmem_shared>>) target(%dma_start3A_544 : memref<128x16xf32, #tpu.memory_space<vmem>>) offsets(%dma_start3A_547 : memref<128xi32, #tpu.memory_space<vmem>>) semaphore(%arg12 : memref<!tpu.dma_semaphore, #tpu.memory_space<semaphore_mem>>)
        %mul3A_551 = arith.constant 4 : i32
        %mul3A_552 = arith.muli %add3A_502, %mul3A_551 : i32
        %add3A_553 = arith.constant 3 : i32
        %add3A_554 = arith.addi %mul3A_552, %add3A_553 : i32
        %dma_start3A_555 = arith.constant 0 : i32
        %dma_start3A_556 = arith.constant 3 : i32
        %dma_start3A_557 = arith.constant 0 : i32
        %dma_start3A_558 = arith.constant 0 : i32
        %dma_start3A_559 = tpu.memref_slice %arg8[%dma_start3A_555, %dma_start3A_556, %dma_start3A_557, %dma_start3A_558] : memref<2x4x128x16xf32, #tpu.memory_space<vmem>> -> memref<1x1x128x16xf32, #tpu.memory_space<vmem>>
        %dma_start3A_560 = tpu.memref_squeeze %dma_start3A_559 : memref<1x1x128x16xf32, #tpu.memory_space<vmem>> -> memref<128x16xf32, #tpu.memory_space<vmem>>
        %dma_start3A_561 = arith.constant 0 : i32
        %dma_start3A_562 = tpu.memref_slice %arg6[%add3A_554, %dma_start3A_561] : memref<96x128xi32, #tpu.memory_space<vmem>> -> memref<1x128xi32, #tpu.memory_space<vmem>>
        %dma_start3A_563 = tpu.memref_squeeze %dma_start3A_562 : memref<1x128xi32, #tpu.memory_space<vmem>> -> memref<128xi32, #tpu.memory_space<vmem>>
        %dma_start3A_564 = arith.constant 0 : i32
        %dma_start3A_565 = arith.constant 0 : i32
        %dma_start3A_566 = tpu.memref_slice %arg11[%dma_start3A_564, %dma_start3A_565] : memref<10112x16xf32, #tpu.memory_space<vmem_shared>> -> memref<10112x16xf32, #tpu.memory_space<vmem_shared>>
        tpu.enqueue_indirect_dma source(%dma_start3A_566 : memref<10112x16xf32, #tpu.memory_space<vmem_shared>>) target(%dma_start3A_560 : memref<128x16xf32, #tpu.memory_space<vmem>>) offsets(%dma_start3A_563 : memref<128xi32, #tpu.memory_space<vmem>>) semaphore(%arg12 : memref<!tpu.dma_semaphore, #tpu.memory_space<semaphore_mem>>)
      } else {
      }
      %add3A_435 = arith.constant 1 : i32
      %add3A_436 = arith.addi %mul3A_138, %add3A_435 : i32
      %mul3A_437 = arith.constant 4 : i32
      %mul3A_438 = arith.muli %add3A_436, %mul3A_437 : i32
      %add3A_439 = arith.constant 0 : i32
      %add3A_440 = arith.addi %mul3A_438, %add3A_439 : i32
      %dma_start3A_441 = arith.constant 1 : i32
      %dma_start3A_442 = arith.constant 0 : i32
      %dma_start3A_443 = arith.constant 0 : i32
      %dma_start3A_444 = arith.constant 0 : i32
      %dma_start3A_445 = tpu.memref_slice %arg8[%dma_start3A_441, %dma_start3A_442, %dma_start3A_443, %dma_start3A_444] : memref<2x4x128x16xf32, #tpu.memory_space<vmem>> -> memref<1x1x128x16xf32, #tpu.memory_space<vmem>>
      %dma_start3A_446 = tpu.memref_squeeze %dma_start3A_445 : memref<1x1x128x16xf32, #tpu.memory_space<vmem>> -> memref<128x16xf32, #tpu.memory_space<vmem>>
      %dma_start3A_447 = arith.constant 0 : i32
      %dma_start3A_448 = tpu.memref_slice %arg7[%add3A_440, %dma_start3A_447] : memref<96x128xi32, #tpu.memory_space<vmem>> -> memref<1x128xi32, #tpu.memory_space<vmem>>
      %dma_start3A_449 = tpu.memref_squeeze %dma_start3A_448 : memref<1x128xi32, #tpu.memory_space<vmem>> -> memref<128xi32, #tpu.memory_space<vmem>>
      %dma_start3A_450 = arith.constant 0 : i32
      %dma_start3A_451 = arith.constant 0 : i32
      %dma_start3A_452 = tpu.memref_slice %arg10[%dma_start3A_450, %dma_start3A_451] : memref<10112x16xf32, #tpu.memory_space<vmem_shared>> -> memref<10112x16xf32, #tpu.memory_space<vmem_shared>>
      tpu.enqueue_indirect_dma source(%dma_start3A_446 : memref<128x16xf32, #tpu.memory_space<vmem>>) target(%dma_start3A_452 : memref<10112x16xf32, #tpu.memory_space<vmem_shared>>) offsets(%dma_start3A_449 : memref<128xi32, #tpu.memory_space<vmem>>) semaphore(%arg15 : memref<!tpu.dma_semaphore, #tpu.memory_space<semaphore_mem>>) {add = true}
      %mul3A_453 = arith.constant 4 : i32
      %mul3A_454 = arith.muli %add3A_436, %mul3A_453 : i32
      %add3A_455 = arith.constant 1 : i32
      %add3A_456 = arith.addi %mul3A_454, %add3A_455 : i32
      %dma_start3A_457 = arith.constant 1 : i32
      %dma_start3A_458 = arith.constant 1 : i32
      %dma_start3A_459 = arith.constant 0 : i32
      %dma_start3A_460 = arith.constant 0 : i32
      %dma_start3A_461 = tpu.memref_slice %arg8[%dma_start3A_457, %dma_start3A_458, %dma_start3A_459, %dma_start3A_460] : memref<2x4x128x16xf32, #tpu.memory_space<vmem>> -> memref<1x1x128x16xf32, #tpu.memory_space<vmem>>
      %dma_start3A_462 = tpu.memref_squeeze %dma_start3A_461 : memref<1x1x128x16xf32, #tpu.memory_space<vmem>> -> memref<128x16xf32, #tpu.memory_space<vmem>>
      %dma_start3A_463 = arith.constant 0 : i32
      %dma_start3A_464 = tpu.memref_slice %arg7[%add3A_456, %dma_start3A_463] : memref<96x128xi32, #tpu.memory_space<vmem>> -> memref<1x128xi32, #tpu.memory_space<vmem>>
      %dma_start3A_465 = tpu.memref_squeeze %dma_start3A_464 : memref<1x128xi32, #tpu.memory_space<vmem>> -> memref<128xi32, #tpu.memory_space<vmem>>
      %dma_start3A_466 = arith.constant 0 : i32
      %dma_start3A_467 = arith.constant 0 : i32
      %dma_start3A_468 = tpu.memref_slice %arg10[%dma_start3A_466, %dma_start3A_467] : memref<10112x16xf32, #tpu.memory_space<vmem_shared>> -> memref<10112x16xf32, #tpu.memory_space<vmem_shared>>
      tpu.enqueue_indirect_dma source(%dma_start3A_462 : memref<128x16xf32, #tpu.memory_space<vmem>>) target(%dma_start3A_468 : memref<10112x16xf32, #tpu.memory_space<vmem_shared>>) offsets(%dma_start3A_465 : memref<128xi32, #tpu.memory_space<vmem>>) semaphore(%arg15 : memref<!tpu.dma_semaphore, #tpu.memory_space<semaphore_mem>>) {add = true}
      %mul3A_469 = arith.constant 4 : i32
      %mul3A_470 = arith.muli %add3A_436, %mul3A_469 : i32
      %add3A_471 = arith.constant 2 : i32
      %add3A_472 = arith.addi %mul3A_470, %add3A_471 : i32
      %dma_start3A_473 = arith.constant 1 : i32
      %dma_start3A_474 = arith.constant 2 : i32
      %dma_start3A_475 = arith.constant 0 : i32
      %dma_start3A_476 = arith.constant 0 : i32
      %dma_start3A_477 = tpu.memref_slice %arg8[%dma_start3A_473, %dma_start3A_474, %dma_start3A_475, %dma_start3A_476] : memref<2x4x128x16xf32, #tpu.memory_space<vmem>> -> memref<1x1x128x16xf32, #tpu.memory_space<vmem>>
      %dma_start3A_478 = tpu.memref_squeeze %dma_start3A_477 : memref<1x1x128x16xf32, #tpu.memory_space<vmem>> -> memref<128x16xf32, #tpu.memory_space<vmem>>
      %dma_start3A_479 = arith.constant 0 : i32
      %dma_start3A_480 = tpu.memref_slice %arg7[%add3A_472, %dma_start3A_479] : memref<96x128xi32, #tpu.memory_space<vmem>> -> memref<1x128xi32, #tpu.memory_space<vmem>>
      %dma_start3A_481 = tpu.memref_squeeze %dma_start3A_480 : memref<1x128xi32, #tpu.memory_space<vmem>> -> memref<128xi32, #tpu.memory_space<vmem>>
      %dma_start3A_482 = arith.constant 0 : i32
      %dma_start3A_483 = arith.constant 0 : i32
      %dma_start3A_484 = tpu.memref_slice %arg10[%dma_start3A_482, %dma_start3A_483] : memref<10112x16xf32, #tpu.memory_space<vmem_shared>> -> memref<10112x16xf32, #tpu.memory_space<vmem_shared>>
      tpu.enqueue_indirect_dma source(%dma_start3A_478 : memref<128x16xf32, #tpu.memory_space<vmem>>) target(%dma_start3A_484 : memref<10112x16xf32, #tpu.memory_space<vmem_shared>>) offsets(%dma_start3A_481 : memref<128xi32, #tpu.memory_space<vmem>>) semaphore(%arg15 : memref<!tpu.dma_semaphore, #tpu.memory_space<semaphore_mem>>) {add = true}
      %mul3A_485 = arith.constant 4 : i32
      %mul3A_486 = arith.muli %add3A_436, %mul3A_485 : i32
      %add3A_487 = arith.constant 3 : i32
      %add3A_488 = arith.addi %mul3A_486, %add3A_487 : i32
      %dma_start3A_489 = arith.constant 1 : i32
      %dma_start3A_490 = arith.constant 3 : i32
      %dma_start3A_491 = arith.constant 0 : i32
      %dma_start3A_492 = arith.constant 0 : i32
      %dma_start3A_493 = tpu.memref_slice %arg8[%dma_start3A_489, %dma_start3A_490, %dma_start3A_491, %dma_start3A_492] : memref<2x4x128x16xf32, #tpu.memory_space<vmem>> -> memref<1x1x128x16xf32, #tpu.memory_space<vmem>>
      %dma_start3A_494 = tpu.memref_squeeze %dma_start3A_493 : memref<1x1x128x16xf32, #tpu.memory_space<vmem>> -> memref<128x16xf32, #tpu.memory_space<vmem>>
      %dma_start3A_495 = arith.constant 0 : i32
      %dma_start3A_496 = tpu.memref_slice %arg7[%add3A_488, %dma_start3A_495] : memref<96x128xi32, #tpu.memory_space<vmem>> -> memref<1x128xi32, #tpu.memory_space<vmem>>
      %dma_start3A_497 = tpu.memref_squeeze %dma_start3A_496 : memref<1x128xi32, #tpu.memory_space<vmem>> -> memref<128xi32, #tpu.memory_space<vmem>>
      %dma_start3A_498 = arith.constant 0 : i32
      %dma_start3A_499 = arith.constant 0 : i32
      %dma_start3A_500 = tpu.memref_slice %arg10[%dma_start3A_498, %dma_start3A_499] : memref<10112x16xf32, #tpu.memory_space<vmem_shared>> -> memref<10112x16xf32, #tpu.memory_space<vmem_shared>>
      tpu.enqueue_indirect_dma source(%dma_start3A_494 : memref<128x16xf32, #tpu.memory_space<vmem>>) target(%dma_start3A_500 : memref<10112x16xf32, #tpu.memory_space<vmem_shared>>) offsets(%dma_start3A_497 : memref<128xi32, #tpu.memory_space<vmem>>) semaphore(%arg15 : memref<!tpu.dma_semaphore, #tpu.memory_space<semaphore_mem>>) {add = true}
    }
    %while3A_79 = arith.constant 1 : i32
    scf.for %while3A_136 = %while3A_77 to %while3A_73 step %while3A_79  : i32 {
      %mul3A_137 = arith.constant 2 : i32
      %mul3A_138 = arith.muli %mul3A_137, %while3A_136 : i32
      %dma_wait3A_139 = arith.constant 0 : i32
      %dma_wait3A_140 = arith.constant 0 : i32
      %dma_wait3A_141 = arith.constant 0 : i32
      %dma_wait3A_142 = arith.constant 0 : i32
      %dma_wait3A_143 = arith.constant 0 : i32
      %dma_wait3A_144 = tpu.memref_slice %arg8[%dma_wait3A_140, %dma_wait3A_141, %dma_wait3A_142, %dma_wait3A_143] : memref<2x4x128x16xf32, #tpu.memory_space<vmem>> -> memref<1x1x128x16xf32, #tpu.memory_space<vmem>>
      %dma_wait3A_145 = tpu.memref_squeeze %dma_wait3A_144 : memref<1x1x128x16xf32, #tpu.memory_space<vmem>> -> memref<128x16xf32, #tpu.memory_space<vmem>>
      %dma_wait3A_146 = arith.constant 0 : i32
      %dma_wait3A_147 = tpu.memref_slice %arg6[%dma_wait3A_139, %dma_wait3A_146] : memref<96x128xi32, #tpu.memory_space<vmem>> -> memref<1x128xi32, #tpu.memory_space<vmem>>
      %dma_wait3A_148 = tpu.memref_squeeze %dma_wait3A_147 : memref<1x128xi32, #tpu.memory_space<vmem>> -> memref<128xi32, #tpu.memory_space<vmem>>
      %dma_wait3A_149 = arith.constant 0 : i32
      %dma_wait3A_150 = arith.constant 0 : i32
      %dma_wait3A_151 = tpu.memref_slice %arg11[%dma_wait3A_149, %dma_wait3A_150] : memref<10112x16xf32, #tpu.memory_space<vmem_shared>> -> memref<10112x16xf32, #tpu.memory_space<vmem_shared>>
      tpu.wait_indirect_dma semaphore(%arg12 : memref<!tpu.dma_semaphore, #tpu.memory_space<semaphore_mem>>) src(%dma_wait3A_151 : memref<10112x16xf32, #tpu.memory_space<vmem_shared>>) dst(%dma_wait3A_145 : memref<128x16xf32, #tpu.memory_space<vmem>>)
      %dma_wait3A_152 = arith.constant 1 : i32
      %dma_wait3A_153 = arith.constant 0 : i32
      %dma_wait3A_154 = arith.constant 1 : i32
      %dma_wait3A_155 = arith.constant 0 : i32
      %dma_wait3A_156 = arith.constant 0 : i32
      %dma_wait3A_157 = tpu.memref_slice %arg8[%dma_wait3A_153, %dma_wait3A_154, %dma_wait3A_155, %dma_wait3A_156] : memref<2x4x128x16xf32, #tpu.memory_space<vmem>> -> memref<1x1x128x16xf32, #tpu.memory_space<vmem>>
      %dma_wait3A_158 = tpu.memref_squeeze %dma_wait3A_157 : memref<1x1x128x16xf32, #tpu.memory_space<vmem>> -> memref<128x16xf32, #tpu.memory_space<vmem>>
      %dma_wait3A_159 = arith.constant 0 : i32
      %dma_wait3A_160 = tpu.memref_slice %arg6[%dma_wait3A_152, %dma_wait3A_159] : memref<96x128xi32, #tpu.memory_space<vmem>> -> memref<1x128xi32, #tpu.memory_space<vmem>>
      %dma_wait3A_161 = tpu.memref_squeeze %dma_wait3A_160 : memref<1x128xi32, #tpu.memory_space<vmem>> -> memref<128xi32, #tpu.memory_space<vmem>>
      %dma_wait3A_162 = arith.constant 0 : i32
      %dma_wait3A_163 = arith.constant 0 : i32
      %dma_wait3A_164 = tpu.memref_slice %arg11[%dma_wait3A_162, %dma_wait3A_163] : memref<10112x16xf32, #tpu.memory_space<vmem_shared>> -> memref<10112x16xf32, #tpu.memory_space<vmem_shared>>
      tpu.wait_indirect_dma semaphore(%arg12 : memref<!tpu.dma_semaphore, #tpu.memory_space<semaphore_mem>>) src(%dma_wait3A_164 : memref<10112x16xf32, #tpu.memory_space<vmem_shared>>) dst(%dma_wait3A_158 : memref<128x16xf32, #tpu.memory_space<vmem>>)
      %dma_wait3A_165 = arith.constant 2 : i32
      %dma_wait3A_166 = arith.constant 0 : i32
      %dma_wait3A_167 = arith.constant 2 : i32
      %dma_wait3A_168 = arith.constant 0 : i32
      %dma_wait3A_169 = arith.constant 0 : i32
      %dma_wait3A_170 = tpu.memref_slice %arg8[%dma_wait3A_166, %dma_wait3A_167, %dma_wait3A_168, %dma_wait3A_169] : memref<2x4x128x16xf32, #tpu.memory_space<vmem>> -> memref<1x1x128x16xf32, #tpu.memory_space<vmem>>
      %dma_wait3A_171 = tpu.memref_squeeze %dma_wait3A_170 : memref<1x1x128x16xf32, #tpu.memory_space<vmem>> -> memref<128x16xf32, #tpu.memory_space<vmem>>
      %dma_wait3A_172 = arith.constant 0 : i32
      %dma_wait3A_173 = tpu.memref_slice %arg6[%dma_wait3A_165, %dma_wait3A_172] : memref<96x128xi32, #tpu.memory_space<vmem>> -> memref<1x128xi32, #tpu.memory_space<vmem>>
      %dma_wait3A_174 = tpu.memref_squeeze %dma_wait3A_173 : memref<1x128xi32, #tpu.memory_space<vmem>> -> memref<128xi32, #tpu.memory_space<vmem>>
      %dma_wait3A_175 = arith.constant 0 : i32
      %dma_wait3A_176 = arith.constant 0 : i32
      %dma_wait3A_177 = tpu.memref_slice %arg11[%dma_wait3A_175, %dma_wait3A_176] : memref<10112x16xf32, #tpu.memory_space<vmem_shared>> -> memref<10112x16xf32, #tpu.memory_space<vmem_shared>>
      tpu.wait_indirect_dma semaphore(%arg12 : memref<!tpu.dma_semaphore, #tpu.memory_space<semaphore_mem>>) src(%dma_wait3A_177 : memref<10112x16xf32, #tpu.memory_space<vmem_shared>>) dst(%dma_wait3A_171 : memref<128x16xf32, #tpu.memory_space<vmem>>)
      %dma_wait3A_178 = arith.constant 3 : i32
      %dma_wait3A_179 = arith.constant 0 : i32
      %dma_wait3A_180 = arith.constant 3 : i32
      %dma_wait3A_181 = arith.constant 0 : i32
      %dma_wait3A_182 = arith.constant 0 : i32
      %dma_wait3A_183 = tpu.memref_slice %arg8[%dma_wait3A_179, %dma_wait3A_180, %dma_wait3A_181, %dma_wait3A_182] : memref<2x4x128x16xf32, #tpu.memory_space<vmem>> -> memref<1x1x128x16xf32, #tpu.memory_space<vmem>>
      %dma_wait3A_184 = tpu.memref_squeeze %dma_wait3A_183 : memref<1x1x128x16xf32, #tpu.memory_space<vmem>> -> memref<128x16xf32, #tpu.memory_space<vmem>>
      %dma_wait3A_185 = arith.constant 0 : i32
      %dma_wait3A_186 = tpu.memref_slice %arg6[%dma_wait3A_178, %dma_wait3A_185] : memref<96x128xi32, #tpu.memory_space<vmem>> -> memref<1x128xi32, #tpu.memory_space<vmem>>
      %dma_wait3A_187 = tpu.memref_squeeze %dma_wait3A_186 : memref<1x128xi32, #tpu.memory_space<vmem>> -> memref<128xi32, #tpu.memory_space<vmem>>
      %dma_wait3A_188 = arith.constant 0 : i32
      %dma_wait3A_189 = arith.constant 0 : i32
      %dma_wait3A_190 = tpu.memref_slice %arg11[%dma_wait3A_188, %dma_wait3A_189] : memref<10112x16xf32, #tpu.memory_space<vmem_shared>> -> memref<10112x16xf32, #tpu.memory_space<vmem_shared>>
      tpu.wait_indirect_dma semaphore(%arg12 : memref<!tpu.dma_semaphore, #tpu.memory_space<semaphore_mem>>) src(%dma_wait3A_190 : memref<10112x16xf32, #tpu.memory_space<vmem_shared>>) dst(%dma_wait3A_184 : memref<128x16xf32, #tpu.memory_space<vmem>>)
      %ge3A = arith.constant 1 : i32
      %ge3A_191 = arith.cmpi sge, %while3A_136, %ge3A : i32
      %convert_element_type3A_192 = arith.extui %ge3A_191 : i1 to i32
      %cond3A_193 = arith.constant 0 : i32
      %cond3A_194 = arith.cmpi ne, %convert_element_type3A_192, %cond3A_193 : i32
      scf.if %cond3A_194 {
        %dma_wait3A_501 = arith.constant 1 : i32
        %dma_wait3A_502 = arith.constant 0 : i32
        %dma_wait3A_503 = arith.constant 0 : i32
        %dma_wait3A_504 = arith.constant 0 : i32
        %dma_wait3A_505 = arith.constant 0 : i32
        %dma_wait3A_506 = tpu.memref_slice %arg8[%dma_wait3A_501, %dma_wait3A_502, %dma_wait3A_504, %dma_wait3A_505] : memref<2x4x128x16xf32, #tpu.memory_space<vmem>> -> memref<1x1x128x16xf32, #tpu.memory_space<vmem>>
        %dma_wait3A_507 = tpu.memref_squeeze %dma_wait3A_506 : memref<1x1x128x16xf32, #tpu.memory_space<vmem>> -> memref<128x16xf32, #tpu.memory_space<vmem>>
        %dma_wait3A_508 = arith.constant 0 : i32
        %dma_wait3A_509 = tpu.memref_slice %arg7[%dma_wait3A_503, %dma_wait3A_508] : memref<96x128xi32, #tpu.memory_space<vmem>> -> memref<1x128xi32, #tpu.memory_space<vmem>>
        %dma_wait3A_510 = tpu.memref_squeeze %dma_wait3A_509 : memref<1x128xi32, #tpu.memory_space<vmem>> -> memref<128xi32, #tpu.memory_space<vmem>>
        %dma_wait3A_511 = arith.constant 0 : i32
        %dma_wait3A_512 = arith.constant 0 : i32
        %dma_wait3A_513 = tpu.memref_slice %arg10[%dma_wait3A_511, %dma_wait3A_512] : memref<10112x16xf32, #tpu.memory_space<vmem_shared>> -> memref<10112x16xf32, #tpu.memory_space<vmem_shared>>
        tpu.wait_indirect_dma semaphore(%arg15 : memref<!tpu.dma_semaphore, #tpu.memory_space<semaphore_mem>>) src(%dma_wait3A_507 : memref<128x16xf32, #tpu.memory_space<vmem>>) dst(%dma_wait3A_513 : memref<10112x16xf32, #tpu.memory_space<vmem_shared>>)
        %dma_wait3A_514 = arith.constant 1 : i32
        %dma_wait3A_515 = arith.constant 1 : i32
        %dma_wait3A_516 = arith.constant 1 : i32
        %dma_wait3A_517 = arith.constant 0 : i32
        %dma_wait3A_518 = arith.constant 0 : i32
        %dma_wait3A_519 = tpu.memref_slice %arg8[%dma_wait3A_514, %dma_wait3A_515, %dma_wait3A_517, %dma_wait3A_518] : memref<2x4x128x16xf32, #tpu.memory_space<vmem>> -> memref<1x1x128x16xf32, #tpu.memory_space<vmem>>
        %dma_wait3A_520 = tpu.memref_squeeze %dma_wait3A_519 : memref<1x1x128x16xf32, #tpu.memory_space<vmem>> -> memref<128x16xf32, #tpu.memory_space<vmem>>
        %dma_wait3A_521 = arith.constant 0 : i32
        %dma_wait3A_522 = tpu.memref_slice %arg7[%dma_wait3A_516, %dma_wait3A_521] : memref<96x128xi32, #tpu.memory_space<vmem>> -> memref<1x128xi32, #tpu.memory_space<vmem>>
        %dma_wait3A_523 = tpu.memref_squeeze %dma_wait3A_522 : memref<1x128xi32, #tpu.memory_space<vmem>> -> memref<128xi32, #tpu.memory_space<vmem>>
        %dma_wait3A_524 = arith.constant 0 : i32
        %dma_wait3A_525 = arith.constant 0 : i32
        %dma_wait3A_526 = tpu.memref_slice %arg10[%dma_wait3A_524, %dma_wait3A_525] : memref<10112x16xf32, #tpu.memory_space<vmem_shared>> -> memref<10112x16xf32, #tpu.memory_space<vmem_shared>>
        tpu.wait_indirect_dma semaphore(%arg15 : memref<!tpu.dma_semaphore, #tpu.memory_space<semaphore_mem>>) src(%dma_wait3A_520 : memref<128x16xf32, #tpu.memory_space<vmem>>) dst(%dma_wait3A_526 : memref<10112x16xf32, #tpu.memory_space<vmem_shared>>)
        %dma_wait3A_527 = arith.constant 1 : i32
        %dma_wait3A_528 = arith.constant 2 : i32
        %dma_wait3A_529 = arith.constant 2 : i32
        %dma_wait3A_530 = arith.constant 0 : i32
        %dma_wait3A_531 = arith.constant 0 : i32
        %dma_wait3A_532 = tpu.memref_slice %arg8[%dma_wait3A_527, %dma_wait3A_528, %dma_wait3A_530, %dma_wait3A_531] : memref<2x4x128x16xf32, #tpu.memory_space<vmem>> -> memref<1x1x128x16xf32, #tpu.memory_space<vmem>>
        %dma_wait3A_533 = tpu.memref_squeeze %dma_wait3A_532 : memref<1x1x128x16xf32, #tpu.memory_space<vmem>> -> memref<128x16xf32, #tpu.memory_space<vmem>>
        %dma_wait3A_534 = arith.constant 0 : i32
        %dma_wait3A_535 = tpu.memref_slice %arg7[%dma_wait3A_529, %dma_wait3A_534] : memref<96x128xi32, #tpu.memory_space<vmem>> -> memref<1x128xi32, #tpu.memory_space<vmem>>
        %dma_wait3A_536 = tpu.memref_squeeze %dma_wait3A_535 : memref<1x128xi32, #tpu.memory_space<vmem>> -> memref<128xi32, #tpu.memory_space<vmem>>
        %dma_wait3A_537 = arith.constant 0 : i32
        %dma_wait3A_538 = arith.constant 0 : i32
        %dma_wait3A_539 = tpu.memref_slice %arg10[%dma_wait3A_537, %dma_wait3A_538] : memref<10112x16xf32, #tpu.memory_space<vmem_shared>> -> memref<10112x16xf32, #tpu.memory_space<vmem_shared>>
        tpu.wait_indirect_dma semaphore(%arg15 : memref<!tpu.dma_semaphore, #tpu.memory_space<semaphore_mem>>) src(%dma_wait3A_533 : memref<128x16xf32, #tpu.memory_space<vmem>>) dst(%dma_wait3A_539 : memref<10112x16xf32, #tpu.memory_space<vmem_shared>>)
        %dma_wait3A_540 = arith.constant 1 : i32
        %dma_wait3A_541 = arith.constant 3 : i32
        %dma_wait3A_542 = arith.constant 3 : i32
        %dma_wait3A_543 = arith.constant 0 : i32
        %dma_wait3A_544 = arith.constant 0 : i32
        %dma_wait3A_545 = tpu.memref_slice %arg8[%dma_wait3A_540, %dma_wait3A_541, %dma_wait3A_543, %dma_wait3A_544] : memref<2x4x128x16xf32, #tpu.memory_space<vmem>> -> memref<1x1x128x16xf32, #tpu.memory_space<vmem>>
        %dma_wait3A_546 = tpu.memref_squeeze %dma_wait3A_545 : memref<1x1x128x16xf32, #tpu.memory_space<vmem>> -> memref<128x16xf32, #tpu.memory_space<vmem>>
        %dma_wait3A_547 = arith.constant 0 : i32
        %dma_wait3A_548 = tpu.memref_slice %arg7[%dma_wait3A_542, %dma_wait3A_547] : memref<96x128xi32, #tpu.memory_space<vmem>> -> memref<1x128xi32, #tpu.memory_space<vmem>>
        %dma_wait3A_549 = tpu.memref_squeeze %dma_wait3A_548 : memref<1x128xi32, #tpu.memory_space<vmem>> -> memref<128xi32, #tpu.memory_space<vmem>>
        %dma_wait3A_550 = arith.constant 0 : i32
        %dma_wait3A_551 = arith.constant 0 : i32
        %dma_wait3A_552 = tpu.memref_slice %arg10[%dma_wait3A_550, %dma_wait3A_551] : memref<10112x16xf32, #tpu.memory_space<vmem_shared>> -> memref<10112x16xf32, #tpu.memory_space<vmem_shared>>
        tpu.wait_indirect_dma semaphore(%arg15 : memref<!tpu.dma_semaphore, #tpu.memory_space<semaphore_mem>>) src(%dma_wait3A_546 : memref<128x16xf32, #tpu.memory_space<vmem>>) dst(%dma_wait3A_552 : memref<10112x16xf32, #tpu.memory_space<vmem_shared>>)
      } else {
      }
      %add3A = arith.constant 1 : i32
      %add3A_195 = arith.addi %mul3A_138, %add3A : i32
      %mul3A_196 = arith.constant 4 : i32
      %mul3A_197 = arith.muli %add3A_195, %mul3A_196 : i32
      %add3A_198 = arith.constant 0 : i32
      %add3A_199 = arith.addi %mul3A_197, %add3A_198 : i32
      %dma_start3A_200 = arith.constant 1 : i32
      %dma_start3A_201 = arith.constant 0 : i32
      %dma_start3A_202 = arith.constant 0 : i32
      %dma_start3A_203 = arith.constant 0 : i32
      %dma_start3A_204 = tpu.memref_slice %arg8[%dma_start3A_200, %dma_start3A_201, %dma_start3A_202, %dma_start3A_203] : memref<2x4x128x16xf32, #tpu.memory_space<vmem>> -> memref<1x1x128x16xf32, #tpu.memory_space<vmem>>
      %dma_start3A_205 = tpu.memref_squeeze %dma_start3A_204 : memref<1x1x128x16xf32, #tpu.memory_space<vmem>> -> memref<128x16xf32, #tpu.memory_space<vmem>>
      %dma_start3A_206 = arith.constant 0 : i32
      %dma_start3A_207 = tpu.memref_slice %arg6[%add3A_199, %dma_start3A_206] : memref<96x128xi32, #tpu.memory_space<vmem>> -> memref<1x128xi32, #tpu.memory_space<vmem>>
      %dma_start3A_208 = tpu.memref_squeeze %dma_start3A_207 : memref<1x128xi32, #tpu.memory_space<vmem>> -> memref<128xi32, #tpu.memory_space<vmem>>
      %dma_start3A_209 = arith.constant 0 : i32
      %dma_start3A_210 = arith.constant 0 : i32
      %dma_start3A_211 = tpu.memref_slice %arg11[%dma_start3A_209, %dma_start3A_210] : memref<10112x16xf32, #tpu.memory_space<vmem_shared>> -> memref<10112x16xf32, #tpu.memory_space<vmem_shared>>
      tpu.enqueue_indirect_dma source(%dma_start3A_211 : memref<10112x16xf32, #tpu.memory_space<vmem_shared>>) target(%dma_start3A_205 : memref<128x16xf32, #tpu.memory_space<vmem>>) offsets(%dma_start3A_208 : memref<128xi32, #tpu.memory_space<vmem>>) semaphore(%arg13 : memref<!tpu.dma_semaphore, #tpu.memory_space<semaphore_mem>>)
      %mul3A_212 = arith.constant 4 : i32
      %mul3A_213 = arith.muli %add3A_195, %mul3A_212 : i32
      %add3A_214 = arith.constant 1 : i32
      %add3A_215 = arith.addi %mul3A_213, %add3A_214 : i32
      %dma_start3A_216 = arith.constant 1 : i32
      %dma_start3A_217 = arith.constant 1 : i32
      %dma_start3A_218 = arith.constant 0 : i32
      %dma_start3A_219 = arith.constant 0 : i32
      %dma_start3A_220 = tpu.memref_slice %arg8[%dma_start3A_216, %dma_start3A_217, %dma_start3A_218, %dma_start3A_219] : memref<2x4x128x16xf32, #tpu.memory_space<vmem>> -> memref<1x1x128x16xf32, #tpu.memory_space<vmem>>
      %dma_start3A_221 = tpu.memref_squeeze %dma_start3A_220 : memref<1x1x128x16xf32, #tpu.memory_space<vmem>> -> memref<128x16xf32, #tpu.memory_space<vmem>>
      %dma_start3A_222 = arith.constant 0 : i32
      %dma_start3A_223 = tpu.memref_slice %arg6[%add3A_215, %dma_start3A_222] : memref<96x128xi32, #tpu.memory_space<vmem>> -> memref<1x128xi32, #tpu.memory_space<vmem>>
      %dma_start3A_224 = tpu.memref_squeeze %dma_start3A_223 : memref<1x128xi32, #tpu.memory_space<vmem>> -> memref<128xi32, #tpu.memory_space<vmem>>
      %dma_start3A_225 = arith.constant 0 : i32
      %dma_start3A_226 = arith.constant 0 : i32
      %dma_start3A_227 = tpu.memref_slice %arg11[%dma_start3A_225, %dma_start3A_226] : memref<10112x16xf32, #tpu.memory_space<vmem_shared>> -> memref<10112x16xf32, #tpu.memory_space<vmem_shared>>
      tpu.enqueue_indirect_dma source(%dma_start3A_227 : memref<10112x16xf32, #tpu.memory_space<vmem_shared>>) target(%dma_start3A_221 : memref<128x16xf32, #tpu.memory_space<vmem>>) offsets(%dma_start3A_224 : memref<128xi32, #tpu.memory_space<vmem>>) semaphore(%arg13 : memref<!tpu.dma_semaphore, #tpu.memory_space<semaphore_mem>>)
      %mul3A_228 = arith.constant 4 : i32
      %mul3A_229 = arith.muli %add3A_195, %mul3A_228 : i32
      %add3A_230 = arith.constant 2 : i32
      %add3A_231 = arith.addi %mul3A_229, %add3A_230 : i32
      %dma_start3A_232 = arith.constant 1 : i32
      %dma_start3A_233 = arith.constant 2 : i32
      %dma_start3A_234 = arith.constant 0 : i32
      %dma_start3A_235 = arith.constant 0 : i32
      %dma_start3A_236 = tpu.memref_slice %arg8[%dma_start3A_232, %dma_start3A_233, %dma_start3A_234, %dma_start3A_235] : memref<2x4x128x16xf32, #tpu.memory_space<vmem>> -> memref<1x1x128x16xf32, #tpu.memory_space<vmem>>
      %dma_start3A_237 = tpu.memref_squeeze %dma_start3A_236 : memref<1x1x128x16xf32, #tpu.memory_space<vmem>> -> memref<128x16xf32, #tpu.memory_space<vmem>>
      %dma_start3A_238 = arith.constant 0 : i32
      %dma_start3A_239 = tpu.memref_slice %arg6[%add3A_231, %dma_start3A_238] : memref<96x128xi32, #tpu.memory_space<vmem>> -> memref<1x128xi32, #tpu.memory_space<vmem>>
      %dma_start3A_240 = tpu.memref_squeeze %dma_start3A_239 : memref<1x128xi32, #tpu.memory_space<vmem>> -> memref<128xi32, #tpu.memory_space<vmem>>
      %dma_start3A_241 = arith.constant 0 : i32
      %dma_start3A_242 = arith.constant 0 : i32
      %dma_start3A_243 = tpu.memref_slice %arg11[%dma_start3A_241, %dma_start3A_242] : memref<10112x16xf32, #tpu.memory_space<vmem_shared>> -> memref<10112x16xf32, #tpu.memory_space<vmem_shared>>
      tpu.enqueue_indirect_dma source(%dma_start3A_243 : memref<10112x16xf32, #tpu.memory_space<vmem_shared>>) target(%dma_start3A_237 : memref<128x16xf32, #tpu.memory_space<vmem>>) offsets(%dma_start3A_240 : memref<128xi32, #tpu.memory_space<vmem>>) semaphore(%arg13 : memref<!tpu.dma_semaphore, #tpu.memory_space<semaphore_mem>>)
      %mul3A_244 = arith.constant 4 : i32
      %mul3A_245 = arith.muli %add3A_195, %mul3A_244 : i32
      %add3A_246 = arith.constant 3 : i32
      %add3A_247 = arith.addi %mul3A_245, %add3A_246 : i32
      %dma_start3A_248 = arith.constant 1 : i32
      %dma_start3A_249 = arith.constant 3 : i32
      %dma_start3A_250 = arith.constant 0 : i32
      %dma_start3A_251 = arith.constant 0 : i32
      %dma_start3A_252 = tpu.memref_slice %arg8[%dma_start3A_248, %dma_start3A_249, %dma_start3A_250, %dma_start3A_251] : memref<2x4x128x16xf32, #tpu.memory_space<vmem>> -> memref<1x1x128x16xf32, #tpu.memory_space<vmem>>
      %dma_start3A_253 = tpu.memref_squeeze %dma_start3A_252 : memref<1x1x128x16xf32, #tpu.memory_space<vmem>> -> memref<128x16xf32, #tpu.memory_space<vmem>>
      %dma_start3A_254 = arith.constant 0 : i32
      %dma_start3A_255 = tpu.memref_slice %arg6[%add3A_247, %dma_start3A_254] : memref<96x128xi32, #tpu.memory_space<vmem>> -> memref<1x128xi32, #tpu.memory_space<vmem>>
      %dma_start3A_256 = tpu.memref_squeeze %dma_start3A_255 : memref<1x128xi32, #tpu.memory_space<vmem>> -> memref<128xi32, #tpu.memory_space<vmem>>
      %dma_start3A_257 = arith.constant 0 : i32
      %dma_start3A_258 = arith.constant 0 : i32
      %dma_start3A_259 = tpu.memref_slice %arg11[%dma_start3A_257, %dma_start3A_258] : memref<10112x16xf32, #tpu.memory_space<vmem_shared>> -> memref<10112x16xf32, #tpu.memory_space<vmem_shared>>
      tpu.enqueue_indirect_dma source(%dma_start3A_259 : memref<10112x16xf32, #tpu.memory_space<vmem_shared>>) target(%dma_start3A_253 : memref<128x16xf32, #tpu.memory_space<vmem>>) offsets(%dma_start3A_256 : memref<128xi32, #tpu.memory_space<vmem>>) semaphore(%arg13 : memref<!tpu.dma_semaphore, #tpu.memory_space<semaphore_mem>>)
      %mul3A_260 = arith.constant 4 : i32
      %mul3A_261 = arith.muli %mul3A_138, %mul3A_260 : i32
      %add3A_262 = arith.constant 0 : i32
      %add3A_263 = arith.addi %mul3A_261, %add3A_262 : i32
      %dma_start3A_264 = arith.constant 0 : i32
      %dma_start3A_265 = arith.constant 0 : i32
      %dma_start3A_266 = arith.constant 0 : i32
      %dma_start3A_267 = arith.constant 0 : i32
      %dma_start3A_268 = tpu.memref_slice %arg8[%dma_start3A_264, %dma_start3A_265, %dma_start3A_266, %dma_start3A_267] : memref<2x4x128x16xf32, #tpu.memory_space<vmem>> -> memref<1x1x128x16xf32, #tpu.memory_space<vmem>>
      %dma_start3A_269 = tpu.memref_squeeze %dma_start3A_268 : memref<1x1x128x16xf32, #tpu.memory_space<vmem>> -> memref<128x16xf32, #tpu.memory_space<vmem>>
      %dma_start3A_270 = arith.constant 0 : i32
      %dma_start3A_271 = tpu.memref_slice %arg7[%add3A_263, %dma_start3A_270] : memref<96x128xi32, #tpu.memory_space<vmem>> -> memref<1x128xi32, #tpu.memory_space<vmem>>
      %dma_start3A_272 = tpu.memref_squeeze %dma_start3A_271 : memref<1x128xi32, #tpu.memory_space<vmem>> -> memref<128xi32, #tpu.memory_space<vmem>>
      %dma_start3A_273 = arith.constant 0 : i32
      %dma_start3A_274 = arith.constant 0 : i32
      %dma_start3A_275 = tpu.memref_slice %arg10[%dma_start3A_273, %dma_start3A_274] : memref<10112x16xf32, #tpu.memory_space<vmem_shared>> -> memref<10112x16xf32, #tpu.memory_space<vmem_shared>>
      tpu.enqueue_indirect_dma source(%dma_start3A_269 : memref<128x16xf32, #tpu.memory_space<vmem>>) target(%dma_start3A_275 : memref<10112x16xf32, #tpu.memory_space<vmem_shared>>) offsets(%dma_start3A_272 : memref<128xi32, #tpu.memory_space<vmem>>) semaphore(%arg14 : memref<!tpu.dma_semaphore, #tpu.memory_space<semaphore_mem>>) {add = true}
      %mul3A_276 = arith.constant 4 : i32
      %mul3A_277 = arith.muli %mul3A_138, %mul3A_276 : i32
      %add3A_278 = arith.constant 1 : i32
      %add3A_279 = arith.addi %mul3A_277, %add3A_278 : i32
      %dma_start3A_280 = arith.constant 0 : i32
      %dma_start3A_281 = arith.constant 1 : i32
      %dma_start3A_282 = arith.constant 0 : i32
      %dma_start3A_283 = arith.constant 0 : i32
      %dma_start3A_284 = tpu.memref_slice %arg8[%dma_start3A_280, %dma_start3A_281, %dma_start3A_282, %dma_start3A_283] : memref<2x4x128x16xf32, #tpu.memory_space<vmem>> -> memref<1x1x128x16xf32, #tpu.memory_space<vmem>>
      %dma_start3A_285 = tpu.memref_squeeze %dma_start3A_284 : memref<1x1x128x16xf32, #tpu.memory_space<vmem>> -> memref<128x16xf32, #tpu.memory_space<vmem>>
      %dma_start3A_286 = arith.constant 0 : i32
      %dma_start3A_287 = tpu.memref_slice %arg7[%add3A_279, %dma_start3A_286] : memref<96x128xi32, #tpu.memory_space<vmem>> -> memref<1x128xi32, #tpu.memory_space<vmem>>
      %dma_start3A_288 = tpu.memref_squeeze %dma_start3A_287 : memref<1x128xi32, #tpu.memory_space<vmem>> -> memref<128xi32, #tpu.memory_space<vmem>>
      %dma_start3A_289 = arith.constant 0 : i32
      %dma_start3A_290 = arith.constant 0 : i32
      %dma_start3A_291 = tpu.memref_slice %arg10[%dma_start3A_289, %dma_start3A_290] : memref<10112x16xf32, #tpu.memory_space<vmem_shared>> -> memref<10112x16xf32, #tpu.memory_space<vmem_shared>>
      tpu.enqueue_indirect_dma source(%dma_start3A_285 : memref<128x16xf32, #tpu.memory_space<vmem>>) target(%dma_start3A_291 : memref<10112x16xf32, #tpu.memory_space<vmem_shared>>) offsets(%dma_start3A_288 : memref<128xi32, #tpu.memory_space<vmem>>) semaphore(%arg14 : memref<!tpu.dma_semaphore, #tpu.memory_space<semaphore_mem>>) {add = true}
      %mul3A_292 = arith.constant 4 : i32
      %mul3A_293 = arith.muli %mul3A_138, %mul3A_292 : i32
      %add3A_294 = arith.constant 2 : i32
      %add3A_295 = arith.addi %mul3A_293, %add3A_294 : i32
      %dma_start3A_296 = arith.constant 0 : i32
      %dma_start3A_297 = arith.constant 2 : i32
      %dma_start3A_298 = arith.constant 0 : i32
      %dma_start3A_299 = arith.constant 0 : i32
      %dma_start3A_300 = tpu.memref_slice %arg8[%dma_start3A_296, %dma_start3A_297, %dma_start3A_298, %dma_start3A_299] : memref<2x4x128x16xf32, #tpu.memory_space<vmem>> -> memref<1x1x128x16xf32, #tpu.memory_space<vmem>>
      %dma_start3A_301 = tpu.memref_squeeze %dma_start3A_300 : memref<1x1x128x16xf32, #tpu.memory_space<vmem>> -> memref<128x16xf32, #tpu.memory_space<vmem>>
      %dma_start3A_302 = arith.constant 0 : i32
      %dma_start3A_303 = tpu.memref_slice %arg7[%add3A_295, %dma_start3A_302] : memref<96x128xi32, #tpu.memory_space<vmem>> -> memref<1x128xi32, #tpu.memory_space<vmem>>
      %dma_start3A_304 = tpu.memref_squeeze %dma_start3A_303 : memref<1x128xi32, #tpu.memory_space<vmem>> -> memref<128xi32, #tpu.memory_space<vmem>>
      %dma_start3A_305 = arith.constant 0 : i32
      %dma_start3A_306 = arith.constant 0 : i32
      %dma_start3A_307 = tpu.memref_slice %arg10[%dma_start3A_305, %dma_start3A_306] : memref<10112x16xf32, #tpu.memory_space<vmem_shared>> -> memref<10112x16xf32, #tpu.memory_space<vmem_shared>>
      tpu.enqueue_indirect_dma source(%dma_start3A_301 : memref<128x16xf32, #tpu.memory_space<vmem>>) target(%dma_start3A_307 : memref<10112x16xf32, #tpu.memory_space<vmem_shared>>) offsets(%dma_start3A_304 : memref<128xi32, #tpu.memory_space<vmem>>) semaphore(%arg14 : memref<!tpu.dma_semaphore, #tpu.memory_space<semaphore_mem>>) {add = true}
      %mul3A_308 = arith.constant 4 : i32
      %mul3A_309 = arith.muli %mul3A_138, %mul3A_308 : i32
      %add3A_310 = arith.constant 3 : i32
      %add3A_311 = arith.addi %mul3A_309, %add3A_310 : i32
      %dma_start3A_312 = arith.constant 0 : i32
      %dma_start3A_313 = arith.constant 3 : i32
      %dma_start3A_314 = arith.constant 0 : i32
      %dma_start3A_315 = arith.constant 0 : i32
      %dma_start3A_316 = tpu.memref_slice %arg8[%dma_start3A_312, %dma_start3A_313, %dma_start3A_314, %dma_start3A_315] : memref<2x4x128x16xf32, #tpu.memory_space<vmem>> -> memref<1x1x128x16xf32, #tpu.memory_space<vmem>>
      %dma_start3A_317 = tpu.memref_squeeze %dma_start3A_316 : memref<1x1x128x16xf32, #tpu.memory_space<vmem>> -> memref<128x16xf32, #tpu.memory_space<vmem>>
      %dma_start3A_318 = arith.constant 0 : i32
      %dma_start3A_319 = tpu.memref_slice %arg7[%add3A_311, %dma_start3A_318] : memref<96x128xi32, #tpu.memory_space<vmem>> -> memref<1x128xi32, #tpu.memory_space<vmem>>
      %dma_start3A_320 = tpu.memref_squeeze %dma_start3A_319 : memref<1x128xi32, #tpu.memory_space<vmem>> -> memref<128xi32, #tpu.memory_space<vmem>>
      %dma_start3A_321 = arith.constant 0 : i32
      %dma_start3A_322 = arith.constant 0 : i32
      %dma_start3A_323 = tpu.memref_slice %arg10[%dma_start3A_321, %dma_start3A_322] : memref<10112x16xf32, #tpu.memory_space<vmem_shared>> -> memref<10112x16xf32, #tpu.memory_space<vmem_shared>>
      tpu.enqueue_indirect_dma source(%dma_start3A_317 : memref<128x16xf32, #tpu.memory_space<vmem>>) target(%dma_start3A_323 : memref<10112x16xf32, #tpu.memory_space<vmem_shared>>) offsets(%dma_start3A_320 : memref<128xi32, #tpu.memory_space<vmem>>) semaphore(%arg14 : memref<!tpu.dma_semaphore, #tpu.memory_space<semaphore_mem>>) {add = true}
      %dma_wait3A_324 = arith.constant 0 : i32
      %dma_wait3A_325 = arith.constant 1 : i32
      %dma_wait3A_326 = arith.constant 0 : i32
      %dma_wait3A_327 = arith.constant 0 : i32
      %dma_wait3A_328 = arith.constant 0 : i32
      %dma_wait3A_329 = tpu.memref_slice %arg8[%dma_wait3A_325, %dma_wait3A_326, %dma_wait3A_327, %dma_wait3A_328] : memref<2x4x128x16xf32, #tpu.memory_space<vmem>> -> memref<1x1x128x16xf32, #tpu.memory_space<vmem>>
      %dma_wait3A_330 = tpu.memref_squeeze %dma_wait3A_329 : memref<1x1x128x16xf32, #tpu.memory_space<vmem>> -> memref<128x16xf32, #tpu.memory_space<vmem>>
      %dma_wait3A_331 = arith.constant 0 : i32
      %dma_wait3A_332 = tpu.memref_slice %arg6[%dma_wait3A_324, %dma_wait3A_331] : memref<96x128xi32, #tpu.memory_space<vmem>> -> memref<1x128xi32, #tpu.memory_space<vmem>>
      %dma_wait3A_333 = tpu.memref_squeeze %dma_wait3A_332 : memref<1x128xi32, #tpu.memory_space<vmem>> -> memref<128xi32, #tpu.memory_space<vmem>>
      %dma_wait3A_334 = arith.constant 0 : i32
      %dma_wait3A_335 = arith.constant 0 : i32
      %dma_wait3A_336 = tpu.memref_slice %arg11[%dma_wait3A_334, %dma_wait3A_335] : memref<10112x16xf32, #tpu.memory_space<vmem_shared>> -> memref<10112x16xf32, #tpu.memory_space<vmem_shared>>
      tpu.wait_indirect_dma semaphore(%arg13 : memref<!tpu.dma_semaphore, #tpu.memory_space<semaphore_mem>>) src(%dma_wait3A_336 : memref<10112x16xf32, #tpu.memory_space<vmem_shared>>) dst(%dma_wait3A_330 : memref<128x16xf32, #tpu.memory_space<vmem>>)
      %dma_wait3A_337 = arith.constant 1 : i32
      %dma_wait3A_338 = arith.constant 1 : i32
      %dma_wait3A_339 = arith.constant 1 : i32
      %dma_wait3A_340 = arith.constant 0 : i32
      %dma_wait3A_341 = arith.constant 0 : i32
      %dma_wait3A_342 = tpu.memref_slice %arg8[%dma_wait3A_338, %dma_wait3A_339, %dma_wait3A_340, %dma_wait3A_341] : memref<2x4x128x16xf32, #tpu.memory_space<vmem>> -> memref<1x1x128x16xf32, #tpu.memory_space<vmem>>
      %dma_wait3A_343 = tpu.memref_squeeze %dma_wait3A_342 : memref<1x1x128x16xf32, #tpu.memory_space<vmem>> -> memref<128x16xf32, #tpu.memory_space<vmem>>
      %dma_wait3A_344 = arith.constant 0 : i32
      %dma_wait3A_345 = tpu.memref_slice %arg6[%dma_wait3A_337, %dma_wait3A_344] : memref<96x128xi32, #tpu.memory_space<vmem>> -> memref<1x128xi32, #tpu.memory_space<vmem>>
      %dma_wait3A_346 = tpu.memref_squeeze %dma_wait3A_345 : memref<1x128xi32, #tpu.memory_space<vmem>> -> memref<128xi32, #tpu.memory_space<vmem>>
      %dma_wait3A_347 = arith.constant 0 : i32
      %dma_wait3A_348 = arith.constant 0 : i32
      %dma_wait3A_349 = tpu.memref_slice %arg11[%dma_wait3A_347, %dma_wait3A_348] : memref<10112x16xf32, #tpu.memory_space<vmem_shared>> -> memref<10112x16xf32, #tpu.memory_space<vmem_shared>>
      tpu.wait_indirect_dma semaphore(%arg13 : memref<!tpu.dma_semaphore, #tpu.memory_space<semaphore_mem>>) src(%dma_wait3A_349 : memref<10112x16xf32, #tpu.memory_space<vmem_shared>>) dst(%dma_wait3A_343 : memref<128x16xf32, #tpu.memory_space<vmem>>)
      %dma_wait3A_350 = arith.constant 2 : i32
      %dma_wait3A_351 = arith.constant 1 : i32
      %dma_wait3A_352 = arith.constant 2 : i32
      %dma_wait3A_353 = arith.constant 0 : i32
      %dma_wait3A_354 = arith.constant 0 : i32
      %dma_wait3A_355 = tpu.memref_slice %arg8[%dma_wait3A_351, %dma_wait3A_352, %dma_wait3A_353, %dma_wait3A_354] : memref<2x4x128x16xf32, #tpu.memory_space<vmem>> -> memref<1x1x128x16xf32, #tpu.memory_space<vmem>>
      %dma_wait3A_356 = tpu.memref_squeeze %dma_wait3A_355 : memref<1x1x128x16xf32, #tpu.memory_space<vmem>> -> memref<128x16xf32, #tpu.memory_space<vmem>>
      %dma_wait3A_357 = arith.constant 0 : i32
      %dma_wait3A_358 = tpu.memref_slice %arg6[%dma_wait3A_350, %dma_wait3A_357] : memref<96x128xi32, #tpu.memory_space<vmem>> -> memref<1x128xi32, #tpu.memory_space<vmem>>
      %dma_wait3A_359 = tpu.memref_squeeze %dma_wait3A_358 : memref<1x128xi32, #tpu.memory_space<vmem>> -> memref<128xi32, #tpu.memory_space<vmem>>
      %dma_wait3A_360 = arith.constant 0 : i32
      %dma_wait3A_361 = arith.constant 0 : i32
      %dma_wait3A_362 = tpu.memref_slice %arg11[%dma_wait3A_360, %dma_wait3A_361] : memref<10112x16xf32, #tpu.memory_space<vmem_shared>> -> memref<10112x16xf32, #tpu.memory_space<vmem_shared>>
      tpu.wait_indirect_dma semaphore(%arg13 : memref<!tpu.dma_semaphore, #tpu.memory_space<semaphore_mem>>) src(%dma_wait3A_362 : memref<10112x16xf32, #tpu.memory_space<vmem_shared>>) dst(%dma_wait3A_356 : memref<128x16xf32, #tpu.memory_space<vmem>>)
      %dma_wait3A_363 = arith.constant 3 : i32
      %dma_wait3A_364 = arith.constant 1 : i32
      %dma_wait3A_365 = arith.constant 3 : i32
      %dma_wait3A_366 = arith.constant 0 : i32
      %dma_wait3A_367 = arith.constant 0 : i32
      %dma_wait3A_368 = tpu.memref_slice %arg8[%dma_wait3A_364, %dma_wait3A_365, %dma_wait3A_366, %dma_wait3A_367] : memref<2x4x128x16xf32, #tpu.memory_space<vmem>> -> memref<1x1x128x16xf32, #tpu.memory_space<vmem>>
      %dma_wait3A_369 = tpu.memref_squeeze %dma_wait3A_368 : memref<1x1x128x16xf32, #tpu.memory_space<vmem>> -> memref<128x16xf32, #tpu.memory_space<vmem>>
      %dma_wait3A_370 = arith.constant 0 : i32
      %dma_wait3A_371 = tpu.memref_slice %arg6[%dma_wait3A_363, %dma_wait3A_370] : memref<96x128xi32, #tpu.memory_space<vmem>> -> memref<1x128xi32, #tpu.memory_space<vmem>>
      %dma_wait3A_372 = tpu.memref_squeeze %dma_wait3A_371 : memref<1x128xi32, #tpu.memory_space<vmem>> -> memref<128xi32, #tpu.memory_space<vmem>>
      %dma_wait3A_373 = arith.constant 0 : i32
      %dma_wait3A_374 = arith.constant 0 : i32
      %dma_wait3A_375 = tpu.memref_slice %arg11[%dma_wait3A_373, %dma_wait3A_374] : memref<10112x16xf32, #tpu.memory_space<vmem_shared>> -> memref<10112x16xf32, #tpu.memory_space<vmem_shared>>
      tpu.wait_indirect_dma semaphore(%arg13 : memref<!tpu.dma_semaphore, #tpu.memory_space<semaphore_mem>>) src(%dma_wait3A_375 : memref<10112x16xf32, #tpu.memory_space<vmem_shared>>) dst(%dma_wait3A_369 : memref<128x16xf32, #tpu.memory_space<vmem>>)
      %dma_wait3A_376 = arith.constant 0 : i32
      %dma_wait3A_377 = arith.constant 0 : i32
      %dma_wait3A_378 = arith.constant 0 : i32
      %dma_wait3A_379 = arith.constant 0 : i32
      %dma_wait3A_380 = arith.constant 0 : i32
      %dma_wait3A_381 = tpu.memref_slice %arg8[%dma_wait3A_376, %dma_wait3A_377, %dma_wait3A_379, %dma_wait3A_380] : memref<2x4x128x16xf32, #tpu.memory_space<vmem>> -> memref<1x1x128x16xf32, #tpu.memory_space<vmem>>
      %dma_wait3A_382 = tpu.memref_squeeze %dma_wait3A_381 : memref<1x1x128x16xf32, #tpu.memory_space<vmem>> -> memref<128x16xf32, #tpu.memory_space<vmem>>
      %dma_wait3A_383 = arith.constant 0 : i32
      %dma_wait3A_384 = tpu.memref_slice %arg7[%dma_wait3A_378, %dma_wait3A_383] : memref<96x128xi32, #tpu.memory_space<vmem>> -> memref<1x128xi32, #tpu.memory_space<vmem>>
      %dma_wait3A_385 = tpu.memref_squeeze %dma_wait3A_384 : memref<1x128xi32, #tpu.memory_space<vmem>> -> memref<128xi32, #tpu.memory_space<vmem>>
      %dma_wait3A_386 = arith.constant 0 : i32
      %dma_wait3A_387 = arith.constant 0 : i32
      %dma_wait3A_388 = tpu.memref_slice %arg10[%dma_wait3A_386, %dma_wait3A_387] : memref<10112x16xf32, #tpu.memory_space<vmem_shared>> -> memref<10112x16xf32, #tpu.memory_space<vmem_shared>>
      tpu.wait_indirect_dma semaphore(%arg14 : memref<!tpu.dma_semaphore, #tpu.memory_space<semaphore_mem>>) src(%dma_wait3A_382 : memref<128x16xf32, #tpu.memory_space<vmem>>) dst(%dma_wait3A_388 : memref<10112x16xf32, #tpu.memory_space<vmem_shared>>)
      %dma_wait3A_389 = arith.constant 0 : i32
      %dma_wait3A_390 = arith.constant 1 : i32
      %dma_wait3A_391 = arith.constant 1 : i32
      %dma_wait3A_392 = arith.constant 0 : i32
      %dma_wait3A_393 = arith.constant 0 : i32
      %dma_wait3A_394 = tpu.memref_slice %arg8[%dma_wait3A_389, %dma_wait3A_390, %dma_wait3A_392, %dma_wait3A_393] : memref<2x4x128x16xf32, #tpu.memory_space<vmem>> -> memref<1x1x128x16xf32, #tpu.memory_space<vmem>>
      %dma_wait3A_395 = tpu.memref_squeeze %dma_wait3A_394 : memref<1x1x128x16xf32, #tpu.memory_space<vmem>> -> memref<128x16xf32, #tpu.memory_space<vmem>>
      %dma_wait3A_396 = arith.constant 0 : i32
      %dma_wait3A_397 = tpu.memref_slice %arg7[%dma_wait3A_391, %dma_wait3A_396] : memref<96x128xi32, #tpu.memory_space<vmem>> -> memref<1x128xi32, #tpu.memory_space<vmem>>
      %dma_wait3A_398 = tpu.memref_squeeze %dma_wait3A_397 : memref<1x128xi32, #tpu.memory_space<vmem>> -> memref<128xi32, #tpu.memory_space<vmem>>
      %dma_wait3A_399 = arith.constant 0 : i32
      %dma_wait3A_400 = arith.constant 0 : i32
      %dma_wait3A_401 = tpu.memref_slice %arg10[%dma_wait3A_399, %dma_wait3A_400] : memref<10112x16xf32, #tpu.memory_space<vmem_shared>> -> memref<10112x16xf32, #tpu.memory_space<vmem_shared>>
      tpu.wait_indirect_dma semaphore(%arg14 : memref<!tpu.dma_semaphore, #tpu.memory_space<semaphore_mem>>) src(%dma_wait3A_395 : memref<128x16xf32, #tpu.memory_space<vmem>>) dst(%dma_wait3A_401 : memref<10112x16xf32, #tpu.memory_space<vmem_shared>>)
      %dma_wait3A_402 = arith.constant 0 : i32
      %dma_wait3A_403 = arith.constant 2 : i32
      %dma_wait3A_404 = arith.constant 2 : i32
      %dma_wait3A_405 = arith.constant 0 : i32
      %dma_wait3A_406 = arith.constant 0 : i32
      %dma_wait3A_407 = tpu.memref_slice %arg8[%dma_wait3A_402, %dma_wait3A_403, %dma_wait3A_405, %dma_wait3A_406] : memref<2x4x128x16xf32, #tpu.memory_space<vmem>> -> memref<1x1x128x16xf32, #tpu.memory_space<vmem>>
      %dma_wait3A_408 = tpu.memref_squeeze %dma_wait3A_407 : memref<1x1x128x16xf32, #tpu.memory_space<vmem>> -> memref<128x16xf32, #tpu.memory_space<vmem>>
      %dma_wait3A_409 = arith.constant 0 : i32
      %dma_wait3A_410 = tpu.memref_slice %arg7[%dma_wait3A_404, %dma_wait3A_409] : memref<96x128xi32, #tpu.memory_space<vmem>> -> memref<1x128xi32, #tpu.memory_space<vmem>>
      %dma_wait3A_411 = tpu.memref_squeeze %dma_wait3A_410 : memref<1x128xi32, #tpu.memory_space<vmem>> -> memref<128xi32, #tpu.memory_space<vmem>>
      %dma_wait3A_412 = arith.constant 0 : i32
      %dma_wait3A_413 = arith.constant 0 : i32
      %dma_wait3A_414 = tpu.memref_slice %arg10[%dma_wait3A_412, %dma_wait3A_413] : memref<10112x16xf32, #tpu.memory_space<vmem_shared>> -> memref<10112x16xf32, #tpu.memory_space<vmem_shared>>
      tpu.wait_indirect_dma semaphore(%arg14 : memref<!tpu.dma_semaphore, #tpu.memory_space<semaphore_mem>>) src(%dma_wait3A_408 : memref<128x16xf32, #tpu.memory_space<vmem>>) dst(%dma_wait3A_414 : memref<10112x16xf32, #tpu.memory_space<vmem_shared>>)
      %dma_wait3A_415 = arith.constant 0 : i32
      %dma_wait3A_416 = arith.constant 3 : i32
      %dma_wait3A_417 = arith.constant 3 : i32
      %dma_wait3A_418 = arith.constant 0 : i32
      %dma_wait3A_419 = arith.constant 0 : i32
      %dma_wait3A_420 = tpu.memref_slice %arg8[%dma_wait3A_415, %dma_wait3A_416, %dma_wait3A_418, %dma_wait3A_419] : memref<2x4x128x16xf32, #tpu.memory_space<vmem>> -> memref<1x1x128x16xf32, #tpu.memory_space<vmem>>
      %dma_wait3A_421 = tpu.memref_squeeze %dma_wait3A_420 : memref<1x1x128x16xf32, #tpu.memory_space<vmem>> -> memref<128x16xf32, #tpu.memory_space<vmem>>
      %dma_wait3A_422 = arith.constant 0 : i32
      %dma_wait3A_423 = tpu.memref_slice %arg7[%dma_wait3A_417, %dma_wait3A_422] : memref<96x128xi32, #tpu.memory_space<vmem>> -> memref<1x128xi32, #tpu.memory_space<vmem>>
      %dma_wait3A_424 = tpu.memref_squeeze %dma_wait3A_423 : memref<1x128xi32, #tpu.memory_space<vmem>> -> memref<128xi32, #tpu.memory_space<vmem>>
      %dma_wait3A_425 = arith.constant 0 : i32
      %dma_wait3A_426 = arith.constant 0 : i32
      %dma_wait3A_427 = tpu.memref_slice %arg10[%dma_wait3A_425, %dma_wait3A_426] : memref<10112x16xf32, #tpu.memory_space<vmem_shared>> -> memref<10112x16xf32, #tpu.memory_space<vmem_shared>>
      tpu.wait_indirect_dma semaphore(%arg14 : memref<!tpu.dma_semaphore, #tpu.memory_space<semaphore_mem>>) src(%dma_wait3A_421 : memref<128x16xf32, #tpu.memory_space<vmem>>) dst(%dma_wait3A_427 : memref<10112x16xf32, #tpu.memory_space<vmem_shared>>)
      %add3A_428 = arith.constant 2 : i32
      %add3A_429 = arith.addi %mul3A_138, %add3A_428 : i32
      %mul3A_430 = arith.constant 2 : i32
      %mul3A_431 = arith.muli %mul3A_430, %select_n3A : i32
      %lt3A = arith.cmpi slt, %add3A_429, %mul3A_431 : i32
      %convert_element_type3A_432 = arith.extui %lt3A : i1 to i32
      %cond3A_433 = arith.constant 0 : i32
      %cond3A_434 = arith.cmpi ne, %convert_element_type3A_432, %cond3A_433 : i32
      scf.if %cond3A_434 {
        %add3A_501 = arith.constant 2 : i32
        %add3A_502 = arith.addi %mul3A_138, %add3A_501 : i32
        %mul3A_503 = arith.constant 4 : i32
        %mul3A_504 = arith.muli %add3A_502, %mul3A_503 : i32
        %add3A_505 = arith.constant 0 : i32
        %add3A_506 = arith.addi %mul3A_504, %add3A_505 : i32
        %dma_start3A_507 = arith.constant 0 : i32
        %dma_start3A_508 = arith.constant 0 : i32
        %dma_start3A_509 = arith.constant 0 : i32
        %dma_start3A_510 = arith.constant 0 : i32
        %dma_start3A_511 = tpu.memref_slice %arg8[%dma_start3A_507, %dma_start3A_508, %dma_start3A_509, %dma_start3A_510] : memref<2x4x128x16xf32, #tpu.memory_space<vmem>> -> memref<1x1x128x16xf32, #tpu.memory_space<vmem>>
        %dma_start3A_512 = tpu.memref_squeeze %dma_start3A_511 : memref<1x1x128x16xf32, #tpu.memory_space<vmem>> -> memref<128x16xf32, #tpu.memory_space<vmem>>
        %dma_start3A_513 = arith.constant 0 : i32
        %dma_start3A_514 = tpu.memref_slice %arg6[%add3A_506, %dma_start3A_513] : memref<96x128xi32, #tpu.memory_space<vmem>> -> memref<1x128xi32, #tpu.memory_space<vmem>>
        %dma_start3A_515 = tpu.memref_squeeze %dma_start3A_514 : memref<1x128xi32, #tpu.memory_space<vmem>> -> memref<128xi32, #tpu.memory_space<vmem>>
        %dma_start3A_516 = arith.constant 0 : i32
        %dma_start3A_517 = arith.constant 0 : i32
        %dma_start3A_518 = tpu.memref_slice %arg11[%dma_start3A_516, %dma_start3A_517] : memref<10112x16xf32, #tpu.memory_space<vmem_shared>> -> memref<10112x16xf32, #tpu.memory_space<vmem_shared>>
        tpu.enqueue_indirect_dma source(%dma_start3A_518 : memref<10112x16xf32, #tpu.memory_space<vmem_shared>>) target(%dma_start3A_512 : memref<128x16xf32, #tpu.memory_space<vmem>>) offsets(%dma_start3A_515 : memref<128xi32, #tpu.memory_space<vmem>>) semaphore(%arg12 : memref<!tpu.dma_semaphore, #tpu.memory_space<semaphore_mem>>)
        %mul3A_519 = arith.constant 4 : i32
        %mul3A_520 = arith.muli %add3A_502, %mul3A_519 : i32
        %add3A_521 = arith.constant 1 : i32
        %add3A_522 = arith.addi %mul3A_520, %add3A_521 : i32
        %dma_start3A_523 = arith.constant 0 : i32
        %dma_start3A_524 = arith.constant 1 : i32
        %dma_start3A_525 = arith.constant 0 : i32
        %dma_start3A_526 = arith.constant 0 : i32
        %dma_start3A_527 = tpu.memref_slice %arg8[%dma_start3A_523, %dma_start3A_524, %dma_start3A_525, %dma_start3A_526] : memref<2x4x128x16xf32, #tpu.memory_space<vmem>> -> memref<1x1x128x16xf32, #tpu.memory_space<vmem>>
        %dma_start3A_528 = tpu.memref_squeeze %dma_start3A_527 : memref<1x1x128x16xf32, #tpu.memory_space<vmem>> -> memref<128x16xf32, #tpu.memory_space<vmem>>
        %dma_start3A_529 = arith.constant 0 : i32
        %dma_start3A_530 = tpu.memref_slice %arg6[%add3A_522, %dma_start3A_529] : memref<96x128xi32, #tpu.memory_space<vmem>> -> memref<1x128xi32, #tpu.memory_space<vmem>>
        %dma_start3A_531 = tpu.memref_squeeze %dma_start3A_530 : memref<1x128xi32, #tpu.memory_space<vmem>> -> memref<128xi32, #tpu.memory_space<vmem>>
        %dma_start3A_532 = arith.constant 0 : i32
        %dma_start3A_533 = arith.constant 0 : i32
        %dma_start3A_534 = tpu.memref_slice %arg11[%dma_start3A_532, %dma_start3A_533] : memref<10112x16xf32, #tpu.memory_space<vmem_shared>> -> memref<10112x16xf32, #tpu.memory_space<vmem_shared>>
        tpu.enqueue_indirect_dma source(%dma_start3A_534 : memref<10112x16xf32, #tpu.memory_space<vmem_shared>>) target(%dma_start3A_528 : memref<128x16xf32, #tpu.memory_space<vmem>>) offsets(%dma_start3A_531 : memref<128xi32, #tpu.memory_space<vmem>>) semaphore(%arg12 : memref<!tpu.dma_semaphore, #tpu.memory_space<semaphore_mem>>)
        %mul3A_535 = arith.constant 4 : i32
        %mul3A_536 = arith.muli %add3A_502, %mul3A_535 : i32
        %add3A_537 = arith.constant 2 : i32
        %add3A_538 = arith.addi %mul3A_536, %add3A_537 : i32
        %dma_start3A_539 = arith.constant 0 : i32
        %dma_start3A_540 = arith.constant 2 : i32
        %dma_start3A_541 = arith.constant 0 : i32
        %dma_start3A_542 = arith.constant 0 : i32
        %dma_start3A_543 = tpu.memref_slice %arg8[%dma_start3A_539, %dma_start3A_540, %dma_start3A_541, %dma_start3A_542] : memref<2x4x128x16xf32, #tpu.memory_space<vmem>> -> memref<1x1x128x16xf32, #tpu.memory_space<vmem>>
        %dma_start3A_544 = tpu.memref_squeeze %dma_start3A_543 : memref<1x1x128x16xf32, #tpu.memory_space<vmem>> -> memref<128x16xf32, #tpu.memory_space<vmem>>
        %dma_start3A_545 = arith.constant 0 : i32
        %dma_start3A_546 = tpu.memref_slice %arg6[%add3A_538, %dma_start3A_545] : memref<96x128xi32, #tpu.memory_space<vmem>> -> memref<1x128xi32, #tpu.memory_space<vmem>>
        %dma_start3A_547 = tpu.memref_squeeze %dma_start3A_546 : memref<1x128xi32, #tpu.memory_space<vmem>> -> memref<128xi32, #tpu.memory_space<vmem>>
        %dma_start3A_548 = arith.constant 0 : i32
        %dma_start3A_549 = arith.constant 0 : i32
        %dma_start3A_550 = tpu.memref_slice %arg11[%dma_start3A_548, %dma_start3A_549] : memref<10112x16xf32, #tpu.memory_space<vmem_shared>> -> memref<10112x16xf32, #tpu.memory_space<vmem_shared>>
        tpu.enqueue_indirect_dma source(%dma_start3A_550 : memref<10112x16xf32, #tpu.memory_space<vmem_shared>>) target(%dma_start3A_544 : memref<128x16xf32, #tpu.memory_space<vmem>>) offsets(%dma_start3A_547 : memref<128xi32, #tpu.memory_space<vmem>>) semaphore(%arg12 : memref<!tpu.dma_semaphore, #tpu.memory_space<semaphore_mem>>)
        %mul3A_551 = arith.constant 4 : i32
        %mul3A_552 = arith.muli %add3A_502, %mul3A_551 : i32
        %add3A_553 = arith.constant 3 : i32
        %add3A_554 = arith.addi %mul3A_552, %add3A_553 : i32
        %dma_start3A_555 = arith.constant 0 : i32
        %dma_start3A_556 = arith.constant 3 : i32
        %dma_start3A_557 = arith.constant 0 : i32
        %dma_start3A_558 = arith.constant 0 : i32
        %dma_start3A_559 = tpu.memref_slice %arg8[%dma_start3A_555, %dma_start3A_556, %dma_start3A_557, %dma_start3A_558] : memref<2x4x128x16xf32, #tpu.memory_space<vmem>> -> memref<1x1x128x16xf32, #tpu.memory_space<vmem>>
        %dma_start3A_560 = tpu.memref_squeeze %dma_start3A_559 : memref<1x1x128x16xf32, #tpu.memory_space<vmem>> -> memref<128x16xf32, #tpu.memory_space<vmem>>
        %dma_start3A_561 = arith.constant 0 : i32
        %dma_start3A_562 = tpu.memref_slice %arg6[%add3A_554, %dma_start3A_561] : memref<96x128xi32, #tpu.memory_space<vmem>> -> memref<1x128xi32, #tpu.memory_space<vmem>>
        %dma_start3A_563 = tpu.memref_squeeze %dma_start3A_562 : memref<1x128xi32, #tpu.memory_space<vmem>> -> memref<128xi32, #tpu.memory_space<vmem>>
        %dma_start3A_564 = arith.constant 0 : i32
        %dma_start3A_565 = arith.constant 0 : i32
        %dma_start3A_566 = tpu.memref_slice %arg11[%dma_start3A_564, %dma_start3A_565] : memref<10112x16xf32, #tpu.memory_space<vmem_shared>> -> memref<10112x16xf32, #tpu.memory_space<vmem_shared>>
        tpu.enqueue_indirect_dma source(%dma_start3A_566 : memref<10112x16xf32, #tpu.memory_space<vmem_shared>>) target(%dma_start3A_560 : memref<128x16xf32, #tpu.memory_space<vmem>>) offsets(%dma_start3A_563 : memref<128xi32, #tpu.memory_space<vmem>>) semaphore(%arg12 : memref<!tpu.dma_semaphore, #tpu.memory_space<semaphore_mem>>)
      } else {
      }
      %add3A_435 = arith.constant 1 : i32
      %add3A_436 = arith.addi %mul3A_138, %add3A_435 : i32
      %mul3A_437 = arith.constant 4 : i32
      %mul3A_438 = arith.muli %add3A_436, %mul3A_437 : i32
      %add3A_439 = arith.constant 0 : i32
      %add3A_440 = arith.addi %mul3A_438, %add3A_439 : i32
      %dma_start3A_441 = arith.constant 1 : i32
      %dma_start3A_442 = arith.constant 0 : i32
      %dma_start3A_443 = arith.constant 0 : i32
      %dma_start3A_444 = arith.constant 0 : i32
      %dma_start3A_445 = tpu.memref_slice %arg8[%dma_start3A_441, %dma_start3A_442, %dma_start3A_443, %dma_start3A_444] : memref<2x4x128x16xf32, #tpu.memory_space<vmem>> -> memref<1x1x128x16xf32, #tpu.memory_space<vmem>>
      %dma_start3A_446 = tpu.memref_squeeze %dma_start3A_445 : memref<1x1x128x16xf32, #tpu.memory_space<vmem>> -> memref<128x16xf32, #tpu.memory_space<vmem>>
      %dma_start3A_447 = arith.constant 0 : i32
      %dma_start3A_448 = tpu.memref_slice %arg7[%add3A_440, %dma_start3A_447] : memref<96x128xi32, #tpu.memory_space<vmem>> -> memref<1x128xi32, #tpu.memory_space<vmem>>
      %dma_start3A_449 = tpu.memref_squeeze %dma_start3A_448 : memref<1x128xi32, #tpu.memory_space<vmem>> -> memref<128xi32, #tpu.memory_space<vmem>>
      %dma_start3A_450 = arith.constant 0 : i32
      %dma_start3A_451 = arith.constant 0 : i32
      %dma_start3A_452 = tpu.memref_slice %arg10[%dma_start3A_450, %dma_start3A_451] : memref<10112x16xf32, #tpu.memory_space<vmem_shared>> -> memref<10112x16xf32, #tpu.memory_space<vmem_shared>>
      tpu.enqueue_indirect_dma source(%dma_start3A_446 : memref<128x16xf32, #tpu.memory_space<vmem>>) target(%dma_start3A_452 : memref<10112x16xf32, #tpu.memory_space<vmem_shared>>) offsets(%dma_start3A_449 : memref<128xi32, #tpu.memory_space<vmem>>) semaphore(%arg15 : memref<!tpu.dma_semaphore, #tpu.memory_space<semaphore_mem>>) {add = true}
      %mul3A_453 = arith.constant 4 : i32
      %mul3A_454 = arith.muli %add3A_436, %mul3A_453 : i32
      %add3A_455 = arith.constant 1 : i32
      %add3A_456 = arith.addi %mul3A_454, %add3A_455 : i32
      %dma_start3A_457 = arith.constant 1 : i32
      %dma_start3A_458 = arith.constant 1 : i32
      %dma_start3A_459 = arith.constant 0 : i32
      %dma_start3A_460 = arith.constant 0 : i32
      %dma_start3A_461 = tpu.memref_slice %arg8[%dma_start3A_457, %dma_start3A_458, %dma_start3A_459, %dma_start3A_460] : memref<2x4x128x16xf32, #tpu.memory_space<vmem>> -> memref<1x1x128x16xf32, #tpu.memory_space<vmem>>
      %dma_start3A_462 = tpu.memref_squeeze %dma_start3A_461 : memref<1x1x128x16xf32, #tpu.memory_space<vmem>> -> memref<128x16xf32, #tpu.memory_space<vmem>>
      %dma_start3A_463 = arith.constant 0 : i32
      %dma_start3A_464 = tpu.memref_slice %arg7[%add3A_456, %dma_start3A_463] : memref<96x128xi32, #tpu.memory_space<vmem>> -> memref<1x128xi32, #tpu.memory_space<vmem>>
      %dma_start3A_465 = tpu.memref_squeeze %dma_start3A_464 : memref<1x128xi32, #tpu.memory_space<vmem>> -> memref<128xi32, #tpu.memory_space<vmem>>
      %dma_start3A_466 = arith.constant 0 : i32
      %dma_start3A_467 = arith.constant 0 : i32
      %dma_start3A_468 = tpu.memref_slice %arg10[%dma_start3A_466, %dma_start3A_467] : memref<10112x16xf32, #tpu.memory_space<vmem_shared>> -> memref<10112x16xf32, #tpu.memory_space<vmem_shared>>
      tpu.enqueue_indirect_dma source(%dma_start3A_462 : memref<128x16xf32, #tpu.memory_space<vmem>>) target(%dma_start3A_468 : memref<10112x16xf32, #tpu.memory_space<vmem_shared>>) offsets(%dma_start3A_465 : memref<128xi32, #tpu.memory_space<vmem>>) semaphore(%arg15 : memref<!tpu.dma_semaphore, #tpu.memory_space<semaphore_mem>>) {add = true}
      %mul3A_469 = arith.constant 4 : i32
      %mul3A_470 = arith.muli %add3A_436, %mul3A_469 : i32
      %add3A_471 = arith.constant 2 : i32
      %add3A_472 = arith.addi %mul3A_470, %add3A_471 : i32
      %dma_start3A_473 = arith.constant 1 : i32
      %dma_start3A_474 = arith.constant 2 : i32
      %dma_start3A_475 = arith.constant 0 : i32
      %dma_start3A_476 = arith.constant 0 : i32
      %dma_start3A_477 = tpu.memref_slice %arg8[%dma_start3A_473, %dma_start3A_474, %dma_start3A_475, %dma_start3A_476] : memref<2x4x128x16xf32, #tpu.memory_space<vmem>> -> memref<1x1x128x16xf32, #tpu.memory_space<vmem>>
      %dma_start3A_478 = tpu.memref_squeeze %dma_start3A_477 : memref<1x1x128x16xf32, #tpu.memory_space<vmem>> -> memref<128x16xf32, #tpu.memory_space<vmem>>
      %dma_start3A_479 = arith.constant 0 : i32
      %dma_start3A_480 = tpu.memref_slice %arg7[%add3A_472, %dma_start3A_479] : memref<96x128xi32, #tpu.memory_space<vmem>> -> memref<1x128xi32, #tpu.memory_space<vmem>>
      %dma_start3A_481 = tpu.memref_squeeze %dma_start3A_480 : memref<1x128xi32, #tpu.memory_space<vmem>> -> memref<128xi32, #tpu.memory_space<vmem>>
      %dma_start3A_482 = arith.constant 0 : i32
      %dma_start3A_483 = arith.constant 0 : i32
      %dma_start3A_484 = tpu.memref_slice %arg10[%dma_start3A_482, %dma_start3A_483] : memref<10112x16xf32, #tpu.memory_space<vmem_shared>> -> memref<10112x16xf32, #tpu.memory_space<vmem_shared>>
      tpu.enqueue_indirect_dma source(%dma_start3A_478 : memref<128x16xf32, #tpu.memory_space<vmem>>) target(%dma_start3A_484 : memref<10112x16xf32, #tpu.memory_space<vmem_shared>>) offsets(%dma_start3A_481 : memref<128xi32, #tpu.memory_space<vmem>>) semaphore(%arg15 : memref<!tpu.dma_semaphore, #tpu.memory_space<semaphore_mem>>) {add = true}
      %mul3A_485 = arith.constant 4 : i32
      %mul3A_486 = arith.muli %add3A_436, %mul3A_485 : i32
      %add3A_487 = arith.constant 3 : i32
      %add3A_488 = arith.addi %mul3A_486, %add3A_487 : i32
      %dma_start3A_489 = arith.constant 1 : i32
      %dma_start3A_490 = arith.constant 3 : i32
      %dma_start3A_491 = arith.constant 0 : i32
      %dma_start3A_492 = arith.constant 0 : i32
      %dma_start3A_493 = tpu.memref_slice %arg8[%dma_start3A_489, %dma_start3A_490, %dma_start3A_491, %dma_start3A_492] : memref<2x4x128x16xf32, #tpu.memory_space<vmem>> -> memref<1x1x128x16xf32, #tpu.memory_space<vmem>>
      %dma_start3A_494 = tpu.memref_squeeze %dma_start3A_493 : memref<1x1x128x16xf32, #tpu.memory_space<vmem>> -> memref<128x16xf32, #tpu.memory_space<vmem>>
      %dma_start3A_495 = arith.constant 0 : i32
      %dma_start3A_496 = tpu.memref_slice %arg7[%add3A_488, %dma_start3A_495] : memref<96x128xi32, #tpu.memory_space<vmem>> -> memref<1x128xi32, #tpu.memory_space<vmem>>
      %dma_start3A_497 = tpu.memref_squeeze %dma_start3A_496 : memref<1x128xi32, #tpu.memory_space<vmem>> -> memref<128xi32, #tpu.memory_space<vmem>>
      %dma_start3A_498 = arith.constant 0 : i32
      %dma_start3A_499 = arith.constant 0 : i32
      %dma_start3A_500 = tpu.memref_slice %arg10[%dma_start3A_498, %dma_start3A_499] : memref<10112x16xf32, #tpu.memory_space<vmem_shared>> -> memref<10112x16xf32, #tpu.memory_space<vmem_shared>>
      tpu.enqueue_indirect_dma source(%dma_start3A_494 : memref<128x16xf32, #tpu.memory_space<vmem>>) target(%dma_start3A_500 : memref<10112x16xf32, #tpu.memory_space<vmem_shared>>) offsets(%dma_start3A_497 : memref<128xi32, #tpu.memory_space<vmem>>) semaphore(%arg15 : memref<!tpu.dma_semaphore, #tpu.memory_space<semaphore_mem>>) {add = true}
    }
    %dma_wait3A = arith.constant 1 : i32
    %dma_wait3A_80 = arith.constant 0 : i32
    %dma_wait3A_81 = arith.constant 0 : i32
    %dma_wait3A_82 = arith.constant 0 : i32
    %dma_wait3A_83 = arith.constant 0 : i32
    %dma_wait3A_84 = tpu.memref_slice %arg8[%dma_wait3A, %dma_wait3A_80, %dma_wait3A_82, %dma_wait3A_83] : memref<2x4x128x16xf32, #tpu.memory_space<vmem>> -> memref<1x1x128x16xf32, #tpu.memory_space<vmem>>
    %dma_wait3A_85 = tpu.memref_squeeze %dma_wait3A_84 : memref<1x1x128x16xf32, #tpu.memory_space<vmem>> -> memref<128x16xf32, #tpu.memory_space<vmem>>
    %dma_wait3A_86 = arith.constant 0 : i32
    %dma_wait3A_87 = tpu.memref_slice %arg7[%dma_wait3A_81, %dma_wait3A_86] : memref<96x128xi32, #tpu.memory_space<vmem>> -> memref<1x128xi32, #tpu.memory_space<vmem>>
    %dma_wait3A_88 = tpu.memref_squeeze %dma_wait3A_87 : memref<1x128xi32, #tpu.memory_space<vmem>> -> memref<128xi32, #tpu.memory_space<vmem>>
    %dma_wait3A_89 = arith.constant 0 : i32
    %dma_wait3A_90 = arith.constant 0 : i32
    %dma_wait3A_91 = tpu.memref_slice %arg10[%dma_wait3A_89, %dma_wait3A_90] : memref<10112x16xf32, #tpu.memory_space<vmem_shared>> -> memref<10112x16xf32, #tpu.memory_space<vmem_shared>>
    tpu.wait_indirect_dma semaphore(%arg15 : memref<!tpu.dma_semaphore, #tpu.memory_space<semaphore_mem>>) src(%dma_wait3A_85 : memref<128x16xf32, #tpu.memory_space<vmem>>) dst(%dma_wait3A_91 : memref<10112x16xf32, #tpu.memory_space<vmem_shared>>)
    %dma_wait3A_92 = arith.constant 1 : i32
    %dma_wait3A_93 = arith.constant 1 : i32
    %dma_wait3A_94 = arith.constant 1 : i32
    %dma_wait3A_95 = arith.constant 0 : i32
    %dma_wait3A_96 = arith.constant 0 : i32
    %dma_wait3A_97 = tpu.memref_slice %arg8[%dma_wait3A_92, %dma_wait3A_93, %dma_wait3A_95, %dma_wait3A_96] : memref<2x4x128x16xf32, #tpu.memory_space<vmem>> -> memref<1x1x128x16xf32, #tpu.memory_space<vmem>>
    %dma_wait3A_98 = tpu.memref_squeeze %dma_wait3A_97 : memref<1x1x128x16xf32, #tpu.memory_space<vmem>> -> memref<128x16xf32, #tpu.memory_space<vmem>>
    %dma_wait3A_99 = arith.constant 0 : i32
    %dma_wait3A_100 = tpu.memref_slice %arg7[%dma_wait3A_94, %dma_wait3A_99] : memref<96x128xi32, #tpu.memory_space<vmem>> -> memref<1x128xi32, #tpu.memory_space<vmem>>
    %dma_wait3A_101 = tpu.memref_squeeze %dma_wait3A_100 : memref<1x128xi32, #tpu.memory_space<vmem>> -> memref<128xi32, #tpu.memory_space<vmem>>
    %dma_wait3A_102 = arith.constant 0 : i32
    %dma_wait3A_103 = arith.constant 0 : i32
    %dma_wait3A_104 = tpu.memref_slice %arg10[%dma_wait3A_102, %dma_wait3A_103] : memref<10112x16xf32, #tpu.memory_space<vmem_shared>> -> memref<10112x16xf32, #tpu.memory_space<vmem_shared>>
    tpu.wait_indirect_dma semaphore(%arg15 : memref<!tpu.dma_semaphore, #tpu.memory_space<semaphore_mem>>) src(%dma_wait3A_98 : memref<128x16xf32, #tpu.memory_space<vmem>>) dst(%dma_wait3A_104 : memref<10112x16xf32, #tpu.memory_space<vmem_shared>>)
    %dma_wait3A_105 = arith.constant 1 : i32
    %dma_wait3A_106 = arith.constant 2 : i32
    %dma_wait3A_107 = arith.constant 2 : i32
    %dma_wait3A_108 = arith.constant 0 : i32
    %dma_wait3A_109 = arith.constant 0 : i32
    %dma_wait3A_110 = tpu.memref_slice %arg8[%dma_wait3A_105, %dma_wait3A_106, %dma_wait3A_108, %dma_wait3A_109] : memref<2x4x128x16xf32, #tpu.memory_space<vmem>> -> memref<1x1x128x16xf32, #tpu.memory_space<vmem>>
    %dma_wait3A_111 = tpu.memref_squeeze %dma_wait3A_110 : memref<1x1x128x16xf32, #tpu.memory_space<vmem>> -> memref<128x16xf32, #tpu.memory_space<vmem>>
    %dma_wait3A_112 = arith.constant 0 : i32
    %dma_wait3A_113 = tpu.memref_slice %arg7[%dma_wait3A_107, %dma_wait3A_112] : memref<96x128xi32, #tpu.memory_space<vmem>> -> memref<1x128xi32, #tpu.memory_space<vmem>>
    %dma_wait3A_114 = tpu.memref_squeeze %dma_wait3A_113 : memref<1x128xi32, #tpu.memory_space<vmem>> -> memref<128xi32, #tpu.memory_space<vmem>>
    %dma_wait3A_115 = arith.constant 0 : i32
    %dma_wait3A_116 = arith.constant 0 : i32
    %dma_wait3A_117 = tpu.memref_slice %arg10[%dma_wait3A_115, %dma_wait3A_116] : memref<10112x16xf32, #tpu.memory_space<vmem_shared>> -> memref<10112x16xf32, #tpu.memory_space<vmem_shared>>
    tpu.wait_indirect_dma semaphore(%arg15 : memref<!tpu.dma_semaphore, #tpu.memory_space<semaphore_mem>>) src(%dma_wait3A_111 : memref<128x16xf32, #tpu.memory_space<vmem>>) dst(%dma_wait3A_117 : memref<10112x16xf32, #tpu.memory_space<vmem_shared>>)
    %dma_wait3A_118 = arith.constant 1 : i32
    %dma_wait3A_119 = arith.constant 3 : i32
    %dma_wait3A_120 = arith.constant 3 : i32
    %dma_wait3A_121 = arith.constant 0 : i32
    %dma_wait3A_122 = arith.constant 0 : i32
    %dma_wait3A_123 = tpu.memref_slice %arg8[%dma_wait3A_118, %dma_wait3A_119, %dma_wait3A_121, %dma_wait3A_122] : memref<2x4x128x16xf32, #tpu.memory_space<vmem>> -> memref<1x1x128x16xf32, #tpu.memory_space<vmem>>
    %dma_wait3A_124 = tpu.memref_squeeze %dma_wait3A_123 : memref<1x1x128x16xf32, #tpu.memory_space<vmem>> -> memref<128x16xf32, #tpu.memory_space<vmem>>
    %dma_wait3A_125 = arith.constant 0 : i32
    %dma_wait3A_126 = tpu.memref_slice %arg7[%dma_wait3A_120, %dma_wait3A_125] : memref<96x128xi32, #tpu.memory_space<vmem>> -> memref<1x128xi32, #tpu.memory_space<vmem>>
    %dma_wait3A_127 = tpu.memref_squeeze %dma_wait3A_126 : memref<1x128xi32, #tpu.memory_space<vmem>> -> memref<128xi32, #tpu.memory_space<vmem>>
    %dma_wait3A_128 = arith.constant 0 : i32
    %dma_wait3A_129 = arith.constant 0 : i32
    %dma_wait3A_130 = tpu.memref_slice %arg10[%dma_wait3A_128, %dma_wait3A_129] : memref<10112x16xf32, #tpu.memory_space<vmem_shared>> -> memref<10112x16xf32, #tpu.memory_space<vmem_shared>>
    tpu.wait_indirect_dma semaphore(%arg15 : memref<!tpu.dma_semaphore, #tpu.memory_space<semaphore_mem>>) src(%dma_wait3A_124 : memref<128x16xf32, #tpu.memory_space<vmem>>) dst(%dma_wait3A_130 : memref<10112x16xf32, #tpu.memory_space<vmem_shared>>)
    %barrier3A_131 = arith.constant 0 : index
    tpu.barrier barrier_id(%barrier3A_131)
    %mul3A_132 = arith.constant 632 : i32
    %mul3A_133 = arith.muli %arg1, %mul3A_132 : i32
    "tpu.region"() ({
      %run_scoped3A = tpu.sem_alloc : memref<!tpu.dma_semaphore, #tpu.memory_space<semaphore_mem>>
      %dma_start3A_136 = arith.constant 0 : i32
      %dma_start3A_137 = tpu.memref_slice %arg10[%mul3A_133, %dma_start3A_136] : memref<10112x16xf32, #tpu.memory_space<vmem_shared>> -> memref<632x16xf32, #tpu.memory_space<vmem_shared>>
      %dma_start3A_138 = arith.constant 0 : i32
      %dma_start3A_139 = tpu.memref_slice %arg10[%mul3A_133, %dma_start3A_138] : memref<10112x16xf32, #tpu.memory_space<vmem_shared>> -> memref<632x16xf32, #tpu.memory_space<vmem_shared>>
      tpu.enqueue_dma source(%dma_start3A_139 : memref<632x16xf32, #tpu.memory_space<vmem_shared>>) target(%arg9 : memref<632x16xf32, #tpu.memory_space<vmem>>) target_semaphore(%run_scoped3A : memref<!tpu.dma_semaphore, #tpu.memory_space<semaphore_mem>>)
      %dma_wait3A_140 = arith.constant 0 : i32
      %dma_wait3A_141 = tpu.memref_slice %arg10[%mul3A_133, %dma_wait3A_140] : memref<10112x16xf32, #tpu.memory_space<vmem_shared>> -> memref<632x16xf32, #tpu.memory_space<vmem_shared>>
      %dma_wait3A_142 = arith.constant 0 : i32
      %dma_wait3A_143 = tpu.memref_slice %arg10[%mul3A_133, %dma_wait3A_142] : memref<10112x16xf32, #tpu.memory_space<vmem_shared>> -> memref<632x16xf32, #tpu.memory_space<vmem_shared>>
      tpu.wait_dma2 semaphore(%run_scoped3A : memref<!tpu.dma_semaphore, #tpu.memory_space<semaphore_mem>>) src(%dma_wait3A_143 : memref<632x16xf32, #tpu.memory_space<vmem_shared>>) dst(%arg9 : memref<632x16xf32, #tpu.memory_space<vmem>>)
      tpu.yield
    }) : () -> ()
    %mul3A_134 = arith.constant 632 : i32
    %mul3A_135 = arith.muli %arg1, %mul3A_134 : i32
    "tpu.region"() ({
      %run_scoped3A = tpu.sem_alloc : memref<!tpu.dma_semaphore, #tpu.memory_space<semaphore_mem>>
      %dma_start3A_136 = arith.constant 0 : i32
      %dma_start3A_137 = tpu.memref_slice %arg5[%arg0, %mul3A_135, %dma_start3A_136] : memref<2x10112x16xf32, #tpu.memory_space<hbm>> -> memref<1x632x16xf32, #tpu.memory_space<hbm>>
      %dma_start3A_138 = tpu.memref_squeeze %dma_start3A_137 : memref<1x632x16xf32, #tpu.memory_space<hbm>> -> memref<632x16xf32, #tpu.memory_space<hbm>>
      %dma_start3A_139 = arith.constant 0 : i32
      %dma_start3A_140 = tpu.memref_slice %arg5[%arg0, %mul3A_135, %dma_start3A_139] : memref<2x10112x16xf32, #tpu.memory_space<hbm>> -> memref<1x632x16xf32, #tpu.memory_space<hbm>>
      %dma_start3A_141 = tpu.memref_squeeze %dma_start3A_140 : memref<1x632x16xf32, #tpu.memory_space<hbm>> -> memref<632x16xf32, #tpu.memory_space<hbm>>
      tpu.enqueue_dma source(%arg9 : memref<632x16xf32, #tpu.memory_space<vmem>>) target(%dma_start3A_141 : memref<632x16xf32, #tpu.memory_space<hbm>>) target_semaphore(%run_scoped3A : memref<!tpu.dma_semaphore, #tpu.memory_space<semaphore_mem>>)
      %dma_wait3A_142 = arith.constant 0 : i32
      %dma_wait3A_143 = tpu.memref_slice %arg5[%arg0, %mul3A_135, %dma_wait3A_142] : memref<2x10112x16xf32, #tpu.memory_space<hbm>> -> memref<1x632x16xf32, #tpu.memory_space<hbm>>
      %dma_wait3A_144 = tpu.memref_squeeze %dma_wait3A_143 : memref<1x632x16xf32, #tpu.memory_space<hbm>> -> memref<632x16xf32, #tpu.memory_space<hbm>>
      %dma_wait3A_145 = arith.constant 0 : i32
      %dma_wait3A_146 = tpu.memref_slice %arg5[%arg0, %mul3A_135, %dma_wait3A_145] : memref<2x10112x16xf32, #tpu.memory_space<hbm>> -> memref<1x632x16xf32, #tpu.memory_space<hbm>>
      %dma_wait3A_147 = tpu.memref_squeeze %dma_wait3A_146 : memref<1x632x16xf32, #tpu.memory_space<hbm>> -> memref<632x16xf32, #tpu.memory_space<hbm>>
      tpu.wait_dma2 semaphore(%run_scoped3A : memref<!tpu.dma_semaphore, #tpu.memory_space<semaphore_mem>>) src(%arg9 : memref<632x16xf32, #tpu.memory_space<vmem>>) dst(%dma_wait3A_147 : memref<632x16xf32, #tpu.memory_space<hbm>>)
      tpu.yield
    }) : () -> ()
    return
  }
}

module attributes {stable_mosaic.version = 14 : i64} {
  func.func @_mm0_body(%arg0: memref<1264x1024xf32, #tpu.memory_space<vmem>>, %arg1: memref<1024x128xf32, #tpu.memory_space<vmem>>, %arg2: memref<1024x128xf32, #tpu.memory_space<vmem>>, %arg3: memref<1264x128xf32, #tpu.memory_space<vmem>>, %arg4: memref<1264x128xf32, #tpu.memory_space<vmem>>, %arg5: memref<1x1024xf32, #tpu.memory_space<vmem>>) attributes {dimension_semantics = [], scalar_prefetch = 0 : i64, scratch_operands = 0 : i64, tpu.core_type = #tpu.core_type<tc>} {
    %get3A = arith.constant 0 : index
    %get3A_0 = arith.constant 0 : index
    %get3A_1 = vector.load %arg0[%get3A, %get3A_0] : memref<1264x1024xf32, #tpu.memory_space<vmem>>, vector<1264x1024xf32>
    %get3A_2 = arith.constant 0 : index
    %get3A_3 = arith.constant 0 : index
    %get3A_4 = vector.load %arg1[%get3A_2, %get3A_3] : memref<1024x128xf32, #tpu.memory_space<vmem>>, vector<1024x128xf32>
    %dot_general3A = arith.constant dense<0.000000e+00> : vector<1264x128xf32>
    %dot_general3A_5 = tpu.matmul %get3A_1, %get3A_4, %dot_general3A {dimension_numbers = #tpu.dot_dimension_numbers<[1], [0], [0], [1], [0, 0, 1, 1], [], []>, transpose_lhs_hint = false} : vector<1264x1024xf32>, vector<1024x128xf32>, vector<1264x128xf32> -> vector<1264x128xf32>
    %swap3A = arith.constant 0 : index
    %swap3A_6 = arith.constant 0 : index
    %swap3A_7 = vector.load %arg3[%swap3A, %swap3A_6] : memref<1264x128xf32, #tpu.memory_space<vmem>>, vector<1264x128xf32>
    tpu.vector_store %arg3[%swap3A, %swap3A_6], %dot_general3A_5 {strides = array<i32>} : memref<1264x128xf32, #tpu.memory_space<vmem>>, vector<1264x128xf32>,
    %get3A_8 = arith.constant 0 : index
    %get3A_9 = arith.constant 0 : index
    %get3A_10 = vector.load %arg2[%get3A_8, %get3A_9] : memref<1024x128xf32, #tpu.memory_space<vmem>>, vector<1024x128xf32>
    %dot_general3A_11 = arith.constant dense<0.000000e+00> : vector<1264x128xf32>
    %dot_general3A_12 = tpu.matmul %get3A_1, %get3A_10, %dot_general3A_11 {dimension_numbers = #tpu.dot_dimension_numbers<[1], [0], [0], [1], [0, 0, 1, 1], [], []>, transpose_lhs_hint = false} : vector<1264x1024xf32>, vector<1024x128xf32>, vector<1264x128xf32> -> vector<1264x128xf32>
    %swap3A_13 = arith.constant 0 : index
    %swap3A_14 = arith.constant 0 : index
    %swap3A_15 = vector.load %arg4[%swap3A_13, %swap3A_14] : memref<1264x128xf32, #tpu.memory_space<vmem>>, vector<1264x128xf32>
    tpu.vector_store %arg4[%swap3A_13, %swap3A_14], %dot_general3A_12 {strides = array<i32>} : memref<1264x128xf32, #tpu.memory_space<vmem>>, vector<1264x128xf32>,
    %reduce_sum3A = arith.constant dense<0.000000e+00> : vector<1024xf32>
    %reduce_sum3A_16 = vector.multi_reduction <add>, %get3A_1, %reduce_sum3A [0] : vector<1264x1024xf32> to vector<1024xf32>
    %broadcast_in_dim3A = vector.shape_cast %reduce_sum3A_16 : vector<1024xf32> to vector<1x1024xf32>
    %swap3A_17 = arith.constant 0 : index
    %swap3A_18 = arith.constant 0 : index
    %swap3A_19 = vector.load %arg5[%swap3A_17, %swap3A_18] : memref<1x1024xf32, #tpu.memory_space<vmem>>, vector<1x1024xf32>
    tpu.vector_store %arg5[%swap3A_17, %swap3A_18], %broadcast_in_dim3A {strides = array<i32>} : memref<1x1024xf32, #tpu.memory_space<vmem>>, vector<1x1024xf32>,
    return
  }
}

module attributes {stable_mosaic.version = 14 : i64} {
  func.func @_layer_body(%arg0: memref<2x1264x128xf32, #tpu.memory_space<vmem>>, %arg1: memref<1264x128xf32, #tpu.memory_space<vmem>>, %arg2: memref<1x128xf32, #tpu.memory_space<vmem>>, %arg3: memref<128x128xf32, #tpu.memory_space<vmem>>, %arg4: memref<128x128xf32, #tpu.memory_space<vmem>>, %arg5: memref<1264x128xf32, #tpu.memory_space<vmem>>, %arg6: memref<1264x128xf32, #tpu.memory_space<vmem>>, %arg7: memref<1x128xf32, #tpu.memory_space<vmem>>) attributes {dimension_semantics = [], scalar_prefetch = 0 : i64, scratch_operands = 0 : i64, tpu.core_type = #tpu.core_type<tc>} {
    %get3A = arith.constant 0 : index
    %get3A_0 = arith.constant 0 : index
    %get3A_1 = arith.constant 0 : index
    %get3A_2 = vector.load %arg0[%get3A, %get3A_0, %get3A_1] : memref<2x1264x128xf32, #tpu.memory_space<vmem>>, vector<1x1264x128xf32>
    %get3A_3 = vector.shape_cast %get3A_2 : vector<1x1264x128xf32> to vector<1264x128xf32>
    %get3A_4 = arith.constant 1 : index
    %get3A_5 = arith.constant 0 : index
    %get3A_6 = arith.constant 0 : index
    %get3A_7 = vector.load %arg0[%get3A_4, %get3A_5, %get3A_6] : memref<2x1264x128xf32, #tpu.memory_space<vmem>>, vector<1x1264x128xf32>
    %get3A_8 = vector.shape_cast %get3A_7 : vector<1x1264x128xf32> to vector<1264x128xf32>
    %add3A = arith.addf %get3A_3, %get3A_8 : vector<1264x128xf32>
    %get3A_9 = arith.constant 0 : index
    %get3A_10 = arith.constant 0 : index
    %get3A_11 = vector.load %arg2[%get3A_9, %get3A_10] : memref<1x128xf32, #tpu.memory_space<vmem>>, vector<1x128xf32>
    %add3A_12 = vector.broadcast %get3A_11 : vector<1x128xf32> to vector<1264x128xf32>
    %add3A_13 = arith.addf %add3A, %add3A_12 : vector<1264x128xf32>
    %get3A_14 = arith.constant 0 : index
    %get3A_15 = arith.constant 0 : index
    %get3A_16 = vector.load %arg1[%get3A_14, %get3A_15] : memref<1264x128xf32, #tpu.memory_space<vmem>>, vector<1264x128xf32>
    %add3A_17 = arith.addf %add3A_13, %get3A_16 : vector<1264x128xf32>
    %max3A = arith.constant 0.000000e+00 : f32
    %max3A_18 = vector.broadcast %max3A : f32 to vector<1264x128xf32>
    %max3A_19 = arith.maximumf %add3A_17, %max3A_18 : vector<1264x128xf32>
    %iota3A = tpu.iota {dimensions = array<i32: 0>} : vector<1264x128xi32>
    %lt3A = arith.constant 1250 : i32
    %lt3A_20 = vector.broadcast %lt3A : i32 to vector<1264x128xi32>
    %lt3A_21 = arith.cmpi slt, %iota3A, %lt3A_20 : vector<1264x128xi32>
    %jit3A = arith.constant 0.000000e+00 : f32
    %broadcast_in_dim3A = vector.broadcast %jit3A : f32 to vector<1264x128xf32>
    %select_n3A = arith.select %lt3A_21, %max3A_19, %broadcast_in_dim3A : vector<1264x128xi1>, vector<1264x128xf32>
    %reduce_sum3A = arith.constant dense<0.000000e+00> : vector<128xf32>
    %reduce_sum3A_22 = vector.multi_reduction <add>, %select_n3A, %reduce_sum3A [0] : vector<1264x128xf32> to vector<128xf32>
    %broadcast_in_dim3A_23 = vector.shape_cast %reduce_sum3A_22 : vector<128xf32> to vector<1x128xf32>
    %swap3A = arith.constant 0 : index
    %swap3A_24 = arith.constant 0 : index
    %swap3A_25 = vector.load %arg7[%swap3A, %swap3A_24] : memref<1x128xf32, #tpu.memory_space<vmem>>, vector<1x128xf32>
    tpu.vector_store %arg7[%swap3A, %swap3A_24], %broadcast_in_dim3A_23 {strides = array<i32>} : memref<1x128xf32, #tpu.memory_space<vmem>>, vector<1x128xf32>,
    %get3A_26 = arith.constant 0 : index
    %get3A_27 = arith.constant 0 : index
    %get3A_28 = vector.load %arg3[%get3A_26, %get3A_27] : memref<128x128xf32, #tpu.memory_space<vmem>>, vector<128x128xf32>
    %dot_general3A = arith.constant dense<0.000000e+00> : vector<1264x128xf32>
    %dot_general3A_29 = tpu.matmul %max3A_19, %get3A_28, %dot_general3A {dimension_numbers = #tpu.dot_dimension_numbers<[1], [0], [0], [1], [0, 0, 1, 1], [], []>, transpose_lhs_hint = false} : vector<1264x128xf32>, vector<128x128xf32>, vector<1264x128xf32> -> vector<1264x128xf32>
    %swap3A_30 = arith.constant 0 : index
    %swap3A_31 = arith.constant 0 : index
    %swap3A_32 = vector.load %arg5[%swap3A_30, %swap3A_31] : memref<1264x128xf32, #tpu.memory_space<vmem>>, vector<1264x128xf32>
    tpu.vector_store %arg5[%swap3A_30, %swap3A_31], %dot_general3A_29 {strides = array<i32>} : memref<1264x128xf32, #tpu.memory_space<vmem>>, vector<1264x128xf32>,
    %get3A_33 = arith.constant 0 : index
    %get3A_34 = arith.constant 0 : index
    %get3A_35 = vector.load %arg4[%get3A_33, %get3A_34] : memref<128x128xf32, #tpu.memory_space<vmem>>, vector<128x128xf32>
    %dot_general3A_36 = arith.constant dense<0.000000e+00> : vector<1264x128xf32>
    %dot_general3A_37 = tpu.matmul %max3A_19, %get3A_35, %dot_general3A_36 {dimension_numbers = #tpu.dot_dimension_numbers<[1], [0], [0], [1], [0, 0, 1, 1], [], []>, transpose_lhs_hint = false} : vector<1264x128xf32>, vector<128x128xf32>, vector<1264x128xf32> -> vector<1264x128xf32>
    %swap3A_38 = arith.constant 0 : index
    %swap3A_39 = arith.constant 0 : index
    %swap3A_40 = vector.load %arg6[%swap3A_38, %swap3A_39] : memref<1264x128xf32, #tpu.memory_space<vmem>>, vector<1264x128xf32>
    tpu.vector_store %arg6[%swap3A_38, %swap3A_39], %dot_general3A_37 {strides = array<i32>} : memref<1264x128xf32, #tpu.memory_space<vmem>>, vector<1264x128xf32>,
    return
  }
}

module attributes {stable_mosaic.version = 14 : i64} {
  func.func @_final_body(%arg0: memref<2x1264x128xf32, #tpu.memory_space<vmem>>, %arg1: memref<1264x128xf32, #tpu.memory_space<vmem>>, %arg2: memref<1x128xf32, #tpu.memory_space<vmem>>, %arg3: memref<1x1024xf32, #tpu.memory_space<vmem>>, %arg4: memref<1x128xf32, #tpu.memory_space<vmem>>, %arg5: memref<1x128xf32, #tpu.memory_space<vmem>>, %arg6: memref<1024x10xf32, #tpu.memory_space<vmem>>, %arg7: memref<128x10xf32, #tpu.memory_space<vmem>>, %arg8: memref<128x10xf32, #tpu.memory_space<vmem>>, %arg9: memref<128x10xf32, #tpu.memory_space<vmem>>, %arg10: memref<1x10xf32, #tpu.memory_space<vmem>>, %arg11: memref<1x10xf32, #tpu.memory_space<vmem>>) attributes {dimension_semantics = [], scalar_prefetch = 0 : i64, scratch_operands = 0 : i64, tpu.core_type = #tpu.core_type<tc>} {
    %get3A = arith.constant 0 : index
    %get3A_0 = arith.constant 0 : index
    %get3A_1 = arith.constant 0 : index
    %get3A_2 = vector.load %arg0[%get3A, %get3A_0, %get3A_1] : memref<2x1264x128xf32, #tpu.memory_space<vmem>>, vector<1x1264x128xf32>
    %get3A_3 = vector.shape_cast %get3A_2 : vector<1x1264x128xf32> to vector<1264x128xf32>
    %get3A_4 = arith.constant 1 : index
    %get3A_5 = arith.constant 0 : index
    %get3A_6 = arith.constant 0 : index
    %get3A_7 = vector.load %arg0[%get3A_4, %get3A_5, %get3A_6] : memref<2x1264x128xf32, #tpu.memory_space<vmem>>, vector<1x1264x128xf32>
    %get3A_8 = vector.shape_cast %get3A_7 : vector<1x1264x128xf32> to vector<1264x128xf32>
    %add3A = arith.addf %get3A_3, %get3A_8 : vector<1264x128xf32>
    %get3A_9 = arith.constant 0 : index
    %get3A_10 = arith.constant 0 : index
    %get3A_11 = vector.load %arg2[%get3A_9, %get3A_10] : memref<1x128xf32, #tpu.memory_space<vmem>>, vector<1x128xf32>
    %add3A_12 = vector.broadcast %get3A_11 : vector<1x128xf32> to vector<1264x128xf32>
    %add3A_13 = arith.addf %add3A, %add3A_12 : vector<1264x128xf32>
    %get3A_14 = arith.constant 0 : index
    %get3A_15 = arith.constant 0 : index
    %get3A_16 = vector.load %arg1[%get3A_14, %get3A_15] : memref<1264x128xf32, #tpu.memory_space<vmem>>, vector<1264x128xf32>
    %add3A_17 = arith.addf %add3A_13, %get3A_16 : vector<1264x128xf32>
    %max3A = arith.constant 0.000000e+00 : f32
    %max3A_18 = vector.broadcast %max3A : f32 to vector<1264x128xf32>
    %max3A_19 = arith.maximumf %add3A_17, %max3A_18 : vector<1264x128xf32>
    %iota3A = tpu.iota {dimensions = array<i32: 0>} : vector<1264x128xi32>
    %lt3A = arith.constant 1250 : i32
    %lt3A_20 = vector.broadcast %lt3A : i32 to vector<1264x128xi32>
    %lt3A_21 = arith.cmpi slt, %iota3A, %lt3A_20 : vector<1264x128xi32>
    %jit3A = arith.constant 0.000000e+00 : f32
    %broadcast_in_dim3A = vector.broadcast %jit3A : f32 to vector<1264x128xf32>
    %select_n3A = arith.select %lt3A_21, %max3A_19, %broadcast_in_dim3A : vector<1264x128xi1>, vector<1264x128xf32>
    %reduce_sum3A = arith.constant dense<0.000000e+00> : vector<128xf32>
    %reduce_sum3A_22 = vector.multi_reduction <add>, %select_n3A, %reduce_sum3A [0] : vector<1264x128xf32> to vector<128xf32>
    %broadcast_in_dim3A_23 = vector.shape_cast %reduce_sum3A_22 : vector<128xf32> to vector<1x128xf32>
    %get3A_24 = arith.constant 0 : index
    %get3A_25 = arith.constant 0 : index
    %get3A_26 = vector.load %arg3[%get3A_24, %get3A_25] : memref<1x1024xf32, #tpu.memory_space<vmem>>, vector<1x1024xf32>
    %get3A_27 = arith.constant 0 : index
    %get3A_28 = arith.constant 0 : index
    %get3A_29 = vector.load %arg6[%get3A_27, %get3A_28] : memref<1024x10xf32, #tpu.memory_space<vmem>>, vector<1024x10xf32>
    %dot_general3A = arith.constant dense<0.000000e+00> : vector<1x10xf32>
    %dot_general3A_30 = tpu.matmul %get3A_26, %get3A_29, %dot_general3A {dimension_numbers = #tpu.dot_dimension_numbers<[1], [0], [0], [1], [0, 0, 1, 1], [], []>, transpose_lhs_hint = false} : vector<1x1024xf32>, vector<1024x10xf32>, vector<1x10xf32> -> vector<1x10xf32>
    %get3A_31 = arith.constant 0 : index
    %get3A_32 = arith.constant 0 : index
    %get3A_33 = vector.load %arg4[%get3A_31, %get3A_32] : memref<1x128xf32, #tpu.memory_space<vmem>>, vector<1x128xf32>
    %get3A_34 = arith.constant 0 : index
    %get3A_35 = arith.constant 0 : index
    %get3A_36 = vector.load %arg7[%get3A_34, %get3A_35] : memref<128x10xf32, #tpu.memory_space<vmem>>, vector<128x10xf32>
    %dot_general3A_37 = arith.constant dense<0.000000e+00> : vector<1x10xf32>
    %dot_general3A_38 = tpu.matmul %get3A_33, %get3A_36, %dot_general3A_37 {dimension_numbers = #tpu.dot_dimension_numbers<[1], [0], [0], [1], [0, 0, 1, 1], [], []>, transpose_lhs_hint = false} : vector<1x128xf32>, vector<128x10xf32>, vector<1x10xf32> -> vector<1x10xf32>
    %add3A_39 = arith.addf %dot_general3A_30, %dot_general3A_38 : vector<1x10xf32>
    %get3A_40 = arith.constant 0 : index
    %get3A_41 = arith.constant 0 : index
    %get3A_42 = vector.load %arg5[%get3A_40, %get3A_41] : memref<1x128xf32, #tpu.memory_space<vmem>>, vector<1x128xf32>
    %get3A_43 = arith.constant 0 : index
    %get3A_44 = arith.constant 0 : index
    %get3A_45 = vector.load %arg8[%get3A_43, %get3A_44] : memref<128x10xf32, #tpu.memory_space<vmem>>, vector<128x10xf32>
    %dot_general3A_46 = arith.constant dense<0.000000e+00> : vector<1x10xf32>
    %dot_general3A_47 = tpu.matmul %get3A_42, %get3A_45, %dot_general3A_46 {dimension_numbers = #tpu.dot_dimension_numbers<[1], [0], [0], [1], [0, 0, 1, 1], [], []>, transpose_lhs_hint = false} : vector<1x128xf32>, vector<128x10xf32>, vector<1x10xf32> -> vector<1x10xf32>
    %add3A_48 = arith.addf %add3A_39, %dot_general3A_47 : vector<1x10xf32>
    %get3A_49 = arith.constant 0 : index
    %get3A_50 = arith.constant 0 : index
    %get3A_51 = vector.load %arg9[%get3A_49, %get3A_50] : memref<128x10xf32, #tpu.memory_space<vmem>>, vector<128x10xf32>
    %dot_general3A_52 = arith.constant dense<0.000000e+00> : vector<1x10xf32>
    %dot_general3A_53 = tpu.matmul %broadcast_in_dim3A_23, %get3A_51, %dot_general3A_52 {dimension_numbers = #tpu.dot_dimension_numbers<[1], [0], [0], [1], [0, 0, 1, 1], [], []>, transpose_lhs_hint = false} : vector<1x128xf32>, vector<128x10xf32>, vector<1x10xf32> -> vector<1x10xf32>
    %add3A_54 = arith.addf %add3A_48, %dot_general3A_53 : vector<1x10xf32>
    %get3A_55 = arith.constant 0 : index
    %get3A_56 = arith.constant 0 : index
    %get3A_57 = vector.load %arg10[%get3A_55, %get3A_56] : memref<1x10xf32, #tpu.memory_space<vmem>>, vector<1x10xf32>
    %add3A_58 = arith.addf %add3A_54, %get3A_57 : vector<1x10xf32>
    %reduce_max3A = arith.constant dense<0xFF800000> : vector<1xf32>
    %reduce_max3A_59 = vector.multi_reduction <maximumf>, %add3A_58, %reduce_max3A [1] : vector<1x10xf32> to vector<1xf32>
    %broadcast_in_dim3A_60 = vector.shape_cast %reduce_max3A_59 : vector<1xf32> to vector<1x1xf32>
    %sub3A = vector.broadcast %broadcast_in_dim3A_60 : vector<1x1xf32> to vector<1x10xf32>
    %sub3A_61 = arith.subf %add3A_58, %sub3A : vector<1x10xf32>
    %exp3A = math.exp %sub3A_61 : vector<1x10xf32>
    %reduce_sum3A_62 = arith.constant dense<0.000000e+00> : vector<1xf32>
    %reduce_sum3A_63 = vector.multi_reduction <add>, %exp3A, %reduce_sum3A_62 [1] : vector<1x10xf32> to vector<1xf32>
    %broadcast_in_dim3A_64 = vector.shape_cast %reduce_sum3A_63 : vector<1xf32> to vector<1x1xf32>
    %log3A = math.log %broadcast_in_dim3A_64 : vector<1x1xf32>
    %add3A_65 = arith.addf %log3A, %broadcast_in_dim3A_60 : vector<1x1xf32>
    %sub3A_66 = vector.broadcast %add3A_65 : vector<1x1xf32> to vector<1x10xf32>
    %sub3A_67 = arith.subf %add3A_58, %sub3A_66 : vector<1x10xf32>
    %swap3A = arith.constant 0 : index
    %swap3A_68 = arith.constant 0 : index
    %swap3A_69 = vector.load %arg11[%swap3A, %swap3A_68] : memref<1x10xf32, #tpu.memory_space<vmem>>, vector<1x10xf32>
    tpu.vector_store %arg11[%swap3A, %swap3A_68], %sub3A_67 {strides = array<i32>} : memref<1x10xf32, #tpu.memory_space<vmem>>, vector<1x10xf32>,
    return
  }
}

</mosaic_0001>

<sc_bundles>
// kernel: kernel.12.cloned.1.call-start
scs
__scs_entry_jumppad:
0x0: {  	(pc) =	sbr.rel $0x88, $3  }
0x1: {  	(tag) =	ssettag $0x0;
	lr =	simm.s32 $0x1  }
0x2: {  	[smem:$0x3F94] =	sst lr;
	_ =	strace $0xD0000000  }
0x3: {  	_ = 	snop  }
0x4: {  	_ = 	snop  }
0x5: {  	_ = 	snop  }
0x6: {  	_ = 	snop  }
0x7: {  	_ = 	snop  }
__scs_overlays_trampoline_lowered:
0x8: {  	[smem:$0x3FA3] =	sst s0  }
0x9: {  	[smem:$0x3FA4] =	sst s1  }
0xa: {  	[smem:$0x3FA5] =	sst s2  }
0xb: {  	[smem:$0x3FA6] =	sst s3  }
0xc: {  	[smem:$0x3FA7] =	sst s4  }
0xd: {  	[smem:$0x3FA8] =	sst s5  }
0xe: {  	[smem:$0x3FA9] =	sst s6  }
0xf: {  	[smem:$0x3FAA] =	sst s7  }
0x10: {  	[smem:$0x3FAB] =	sst s8  }
0x11: {  	[smem:$0x3FAC] =	sst s9;
	s0 =	simm.s32 @!p0 $0x0  }
0x12: {  	s1 =	sld [smem:$0x3F92];
	s0 =	simm.s32 @p0 $0x1  }
0x13: {  	[smem:$0x3FAD] =	sst s0;
	s0 =	simm.s32 @!p1 $0x0  }
0x14: {  	s2 =	sld [smem:$0x3F91];
	s0 =	simm.s32 @p1 $0x1  }
0x15: {  	[smem:$0x3FAE] =	sst s0;
	s0 =	simm.s32 @!p2 $0x0  }
0x16: {  	s3 =	sld [smem:$0x3FDB];
	s0 =	simm.s32 @p2 $0x1  }
0x17: {  	s4 =	simm.s32 $0x1BF5;
	[smem:$0x3FB0] =	sst s0  }
0x18: {  	s0 =	sld [smem:$0x3F93];
	_ =	swait.ge [sflag:s4], $0x0  }
0x19: {  	s7 =	sld [smem:$0x3F94]  }
0x1a: {  	s8 =	sadd.s32 $0xFFFFE003, lr  }
0x1b: {  	s9 =	sadd.s32 $0xFFFFFEF7, lr;
	s5 =	simm.s32 $0xFFFFFFFF;
	p2 =	slt.u32 s8, $0xFFFFF086  }
0x1c: {  	p1 =	slt.u32 s9, $0xF7A;
	s5 =	simm.s32 @!p2 $0x0  }
0x1d: {  	s5 =	simm.s32 @p1 $0x1;
	p0 =	seq.s32 s7, s2  }
0x1e: {  	s7 =	smul.u32 @!p0 $0xF7A, s2;
	p2 =	seq.s32 @!p0 s5, $0x0  }
0x1f: {  	s9 =	smul.u32 $0xF7A, s1;
	s8 =	simm.s32 @!p0 $0x1BF5;
	p2 =	por !p2, p0  }
0x20: {  	[sflag:s8] =	ssyncset.s32 @!p0 $0xFFFFF086;
	s6 =	sadd.s32 @!p0 s3, s7;
	s7 =	simm.s32 @!p0 $0x108  }
0x21: {  	s3 =	sadd.s32 s3, s9;
	s6 =	sadd.s32 @!p0 $0x88, s6;
	s7 =	simm.s32 @p2 $0x1082  }
0x22: {  	[simem:s7], [sflag:s8] =	dma.local @!p0 [hbm:s6], $0xF7A  }
0x23: {  	s9 =	sor.u32 $0xD0000000, s2;
	s6 =	simm.s32 $0x108;
	_ =	swait.ge @!p0 [sflag:s8], $0x0  }
0x24: {  	s3 =	sadd.s32 $0x88, s3;
	s6 =	simm.s32 @!p1 $0x1082;
	[sflag:s4] =	ssyncset.s32 $0xFFFFF086  }
0x25: {  	[simem:s6], [sflag:s4] =	dma.local [hbm:s3], $0xF7A  }
0x26: {  	[smem:$0x3F94] =	sst s1;
	(tag) =	ssettag s2;
	_ =	strace s9  }
0x27: {  	s1 =	sld [smem:$0x3FA4]  }
0x28: {  	s2 =	sld [smem:$0x3FA5]  }
0x29: {  	s4 =	sld [smem:$0x3FA7]  }
0x2a: {  	p0 =	seq.s32 s5, $0x0;
	s5 =	sld [smem:$0x3FA8]  }
0x2b: {  	s6 =	sld [smem:$0x3FA9]  }
0x2c: {  	s7 =	sld [smem:$0x3FAA]  }
0x2d: {  	s3 =	simm.s32 $0x108;
	s8 =	sld [smem:$0x3FAB]  }
0x2e: {  	s3 =	simm.s32 @!p0 $0x1082;
	s9 =	sld [smem:$0x3FAC]  }
0x2f: {  	lr =	sadd.s32 s0, s3;
	s0 =	sld [smem:$0x3FA3]  }
0x30: {  	s3 =	sld [smem:$0x3FA6]  }
0x31: {  	[smem:$0x3FAF] =	sst s10  }
0x32: {  	s10 =	sld [smem:$0x3FAD];
	_ =	sdelay $0x3  }
0x33: {  	p0 =	seq.s32 s10, $0x1;
	s10 =	sld [smem:$0x3FAF];
	_ =	sdelay $0x3  }
0x34: {  	[smem:$0x3FAF] =	sst s10  }
0x35: {  	s10 =	sld [smem:$0x3FAE];
	_ =	sdelay $0x3  }
0x36: {  	p1 =	seq.s32 s10, $0x1;
	s10 =	sld [smem:$0x3FAF];
	_ =	sdelay $0x3  }
0x37: {  	[smem:$0x3FAF] =	sst s10  }
0x38: {  	s10 =	sld [smem:$0x3FB0]  }
0x39: {  	_ = 	snop;
	(pc) =	sbr.ind lr, $3  }
0x3a: {  	_ = 	snop  }
0x3b: {  	_ = 	snop  }
0x3c: {  	p2 =	seq.s32 s10, $0x1;
	s10 =	sld [smem:$0x3FAF]  }
0x3d: {  	_ =	shalt  }
0x3e: {  	_ =	shalt  }
0x3f: {  	_ =	shalt  }
0x40: {  	_ =	shalt  }
0x41: {  	_ =	shalt  }
0x42: {  	_ =	shalt  }
0x43: {  	_ =	shalt  }
0x44: {  	_ =	shalt  }
0x45: {  	_ =	shalt  }
0x46: {  	_ =	shalt  }
0x47: {  	_ =	shalt  }
0x48: {  	_ =	shalt  }
0x49: {  	_ =	shalt  }
0x4a: {  	_ =	shalt  }
0x4b: {  	_ =	shalt  }
0x4c: {  	_ =	shalt  }
0x4d: {  	_ =	shalt  }
0x4e: {  	_ =	shalt  }
0x4f: {  	_ =	shalt  }
0x50: {  	_ =	shalt  }
0x51: {  	_ =	shalt  }
0x52: {  	_ =	shalt  }
0x53: {  	_ =	shalt  }
0x54: {  	_ =	shalt  }
0x55: {  	_ =	shalt  }
0x56: {  	_ =	shalt  }
0x57: {  	_ =	shalt  }
0x58: {  	_ =	shalt  }
0x59: {  	_ =	shalt  }
0x5a: {  	_ =	shalt  }
0x5b: {  	_ =	shalt  }
0x5c: {  	_ =	shalt  }
0x5d: {  	_ =	shalt  }
0x5e: {  	_ =	shalt  }
0x5f: {  	_ =	shalt  }
0x60: {  	_ =	shalt  }
0x61: {  	_ =	shalt  }
0x62: {  	_ =	shalt  }
0x63: {  	_ =	shalt  }
0x64: {  	_ =	shalt  }
0x65: {  	_ =	shalt  }
0x66: {  	_ =	shalt  }
0x67: {  	_ =	shalt  }
0x68: {  	_ =	shalt  }
0x69: {  	_ =	shalt  }
0x6a: {  	_ =	shalt  }
0x6b: {  	_ =	shalt  }
0x6c: {  	_ =	shalt  }
0x6d: {  	_ =	shalt  }
0x6e: {  	_ =	shalt  }
0x6f: {  	_ =	shalt  }
0x70: {  	_ =	shalt  }
0x71: {  	_ =	shalt  }
0x72: {  	_ =	shalt  }
0x73: {  	_ =	shalt  }
0x74: {  	_ =	shalt  }
0x75: {  	_ =	shalt  }
0x76: {  	_ =	shalt  }
0x77: {  	_ =	shalt  }
0x78: {  	_ =	shalt  }
0x79: {  	_ =	shalt  }
0x7a: {  	_ =	shalt  }
0x7b: {  	_ =	shalt  }
0x7c: {  	_ =	shalt  }
0x7d: {  	_ =	shalt  }
0x7e: {  	_ =	shalt  }
0x7f: {  	_ =	shalt  }
0x80: {  	_ =	shalt  }
0x81: {  	_ =	shalt  }
0x82: {  	_ =	shalt  }
0x83: {  	_ =	shalt  }
0x84: {  	_ =	shalt  }
0x85: {  	_ =	shalt  }
0x86: {  	_ =	shalt  }
0x87: {  	_ =	shalt  }
.Lfunc_end0:
.L_simem_size_0:
called_computation.1_lowered:
.L_overlay_start_0:
0x88: {  	s2 =	sld [smem:$0x3FD9]  }
0x89: {  	s3 =	sld [smem:$0x3FFE];
	_ =	sdelay $0x1  }
0x8a: {  	s1 =	srdreg.scid  }
0x8b: {  	s0 =	sand.u32 $0x1, s1  }
0x8c: {  	s16 =	sshll.u32 s0, $0xA;
	s2 =	sadd.s32 s3, s2  }
0x8d: {  	s2 =	sadd.s32 s2, s16  }
0x8e: {  	[smem:$0x3FBB] =	sst s2  }
0x8f: {  	_ = 	snop  }
0x90: {  	(tm) =	ssettm $0x1  }
0x91: {  	s17 =	sld [smem:$0x3FFB];
	_ =	sdelay $0x3  }
0x92: {  	_ =	strace s17  }
0x93: {  	s2 =	sld [smem:$0x3FFC];
	_ =	sdelay $0x3  }
0x94: {  	_ =	strace s2  }
0x95: {  	s2 =	sld [smem:$0x3FFD];
	_ =	sdelay $0x3  }
0x96: {  	_ =	strace s2  }
0x97: {  	_ =	strace $0x8FFFFFFF  }
0x98: {  	s18 =	sld [smem:$0x3FDB];
	_ =	sdelay $0x1  }
0x99: {  	s19 =	simm.s32 $_scs_section_size  }
0x9a: {  	s4 =	simm.s32 $_size__tile_overlayer_lowered;
	s5 =	simm.s32 $_tile_overlayer_lowered  }
0x9b: {  	s22 =	simm.s32 $0x1BFF;
	s21 =	sshll.u32 s5, $0x1;
	s2 =	sadd.s32 s19, s18  }
0x9c: {  	s6 =	simm.s32 $0x0;
	s20 =	sshll.u32 s4, $0x1;
	s4 =	sadd.s32 s21, s2  }
0x9d: {  	[timem:s6], [sflag:s22] =	dma.local [hbm:s4], s20  }
0x9e: {  	_ =	swait.ge [sflag:s22], s20  }
0x9f: {  	s3 =	ssub.s32 $0x0, s20;
	[sflag:s22] =	ssyncset.done $0x0  }
0xa0: {  	[sflag:s22] =	ssyncadd.s32 s3;
	_ =	sdelay $0x1  }
0xa1: {  	s23 =	simm.s32 $0x1B8B  }
0xa2: {  	_ =	swait.ge [sflag:s23], $0x1  }
0xa3: {  	[sflag:s23] =	ssyncset.done $0x0  }
0xa4: {  	s25 =	simm.s32 $0x1B8E;
	s24 =	sld [smem:$0x3FFE];
	[sflag:s23] =	ssyncadd.s32 $0xFFFFFFFF  }
0xa5: {  	s26 =	simm.s32 $execute0_lowered;
	[smem:$0x3FD2] =	sst s25  }
0xa6: {  	s4 =	sshll.u32 s26, $0x1;
	_ =	strace $0x80000049;
	[dreg:$0x1] =	wrdreg $0xFFFFFFFF  }
0xa7: {  	s28 =	simm.s32 $_size_execute0_lowered;
	s2 =	sadd.s32 s2, s4;
	[dreg:$0x0] =	wrdreg $0x0  }
0xa8: {  	s4 =	sshll.u32 s28, $0x1;
	[dreg:$0x2] =	wrdreg s2  }
0xa9: {  	[dreg:$0x3] =	wrdreg s4  }
0xaa: {  	[dreg:$0x4] =	wrdreg $0xC0  }
0xab: {  	_ =	task [dreg:s6], $0x5FFFF  }
0xac: {  	[dreg:$0x1] =	wrdreg $0xFFFFFFFF  }
0xad: {  	[dreg:$0x0] =	wrdreg $0x60  }
0xae: {  	[dreg:$0x2] =	wrdreg s24  }
0xaf: {  	[dreg:$0x3] =	wrdreg $0xEF000  }
0xb0: {  	[dreg:$0x4] =	wrdreg $0xC7800  }
0xb1: {  	[dreg:$0x5] =	wrdreg $0x9  }
0xb2: {  	_ =	task.clear_ibuf [dreg:s6], $0x6FFFF;
	_ =	strace $0x90000049  }
0xb3: {  	s29 =	simm.s32 $0x9;
	_ =	strace $0x8000004B  }
0xb4: {  	_ =	swait.ge [sflag:s29], $0x1  }
0xb5: {  	[sflag:s29] =	ssyncadd.s32 $0xFFFFFFFF  }
0xb6: {  	_ =	strace $0x9000004B  }
0xb7: {  	_ =	sfence  }
0xb8: {  	s30 =	sld [smem:$0x0];
	_ =	sdelay $0x2  }
0xb9: {  	s31 =	sshll.u32 s1, $0xD;
	s1 =	sshrl.u32 s1, $0x2  }
0xba: {  	s3 =	sand.u32 $0x4000, s31;
	s1 =	sadd.s32 s1, s30  }
0xbb: {  	s0 =	sor.u32 s3, s0;
	s1 =	sshll.u32 s1, $0x11  }
0xbc: {  	s0 =	sor.u32 s1, s0  }
0xbd: {  	s0 =	sadd.s32 $0x8F2B, s0  }
0xbe: {  	[sflag:s0] =	ssyncadd.remote.s32 $0x1  }
0xbf: {  	_ =	sfence.sel $0xFFFF  }
0xc0: {  	[dreg:$0x0] =	wrdreg $0xFFFFFFFF;
	(pc) =	sbr.abs _section_cstart, $3  }
0xc1: {  	[dreg:$0x1] =	wrdreg $0xFFFFFFFF  }
0xc2: {  	_ =	task.clear_ibuf [dreg:s6], $0x2FFFF;
	_ =	strace $0x9FFFFFFF  }
0xc3: {  	(tm) =	ssettm $0x7FFFFFFF  }
tec
execute0_lowered:
.L_overlay_start_1:
0x0: {  	(tag) =	ssettag $0x1  }
0x1: {  	s0 =	rddreg [dreg:$0x0]  }
0x2: {  	s2 =	rddreg [dreg:$0x1]  }
0x3: {  	s3 =	rddreg [dreg:$0x2]  }
0x4: {  	s9 =	stileid.u32;
	s4 =	srdreg.scid  }
0x5: {  	s5 =	simm.s32 $0x0;
	s15 =	simm.s32 $0x5;
	s16 =	simm.s32 $0xA000  }
0x6: {  	s17 =	simm.s32 $0x80;
	s18 =	simm.s32 $0x6000;
	s28 =	simm.s32 $0x9000  }
0x7: {  	s29 =	simm.s32 $0x9800;
	s30 =	simm.s32 $0x2;
	s31 =	simm.s32 $0x3  }
0x8: {  	s1 =	smul.u32 $0x2780, s9;
	s4 =	sand.u32 $0x1, s4;
	[smem:$0x7FF] =	sst s5  }
0x9: {  	s10 =	sadd.s32 $0x8C00, s0;
	s11 =	sadd.s32 $0x12C00, s0;
	s12 =	smul.u32 $0x600, s9  }
0xa: {  	s20 =	sshll.u32 s9, $0x6;
	s21 =	sshll.u32 s9, $0xA;
	s6 =	smul.u32 $0x27800, s4  }
0xb: {  	_ =	strace $0x8000004A;
	s7 =	ssub.s32 $0x2, s4;
	s22 =	sadd.s32 $0x6000, s21  }
0xc: {  	p0 =	sne.s32 s4, $0x0;
	s21 =	simm.s32 $0x7000;
	s19 =	sshrl.u32 s1, $0x3  }
0xd: {  	s8 =	sshrl.u32 s7, $0x1;
	s14 =	sadd.s32 s1, s2;
	s23 =	sadd.s32 s10, s22  }
0xe: {  	s24 =	sadd.s32 s11, s22;
	s25 =	sadd.s32 s10, s12;
	[dreg:$0x8] =	wrdreg s23  }
0xf: {  	s26 =	sadd.s32 s11, s12;
	s5 =	sadd.s32 s19, s0;
	[dreg:$0x9] =	wrdreg s24  }
0x10: {  	s6 =	sadd.s32 s1, s6;
	s13 =	ssub.s32 s7, s8;
	[dreg:$0xa] =	wrdreg s25  }
0x11: {  	s7 =	sadd.s32 s1, s3;
	[dreg:$0xb] =	wrdreg s26;
	s14 =	sshrl.u32 s14, $0x3  }
0x12: {  	s19 =	simm.s32 $0x6800;
	s23 =	simm.s32 $0x7800;
	s24 =	simm.s32 $0x1  }
0x13: {  	s25 =	simm.s32 $0x8000;
	s26 =	simm.s32 $0x8800;
	s1 =	simm.s32 $0x4  }
0x14: {  	s6 =	sshrl.u32 s6, $0x3;
	s5 =	sadd.s32 $0x3C00, s5;
	s13 =	smax.u32 s13, $0x1  }
0x15: {  	s0 =	sadd.s32 s6, s0;
	[dreg:$0x6] =	wrdreg s5;
	s5 =	sor.u32 $0x1C05, s20  }
0x16: {  	v0 =	vimm.f32 $0.0e+00;
	[dreg:$0x7] =	wrdreg s5;
	s12 =	sadd.s32 $0x1CC00, s0;
	s0 =	simm.s32 $0x0  }
.LBB2_1:
0x17: {  	s4 =	rddreg [dreg:$0x6]  }
0x18: {  	s5 =	rddreg [dreg:$0x7]  }
0x19: {  	[spmem:s14], [sflag:s5] =	dma.local [hbm:s4], $0x4F0  }
0x1a: {  	_ =	swait.ge [sflag:s15], $0x4F0  }
0x1b: {  	[sflag:s15] =	ssyncset.done $0x0  }
0x1c: {  	s4 =	simm.s32 $0x40;
	s5 =	simm.s32 $0x0;
	[sflag:s15] =	ssyncadd.s32 $0xFFFFFB10  }
.LBB2_2:
0x1d: {  	p1 =	sne.s32 s4, $0x9DC0;
	[tilespmem:s5+$0xA000] =	vst v0;
	s5 =	smov.u32 s4;
	s4 =	sadd.s32 $0x40, s4  }
.Ltmp0:
0x1e: {  	(pc) =	sbr.rel @p1 .LBB2_2-.Ltmp0, $2  }
0x1f: {  	_ =	sdelay $0x2  }
0x20: {  	s5 =	sshra.s32 s5, $0x2  }
0x21: {  	[tilespmem:s5+$0xA000] =	vst v0  }
0x22: {  	[spmem:s7] =	stream.linear.scatter [tilespmem:s16], [sflag:$0x5], $0x2780, $0x38;
	[tilespmem:$0x11680] =	vst v63  }
0x23: {  	_ =	swait.ge [sflag:s15], $0x2780  }
0x24: {  	[sflag:s15] =	ssyncset.done $0x0  }
0x25: {  	s4 =	simm.s32 @p0 $0x0;
	s5 =	rddreg [dreg:$0x8];
	[sflag:s15] =	ssyncadd.s32 $0xFFFFD880  }
0x26: {  	[tilespmem:s4], [sflag:$0x5] =	stream.linear.gather @p0 [hbm4b:s5+s4], $0x2000, $0x38;
	[tilespmem:$0x11680] =	vst v63  }
0x27: {  	s5 =	simm.s32 @p0 $0x5  }
0x28: {  	_ =	swait.ge @p0 [sflag:s5], $0x2000  }
0x29: {  	[sflag:s5] =	ssyncset.done @p0 $0x0  }
0x2a: {  	s20 =	simm.s32 @p0 $0x3000;
	s6 =	rddreg [dreg:$0x9];
	[sflag:s5] =	ssyncadd.s32 @p0 $0xFFFFE000  }
0x2b: {  	[tilespmem:s20], [sflag:$0x5] =	stream.linear.gather @p0 [hbm4b:s6+s4], $0x2000, $0x38;
	[tilespmem:$0x11680] =	vst v63  }
0x2c: {  	_ =	swait.ge @p0 [sflag:s5], $0x2000  }
0x2d: {  	[sflag:s5] =	ssyncset.done @p0 $0x0  }
0x2e: {  	s4 =	simm.s32 @!p0 $0x0;
	[sflag:s5] =	ssyncadd.s32 @p0 $0xFFFFE000;
	s5 =	rddreg [dreg:$0xa]  }
0x2f: {  	[tilespmem:s4], [sflag:$0x5] =	stream.linear.gather @!p0 [hbm4b:s5+s4], $0x3000, $0x38;
	[tilespmem:$0x11680] =	vst v63  }
0x30: {  	s5 =	simm.s32 @!p0 $0x5  }
0x31: {  	_ =	swait.ge @!p0 [sflag:s5], $0x3000  }
0x32: {  	[sflag:s5] =	ssyncset.done @!p0 $0x0  }
0x33: {  	s20 =	simm.s32 @!p0 $0x3000;
	s6 =	rddreg [dreg:$0xb];
	[sflag:s5] =	ssyncadd.s32 @!p0 $0xFFFFD000  }
0x34: {  	[tilespmem:s20], [sflag:$0x5] =	stream.linear.gather @!p0 [hbm4b:s6+s4], $0x3000, $0x38;
	[tilespmem:$0x11680] =	vst v63  }
0x35: {  	_ =	swait.ge @!p0 [sflag:s5], $0x3000  }
0x36: {  	[sflag:s5] =	ssyncset.done @!p0 $0x0  }
0x37: {  	s4 =	simm.s32 @!p0 $0xC;
	[sflag:s5] =	ssyncadd.s32 @!p0 $0xFFFFD000  }
0x38: {  	s20 =	simm.s32 $0x0;
	s4 =	simm.s32 @p0 $0x8;
	[bflag:$0x0] =	sbarrier.arrive $0xFFFF  }
0x39: {  	[tilespmem:s18], [sflag:$0x1] =	stream.indirect.gather [spmem:s2], $0x10, s20, s17, $0xb8;
	[tilespmem:$0x11680] =	vst v63  }
0x3a: {  	s8 =	sshll.u32 s4, $0x1  }
0x3b: {  	[tilespmem:s19], [sflag:$0x1] =	stream.indirect.gather [spmem:s2], $0x10, s17, s17, $0xb8;
	[tilespmem:$0x11680] =	vst v63  }
0x3c: {  	s22 =	simm.s32 $0x100;
	s4 =	sshll.u32 s4, $0xC;
	[dreg:$0x4] =	wrdreg s8  }
0x3d: {  	[tilespmem:s21], [sflag:$0x1] =	stream.indirect.gather [spmem:s2], $0x10, s22, s17, $0xb8;
	[tilespmem:$0x11680] =	vst v63  }
0x3e: {  	s6 =	simm.s32 $0x180;
	[dreg:$0x5] =	wrdreg s4  }
0x3f: {  	[tilespmem:s23], [sflag:$0x1] =	stream.indirect.gather [spmem:s2], $0x10, s6, s17, $0xb8;
	[tilespmem:$0x11680] =	vst v63  }
0x40: {  	_ =	swait.ge [sflag:s24], $0x800  }
0x41: {  	[sflag:s24] =	ssyncset.done $0x0  }
0x42: {  	[sflag:s24] =	ssyncadd.s32 $0xFFFFF800  }
0x43: {  	_ =	swait.ge [sflag:s24], $0x800  }
0x44: {  	[sflag:s24] =	ssyncset.done $0x0  }
0x45: {  	[sflag:s24] =	ssyncadd.s32 $0xFFFFF800  }
0x46: {  	_ =	swait.ge [sflag:s24], $0x800  }
0x47: {  	[sflag:s24] =	ssyncset.done $0x0  }
0x48: {  	[sflag:s24] =	ssyncadd.s32 $0xFFFFF800  }
0x49: {  	_ =	swait.ge [sflag:s24], $0x800  }
0x4a: {  	p1 =	por $0x1, $0x1;
	[sflag:s24] =	ssyncset.done $0x0  }
0x4b: {  	s4 =	simm.s32 @!p1 $0x4;
	[sflag:s24] =	ssyncadd.s32 $0xFFFFF800  }
0x4c: {  	_ =	swait.ge @!p1 [sflag:s4], $0x800  }
0x4d: {  	[sflag:s4] =	ssyncset.done @!p1 $0x0  }
0x4e: {  	[sflag:s4] =	ssyncadd.s32 @!p1 $0xFFFFF800  }
0x4f: {  	_ =	swait.ge @!p1 [sflag:s4], $0x800  }
0x50: {  	[sflag:s4] =	ssyncset.done @!p1 $0x0  }
0x51: {  	[sflag:s4] =	ssyncadd.s32 @!p1 $0xFFFFF800  }
0x52: {  	_ =	swait.ge @!p1 [sflag:s4], $0x800  }
0x53: {  	[sflag:s4] =	ssyncset.done @!p1 $0x0  }
0x54: {  	[sflag:s4] =	ssyncadd.s32 @!p1 $0xFFFFF800  }
0x55: {  	_ =	swait.ge @!p1 [sflag:s4], $0x800  }
0x56: {  	[sflag:s4] =	ssyncset.done @!p1 $0x0  }
0x57: {  	s9 =	simm.s32 $0x200;
	[sflag:s4] =	ssyncadd.s32 @!p1 $0xFFFFF800  }
0x58: {  	[tilespmem:s25], [sflag:$0x2] =	stream.indirect.gather [spmem:s2], $0x10, s9, s17, $0xb8;
	[tilespmem:$0x11680] =	vst v63  }
0x59: {  	s10 =	simm.s32 $0x280  }
0x5a: {  	[tilespmem:s26], [sflag:$0x2] =	stream.indirect.gather [spmem:s2], $0x10, s10, s17, $0xb8;
	[tilespmem:$0x11680] =	vst v63  }
0x5b: {  	s11 =	simm.s32 $0x300  }
0x5c: {  	[tilespmem:s28], [sflag:$0x2] =	stream.indirect.gather [spmem:s2], $0x10, s11, s17, $0xb8;
	[tilespmem:$0x11680] =	vst v63  }
0x5d: {  	s20 =	simm.s32 $0x380  }
0x5e: {  	[tilespmem:s29], [sflag:$0x2] =	stream.indirect.gather [spmem:s2], $0x10, s20, s17, $0xb8;
	[tilespmem:$0x11680] =	vst v63  }
0x5f: {  	s22 =	simm.s32 $0x3000  }
0x60: {  	[spmem:s3] =	stream.indirect.scatter.add.f32 [tilespmem:s18], [sflag:$0x3], $0x10, s22, s17, $0xb8;
	[tilespmem:$0x11680] =	vst v63  }
0x61: {  	s5 =	simm.s32 $0x3080  }
0x62: {  	[spmem:s3] =	stream.indirect.scatter.add.f32 [tilespmem:s19], [sflag:$0x3], $0x10, s5, s17, $0xb8;
	[tilespmem:$0x11680] =	vst v63  }
0x63: {  	s6 =	simm.s32 $0x3100  }
0x64: {  	[spmem:s3] =	stream.indirect.scatter.add.f32 [tilespmem:s21], [sflag:$0x3], $0x10, s6, s17, $0xb8;
	[tilespmem:$0x11680] =	vst v63  }
0x65: {  	s8 =	simm.s32 $0x3180  }
0x66: {  	[spmem:s3] =	stream.indirect.scatter.add.f32 [tilespmem:s23], [sflag:$0x3], $0x10, s8, s17, $0xb8;
	[tilespmem:$0x11680] =	vst v63  }
0x67: {  	_ =	swait.ge [sflag:s30], $0x800  }
0x68: {  	[sflag:s30] =	ssyncset.done $0x0  }
0x69: {  	[sflag:s30] =	ssyncadd.s32 $0xFFFFF800  }
0x6a: {  	_ =	swait.ge [sflag:s30], $0x800  }
0x6b: {  	[sflag:s30] =	ssyncset.done $0x0  }
0x6c: {  	[sflag:s30] =	ssyncadd.s32 $0xFFFFF800  }
0x6d: {  	_ =	swait.ge [sflag:s30], $0x800  }
0x6e: {  	[sflag:s30] =	ssyncset.done $0x0  }
0x6f: {  	[sflag:s30] =	ssyncadd.s32 $0xFFFFF800  }
0x70: {  	_ =	swait.ge [sflag:s30], $0x800  }
0x71: {  	[sflag:s30] =	ssyncset.done $0x0  }
0x72: {  	[sflag:s30] =	ssyncadd.s32 $0xFFFFF800  }
0x73: {  	_ =	swait.ge [sflag:s31], $0x800  }
0x74: {  	[sflag:s31] =	ssyncset.done $0x0  }
0x75: {  	[sflag:s31] =	ssyncadd.s32 $0xFFFFF800  }
0x76: {  	_ =	swait.ge [sflag:s31], $0x800  }
0x77: {  	[sflag:s31] =	ssyncset.done $0x0  }
0x78: {  	[sflag:s31] =	ssyncadd.s32 $0xFFFFF800  }
0x79: {  	_ =	swait.ge [sflag:s31], $0x800  }
0x7a: {  	[sflag:s31] =	ssyncset.done $0x0  }
0x7b: {  	[sflag:s31] =	ssyncadd.s32 $0xFFFFF800  }
0x7c: {  	_ =	swait.ge [sflag:s31], $0x800  }
0x7d: {  	s9 =	rddreg [dreg:$0x4];
	[sflag:s31] =	ssyncset.done $0x0  }
0x7e: {  	p1 =	sle.u32 s9, $0x2;
	[sflag:s31] =	ssyncadd.s32 $0xFFFFF800  }
0x7f: {  	s4 =	simm.s32 @!p1 $0x6000;
	s5 =	simm.s32 @!p1 $0x400;
	s20 =	simm.s32 @!p1 $0x80  }
0x80: {  	[tilespmem:s4], [sflag:$0x1] =	stream.indirect.gather @!p1 [spmem:s2], $0x10, s5, s20, $0xb8;
	[tilespmem:$0x11680] =	vst v63  }
0x81: {  	s4 =	simm.s32 @!p1 $0x480;
	s5 =	simm.s32 @!p1 $0x6800  }
0x82: {  	[tilespmem:s5], [sflag:$0x1] =	stream.indirect.gather @!p1 [spmem:s2], $0x10, s4, s20, $0xb8;
	[tilespmem:$0x11680] =	vst v63  }
0x83: {  	s4 =	simm.s32 @!p1 $0x500;
	s5 =	simm.s32 @!p1 $0x7000  }
0x84: {  	[tilespmem:s5], [sflag:$0x1] =	stream.indirect.gather @!p1 [spmem:s2], $0x10, s4, s20, $0xb8;
	[tilespmem:$0x11680] =	vst v63  }
0x85: {  	s11 =	rddreg [dreg:$0x5];
	s4 =	simm.s32 @!p1 $0x580;
	s5 =	simm.s32 @!p1 $0x7800  }
0x86: {  	[tilespmem:s5], [sflag:$0x1] =	stream.indirect.gather @!p1 [spmem:s2], $0x10, s4, s20, $0xb8;
	[tilespmem:$0x11680] =	vst v63  }
0x87: {  	s10 =	simm.s32 $0x3200;
	p1 =	sne.s32 s11, $0x1000  }
0x88: {  	[spmem:s3] =	stream.indirect.scatter.add.f32 [tilespmem:s25], [sflag:$0x4], $0x10, s10, s17, $0xb8;
	[tilespmem:$0x11680] =	vst v63  }
.Ltmp1:
0x89: {  	_ = 	snop;
	(pc) =	sbr.rel @!p1 .LBB2_5-.Ltmp1, $4  }
0x8a: {  	s22 =	simm.s32 $0x3300;
	s20 =	simm.s32 $0x3280  }
0x8b: {  	[spmem:s3] =	stream.indirect.scatter.add.f32 [tilespmem:s26], [sflag:$0x4], $0x10, s20, s17, $0xb8;
	[tilespmem:$0x11680] =	vst v63  }
0x8c: {  	s4 =	simm.s32 $0x1000;
	s5 =	simm.s32 $0x3380;
	s20 =	simm.s32 $0x4  }
0x8d: {  	[spmem:s3] =	stream.indirect.scatter.add.f32 [tilespmem:s28], [sflag:$0x4], $0x10, s22, s17, $0xb8;
	[tilespmem:$0x11680] =	vst v63  }
.LBB2_4:
0x8e: {  	[spmem:s3] =	stream.indirect.scatter.add.f32 [tilespmem:s29], [sflag:$0x4], $0x10, s5, s17, $0xb8;
	[tilespmem:$0x11680] =	vst v63  }
0x8f: {  	_ =	swait.ge [sflag:s24], $0x800  }
0x90: {  	[sflag:s24] =	ssyncset.done $0x0  }
0x91: {  	[sflag:s24] =	ssyncadd.s32 $0xFFFFF800  }
0x92: {  	_ =	swait.ge [sflag:s24], $0x800  }
0x93: {  	[sflag:s24] =	ssyncset.done $0x0  }
0x94: {  	[sflag:s24] =	ssyncadd.s32 $0xFFFFF800  }
0x95: {  	_ =	swait.ge [sflag:s24], $0x800  }
0x96: {  	[sflag:s24] =	ssyncset.done $0x0  }
0x97: {  	[sflag:s24] =	ssyncadd.s32 $0xFFFFF800  }
0x98: {  	s22 =	smov.u32 s4;
	_ =	swait.ge [sflag:s24], $0x800  }
0x99: {  	p1 =	seq.s32 s22, $0x0;
	[sflag:s24] =	ssyncset.done $0x0  }
0x9a: {  	s6 =	simm.s32 @!p1 $0x4;
	[sflag:s24] =	ssyncadd.s32 $0xFFFFF800  }
0x9b: {  	_ =	swait.ge @!p1 [sflag:s6], $0x800  }
0x9c: {  	[sflag:s6] =	ssyncset.done @!p1 $0x0  }
0x9d: {  	[sflag:s6] =	ssyncadd.s32 @!p1 $0xFFFFF800  }
0x9e: {  	_ =	swait.ge @!p1 [sflag:s6], $0x800  }
0x9f: {  	[sflag:s6] =	ssyncset.done @!p1 $0x0  }
0xa0: {  	[sflag:s6] =	ssyncadd.s32 @!p1 $0xFFFFF800  }
0xa1: {  	_ =	swait.ge @!p1 [sflag:s6], $0x800  }
0xa2: {  	[sflag:s6] =	ssyncset.done @!p1 $0x0  }
0xa3: {  	[sflag:s6] =	ssyncadd.s32 @!p1 $0xFFFFF800  }
0xa4: {  	_ =	swait.ge @!p1 [sflag:s6], $0x800  }
0xa5: {  	s5 =	sshra.s32 s22, $0x2;
	[sflag:s6] =	ssyncset.done @!p1 $0x0  }
0xa6: {  	s9 =	sadd.s32 $0x200, s5;
	[sflag:s6] =	ssyncadd.s32 @!p1 $0xFFFFF800  }
0xa7: {  	[tilespmem:s25], [sflag:$0x2] =	stream.indirect.gather [spmem:s2], $0x10, s9, s17, $0xb8;
	[tilespmem:$0x11680] =	vst v63  }
0xa8: {  	s10 =	sadd.s32 $0x280, s5  }
0xa9: {  	[tilespmem:s26], [sflag:$0x2] =	stream.indirect.gather [spmem:s2], $0x10, s10, s17, $0xb8;
	[tilespmem:$0x11680] =	vst v63  }
0xaa: {  	s11 =	sadd.s32 $0x300, s5  }
0xab: {  	[tilespmem:s28], [sflag:$0x2] =	stream.indirect.gather [spmem:s2], $0x10, s11, s17, $0xb8;
	[tilespmem:$0x11680] =	vst v63  }
0xac: {  	s8 =	sadd.s32 $0x380, s5  }
0xad: {  	[tilespmem:s29], [sflag:$0x2] =	stream.indirect.gather [spmem:s2], $0x10, s8, s17, $0xb8;
	[tilespmem:$0x11680] =	vst v63  }
0xae: {  	s9 =	sadd.s32 $0x3000, s5  }
0xaf: {  	[spmem:s3] =	stream.indirect.scatter.add.f32 [tilespmem:s18], [sflag:$0x3], $0x10, s9, s17, $0xb8;
	[tilespmem:$0x11680] =	vst v63  }
0xb0: {  	s10 =	sadd.s32 $0x3080, s5  }
0xb1: {  	[spmem:s3] =	stream.indirect.scatter.add.f32 [tilespmem:s19], [sflag:$0x3], $0x10, s10, s17, $0xb8;
	[tilespmem:$0x11680] =	vst v63  }
0xb2: {  	s11 =	sadd.s32 $0x3100, s5  }
0xb3: {  	[spmem:s3] =	stream.indirect.scatter.add.f32 [tilespmem:s21], [sflag:$0x3], $0x10, s11, s17, $0xb8;
	[tilespmem:$0x11680] =	vst v63  }
0xb4: {  	s8 =	sadd.s32 $0x3180, s5  }
0xb5: {  	[spmem:s3] =	stream.indirect.scatter.add.f32 [tilespmem:s23], [sflag:$0x3], $0x10, s8, s17, $0xb8;
	[tilespmem:$0x11680] =	vst v63  }
0xb6: {  	_ =	swait.ge [sflag:s30], $0x800  }
0xb7: {  	[sflag:s30] =	ssyncset.done $0x0  }
0xb8: {  	[sflag:s30] =	ssyncadd.s32 $0xFFFFF800  }
0xb9: {  	_ =	swait.ge [sflag:s30], $0x800  }
0xba: {  	[sflag:s30] =	ssyncset.done $0x0  }
0xbb: {  	[sflag:s30] =	ssyncadd.s32 $0xFFFFF800  }
0xbc: {  	_ =	swait.ge [sflag:s30], $0x800  }
0xbd: {  	[sflag:s30] =	ssyncset.done $0x0  }
0xbe: {  	[sflag:s30] =	ssyncadd.s32 $0xFFFFF800  }
0xbf: {  	_ =	swait.ge [sflag:s30], $0x800  }
0xc0: {  	[sflag:s30] =	ssyncset.done $0x0  }
0xc1: {  	[sflag:s30] =	ssyncadd.s32 $0xFFFFF800  }
0xc2: {  	_ =	swait.ge [sflag:s31], $0x800  }
0xc3: {  	[sflag:s31] =	ssyncset.done $0x0  }
0xc4: {  	[sflag:s31] =	ssyncadd.s32 $0xFFFFF800  }
0xc5: {  	_ =	swait.ge [sflag:s31], $0x800  }
0xc6: {  	[sflag:s31] =	ssyncset.done $0x0  }
0xc7: {  	[sflag:s31] =	ssyncadd.s32 $0xFFFFF800  }
0xc8: {  	_ =	swait.ge [sflag:s31], $0x800  }
0xc9: {  	[sflag:s31] =	ssyncset.done $0x0  }
0xca: {  	[sflag:s31] =	ssyncadd.s32 $0xFFFFF800  }
0xcb: {  	_ =	swait.ge [sflag:s31], $0x800  }
0xcc: {  	s9 =	rddreg [dreg:$0x4]  }
0xcd: {  	[sflag:s31] =	ssyncset.done $0x0;
	p1 =	sge.u32 s20, s9  }
0xce: {  	[sflag:s31] =	ssyncadd.s32 $0xFFFFF800;
	s6 =	sshra.s32 @!p1 s22, $0x2  }
0xcf: {  	s22 =	simm.s32 @!p1 $0x6000;
	s10 =	simm.s32 @!p1 $0x80;
	s9 =	sadd.s32 @!p1 $0x400, s6  }
0xd0: {  	[tilespmem:s22], [sflag:$0x1] =	stream.indirect.gather @!p1 [spmem:s2], $0x10, s9, s10, $0xb8;
	[tilespmem:$0x11680] =	vst v63  }
0xd1: {  	s4 =	sadd.s32 $0x1000, s4;
	s9 =	sadd.s32 @!p1 $0x480, s6;
	s22 =	simm.s32 @!p1 $0x6800  }
0xd2: {  	[tilespmem:s22], [sflag:$0x1] =	stream.indirect.gather @!p1 [spmem:s2], $0x10, s9, s10, $0xb8;
	[tilespmem:$0x11680] =	vst v63  }
0xd3: {  	s8 =	rddreg [dreg:$0x5];
	s11 =	sadd.s32 @!p1 $0x500, s6;
	s9 =	simm.s32 @!p1 $0x7000  }
0xd4: {  	[tilespmem:s9], [sflag:$0x1] =	stream.indirect.gather @!p1 [spmem:s2], $0x10, s11, s10, $0xb8;
	[tilespmem:$0x11680] =	vst v63  }
0xd5: {  	p2 =	sne.s32 s8, s4;
	s8 =	simm.s32 @!p1 $0x7800;
	s6 =	sadd.s32 @!p1 $0x580, s6  }
0xd6: {  	[tilespmem:s8], [sflag:$0x1] =	stream.indirect.gather @!p1 [spmem:s2], $0x10, s6, s10, $0xb8;
	[tilespmem:$0x11680] =	vst v63  }
0xd7: {  	s10 =	sadd.s32 $0x3200, s5  }
0xd8: {  	[spmem:s3] =	stream.indirect.scatter.add.f32 [tilespmem:s25], [sflag:$0x4], $0x10, s10, s17, $0xb8;
	[tilespmem:$0x11680] =	vst v63  }
.Ltmp2:
0xd9: {  	_ = 	snop;
	(pc) =	sbr.rel @p2 .LBB2_4-.Ltmp2, $4  }
0xda: {  	s11 =	sadd.s32 $0x3280, s5  }
0xdb: {  	[spmem:s3] =	stream.indirect.scatter.add.f32 [tilespmem:s26], [sflag:$0x4], $0x10, s11, s17, $0xb8;
	[tilespmem:$0x11680] =	vst v63  }
0xdc: {  	s20 =	sadd.s32 $0x2, s20;
	s22 =	sadd.s32 $0x3300, s5;
	s5 =	sadd.s32 $0x3380, s5  }
0xdd: {  	[spmem:s3] =	stream.indirect.scatter.add.f32 [tilespmem:s28], [sflag:$0x4], $0x10, s22, s17, $0xb8;
	[tilespmem:$0x11680] =	vst v63  }
.LBB2_5:
0xde: {  	[spmem:s3] =	stream.indirect.scatter.add.f32 [tilespmem:s29], [sflag:$0x4], $0x10, s5, s17, $0xb8;
	[tilespmem:$0x11680] =	vst v63  }
0xdf: {  	_ =	swait.ge [sflag:s1], $0x800  }
0xe0: {  	[sflag:s1] =	ssyncset.done $0x0  }
0xe1: {  	[sflag:s1] =	ssyncadd.s32 $0xFFFFF800  }
0xe2: {  	_ =	swait.ge [sflag:s1], $0x800  }
0xe3: {  	[sflag:s1] =	ssyncset.done $0x0  }
0xe4: {  	[sflag:s1] =	ssyncadd.s32 $0xFFFFF800  }
0xe5: {  	_ =	swait.ge [sflag:s1], $0x800  }
0xe6: {  	[sflag:s1] =	ssyncset.done $0x0  }
0xe7: {  	[sflag:s1] =	ssyncadd.s32 $0xFFFFF800  }
0xe8: {  	_ =	swait.ge [sflag:s1], $0x800  }
0xe9: {  	[sflag:s1] =	ssyncset.done $0x0  }
0xea: {  	[sflag:s1] =	ssyncadd.s32 $0xFFFFF800  }
0xeb: {  	[bflag:$0x0] =	sbarrier.arrive $0xFFFF  }
0xec: {  	[tilespmem:s16], [sflag:$0x5] =	stream.linear.gather [spmem:s7], $0x2780, $0x38;
	[tilespmem:$0x11680] =	vst v63  }
0xed: {  	s0 =	sadd.s32 $0x1, s0;
	_ =	swait.ge [sflag:s15], $0x2780  }
0xee: {  	p1 =	sne.s32 s0, s13;
	[sflag:s15] =	ssyncset.done $0x0  }
.Ltmp3:
0xef: {  	s4 =	simm.s32 $0x0;
	[sflag:s15] =	ssyncadd.s32 $0xFFFFD880;
	(pc) =	sbr.rel @p1 .LBB2_1-.Ltmp3, $4  }
0xf0: {  	[hbm4b:s12+s4] =	stream.linear.scatter [tilespmem:s16], [sflag:$0x5], $0x2780, $0x38;
	[tilespmem:$0x11680] =	vst v63  }
0xf1: {  	_ =	swait.ge [sflag:s15], $0x2780  }
0xf2: {  	[sflag:s15] =	ssyncset.done $0x0  }
0xf3: {  	[sflag:s15] =	ssyncadd.s32 $0xFFFFD880  }
0xf4: {  	_ =	sfence.sel $0x180000  }
0xf5: {  	[bflag:$0x0] =	sbarrier.arrive $0xFFFF  }
0xf6: {  	_ =	strace $0x9000004A  }
0xf7: {  	s0 =	stileid.u32;
	[bflag:$0x2] =	sbarrier.arrive $0xFFFF  }
0xf8: {  	p0 =	sne.s32 s0, $0x0;
	s0 =	rddreg [dreg:$0x3]  }
0xf9: {  	s0 =	sadd.s32 @!p0 $0x100000, s0  }
0xfa: {  	[sflag:s0] =	ssyncadd.tile.s32 @!p0 $0x1;
	_ =	shalt  }
.Lfunc_end2:
_tile_overlayer_lowered:
.L_overlay_start_2:
0xfb: {  	(tag) =	ssettag $0x2  }
0xfc: {  	s0 =	rddreg [dreg:$0x0];
	s2 =	stileid.u32  }
0xfd: {  	s1 =	rddreg [dreg:$0x1];
	p0 =	sne.s32 s2, $0x0  }
0xfe: {  	s3 =	rddreg [dreg:$0x2];
	[bflag:$0x3] =	sbarrier.arrive $0xFFFF;
	s2 =	simm.s32 @!p0 $0x1C05  }
0xff: {  	[timem:s3], [sflag:s2] =	dma.local @!p0 [hbm:s0], s1  }
0x100: {  	s0 =	simm.s32 @!p0 $0x5  }
0x101: {  	_ =	swait.ge @!p0 [sflag:s0], s1  }
0x102: {  	s1 =	ssub.s32 @!p0 $0x0, s1;
	[sflag:s0] =	ssyncset.done @!p0 $0x0  }
0x103: {  	[sflag:s0] =	ssyncadd.s32 @!p0 s1  }
0x104: {  	[bflag:$0x3] =	sbarrier.arrive $0xFFFF  }
0x105: {  	_ =	shalt  }

// kernel: kernel.15.cloned.1.call-start
scs
__scs_entry_jumppad:
0x0: {  	(pc) =	sbr.rel $0x88, $3  }
0x1: {  	(tag) =	ssettag $0x0;
	lr =	simm.s32 $0x1  }
0x2: {  	[smem:$0x3F94] =	sst lr;
	_ =	strace $0xD0000000  }
0x3: {  	_ = 	snop  }
0x4: {  	_ = 	snop  }
0x5: {  	_ = 	snop  }
0x6: {  	_ = 	snop  }
0x7: {  	_ = 	snop  }
__scs_overlays_trampoline_lowered:
0x8: {  	[smem:$0x3FA3] =	sst s0  }
0x9: {  	[smem:$0x3FA4] =	sst s1  }
0xa: {  	[smem:$0x3FA5] =	sst s2  }
0xb: {  	[smem:$0x3FA6] =	sst s3  }
0xc: {  	[smem:$0x3FA7] =	sst s4  }
0xd: {  	[smem:$0x3FA8] =	sst s5  }
0xe: {  	[smem:$0x3FA9] =	sst s6  }
0xf: {  	[smem:$0x3FAA] =	sst s7  }
0x10: {  	[smem:$0x3FAB] =	sst s8  }
0x11: {  	[smem:$0x3FAC] =	sst s9;
	s0 =	simm.s32 @!p0 $0x0  }
0x12: {  	s1 =	sld [smem:$0x3F92];
	s0 =	simm.s32 @p0 $0x1  }
0x13: {  	[smem:$0x3FAD] =	sst s0;
	s0 =	simm.s32 @!p1 $0x0  }
0x14: {  	s2 =	sld [smem:$0x3F91];
	s0 =	simm.s32 @p1 $0x1  }
0x15: {  	[smem:$0x3FAE] =	sst s0;
	s0 =	simm.s32 @!p2 $0x0  }
0x16: {  	s3 =	sld [smem:$0x3FDB];
	s0 =	simm.s32 @p2 $0x1  }
0x17: {  	s4 =	simm.s32 $0x1BF5;
	[smem:$0x3FB0] =	sst s0  }
0x18: {  	s0 =	sld [smem:$0x3F93];
	_ =	swait.ge [sflag:s4], $0x0  }
0x19: {  	s7 =	sld [smem:$0x3F94]  }
0x1a: {  	s8 =	sadd.s32 $0xFFFFE003, lr  }
0x1b: {  	s9 =	sadd.s32 $0xFFFFFEF7, lr;
	s5 =	simm.s32 $0xFFFFFFFF;
	p2 =	slt.u32 s8, $0xFFFFF086  }
0x1c: {  	p1 =	slt.u32 s9, $0xF7A;
	s5 =	simm.s32 @!p2 $0x0  }
0x1d: {  	s5 =	simm.s32 @p1 $0x1;
	p0 =	seq.s32 s7, s2  }
0x1e: {  	s7 =	smul.u32 @!p0 $0xF7A, s2;
	p2 =	seq.s32 @!p0 s5, $0x0  }
0x1f: {  	s9 =	smul.u32 $0xF7A, s1;
	s8 =	simm.s32 @!p0 $0x1BF5;
	p2 =	por !p2, p0  }
0x20: {  	[sflag:s8] =	ssyncset.s32 @!p0 $0xFFFFF086;
	s6 =	sadd.s32 @!p0 s3, s7;
	s7 =	simm.s32 @!p0 $0x108  }
0x21: {  	s3 =	sadd.s32 s3, s9;
	s6 =	sadd.s32 @!p0 $0x88, s6;
	s7 =	simm.s32 @p2 $0x1082  }
0x22: {  	[simem:s7], [sflag:s8] =	dma.local @!p0 [hbm:s6], $0xF7A  }
0x23: {  	s9 =	sor.u32 $0xD0000000, s2;
	s6 =	simm.s32 $0x108;
	_ =	swait.ge @!p0 [sflag:s8], $0x0  }
0x24: {  	s3 =	sadd.s32 $0x88, s3;
	s6 =	simm.s32 @!p1 $0x1082;
	[sflag:s4] =	ssyncset.s32 $0xFFFFF086  }
0x25: {  	[simem:s6], [sflag:s4] =	dma.local [hbm:s3], $0xF7A  }
0x26: {  	[smem:$0x3F94] =	sst s1;
	(tag) =	ssettag s2;
	_ =	strace s9  }
0x27: {  	s1 =	sld [smem:$0x3FA4]  }
0x28: {  	s2 =	sld [smem:$0x3FA5]  }
0x29: {  	s4 =	sld [smem:$0x3FA7]  }
0x2a: {  	p0 =	seq.s32 s5, $0x0;
	s5 =	sld [smem:$0x3FA8]  }
0x2b: {  	s6 =	sld [smem:$0x3FA9]  }
0x2c: {  	s7 =	sld [smem:$0x3FAA]  }
0x2d: {  	s3 =	simm.s32 $0x108;
	s8 =	sld [smem:$0x3FAB]  }
0x2e: {  	s3 =	simm.s32 @!p0 $0x1082;
	s9 =	sld [smem:$0x3FAC]  }
0x2f: {  	lr =	sadd.s32 s0, s3;
	s0 =	sld [smem:$0x3FA3]  }
0x30: {  	s3 =	sld [smem:$0x3FA6]  }
0x31: {  	[smem:$0x3FAF] =	sst s10  }
0x32: {  	s10 =	sld [smem:$0x3FAD];
	_ =	sdelay $0x3  }
0x33: {  	p0 =	seq.s32 s10, $0x1;
	s10 =	sld [smem:$0x3FAF];
	_ =	sdelay $0x3  }
0x34: {  	[smem:$0x3FAF] =	sst s10  }
0x35: {  	s10 =	sld [smem:$0x3FAE];
	_ =	sdelay $0x3  }
0x36: {  	p1 =	seq.s32 s10, $0x1;
	s10 =	sld [smem:$0x3FAF];
	_ =	sdelay $0x3  }
0x37: {  	[smem:$0x3FAF] =	sst s10  }
0x38: {  	s10 =	sld [smem:$0x3FB0]  }
0x39: {  	_ = 	snop;
	(pc) =	sbr.ind lr, $3  }
0x3a: {  	_ = 	snop  }
0x3b: {  	_ = 	snop  }
0x3c: {  	p2 =	seq.s32 s10, $0x1;
	s10 =	sld [smem:$0x3FAF]  }
0x3d: {  	_ =	shalt  }
0x3e: {  	_ =	shalt  }
0x3f: {  	_ =	shalt  }
0x40: {  	_ =	shalt  }
0x41: {  	_ =	shalt  }
0x42: {  	_ =	shalt  }
0x43: {  	_ =	shalt  }
0x44: {  	_ =	shalt  }
0x45: {  	_ =	shalt  }
0x46: {  	_ =	shalt  }
0x47: {  	_ =	shalt  }
0x48: {  	_ =	shalt  }
0x49: {  	_ =	shalt  }
0x4a: {  	_ =	shalt  }
0x4b: {  	_ =	shalt  }
0x4c: {  	_ =	shalt  }
0x4d: {  	_ =	shalt  }
0x4e: {  	_ =	shalt  }
0x4f: {  	_ =	shalt  }
0x50: {  	_ =	shalt  }
0x51: {  	_ =	shalt  }
0x52: {  	_ =	shalt  }
0x53: {  	_ =	shalt  }
0x54: {  	_ =	shalt  }
0x55: {  	_ =	shalt  }
0x56: {  	_ =	shalt  }
0x57: {  	_ =	shalt  }
0x58: {  	_ =	shalt  }
0x59: {  	_ =	shalt  }
0x5a: {  	_ =	shalt  }
0x5b: {  	_ =	shalt  }
0x5c: {  	_ =	shalt  }
0x5d: {  	_ =	shalt  }
0x5e: {  	_ =	shalt  }
0x5f: {  	_ =	shalt  }
0x60: {  	_ =	shalt  }
0x61: {  	_ =	shalt  }
0x62: {  	_ =	shalt  }
0x63: {  	_ =	shalt  }
0x64: {  	_ =	shalt  }
0x65: {  	_ =	shalt  }
0x66: {  	_ =	shalt  }
0x67: {  	_ =	shalt  }
0x68: {  	_ =	shalt  }
0x69: {  	_ =	shalt  }
0x6a: {  	_ =	shalt  }
0x6b: {  	_ =	shalt  }
0x6c: {  	_ =	shalt  }
0x6d: {  	_ =	shalt  }
0x6e: {  	_ =	shalt  }
0x6f: {  	_ =	shalt  }
0x70: {  	_ =	shalt  }
0x71: {  	_ =	shalt  }
0x72: {  	_ =	shalt  }
0x73: {  	_ =	shalt  }
0x74: {  	_ =	shalt  }
0x75: {  	_ =	shalt  }
0x76: {  	_ =	shalt  }
0x77: {  	_ =	shalt  }
0x78: {  	_ =	shalt  }
0x79: {  	_ =	shalt  }
0x7a: {  	_ =	shalt  }
0x7b: {  	_ =	shalt  }
0x7c: {  	_ =	shalt  }
0x7d: {  	_ =	shalt  }
0x7e: {  	_ =	shalt  }
0x7f: {  	_ =	shalt  }
0x80: {  	_ =	shalt  }
0x81: {  	_ =	shalt  }
0x82: {  	_ =	shalt  }
0x83: {  	_ =	shalt  }
0x84: {  	_ =	shalt  }
0x85: {  	_ =	shalt  }
0x86: {  	_ =	shalt  }
0x87: {  	_ =	shalt  }
.Lfunc_end0:
.L_simem_size_0:
called_computation.2_lowered:
.L_overlay_start_0:
0x88: {  	s2 =	sld [smem:$0x3FD9]  }
0x89: {  	s3 =	sld [smem:$0x3FFE];
	_ =	sdelay $0x1  }
0x8a: {  	s1 =	srdreg.scid  }
0x8b: {  	s0 =	sand.u32 $0x1, s1  }
0x8c: {  	s16 =	sshll.u32 s0, $0xA;
	s2 =	sadd.s32 s3, s2  }
0x8d: {  	s2 =	sadd.s32 s2, s16  }
0x8e: {  	[smem:$0x3FBB] =	sst s2  }
0x8f: {  	_ = 	snop  }
0x90: {  	(tm) =	ssettm $0x1  }
0x91: {  	s17 =	sld [smem:$0x3FFB];
	_ =	sdelay $0x3  }
0x92: {  	_ =	strace s17  }
0x93: {  	s2 =	sld [smem:$0x3FFC];
	_ =	sdelay $0x3  }
0x94: {  	_ =	strace s2  }
0x95: {  	s2 =	sld [smem:$0x3FFD];
	_ =	sdelay $0x3  }
0x96: {  	_ =	strace s2  }
0x97: {  	_ =	strace $0x8FFFFFFF  }
0x98: {  	s18 =	sld [smem:$0x3FDB];
	_ =	sdelay $0x1  }
0x99: {  	s19 =	simm.s32 $_scs_section_size  }
0x9a: {  	s4 =	simm.s32 $_size__tile_overlayer_lowered;
	s5 =	simm.s32 $_tile_overlayer_lowered  }
0x9b: {  	s22 =	simm.s32 $0x1BFF;
	s21 =	sshll.u32 s5, $0x1;
	s2 =	sadd.s32 s19, s18  }
0x9c: {  	s6 =	simm.s32 $0x0;
	s20 =	sshll.u32 s4, $0x1;
	s4 =	sadd.s32 s21, s2  }
0x9d: {  	[timem:s6], [sflag:s22] =	dma.local [hbm:s4], s20  }
0x9e: {  	_ =	swait.ge [sflag:s22], s20  }
0x9f: {  	s3 =	ssub.s32 $0x0, s20;
	[sflag:s22] =	ssyncset.done $0x0  }
0xa0: {  	[sflag:s22] =	ssyncadd.s32 s3;
	_ =	sdelay $0x1  }
0xa1: {  	s23 =	simm.s32 $0x1B8B  }
0xa2: {  	_ =	swait.ge [sflag:s23], $0x1  }
0xa3: {  	[sflag:s23] =	ssyncset.done $0x0  }
0xa4: {  	s25 =	simm.s32 $0x1B8E;
	s24 =	sld [smem:$0x3FFE];
	[sflag:s23] =	ssyncadd.s32 $0xFFFFFFFF  }
0xa5: {  	s26 =	simm.s32 $execute0_lowered;
	[smem:$0x3FD2] =	sst s25  }
0xa6: {  	s4 =	sshll.u32 s26, $0x1;
	_ =	strace $0x8000004C;
	[dreg:$0x1] =	wrdreg $0xFFFFFFFF  }
0xa7: {  	s28 =	simm.s32 $_size_execute0_lowered;
	s2 =	sadd.s32 s2, s4;
	[dreg:$0x0] =	wrdreg $0x0  }
0xa8: {  	s4 =	sshll.u32 s28, $0x1;
	[dreg:$0x2] =	wrdreg s2  }
0xa9: {  	[dreg:$0x3] =	wrdreg s4  }
0xaa: {  	[dreg:$0x4] =	wrdreg $0xC0  }
0xab: {  	_ =	task [dreg:s6], $0x5FFFF  }
0xac: {  	[dreg:$0x1] =	wrdreg $0xFFFFFFFF  }
0xad: {  	[dreg:$0x0] =	wrdreg $0x60  }
0xae: {  	[dreg:$0x2] =	wrdreg s24  }
0xaf: {  	[dreg:$0x3] =	wrdreg $0xEF000  }
0xb0: {  	[dreg:$0x4] =	wrdreg $0xC7800  }
0xb1: {  	[dreg:$0x5] =	wrdreg $0x9  }
0xb2: {  	_ =	task.clear_ibuf [dreg:s6], $0x6FFFF;
	_ =	strace $0x9000004C  }
0xb3: {  	s29 =	simm.s32 $0x9;
	_ =	strace $0x8000004E  }
0xb4: {  	_ =	swait.ge [sflag:s29], $0x1  }
0xb5: {  	[sflag:s29] =	ssyncadd.s32 $0xFFFFFFFF  }
0xb6: {  	_ =	strace $0x9000004E  }
0xb7: {  	_ =	sfence  }
0xb8: {  	s30 =	sld [smem:$0x0];
	_ =	sdelay $0x2  }
0xb9: {  	s31 =	sshll.u32 s1, $0xD;
	s1 =	sshrl.u32 s1, $0x2  }
0xba: {  	s3 =	sand.u32 $0x4000, s31;
	s1 =	sadd.s32 s1, s30  }
0xbb: {  	s0 =	sor.u32 s3, s0;
	s1 =	sshll.u32 s1, $0x11  }
0xbc: {  	s0 =	sor.u32 s1, s0  }
0xbd: {  	s0 =	sadd.s32 $0x8F2B, s0  }
0xbe: {  	[sflag:s0] =	ssyncadd.remote.s32 $0x1  }
0xbf: {  	_ =	sfence.sel $0xFFFF  }
0xc0: {  	[dreg:$0x0] =	wrdreg $0xFFFFFFFF;
	(pc) =	sbr.abs _section_cstart, $3  }
0xc1: {  	[dreg:$0x1] =	wrdreg $0xFFFFFFFF  }
0xc2: {  	_ =	task.clear_ibuf [dreg:s6], $0x2FFFF;
	_ =	strace $0x9FFFFFFF  }
0xc3: {  	(tm) =	ssettm $0x7FFFFFFF  }
tec
execute0_lowered:
.L_overlay_start_1:
0x0: {  	(tag) =	ssettag $0x1  }
0x1: {  	s0 =	rddreg [dreg:$0x0]  }
0x2: {  	s2 =	rddreg [dreg:$0x1]  }
0x3: {  	s3 =	rddreg [dreg:$0x2]  }
0x4: {  	s9 =	stileid.u32;
	s4 =	srdreg.scid  }
0x5: {  	s5 =	simm.s32 $0x0;
	s15 =	simm.s32 $0x5;
	s16 =	simm.s32 $0xA000  }
0x6: {  	s17 =	simm.s32 $0x80;
	s18 =	simm.s32 $0x6000;
	s28 =	simm.s32 $0x9000  }
0x7: {  	s29 =	simm.s32 $0x9800;
	s30 =	simm.s32 $0x2;
	s31 =	simm.s32 $0x3  }
0x8: {  	s1 =	smul.u32 $0x2780, s9;
	s4 =	sand.u32 $0x1, s4;
	[smem:$0x7FF] =	sst s5  }
0x9: {  	s10 =	sadd.s32 $0x8C00, s0;
	s11 =	sadd.s32 $0x12C00, s0;
	s12 =	smul.u32 $0x600, s9  }
0xa: {  	s20 =	sshll.u32 s9, $0x6;
	s21 =	sshll.u32 s9, $0xA;
	s6 =	smul.u32 $0x27800, s4  }
0xb: {  	_ =	strace $0x8000004D;
	s7 =	ssub.s32 $0x2, s4;
	s22 =	sadd.s32 $0x6000, s21  }
0xc: {  	p0 =	sne.s32 s4, $0x0;
	s21 =	simm.s32 $0x7000;
	s19 =	sshrl.u32 s1, $0x3  }
0xd: {  	s8 =	sshrl.u32 s7, $0x1;
	s14 =	sadd.s32 s1, s2;
	s23 =	sadd.s32 s10, s22  }
0xe: {  	s24 =	sadd.s32 s11, s22;
	s25 =	sadd.s32 s10, s12;
	[dreg:$0x8] =	wrdreg s23  }
0xf: {  	s26 =	sadd.s32 s11, s12;
	s5 =	sadd.s32 s19, s0;
	[dreg:$0x9] =	wrdreg s24  }
0x10: {  	s6 =	sadd.s32 s1, s6;
	s13 =	ssub.s32 s7, s8;
	[dreg:$0xa] =	wrdreg s25  }
0x11: {  	s7 =	sadd.s32 s1, s3;
	[dreg:$0xb] =	wrdreg s26;
	s14 =	sshrl.u32 s14, $0x3  }
0x12: {  	s19 =	simm.s32 $0x6800;
	s23 =	simm.s32 $0x7800;
	s24 =	simm.s32 $0x1  }
0x13: {  	s25 =	simm.s32 $0x8000;
	s26 =	simm.s32 $0x8800;
	s1 =	simm.s32 $0x4  }
0x14: {  	s6 =	sshrl.u32 s6, $0x3;
	s5 =	sadd.s32 $0x3C00, s5;
	s13 =	smax.u32 s13, $0x1  }
0x15: {  	s0 =	sadd.s32 s6, s0;
	[dreg:$0x6] =	wrdreg s5;
	s5 =	sor.u32 $0x1C05, s20  }
0x16: {  	v0 =	vimm.f32 $0.0e+00;
	[dreg:$0x7] =	wrdreg s5;
	s12 =	sadd.s32 $0x1CC00, s0;
	s0 =	simm.s32 $0x0  }
.LBB2_1:
0x17: {  	s4 =	rddreg [dreg:$0x6]  }
0x18: {  	s5 =	rddreg [dreg:$0x7]  }
0x19: {  	[spmem:s14], [sflag:s5] =	dma.local [hbm:s4], $0x4F0  }
0x1a: {  	_ =	swait.ge [sflag:s15], $0x4F0  }
0x1b: {  	[sflag:s15] =	ssyncset.done $0x0  }
0x1c: {  	s4 =	simm.s32 $0x40;
	s5 =	simm.s32 $0x0;
	[sflag:s15] =	ssyncadd.s32 $0xFFFFFB10  }
.LBB2_2:
0x1d: {  	p1 =	sne.s32 s4, $0x9DC0;
	[tilespmem:s5+$0xA000] =	vst v0;
	s5 =	smov.u32 s4;
	s4 =	sadd.s32 $0x40, s4  }
.Ltmp0:
0x1e: {  	(pc) =	sbr.rel @p1 .LBB2_2-.Ltmp0, $2  }
0x1f: {  	_ =	sdelay $0x2  }
0x20: {  	s5 =	sshra.s32 s5, $0x2  }
0x21: {  	[tilespmem:s5+$0xA000] =	vst v0  }
0x22: {  	[spmem:s7] =	stream.linear.scatter [tilespmem:s16], [sflag:$0x5], $0x2780, $0x38;
	[tilespmem:$0x11680] =	vst v63  }
0x23: {  	_ =	swait.ge [sflag:s15], $0x2780  }
0x24: {  	[sflag:s15] =	ssyncset.done $0x0  }
0x25: {  	s4 =	simm.s32 @p0 $0x0;
	s5 =	rddreg [dreg:$0x8];
	[sflag:s15] =	ssyncadd.s32 $0xFFFFD880  }
0x26: {  	[tilespmem:s4], [sflag:$0x5] =	stream.linear.gather @p0 [hbm4b:s5+s4], $0x2000, $0x38;
	[tilespmem:$0x11680] =	vst v63  }
0x27: {  	s5 =	simm.s32 @p0 $0x5  }
0x28: {  	_ =	swait.ge @p0 [sflag:s5], $0x2000  }
0x29: {  	[sflag:s5] =	ssyncset.done @p0 $0x0  }
0x2a: {  	s20 =	simm.s32 @p0 $0x3000;
	s6 =	rddreg [dreg:$0x9];
	[sflag:s5] =	ssyncadd.s32 @p0 $0xFFFFE000  }
0x2b: {  	[tilespmem:s20], [sflag:$0x5] =	stream.linear.gather @p0 [hbm4b:s6+s4], $0x2000, $0x38;
	[tilespmem:$0x11680] =	vst v63  }
0x2c: {  	_ =	swait.ge @p0 [sflag:s5], $0x2000  }
0x2d: {  	[sflag:s5] =	ssyncset.done @p0 $0x0  }
0x2e: {  	s4 =	simm.s32 @!p0 $0x0;
	[sflag:s5] =	ssyncadd.s32 @p0 $0xFFFFE000;
	s5 =	rddreg [dreg:$0xa]  }
0x2f: {  	[tilespmem:s4], [sflag:$0x5] =	stream.linear.gather @!p0 [hbm4b:s5+s4], $0x3000, $0x38;
	[tilespmem:$0x11680] =	vst v63  }
0x30: {  	s5 =	simm.s32 @!p0 $0x5  }
0x31: {  	_ =	swait.ge @!p0 [sflag:s5], $0x3000  }
0x32: {  	[sflag:s5] =	ssyncset.done @!p0 $0x0  }
0x33: {  	s20 =	simm.s32 @!p0 $0x3000;
	s6 =	rddreg [dreg:$0xb];
	[sflag:s5] =	ssyncadd.s32 @!p0 $0xFFFFD000  }
0x34: {  	[tilespmem:s20], [sflag:$0x5] =	stream.linear.gather @!p0 [hbm4b:s6+s4], $0x3000, $0x38;
	[tilespmem:$0x11680] =	vst v63  }
0x35: {  	_ =	swait.ge @!p0 [sflag:s5], $0x3000  }
0x36: {  	[sflag:s5] =	ssyncset.done @!p0 $0x0  }
0x37: {  	s4 =	simm.s32 @!p0 $0xC;
	[sflag:s5] =	ssyncadd.s32 @!p0 $0xFFFFD000  }
0x38: {  	s20 =	simm.s32 $0x0;
	s4 =	simm.s32 @p0 $0x8;
	[bflag:$0x0] =	sbarrier.arrive $0xFFFF  }
0x39: {  	[tilespmem:s18], [sflag:$0x1] =	stream.indirect.gather [spmem:s2], $0x10, s20, s17, $0xb8;
	[tilespmem:$0x11680] =	vst v63  }
0x3a: {  	s8 =	sshll.u32 s4, $0x1  }
0x3b: {  	[tilespmem:s19], [sflag:$0x1] =	stream.indirect.gather [spmem:s2], $0x10, s17, s17, $0xb8;
	[tilespmem:$0x11680] =	vst v63  }
0x3c: {  	s22 =	simm.s32 $0x100;
	s4 =	sshll.u32 s4, $0xC;
	[dreg:$0x4] =	wrdreg s8  }
0x3d: {  	[tilespmem:s21], [sflag:$0x1] =	stream.indirect.gather [spmem:s2], $0x10, s22, s17, $0xb8;
	[tilespmem:$0x11680] =	vst v63  }
0x3e: {  	s6 =	simm.s32 $0x180;
	[dreg:$0x5] =	wrdreg s4  }
0x3f: {  	[tilespmem:s23], [sflag:$0x1] =	stream.indirect.gather [spmem:s2], $0x10, s6, s17, $0xb8;
	[tilespmem:$0x11680] =	vst v63  }
0x40: {  	_ =	swait.ge [sflag:s24], $0x800  }
0x41: {  	[sflag:s24] =	ssyncset.done $0x0  }
0x42: {  	[sflag:s24] =	ssyncadd.s32 $0xFFFFF800  }
0x43: {  	_ =	swait.ge [sflag:s24], $0x800  }
0x44: {  	[sflag:s24] =	ssyncset.done $0x0  }
0x45: {  	[sflag:s24] =	ssyncadd.s32 $0xFFFFF800  }
0x46: {  	_ =	swait.ge [sflag:s24], $0x800  }
0x47: {  	[sflag:s24] =	ssyncset.done $0x0  }
0x48: {  	[sflag:s24] =	ssyncadd.s32 $0xFFFFF800  }
0x49: {  	_ =	swait.ge [sflag:s24], $0x800  }
0x4a: {  	p1 =	por $0x1, $0x1;
	[sflag:s24] =	ssyncset.done $0x0  }
0x4b: {  	s4 =	simm.s32 @!p1 $0x4;
	[sflag:s24] =	ssyncadd.s32 $0xFFFFF800  }
0x4c: {  	_ =	swait.ge @!p1 [sflag:s4], $0x800  }
0x4d: {  	[sflag:s4] =	ssyncset.done @!p1 $0x0  }
0x4e: {  	[sflag:s4] =	ssyncadd.s32 @!p1 $0xFFFFF800  }
0x4f: {  	_ =	swait.ge @!p1 [sflag:s4], $0x800  }
0x50: {  	[sflag:s4] =	ssyncset.done @!p1 $0x0  }
0x51: {  	[sflag:s4] =	ssyncadd.s32 @!p1 $0xFFFFF800  }
0x52: {  	_ =	swait.ge @!p1 [sflag:s4], $0x800  }
0x53: {  	[sflag:s4] =	ssyncset.done @!p1 $0x0  }
0x54: {  	[sflag:s4] =	ssyncadd.s32 @!p1 $0xFFFFF800  }
0x55: {  	_ =	swait.ge @!p1 [sflag:s4], $0x800  }
0x56: {  	[sflag:s4] =	ssyncset.done @!p1 $0x0  }
0x57: {  	s9 =	simm.s32 $0x200;
	[sflag:s4] =	ssyncadd.s32 @!p1 $0xFFFFF800  }
0x58: {  	[tilespmem:s25], [sflag:$0x2] =	stream.indirect.gather [spmem:s2], $0x10, s9, s17, $0xb8;
	[tilespmem:$0x11680] =	vst v63  }
0x59: {  	s10 =	simm.s32 $0x280  }
0x5a: {  	[tilespmem:s26], [sflag:$0x2] =	stream.indirect.gather [spmem:s2], $0x10, s10, s17, $0xb8;
	[tilespmem:$0x11680] =	vst v63  }
0x5b: {  	s11 =	simm.s32 $0x300  }
0x5c: {  	[tilespmem:s28], [sflag:$0x2] =	stream.indirect.gather [spmem:s2], $0x10, s11, s17, $0xb8;
	[tilespmem:$0x11680] =	vst v63  }
0x5d: {  	s20 =	simm.s32 $0x380  }
0x5e: {  	[tilespmem:s29], [sflag:$0x2] =	stream.indirect.gather [spmem:s2], $0x10, s20, s17, $0xb8;
	[tilespmem:$0x11680] =	vst v63  }
0x5f: {  	s22 =	simm.s32 $0x3000  }
0x60: {  	[spmem:s3] =	stream.indirect.scatter.add.f32 [tilespmem:s18], [sflag:$0x3], $0x10, s22, s17, $0xb8;
	[tilespmem:$0x11680] =	vst v63  }
0x61: {  	s5 =	simm.s32 $0x3080  }
0x62: {  	[spmem:s3] =	stream.indirect.scatter.add.f32 [tilespmem:s19], [sflag:$0x3], $0x10, s5, s17, $0xb8;
	[tilespmem:$0x11680] =	vst v63  }
0x63: {  	s6 =	simm.s32 $0x3100  }
0x64: {  	[spmem:s3] =	stream.indirect.scatter.add.f32 [tilespmem:s21], [sflag:$0x3], $0x10, s6, s17, $0xb8;
	[tilespmem:$0x11680] =	vst v63  }
0x65: {  	s8 =	simm.s32 $0x3180  }
0x66: {  	[spmem:s3] =	stream.indirect.scatter.add.f32 [tilespmem:s23], [sflag:$0x3], $0x10, s8, s17, $0xb8;
	[tilespmem:$0x11680] =	vst v63  }
0x67: {  	_ =	swait.ge [sflag:s30], $0x800  }
0x68: {  	[sflag:s30] =	ssyncset.done $0x0  }
0x69: {  	[sflag:s30] =	ssyncadd.s32 $0xFFFFF800  }
0x6a: {  	_ =	swait.ge [sflag:s30], $0x800  }
0x6b: {  	[sflag:s30] =	ssyncset.done $0x0  }
0x6c: {  	[sflag:s30] =	ssyncadd.s32 $0xFFFFF800  }
0x6d: {  	_ =	swait.ge [sflag:s30], $0x800  }
0x6e: {  	[sflag:s30] =	ssyncset.done $0x0  }
0x6f: {  	[sflag:s30] =	ssyncadd.s32 $0xFFFFF800  }
0x70: {  	_ =	swait.ge [sflag:s30], $0x800  }
0x71: {  	[sflag:s30] =	ssyncset.done $0x0  }
0x72: {  	[sflag:s30] =	ssyncadd.s32 $0xFFFFF800  }
0x73: {  	_ =	swait.ge [sflag:s31], $0x800  }
0x74: {  	[sflag:s31] =	ssyncset.done $0x0  }
0x75: {  	[sflag:s31] =	ssyncadd.s32 $0xFFFFF800  }
0x76: {  	_ =	swait.ge [sflag:s31], $0x800  }
0x77: {  	[sflag:s31] =	ssyncset.done $0x0  }
0x78: {  	[sflag:s31] =	ssyncadd.s32 $0xFFFFF800  }
0x79: {  	_ =	swait.ge [sflag:s31], $0x800  }
0x7a: {  	[sflag:s31] =	ssyncset.done $0x0  }
0x7b: {  	[sflag:s31] =	ssyncadd.s32 $0xFFFFF800  }
0x7c: {  	_ =	swait.ge [sflag:s31], $0x800  }
0x7d: {  	s9 =	rddreg [dreg:$0x4];
	[sflag:s31] =	ssyncset.done $0x0  }
0x7e: {  	p1 =	sle.u32 s9, $0x2;
	[sflag:s31] =	ssyncadd.s32 $0xFFFFF800  }
0x7f: {  	s4 =	simm.s32 @!p1 $0x6000;
	s5 =	simm.s32 @!p1 $0x400;
	s20 =	simm.s32 @!p1 $0x80  }
0x80: {  	[tilespmem:s4], [sflag:$0x1] =	stream.indirect.gather @!p1 [spmem:s2], $0x10, s5, s20, $0xb8;
	[tilespmem:$0x11680] =	vst v63  }
0x81: {  	s4 =	simm.s32 @!p1 $0x480;
	s5 =	simm.s32 @!p1 $0x6800  }
0x82: {  	[tilespmem:s5], [sflag:$0x1] =	stream.indirect.gather @!p1 [spmem:s2], $0x10, s4, s20, $0xb8;
	[tilespmem:$0x11680] =	vst v63  }
0x83: {  	s4 =	simm.s32 @!p1 $0x500;
	s5 =	simm.s32 @!p1 $0x7000  }
0x84: {  	[tilespmem:s5], [sflag:$0x1] =	stream.indirect.gather @!p1 [spmem:s2], $0x10, s4, s20, $0xb8;
	[tilespmem:$0x11680] =	vst v63  }
0x85: {  	s11 =	rddreg [dreg:$0x5];
	s4 =	simm.s32 @!p1 $0x580;
	s5 =	simm.s32 @!p1 $0x7800  }
0x86: {  	[tilespmem:s5], [sflag:$0x1] =	stream.indirect.gather @!p1 [spmem:s2], $0x10, s4, s20, $0xb8;
	[tilespmem:$0x11680] =	vst v63  }
0x87: {  	s10 =	simm.s32 $0x3200;
	p1 =	sne.s32 s11, $0x1000  }
0x88: {  	[spmem:s3] =	stream.indirect.scatter.add.f32 [tilespmem:s25], [sflag:$0x4], $0x10, s10, s17, $0xb8;
	[tilespmem:$0x11680] =	vst v63  }
.Ltmp1:
0x89: {  	_ = 	snop;
	(pc) =	sbr.rel @!p1 .LBB2_5-.Ltmp1, $4  }
0x8a: {  	s22 =	simm.s32 $0x3300;
	s20 =	simm.s32 $0x3280  }
0x8b: {  	[spmem:s3] =	stream.indirect.scatter.add.f32 [tilespmem:s26], [sflag:$0x4], $0x10, s20, s17, $0xb8;
	[tilespmem:$0x11680] =	vst v63  }
0x8c: {  	s4 =	simm.s32 $0x1000;
	s5 =	simm.s32 $0x3380;
	s20 =	simm.s32 $0x4  }
0x8d: {  	[spmem:s3] =	stream.indirect.scatter.add.f32 [tilespmem:s28], [sflag:$0x4], $0x10, s22, s17, $0xb8;
	[tilespmem:$0x11680] =	vst v63  }
.LBB2_4:
0x8e: {  	[spmem:s3] =	stream.indirect.scatter.add.f32 [tilespmem:s29], [sflag:$0x4], $0x10, s5, s17, $0xb8;
	[tilespmem:$0x11680] =	vst v63  }
0x8f: {  	_ =	swait.ge [sflag:s24], $0x800  }
0x90: {  	[sflag:s24] =	ssyncset.done $0x0  }
0x91: {  	[sflag:s24] =	ssyncadd.s32 $0xFFFFF800  }
0x92: {  	_ =	swait.ge [sflag:s24], $0x800  }
0x93: {  	[sflag:s24] =	ssyncset.done $0x0  }
0x94: {  	[sflag:s24] =	ssyncadd.s32 $0xFFFFF800  }
0x95: {  	_ =	swait.ge [sflag:s24], $0x800  }
0x96: {  	[sflag:s24] =	ssyncset.done $0x0  }
0x97: {  	[sflag:s24] =	ssyncadd.s32 $0xFFFFF800  }
0x98: {  	s22 =	smov.u32 s4;
	_ =	swait.ge [sflag:s24], $0x800  }
0x99: {  	p1 =	seq.s32 s22, $0x0;
	[sflag:s24] =	ssyncset.done $0x0  }
0x9a: {  	s6 =	simm.s32 @!p1 $0x4;
	[sflag:s24] =	ssyncadd.s32 $0xFFFFF800  }
0x9b: {  	_ =	swait.ge @!p1 [sflag:s6], $0x800  }
0x9c: {  	[sflag:s6] =	ssyncset.done @!p1 $0x0  }
0x9d: {  	[sflag:s6] =	ssyncadd.s32 @!p1 $0xFFFFF800  }
0x9e: {  	_ =	swait.ge @!p1 [sflag:s6], $0x800  }
0x9f: {  	[sflag:s6] =	ssyncset.done @!p1 $0x0  }
0xa0: {  	[sflag:s6] =	ssyncadd.s32 @!p1 $0xFFFFF800  }
0xa1: {  	_ =	swait.ge @!p1 [sflag:s6], $0x800  }
0xa2: {  	[sflag:s6] =	ssyncset.done @!p1 $0x0  }
0xa3: {  	[sflag:s6] =	ssyncadd.s32 @!p1 $0xFFFFF800  }
0xa4: {  	_ =	swait.ge @!p1 [sflag:s6], $0x800  }
0xa5: {  	s5 =	sshra.s32 s22, $0x2;
	[sflag:s6] =	ssyncset.done @!p1 $0x0  }
0xa6: {  	s9 =	sadd.s32 $0x200, s5;
	[sflag:s6] =	ssyncadd.s32 @!p1 $0xFFFFF800  }
0xa7: {  	[tilespmem:s25], [sflag:$0x2] =	stream.indirect.gather [spmem:s2], $0x10, s9, s17, $0xb8;
	[tilespmem:$0x11680] =	vst v63  }
0xa8: {  	s10 =	sadd.s32 $0x280, s5  }
0xa9: {  	[tilespmem:s26], [sflag:$0x2] =	stream.indirect.gather [spmem:s2], $0x10, s10, s17, $0xb8;
	[tilespmem:$0x11680] =	vst v63  }
0xaa: {  	s11 =	sadd.s32 $0x300, s5  }
0xab: {  	[tilespmem:s28], [sflag:$0x2] =	stream.indirect.gather [spmem:s2], $0x10, s11, s17, $0xb8;
	[tilespmem:$0x11680] =	vst v63  }
0xac: {  	s8 =	sadd.s32 $0x380, s5  }
0xad: {  	[tilespmem:s29], [sflag:$0x2] =	stream.indirect.gather [spmem:s2], $0x10, s8, s17, $0xb8;
	[tilespmem:$0x11680] =	vst v63  }
0xae: {  	s9 =	sadd.s32 $0x3000, s5  }
0xaf: {  	[spmem:s3] =	stream.indirect.scatter.add.f32 [tilespmem:s18], [sflag:$0x3], $0x10, s9, s17, $0xb8;
	[tilespmem:$0x11680] =	vst v63  }
0xb0: {  	s10 =	sadd.s32 $0x3080, s5  }
0xb1: {  	[spmem:s3] =	stream.indirect.scatter.add.f32 [tilespmem:s19], [sflag:$0x3], $0x10, s10, s17, $0xb8;
	[tilespmem:$0x11680] =	vst v63  }
0xb2: {  	s11 =	sadd.s32 $0x3100, s5  }
0xb3: {  	[spmem:s3] =	stream.indirect.scatter.add.f32 [tilespmem:s21], [sflag:$0x3], $0x10, s11, s17, $0xb8;
	[tilespmem:$0x11680] =	vst v63  }
0xb4: {  	s8 =	sadd.s32 $0x3180, s5  }
0xb5: {  	[spmem:s3] =	stream.indirect.scatter.add.f32 [tilespmem:s23], [sflag:$0x3], $0x10, s8, s17, $0xb8;
	[tilespmem:$0x11680] =	vst v63  }
0xb6: {  	_ =	swait.ge [sflag:s30], $0x800  }
0xb7: {  	[sflag:s30] =	ssyncset.done $0x0  }
0xb8: {  	[sflag:s30] =	ssyncadd.s32 $0xFFFFF800  }
0xb9: {  	_ =	swait.ge [sflag:s30], $0x800  }
0xba: {  	[sflag:s30] =	ssyncset.done $0x0  }
0xbb: {  	[sflag:s30] =	ssyncadd.s32 $0xFFFFF800  }
0xbc: {  	_ =	swait.ge [sflag:s30], $0x800  }
0xbd: {  	[sflag:s30] =	ssyncset.done $0x0  }
0xbe: {  	[sflag:s30] =	ssyncadd.s32 $0xFFFFF800  }
0xbf: {  	_ =	swait.ge [sflag:s30], $0x800  }
0xc0: {  	[sflag:s30] =	ssyncset.done $0x0  }
0xc1: {  	[sflag:s30] =	ssyncadd.s32 $0xFFFFF800  }
0xc2: {  	_ =	swait.ge [sflag:s31], $0x800  }
0xc3: {  	[sflag:s31] =	ssyncset.done $0x0  }
0xc4: {  	[sflag:s31] =	ssyncadd.s32 $0xFFFFF800  }
0xc5: {  	_ =	swait.ge [sflag:s31], $0x800  }
0xc6: {  	[sflag:s31] =	ssyncset.done $0x0  }
0xc7: {  	[sflag:s31] =	ssyncadd.s32 $0xFFFFF800  }
0xc8: {  	_ =	swait.ge [sflag:s31], $0x800  }
0xc9: {  	[sflag:s31] =	ssyncset.done $0x0  }
0xca: {  	[sflag:s31] =	ssyncadd.s32 $0xFFFFF800  }
0xcb: {  	_ =	swait.ge [sflag:s31], $0x800  }
0xcc: {  	s9 =	rddreg [dreg:$0x4]  }
0xcd: {  	[sflag:s31] =	ssyncset.done $0x0;
	p1 =	sge.u32 s20, s9  }
0xce: {  	[sflag:s31] =	ssyncadd.s32 $0xFFFFF800;
	s6 =	sshra.s32 @!p1 s22, $0x2  }
0xcf: {  	s22 =	simm.s32 @!p1 $0x6000;
	s10 =	simm.s32 @!p1 $0x80;
	s9 =	sadd.s32 @!p1 $0x400, s6  }
0xd0: {  	[tilespmem:s22], [sflag:$0x1] =	stream.indirect.gather @!p1 [spmem:s2], $0x10, s9, s10, $0xb8;
	[tilespmem:$0x11680] =	vst v63  }
0xd1: {  	s4 =	sadd.s32 $0x1000, s4;
	s9 =	sadd.s32 @!p1 $0x480, s6;
	s22 =	simm.s32 @!p1 $0x6800  }
0xd2: {  	[tilespmem:s22], [sflag:$0x1] =	stream.indirect.gather @!p1 [spmem:s2], $0x10, s9, s10, $0xb8;
	[tilespmem:$0x11680] =	vst v63  }
0xd3: {  	s8 =	rddreg [dreg:$0x5];
	s11 =	sadd.s32 @!p1 $0x500, s6;
	s9 =	simm.s32 @!p1 $0x7000  }
0xd4: {  	[tilespmem:s9], [sflag:$0x1] =	stream.indirect.gather @!p1 [spmem:s2], $0x10, s11, s10, $0xb8;
	[tilespmem:$0x11680] =	vst v63  }
0xd5: {  	p2 =	sne.s32 s8, s4;
	s8 =	simm.s32 @!p1 $0x7800;
	s6 =	sadd.s32 @!p1 $0x580, s6  }
0xd6: {  	[tilespmem:s8], [sflag:$0x1] =	stream.indirect.gather @!p1 [spmem:s2], $0x10, s6, s10, $0xb8;
	[tilespmem:$0x11680] =	vst v63  }
0xd7: {  	s10 =	sadd.s32 $0x3200, s5  }
0xd8: {  	[spmem:s3] =	stream.indirect.scatter.add.f32 [tilespmem:s25], [sflag:$0x4], $0x10, s10, s17, $0xb8;
	[tilespmem:$0x11680] =	vst v63  }
.Ltmp2:
0xd9: {  	_ = 	snop;
	(pc) =	sbr.rel @p2 .LBB2_4-.Ltmp2, $4  }
0xda: {  	s11 =	sadd.s32 $0x3280, s5  }
0xdb: {  	[spmem:s3] =	stream.indirect.scatter.add.f32 [tilespmem:s26], [sflag:$0x4], $0x10, s11, s17, $0xb8;
	[tilespmem:$0x11680] =	vst v63  }
0xdc: {  	s20 =	sadd.s32 $0x2, s20;
	s22 =	sadd.s32 $0x3300, s5;
	s5 =	sadd.s32 $0x3380, s5  }
0xdd: {  	[spmem:s3] =	stream.indirect.scatter.add.f32 [tilespmem:s28], [sflag:$0x4], $0x10, s22, s17, $0xb8;
	[tilespmem:$0x11680] =	vst v63  }
.LBB2_5:
0xde: {  	[spmem:s3] =	stream.indirect.scatter.add.f32 [tilespmem:s29], [sflag:$0x4], $0x10, s5, s17, $0xb8;
	[tilespmem:$0x11680] =	vst v63  }
0xdf: {  	_ =	swait.ge [sflag:s1], $0x800  }
0xe0: {  	[sflag:s1] =	ssyncset.done $0x0  }
0xe1: {  	[sflag:s1] =	ssyncadd.s32 $0xFFFFF800  }
0xe2: {  	_ =	swait.ge [sflag:s1], $0x800  }
0xe3: {  	[sflag:s1] =	ssyncset.done $0x0  }
0xe4: {  	[sflag:s1] =	ssyncadd.s32 $0xFFFFF800  }
0xe5: {  	_ =	swait.ge [sflag:s1], $0x800  }
0xe6: {  	[sflag:s1] =	ssyncset.done $0x0  }
0xe7: {  	[sflag:s1] =	ssyncadd.s32 $0xFFFFF800  }
0xe8: {  	_ =	swait.ge [sflag:s1], $0x800  }
0xe9: {  	[sflag:s1] =	ssyncset.done $0x0  }
0xea: {  	[sflag:s1] =	ssyncadd.s32 $0xFFFFF800  }
0xeb: {  	[bflag:$0x0] =	sbarrier.arrive $0xFFFF  }
0xec: {  	[tilespmem:s16], [sflag:$0x5] =	stream.linear.gather [spmem:s7], $0x2780, $0x38;
	[tilespmem:$0x11680] =	vst v63  }
0xed: {  	s0 =	sadd.s32 $0x1, s0;
	_ =	swait.ge [sflag:s15], $0x2780  }
0xee: {  	p1 =	sne.s32 s0, s13;
	[sflag:s15] =	ssyncset.done $0x0  }
.Ltmp3:
0xef: {  	s4 =	simm.s32 $0x0;
	[sflag:s15] =	ssyncadd.s32 $0xFFFFD880;
	(pc) =	sbr.rel @p1 .LBB2_1-.Ltmp3, $4  }
0xf0: {  	[hbm4b:s12+s4] =	stream.linear.scatter [tilespmem:s16], [sflag:$0x5], $0x2780, $0x38;
	[tilespmem:$0x11680] =	vst v63  }
0xf1: {  	_ =	swait.ge [sflag:s15], $0x2780  }
0xf2: {  	[sflag:s15] =	ssyncset.done $0x0  }
0xf3: {  	[sflag:s15] =	ssyncadd.s32 $0xFFFFD880  }
0xf4: {  	_ =	sfence.sel $0x180000  }
0xf5: {  	[bflag:$0x0] =	sbarrier.arrive $0xFFFF  }
0xf6: {  	_ =	strace $0x9000004D  }
0xf7: {  	s0 =	stileid.u32;
	[bflag:$0x2] =	sbarrier.arrive $0xFFFF  }
0xf8: {  	p0 =	sne.s32 s0, $0x0;
	s0 =	rddreg [dreg:$0x3]  }
0xf9: {  	s0 =	sadd.s32 @!p0 $0x100000, s0  }
0xfa: {  	[sflag:s0] =	ssyncadd.tile.s32 @!p0 $0x1;
	_ =	shalt  }
.Lfunc_end2:
_tile_overlayer_lowered:
.L_overlay_start_2:
0xfb: {  	(tag) =	ssettag $0x2  }
0xfc: {  	s0 =	rddreg [dreg:$0x0];
	s2 =	stileid.u32  }
0xfd: {  	s1 =	rddreg [dreg:$0x1];
	p0 =	sne.s32 s2, $0x0  }
0xfe: {  	s3 =	rddreg [dreg:$0x2];
	[bflag:$0x3] =	sbarrier.arrive $0xFFFF;
	s2 =	simm.s32 @!p0 $0x1C05  }
0xff: {  	[timem:s3], [sflag:s2] =	dma.local @!p0 [hbm:s0], s1  }
0x100: {  	s0 =	simm.s32 @!p0 $0x5  }
0x101: {  	_ =	swait.ge @!p0 [sflag:s0], s1  }
0x102: {  	s1 =	ssub.s32 @!p0 $0x0, s1;
	[sflag:s0] =	ssyncset.done @!p0 $0x0  }
0x103: {  	[sflag:s0] =	ssyncadd.s32 @!p0 s1  }
0x104: {  	[bflag:$0x3] =	sbarrier.arrive $0xFFFF  }
0x105: {  	_ =	shalt  }

// kernel: kernel.9.cloned.1.call-start
scs
__scs_entry_jumppad:
0x0: {  	(pc) =	sbr.rel $0x88, $3  }
0x1: {  	(tag) =	ssettag $0x0;
	lr =	simm.s32 $0x1  }
0x2: {  	[smem:$0x3F94] =	sst lr;
	_ =	strace $0xD0000000  }
0x3: {  	_ = 	snop  }
0x4: {  	_ = 	snop  }
0x5: {  	_ = 	snop  }
0x6: {  	_ = 	snop  }
0x7: {  	_ = 	snop  }
__scs_overlays_trampoline_lowered:
0x8: {  	[smem:$0x3FA3] =	sst s0  }
0x9: {  	[smem:$0x3FA4] =	sst s1  }
0xa: {  	[smem:$0x3FA5] =	sst s2  }
0xb: {  	[smem:$0x3FA6] =	sst s3  }
0xc: {  	[smem:$0x3FA7] =	sst s4  }
0xd: {  	[smem:$0x3FA8] =	sst s5  }
0xe: {  	[smem:$0x3FA9] =	sst s6  }
0xf: {  	[smem:$0x3FAA] =	sst s7  }
0x10: {  	[smem:$0x3FAB] =	sst s8  }
0x11: {  	[smem:$0x3FAC] =	sst s9;
	s0 =	simm.s32 @!p0 $0x0  }
0x12: {  	s1 =	sld [smem:$0x3F92];
	s0 =	simm.s32 @p0 $0x1  }
0x13: {  	[smem:$0x3FAD] =	sst s0;
	s0 =	simm.s32 @!p1 $0x0  }
0x14: {  	s2 =	sld [smem:$0x3F91];
	s0 =	simm.s32 @p1 $0x1  }
0x15: {  	[smem:$0x3FAE] =	sst s0;
	s0 =	simm.s32 @!p2 $0x0  }
0x16: {  	s3 =	sld [smem:$0x3FDB];
	s0 =	simm.s32 @p2 $0x1  }
0x17: {  	s4 =	simm.s32 $0x1BF5;
	[smem:$0x3FB0] =	sst s0  }
0x18: {  	s0 =	sld [smem:$0x3F93];
	_ =	swait.ge [sflag:s4], $0x0  }
0x19: {  	s7 =	sld [smem:$0x3F94]  }
0x1a: {  	s8 =	sadd.s32 $0xFFFFE003, lr  }
0x1b: {  	s9 =	sadd.s32 $0xFFFFFEF7, lr;
	s5 =	simm.s32 $0xFFFFFFFF;
	p2 =	slt.u32 s8, $0xFFFFF086  }
0x1c: {  	p1 =	slt.u32 s9, $0xF7A;
	s5 =	simm.s32 @!p2 $0x0  }
0x1d: {  	s5 =	simm.s32 @p1 $0x1;
	p0 =	seq.s32 s7, s2  }
0x1e: {  	s7 =	smul.u32 @!p0 $0xF7A, s2;
	p2 =	seq.s32 @!p0 s5, $0x0  }
0x1f: {  	s9 =	smul.u32 $0xF7A, s1;
	s8 =	simm.s32 @!p0 $0x1BF5;
	p2 =	por !p2, p0  }
0x20: {  	[sflag:s8] =	ssyncset.s32 @!p0 $0xFFFFF086;
	s6 =	sadd.s32 @!p0 s3, s7;
	s7 =	simm.s32 @!p0 $0x108  }
0x21: {  	s3 =	sadd.s32 s3, s9;
	s6 =	sadd.s32 @!p0 $0x88, s6;
	s7 =	simm.s32 @p2 $0x1082  }
0x22: {  	[simem:s7], [sflag:s8] =	dma.local @!p0 [hbm:s6], $0xF7A  }
0x23: {  	s9 =	sor.u32 $0xD0000000, s2;
	s6 =	simm.s32 $0x108;
	_ =	swait.ge @!p0 [sflag:s8], $0x0  }
0x24: {  	s3 =	sadd.s32 $0x88, s3;
	s6 =	simm.s32 @!p1 $0x1082;
	[sflag:s4] =	ssyncset.s32 $0xFFFFF086  }
0x25: {  	[simem:s6], [sflag:s4] =	dma.local [hbm:s3], $0xF7A  }
0x26: {  	[smem:$0x3F94] =	sst s1;
	(tag) =	ssettag s2;
	_ =	strace s9  }
0x27: {  	s1 =	sld [smem:$0x3FA4]  }
0x28: {  	s2 =	sld [smem:$0x3FA5]  }
0x29: {  	s4 =	sld [smem:$0x3FA7]  }
0x2a: {  	p0 =	seq.s32 s5, $0x0;
	s5 =	sld [smem:$0x3FA8]  }
0x2b: {  	s6 =	sld [smem:$0x3FA9]  }
0x2c: {  	s7 =	sld [smem:$0x3FAA]  }
0x2d: {  	s3 =	simm.s32 $0x108;
	s8 =	sld [smem:$0x3FAB]  }
0x2e: {  	s3 =	simm.s32 @!p0 $0x1082;
	s9 =	sld [smem:$0x3FAC]  }
0x2f: {  	lr =	sadd.s32 s0, s3;
	s0 =	sld [smem:$0x3FA3]  }
0x30: {  	s3 =	sld [smem:$0x3FA6]  }
0x31: {  	[smem:$0x3FAF] =	sst s10  }
0x32: {  	s10 =	sld [smem:$0x3FAD];
	_ =	sdelay $0x3  }
0x33: {  	p0 =	seq.s32 s10, $0x1;
	s10 =	sld [smem:$0x3FAF];
	_ =	sdelay $0x3  }
0x34: {  	[smem:$0x3FAF] =	sst s10  }
0x35: {  	s10 =	sld [smem:$0x3FAE];
	_ =	sdelay $0x3  }
0x36: {  	p1 =	seq.s32 s10, $0x1;
	s10 =	sld [smem:$0x3FAF];
	_ =	sdelay $0x3  }
0x37: {  	[smem:$0x3FAF] =	sst s10  }
0x38: {  	s10 =	sld [smem:$0x3FB0]  }
0x39: {  	_ = 	snop;
	(pc) =	sbr.ind lr, $3  }
0x3a: {  	_ = 	snop  }
0x3b: {  	_ = 	snop  }
0x3c: {  	p2 =	seq.s32 s10, $0x1;
	s10 =	sld [smem:$0x3FAF]  }
0x3d: {  	_ =	shalt  }
0x3e: {  	_ =	shalt  }
0x3f: {  	_ =	shalt  }
0x40: {  	_ =	shalt  }
0x41: {  	_ =	shalt  }
0x42: {  	_ =	shalt  }
0x43: {  	_ =	shalt  }
0x44: {  	_ =	shalt  }
0x45: {  	_ =	shalt  }
0x46: {  	_ =	shalt  }
0x47: {  	_ =	shalt  }
0x48: {  	_ =	shalt  }
0x49: {  	_ =	shalt  }
0x4a: {  	_ =	shalt  }
0x4b: {  	_ =	shalt  }
0x4c: {  	_ =	shalt  }
0x4d: {  	_ =	shalt  }
0x4e: {  	_ =	shalt  }
0x4f: {  	_ =	shalt  }
0x50: {  	_ =	shalt  }
0x51: {  	_ =	shalt  }
0x52: {  	_ =	shalt  }
0x53: {  	_ =	shalt  }
0x54: {  	_ =	shalt  }
0x55: {  	_ =	shalt  }
0x56: {  	_ =	shalt  }
0x57: {  	_ =	shalt  }
0x58: {  	_ =	shalt  }
0x59: {  	_ =	shalt  }
0x5a: {  	_ =	shalt  }
0x5b: {  	_ =	shalt  }
0x5c: {  	_ =	shalt  }
0x5d: {  	_ =	shalt  }
0x5e: {  	_ =	shalt  }
0x5f: {  	_ =	shalt  }
0x60: {  	_ =	shalt  }
0x61: {  	_ =	shalt  }
0x62: {  	_ =	shalt  }
0x63: {  	_ =	shalt  }
0x64: {  	_ =	shalt  }
0x65: {  	_ =	shalt  }
0x66: {  	_ =	shalt  }
0x67: {  	_ =	shalt  }
0x68: {  	_ =	shalt  }
0x69: {  	_ =	shalt  }
0x6a: {  	_ =	shalt  }
0x6b: {  	_ =	shalt  }
0x6c: {  	_ =	shalt  }
0x6d: {  	_ =	shalt  }
0x6e: {  	_ =	shalt  }
0x6f: {  	_ =	shalt  }
0x70: {  	_ =	shalt  }
0x71: {  	_ =	shalt  }
0x72: {  	_ =	shalt  }
0x73: {  	_ =	shalt  }
0x74: {  	_ =	shalt  }
0x75: {  	_ =	shalt  }
0x76: {  	_ =	shalt  }
0x77: {  	_ =	shalt  }
0x78: {  	_ =	shalt  }
0x79: {  	_ =	shalt  }
0x7a: {  	_ =	shalt  }
0x7b: {  	_ =	shalt  }
0x7c: {  	_ =	shalt  }
0x7d: {  	_ =	shalt  }
0x7e: {  	_ =	shalt  }
0x7f: {  	_ =	shalt  }
0x80: {  	_ =	shalt  }
0x81: {  	_ =	shalt  }
0x82: {  	_ =	shalt  }
0x83: {  	_ =	shalt  }
0x84: {  	_ =	shalt  }
0x85: {  	_ =	shalt  }
0x86: {  	_ =	shalt  }
0x87: {  	_ =	shalt  }
.Lfunc_end0:
.L_simem_size_0:
called_computation_lowered:
.L_overlay_start_0:
0x88: {  	s2 =	sld [smem:$0x3FD9]  }
0x89: {  	s3 =	sld [smem:$0x3FFE];
	_ =	sdelay $0x1  }
0x8a: {  	s1 =	srdreg.scid  }
0x8b: {  	s0 =	sand.u32 $0x1, s1  }
0x8c: {  	s16 =	sshll.u32 s0, $0xA;
	s2 =	sadd.s32 s3, s2  }
0x8d: {  	s2 =	sadd.s32 s2, s16  }
0x8e: {  	[smem:$0x3FBB] =	sst s2  }
0x8f: {  	_ = 	snop  }
0x90: {  	(tm) =	ssettm $0x1  }
0x91: {  	s17 =	sld [smem:$0x3FFB];
	_ =	sdelay $0x3  }
0x92: {  	_ =	strace s17  }
0x93: {  	s2 =	sld [smem:$0x3FFC];
	_ =	sdelay $0x3  }
0x94: {  	_ =	strace s2  }
0x95: {  	s2 =	sld [smem:$0x3FFD];
	_ =	sdelay $0x3  }
0x96: {  	_ =	strace s2  }
0x97: {  	_ =	strace $0x8FFFFFFF  }
0x98: {  	s18 =	sld [smem:$0x3FDB];
	_ =	sdelay $0x1  }
0x99: {  	s19 =	simm.s32 $_scs_section_size  }
0x9a: {  	s4 =	simm.s32 $_size__tile_overlayer_lowered;
	s5 =	simm.s32 $_tile_overlayer_lowered  }
0x9b: {  	s22 =	simm.s32 $0x1BFF;
	s21 =	sshll.u32 s5, $0x1;
	s2 =	sadd.s32 s19, s18  }
0x9c: {  	s6 =	simm.s32 $0x0;
	s20 =	sshll.u32 s4, $0x1;
	s4 =	sadd.s32 s21, s2  }
0x9d: {  	[timem:s6], [sflag:s22] =	dma.local [hbm:s4], s20  }
0x9e: {  	_ =	swait.ge [sflag:s22], s20  }
0x9f: {  	s3 =	ssub.s32 $0x0, s20;
	[sflag:s22] =	ssyncset.done $0x0  }
0xa0: {  	[sflag:s22] =	ssyncadd.s32 s3;
	_ =	sdelay $0x1  }
0xa1: {  	s23 =	simm.s32 $0x1B8B  }
0xa2: {  	_ =	swait.ge [sflag:s23], $0x1  }
0xa3: {  	[sflag:s23] =	ssyncset.done $0x0  }
0xa4: {  	s25 =	simm.s32 $0x1B8E;
	s24 =	sld [smem:$0x3FFE];
	[sflag:s23] =	ssyncadd.s32 $0xFFFFFFFF  }
0xa5: {  	s26 =	simm.s32 $execute0_lowered;
	[smem:$0x3FD2] =	sst s25  }
0xa6: {  	s4 =	sshll.u32 s26, $0x1;
	_ =	strace $0x80000046;
	[dreg:$0x1] =	wrdreg $0xFFFFFFFF  }
0xa7: {  	s28 =	simm.s32 $_size_execute0_lowered;
	s2 =	sadd.s32 s2, s4;
	[dreg:$0x0] =	wrdreg $0x0  }
0xa8: {  	s4 =	sshll.u32 s28, $0x1;
	[dreg:$0x2] =	wrdreg s2  }
0xa9: {  	[dreg:$0x3] =	wrdreg s4  }
0xaa: {  	[dreg:$0x4] =	wrdreg $0xC0  }
0xab: {  	_ =	task [dreg:s6], $0x5FFFF  }
0xac: {  	[dreg:$0x1] =	wrdreg $0xFFFFFFFF  }
0xad: {  	[dreg:$0x0] =	wrdreg $0x60  }
0xae: {  	[dreg:$0x2] =	wrdreg s24  }
0xaf: {  	[dreg:$0x3] =	wrdreg $0xEF000  }
0xb0: {  	[dreg:$0x4] =	wrdreg $0xC7800  }
0xb1: {  	[dreg:$0x5] =	wrdreg $0x9  }
0xb2: {  	_ =	task.clear_ibuf [dreg:s6], $0x6FFFF;
	_ =	strace $0x90000046  }
0xb3: {  	s29 =	simm.s32 $0x9;
	_ =	strace $0x80000048  }
0xb4: {  	_ =	swait.ge [sflag:s29], $0x1  }
0xb5: {  	[sflag:s29] =	ssyncadd.s32 $0xFFFFFFFF  }
0xb6: {  	_ =	strace $0x90000048  }
0xb7: {  	_ =	sfence  }
0xb8: {  	s30 =	sld [smem:$0x0];
	_ =	sdelay $0x2  }
0xb9: {  	s31 =	sshll.u32 s1, $0xD;
	s1 =	sshrl.u32 s1, $0x2  }
0xba: {  	s3 =	sand.u32 $0x4000, s31;
	s1 =	sadd.s32 s1, s30  }
0xbb: {  	s0 =	sor.u32 s3, s0;
	s1 =	sshll.u32 s1, $0x11  }
0xbc: {  	s0 =	sor.u32 s1, s0  }
0xbd: {  	s0 =	sadd.s32 $0x8F2B, s0  }
0xbe: {  	[sflag:s0] =	ssyncadd.remote.s32 $0x1  }
0xbf: {  	_ =	sfence.sel $0xFFFF  }
0xc0: {  	[dreg:$0x0] =	wrdreg $0xFFFFFFFF;
	(pc) =	sbr.abs _section_cstart, $3  }
0xc1: {  	[dreg:$0x1] =	wrdreg $0xFFFFFFFF  }
0xc2: {  	_ =	task.clear_ibuf [dreg:s6], $0x2FFFF;
	_ =	strace $0x9FFFFFFF  }
0xc3: {  	(tm) =	ssettm $0x7FFFFFFF  }
tec
execute0_lowered:
.L_overlay_start_1:
0x0: {  	(tag) =	ssettag $0x1  }
0x1: {  	s0 =	rddreg [dreg:$0x0]  }
0x2: {  	s2 =	rddreg [dreg:$0x1]  }
0x3: {  	s3 =	rddreg [dreg:$0x2]  }
0x4: {  	s9 =	stileid.u32;
	s4 =	srdreg.scid  }
0x5: {  	s5 =	simm.s32 $0x0;
	s15 =	simm.s32 $0x5;
	s16 =	simm.s32 $0xA000  }
0x6: {  	s17 =	simm.s32 $0x80;
	s18 =	simm.s32 $0x6000;
	s28 =	simm.s32 $0x9000  }
0x7: {  	s29 =	simm.s32 $0x9800;
	s30 =	simm.s32 $0x2;
	s31 =	simm.s32 $0x3  }
0x8: {  	s1 =	smul.u32 $0x2780, s9;
	s4 =	sand.u32 $0x1, s4;
	[smem:$0x7FF] =	sst s5  }
0x9: {  	s10 =	sadd.s32 $0x8C00, s0;
	s11 =	sadd.s32 $0x12C00, s0;
	s12 =	smul.u32 $0x600, s9  }
0xa: {  	s20 =	sshll.u32 s9, $0x6;
	s21 =	sshll.u32 s9, $0xA;
	s6 =	smul.u32 $0x27800, s4  }
0xb: {  	_ =	strace $0x80000047;
	s7 =	ssub.s32 $0x2, s4;
	s22 =	sadd.s32 $0x6000, s21  }
0xc: {  	p0 =	sne.s32 s4, $0x0;
	s21 =	simm.s32 $0x7000;
	s19 =	sshrl.u32 s1, $0x3  }
0xd: {  	s8 =	sshrl.u32 s7, $0x1;
	s14 =	sadd.s32 s1, s2;
	s23 =	sadd.s32 s10, s22  }
0xe: {  	s24 =	sadd.s32 s11, s22;
	s25 =	sadd.s32 s10, s12;
	[dreg:$0x8] =	wrdreg s23  }
0xf: {  	s26 =	sadd.s32 s11, s12;
	s5 =	sadd.s32 s19, s0;
	[dreg:$0x9] =	wrdreg s24  }
0x10: {  	s6 =	sadd.s32 s1, s6;
	s13 =	ssub.s32 s7, s8;
	[dreg:$0xa] =	wrdreg s25  }
0x11: {  	s7 =	sadd.s32 s1, s3;
	[dreg:$0xb] =	wrdreg s26;
	s14 =	sshrl.u32 s14, $0x3  }
0x12: {  	s19 =	simm.s32 $0x6800;
	s23 =	simm.s32 $0x7800;
	s24 =	simm.s32 $0x1  }
0x13: {  	s25 =	simm.s32 $0x8000;
	s26 =	simm.s32 $0x8800;
	s1 =	simm.s32 $0x4  }
0x14: {  	s6 =	sshrl.u32 s6, $0x3;
	s5 =	sadd.s32 $0x3C00, s5;
	s13 =	smax.u32 s13, $0x1  }
0x15: {  	s0 =	sadd.s32 s6, s0;
	[dreg:$0x6] =	wrdreg s5;
	s5 =	sor.u32 $0x1C05, s20  }
0x16: {  	v0 =	vimm.f32 $0.0e+00;
	[dreg:$0x7] =	wrdreg s5;
	s12 =	sadd.s32 $0x1CC00, s0;
	s0 =	simm.s32 $0x0  }
.LBB2_1:
0x17: {  	s4 =	rddreg [dreg:$0x6]  }
0x18: {  	s5 =	rddreg [dreg:$0x7]  }
0x19: {  	[spmem:s14], [sflag:s5] =	dma.local [hbm:s4], $0x4F0  }
0x1a: {  	_ =	swait.ge [sflag:s15], $0x4F0  }
0x1b: {  	[sflag:s15] =	ssyncset.done $0x0  }
0x1c: {  	s4 =	simm.s32 $0x40;
	s5 =	simm.s32 $0x0;
	[sflag:s15] =	ssyncadd.s32 $0xFFFFFB10  }
.LBB2_2:
0x1d: {  	p1 =	sne.s32 s4, $0x9DC0;
	[tilespmem:s5+$0xA000] =	vst v0;
	s5 =	smov.u32 s4;
	s4 =	sadd.s32 $0x40, s4  }
.Ltmp0:
0x1e: {  	(pc) =	sbr.rel @p1 .LBB2_2-.Ltmp0, $2  }
0x1f: {  	_ =	sdelay $0x2  }
0x20: {  	s5 =	sshra.s32 s5, $0x2  }
0x21: {  	[tilespmem:s5+$0xA000] =	vst v0  }
0x22: {  	[spmem:s7] =	stream.linear.scatter [tilespmem:s16], [sflag:$0x5], $0x2780, $0x38;
	[tilespmem:$0x11680] =	vst v63  }
0x23: {  	_ =	swait.ge [sflag:s15], $0x2780  }
0x24: {  	[sflag:s15] =	ssyncset.done $0x0  }
0x25: {  	s4 =	simm.s32 @p0 $0x0;
	s5 =	rddreg [dreg:$0x8];
	[sflag:s15] =	ssyncadd.s32 $0xFFFFD880  }
0x26: {  	[tilespmem:s4], [sflag:$0x5] =	stream.linear.gather @p0 [hbm4b:s5+s4], $0x2000, $0x38;
	[tilespmem:$0x11680] =	vst v63  }
0x27: {  	s5 =	simm.s32 @p0 $0x5  }
0x28: {  	_ =	swait.ge @p0 [sflag:s5], $0x2000  }
0x29: {  	[sflag:s5] =	ssyncset.done @p0 $0x0  }
0x2a: {  	s20 =	simm.s32 @p0 $0x3000;
	s6 =	rddreg [dreg:$0x9];
	[sflag:s5] =	ssyncadd.s32 @p0 $0xFFFFE000  }
0x2b: {  	[tilespmem:s20], [sflag:$0x5] =	stream.linear.gather @p0 [hbm4b:s6+s4], $0x2000, $0x38;
	[tilespmem:$0x11680] =	vst v63  }
0x2c: {  	_ =	swait.ge @p0 [sflag:s5], $0x2000  }
0x2d: {  	[sflag:s5] =	ssyncset.done @p0 $0x0  }
0x2e: {  	s4 =	simm.s32 @!p0 $0x0;
	[sflag:s5] =	ssyncadd.s32 @p0 $0xFFFFE000;
	s5 =	rddreg [dreg:$0xa]  }
0x2f: {  	[tilespmem:s4], [sflag:$0x5] =	stream.linear.gather @!p0 [hbm4b:s5+s4], $0x3000, $0x38;
	[tilespmem:$0x11680] =	vst v63  }
0x30: {  	s5 =	simm.s32 @!p0 $0x5  }
0x31: {  	_ =	swait.ge @!p0 [sflag:s5], $0x3000  }
0x32: {  	[sflag:s5] =	ssyncset.done @!p0 $0x0  }
0x33: {  	s20 =	simm.s32 @!p0 $0x3000;
	s6 =	rddreg [dreg:$0xb];
	[sflag:s5] =	ssyncadd.s32 @!p0 $0xFFFFD000  }
0x34: {  	[tilespmem:s20], [sflag:$0x5] =	stream.linear.gather @!p0 [hbm4b:s6+s4], $0x3000, $0x38;
	[tilespmem:$0x11680] =	vst v63  }
0x35: {  	_ =	swait.ge @!p0 [sflag:s5], $0x3000  }
0x36: {  	[sflag:s5] =	ssyncset.done @!p0 $0x0  }
0x37: {  	s4 =	simm.s32 @!p0 $0xC;
	[sflag:s5] =	ssyncadd.s32 @!p0 $0xFFFFD000  }
0x38: {  	s20 =	simm.s32 $0x0;
	s4 =	simm.s32 @p0 $0x8;
	[bflag:$0x0] =	sbarrier.arrive $0xFFFF  }
0x39: {  	[tilespmem:s18], [sflag:$0x1] =	stream.indirect.gather [spmem:s2], $0x10, s20, s17, $0xb8;
	[tilespmem:$0x11680] =	vst v63  }
0x3a: {  	s8 =	sshll.u32 s4, $0x1  }
0x3b: {  	[tilespmem:s19], [sflag:$0x1] =	stream.indirect.gather [spmem:s2], $0x10, s17, s17, $0xb8;
	[tilespmem:$0x11680] =	vst v63  }
0x3c: {  	s22 =	simm.s32 $0x100;
	s4 =	sshll.u32 s4, $0xC;
	[dreg:$0x4] =	wrdreg s8  }
0x3d: {  	[tilespmem:s21], [sflag:$0x1] =	stream.indirect.gather [spmem:s2], $0x10, s22, s17, $0xb8;
	[tilespmem:$0x11680] =	vst v63  }
0x3e: {  	s6 =	simm.s32 $0x180;
	[dreg:$0x5] =	wrdreg s4  }
0x3f: {  	[tilespmem:s23], [sflag:$0x1] =	stream.indirect.gather [spmem:s2], $0x10, s6, s17, $0xb8;
	[tilespmem:$0x11680] =	vst v63  }
0x40: {  	_ =	swait.ge [sflag:s24], $0x800  }
0x41: {  	[sflag:s24] =	ssyncset.done $0x0  }
0x42: {  	[sflag:s24] =	ssyncadd.s32 $0xFFFFF800  }
0x43: {  	_ =	swait.ge [sflag:s24], $0x800  }
0x44: {  	[sflag:s24] =	ssyncset.done $0x0  }
0x45: {  	[sflag:s24] =	ssyncadd.s32 $0xFFFFF800  }
0x46: {  	_ =	swait.ge [sflag:s24], $0x800  }
0x47: {  	[sflag:s24] =	ssyncset.done $0x0  }
0x48: {  	[sflag:s24] =	ssyncadd.s32 $0xFFFFF800  }
0x49: {  	_ =	swait.ge [sflag:s24], $0x800  }
0x4a: {  	p1 =	por $0x1, $0x1;
	[sflag:s24] =	ssyncset.done $0x0  }
0x4b: {  	s4 =	simm.s32 @!p1 $0x4;
	[sflag:s24] =	ssyncadd.s32 $0xFFFFF800  }
0x4c: {  	_ =	swait.ge @!p1 [sflag:s4], $0x800  }
0x4d: {  	[sflag:s4] =	ssyncset.done @!p1 $0x0  }
0x4e: {  	[sflag:s4] =	ssyncadd.s32 @!p1 $0xFFFFF800  }
0x4f: {  	_ =	swait.ge @!p1 [sflag:s4], $0x800  }
0x50: {  	[sflag:s4] =	ssyncset.done @!p1 $0x0  }
0x51: {  	[sflag:s4] =	ssyncadd.s32 @!p1 $0xFFFFF800  }
0x52: {  	_ =	swait.ge @!p1 [sflag:s4], $0x800  }
0x53: {  	[sflag:s4] =	ssyncset.done @!p1 $0x0  }
0x54: {  	[sflag:s4] =	ssyncadd.s32 @!p1 $0xFFFFF800  }
0x55: {  	_ =	swait.ge @!p1 [sflag:s4], $0x800  }
0x56: {  	[sflag:s4] =	ssyncset.done @!p1 $0x0  }
0x57: {  	s9 =	simm.s32 $0x200;
	[sflag:s4] =	ssyncadd.s32 @!p1 $0xFFFFF800  }
0x58: {  	[tilespmem:s25], [sflag:$0x2] =	stream.indirect.gather [spmem:s2], $0x10, s9, s17, $0xb8;
	[tilespmem:$0x11680] =	vst v63  }
0x59: {  	s10 =	simm.s32 $0x280  }
0x5a: {  	[tilespmem:s26], [sflag:$0x2] =	stream.indirect.gather [spmem:s2], $0x10, s10, s17, $0xb8;
	[tilespmem:$0x11680] =	vst v63  }
0x5b: {  	s11 =	simm.s32 $0x300  }
0x5c: {  	[tilespmem:s28], [sflag:$0x2] =	stream.indirect.gather [spmem:s2], $0x10, s11, s17, $0xb8;
	[tilespmem:$0x11680] =	vst v63  }
0x5d: {  	s20 =	simm.s32 $0x380  }
0x5e: {  	[tilespmem:s29], [sflag:$0x2] =	stream.indirect.gather [spmem:s2], $0x10, s20, s17, $0xb8;
	[tilespmem:$0x11680] =	vst v63  }
0x5f: {  	s22 =	simm.s32 $0x3000  }
0x60: {  	[spmem:s3] =	stream.indirect.scatter.add.f32 [tilespmem:s18], [sflag:$0x3], $0x10, s22, s17, $0xb8;
	[tilespmem:$0x11680] =	vst v63  }
0x61: {  	s5 =	simm.s32 $0x3080  }
0x62: {  	[spmem:s3] =	stream.indirect.scatter.add.f32 [tilespmem:s19], [sflag:$0x3], $0x10, s5, s17, $0xb8;
	[tilespmem:$0x11680] =	vst v63  }
0x63: {  	s6 =	simm.s32 $0x3100  }
0x64: {  	[spmem:s3] =	stream.indirect.scatter.add.f32 [tilespmem:s21], [sflag:$0x3], $0x10, s6, s17, $0xb8;
	[tilespmem:$0x11680] =	vst v63  }
0x65: {  	s8 =	simm.s32 $0x3180  }
0x66: {  	[spmem:s3] =	stream.indirect.scatter.add.f32 [tilespmem:s23], [sflag:$0x3], $0x10, s8, s17, $0xb8;
	[tilespmem:$0x11680] =	vst v63  }
0x67: {  	_ =	swait.ge [sflag:s30], $0x800  }
0x68: {  	[sflag:s30] =	ssyncset.done $0x0  }
0x69: {  	[sflag:s30] =	ssyncadd.s32 $0xFFFFF800  }
0x6a: {  	_ =	swait.ge [sflag:s30], $0x800  }
0x6b: {  	[sflag:s30] =	ssyncset.done $0x0  }
0x6c: {  	[sflag:s30] =	ssyncadd.s32 $0xFFFFF800  }
0x6d: {  	_ =	swait.ge [sflag:s30], $0x800  }
0x6e: {  	[sflag:s30] =	ssyncset.done $0x0  }
0x6f: {  	[sflag:s30] =	ssyncadd.s32 $0xFFFFF800  }
0x70: {  	_ =	swait.ge [sflag:s30], $0x800  }
0x71: {  	[sflag:s30] =	ssyncset.done $0x0  }
0x72: {  	[sflag:s30] =	ssyncadd.s32 $0xFFFFF800  }
0x73: {  	_ =	swait.ge [sflag:s31], $0x800  }
0x74: {  	[sflag:s31] =	ssyncset.done $0x0  }
0x75: {  	[sflag:s31] =	ssyncadd.s32 $0xFFFFF800  }
0x76: {  	_ =	swait.ge [sflag:s31], $0x800  }
0x77: {  	[sflag:s31] =	ssyncset.done $0x0  }
0x78: {  	[sflag:s31] =	ssyncadd.s32 $0xFFFFF800  }
0x79: {  	_ =	swait.ge [sflag:s31], $0x800  }
0x7a: {  	[sflag:s31] =	ssyncset.done $0x0  }
0x7b: {  	[sflag:s31] =	ssyncadd.s32 $0xFFFFF800  }
0x7c: {  	_ =	swait.ge [sflag:s31], $0x800  }
0x7d: {  	s9 =	rddreg [dreg:$0x4];
	[sflag:s31] =	ssyncset.done $0x0  }
0x7e: {  	p1 =	sle.u32 s9, $0x2;
	[sflag:s31] =	ssyncadd.s32 $0xFFFFF800  }
0x7f: {  	s4 =	simm.s32 @!p1 $0x6000;
	s5 =	simm.s32 @!p1 $0x400;
	s20 =	simm.s32 @!p1 $0x80  }
0x80: {  	[tilespmem:s4], [sflag:$0x1] =	stream.indirect.gather @!p1 [spmem:s2], $0x10, s5, s20, $0xb8;
	[tilespmem:$0x11680] =	vst v63  }
0x81: {  	s4 =	simm.s32 @!p1 $0x480;
	s5 =	simm.s32 @!p1 $0x6800  }
0x82: {  	[tilespmem:s5], [sflag:$0x1] =	stream.indirect.gather @!p1 [spmem:s2], $0x10, s4, s20, $0xb8;
	[tilespmem:$0x11680] =	vst v63  }
0x83: {  	s4 =	simm.s32 @!p1 $0x500;
	s5 =	simm.s32 @!p1 $0x7000  }
0x84: {  	[tilespmem:s5], [sflag:$0x1] =	stream.indirect.gather @!p1 [spmem:s2], $0x10, s4, s20, $0xb8;
	[tilespmem:$0x11680] =	vst v63  }
0x85: {  	s11 =	rddreg [dreg:$0x5];
	s4 =	simm.s32 @!p1 $0x580;
	s5 =	simm.s32 @!p1 $0x7800  }
0x86: {  	[tilespmem:s5], [sflag:$0x1] =	stream.indirect.gather @!p1 [spmem:s2], $0x10, s4, s20, $0xb8;
	[tilespmem:$0x11680] =	vst v63  }
0x87: {  	s10 =	simm.s32 $0x3200;
	p1 =	sne.s32 s11, $0x1000  }
0x88: {  	[spmem:s3] =	stream.indirect.scatter.add.f32 [tilespmem:s25], [sflag:$0x4], $0x10, s10, s17, $0xb8;
	[tilespmem:$0x11680] =	vst v63  }
.Ltmp1:
0x89: {  	_ = 	snop;
	(pc) =	sbr.rel @!p1 .LBB2_5-.Ltmp1, $4  }
0x8a: {  	s22 =	simm.s32 $0x3300;
	s20 =	simm.s32 $0x3280  }
0x8b: {  	[spmem:s3] =	stream.indirect.scatter.add.f32 [tilespmem:s26], [sflag:$0x4], $0x10, s20, s17, $0xb8;
	[tilespmem:$0x11680] =	vst v63  }
0x8c: {  	s4 =	simm.s32 $0x1000;
	s5 =	simm.s32 $0x3380;
	s20 =	simm.s32 $0x4  }
0x8d: {  	[spmem:s3] =	stream.indirect.scatter.add.f32 [tilespmem:s28], [sflag:$0x4], $0x10, s22, s17, $0xb8;
	[tilespmem:$0x11680] =	vst v63  }
.LBB2_4:
0x8e: {  	[spmem:s3] =	stream.indirect.scatter.add.f32 [tilespmem:s29], [sflag:$0x4], $0x10, s5, s17, $0xb8;
	[tilespmem:$0x11680] =	vst v63  }
0x8f: {  	_ =	swait.ge [sflag:s24], $0x800  }
0x90: {  	[sflag:s24] =	ssyncset.done $0x0  }
0x91: {  	[sflag:s24] =	ssyncadd.s32 $0xFFFFF800  }
0x92: {  	_ =	swait.ge [sflag:s24], $0x800  }
0x93: {  	[sflag:s24] =	ssyncset.done $0x0  }
0x94: {  	[sflag:s24] =	ssyncadd.s32 $0xFFFFF800  }
0x95: {  	_ =	swait.ge [sflag:s24], $0x800  }
0x96: {  	[sflag:s24] =	ssyncset.done $0x0  }
0x97: {  	[sflag:s24] =	ssyncadd.s32 $0xFFFFF800  }
0x98: {  	s22 =	smov.u32 s4;
	_ =	swait.ge [sflag:s24], $0x800  }
0x99: {  	p1 =	seq.s32 s22, $0x0;
	[sflag:s24] =	ssyncset.done $0x0  }
0x9a: {  	s6 =	simm.s32 @!p1 $0x4;
	[sflag:s24] =	ssyncadd.s32 $0xFFFFF800  }
0x9b: {  	_ =	swait.ge @!p1 [sflag:s6], $0x800  }
0x9c: {  	[sflag:s6] =	ssyncset.done @!p1 $0x0  }
0x9d: {  	[sflag:s6] =	ssyncadd.s32 @!p1 $0xFFFFF800  }
0x9e: {  	_ =	swait.ge @!p1 [sflag:s6], $0x800  }
0x9f: {  	[sflag:s6] =	ssyncset.done @!p1 $0x0  }
0xa0: {  	[sflag:s6] =	ssyncadd.s32 @!p1 $0xFFFFF800  }
0xa1: {  	_ =	swait.ge @!p1 [sflag:s6], $0x800  }
0xa2: {  	[sflag:s6] =	ssyncset.done @!p1 $0x0  }
0xa3: {  	[sflag:s6] =	ssyncadd.s32 @!p1 $0xFFFFF800  }
0xa4: {  	_ =	swait.ge @!p1 [sflag:s6], $0x800  }
0xa5: {  	s5 =	sshra.s32 s22, $0x2;
	[sflag:s6] =	ssyncset.done @!p1 $0x0  }
0xa6: {  	s9 =	sadd.s32 $0x200, s5;
	[sflag:s6] =	ssyncadd.s32 @!p1 $0xFFFFF800  }
0xa7: {  	[tilespmem:s25], [sflag:$0x2] =	stream.indirect.gather [spmem:s2], $0x10, s9, s17, $0xb8;
	[tilespmem:$0x11680] =	vst v63  }
0xa8: {  	s10 =	sadd.s32 $0x280, s5  }
0xa9: {  	[tilespmem:s26], [sflag:$0x2] =	stream.indirect.gather [spmem:s2], $0x10, s10, s17, $0xb8;
	[tilespmem:$0x11680] =	vst v63  }
0xaa: {  	s11 =	sadd.s32 $0x300, s5  }
0xab: {  	[tilespmem:s28], [sflag:$0x2] =	stream.indirect.gather [spmem:s2], $0x10, s11, s17, $0xb8;
	[tilespmem:$0x11680] =	vst v63  }
0xac: {  	s8 =	sadd.s32 $0x380, s5  }
0xad: {  	[tilespmem:s29], [sflag:$0x2] =	stream.indirect.gather [spmem:s2], $0x10, s8, s17, $0xb8;
	[tilespmem:$0x11680] =	vst v63  }
0xae: {  	s9 =	sadd.s32 $0x3000, s5  }
0xaf: {  	[spmem:s3] =	stream.indirect.scatter.add.f32 [tilespmem:s18], [sflag:$0x3], $0x10, s9, s17, $0xb8;
	[tilespmem:$0x11680] =	vst v63  }
0xb0: {  	s10 =	sadd.s32 $0x3080, s5  }
0xb1: {  	[spmem:s3] =	stream.indirect.scatter.add.f32 [tilespmem:s19], [sflag:$0x3], $0x10, s10, s17, $0xb8;
	[tilespmem:$0x11680] =	vst v63  }
0xb2: {  	s11 =	sadd.s32 $0x3100, s5  }
0xb3: {  	[spmem:s3] =	stream.indirect.scatter.add.f32 [tilespmem:s21], [sflag:$0x3], $0x10, s11, s17, $0xb8;
	[tilespmem:$0x11680] =	vst v63  }
0xb4: {  	s8 =	sadd.s32 $0x3180, s5  }
0xb5: {  	[spmem:s3] =	stream.indirect.scatter.add.f32 [tilespmem:s23], [sflag:$0x3], $0x10, s8, s17, $0xb8;
	[tilespmem:$0x11680] =	vst v63  }
0xb6: {  	_ =	swait.ge [sflag:s30], $0x800  }
0xb7: {  	[sflag:s30] =	ssyncset.done $0x0  }
0xb8: {  	[sflag:s30] =	ssyncadd.s32 $0xFFFFF800  }
0xb9: {  	_ =	swait.ge [sflag:s30], $0x800  }
0xba: {  	[sflag:s30] =	ssyncset.done $0x0  }
0xbb: {  	[sflag:s30] =	ssyncadd.s32 $0xFFFFF800  }
0xbc: {  	_ =	swait.ge [sflag:s30], $0x800  }
0xbd: {  	[sflag:s30] =	ssyncset.done $0x0  }
0xbe: {  	[sflag:s30] =	ssyncadd.s32 $0xFFFFF800  }
0xbf: {  	_ =	swait.ge [sflag:s30], $0x800  }
0xc0: {  	[sflag:s30] =	ssyncset.done $0x0  }
0xc1: {  	[sflag:s30] =	ssyncadd.s32 $0xFFFFF800  }
0xc2: {  	_ =	swait.ge [sflag:s31], $0x800  }
0xc3: {  	[sflag:s31] =	ssyncset.done $0x0  }
0xc4: {  	[sflag:s31] =	ssyncadd.s32 $0xFFFFF800  }
0xc5: {  	_ =	swait.ge [sflag:s31], $0x800  }
0xc6: {  	[sflag:s31] =	ssyncset.done $0x0  }
0xc7: {  	[sflag:s31] =	ssyncadd.s32 $0xFFFFF800  }
0xc8: {  	_ =	swait.ge [sflag:s31], $0x800  }
0xc9: {  	[sflag:s31] =	ssyncset.done $0x0  }
0xca: {  	[sflag:s31] =	ssyncadd.s32 $0xFFFFF800  }
0xcb: {  	_ =	swait.ge [sflag:s31], $0x800  }
0xcc: {  	s9 =	rddreg [dreg:$0x4]  }
0xcd: {  	[sflag:s31] =	ssyncset.done $0x0;
	p1 =	sge.u32 s20, s9  }
0xce: {  	[sflag:s31] =	ssyncadd.s32 $0xFFFFF800;
	s6 =	sshra.s32 @!p1 s22, $0x2  }
0xcf: {  	s22 =	simm.s32 @!p1 $0x6000;
	s10 =	simm.s32 @!p1 $0x80;
	s9 =	sadd.s32 @!p1 $0x400, s6  }
0xd0: {  	[tilespmem:s22], [sflag:$0x1] =	stream.indirect.gather @!p1 [spmem:s2], $0x10, s9, s10, $0xb8;
	[tilespmem:$0x11680] =	vst v63  }
0xd1: {  	s4 =	sadd.s32 $0x1000, s4;
	s9 =	sadd.s32 @!p1 $0x480, s6;
	s22 =	simm.s32 @!p1 $0x6800  }
0xd2: {  	[tilespmem:s22], [sflag:$0x1] =	stream.indirect.gather @!p1 [spmem:s2], $0x10, s9, s10, $0xb8;
	[tilespmem:$0x11680] =	vst v63  }
0xd3: {  	s8 =	rddreg [dreg:$0x5];
	s11 =	sadd.s32 @!p1 $0x500, s6;
	s9 =	simm.s32 @!p1 $0x7000  }
0xd4: {  	[tilespmem:s9], [sflag:$0x1] =	stream.indirect.gather @!p1 [spmem:s2], $0x10, s11, s10, $0xb8;
	[tilespmem:$0x11680] =	vst v63  }
0xd5: {  	p2 =	sne.s32 s8, s4;
	s8 =	simm.s32 @!p1 $0x7800;
	s6 =	sadd.s32 @!p1 $0x580, s6  }
0xd6: {  	[tilespmem:s8], [sflag:$0x1] =	stream.indirect.gather @!p1 [spmem:s2], $0x10, s6, s10, $0xb8;
	[tilespmem:$0x11680] =	vst v63  }
0xd7: {  	s10 =	sadd.s32 $0x3200, s5  }
0xd8: {  	[spmem:s3] =	stream.indirect.scatter.add.f32 [tilespmem:s25], [sflag:$0x4], $0x10, s10, s17, $0xb8;
	[tilespmem:$0x11680] =	vst v63  }
.Ltmp2:
0xd9: {  	_ = 	snop;
	(pc) =	sbr.rel @p2 .LBB2_4-.Ltmp2, $4  }
0xda: {  	s11 =	sadd.s32 $0x3280, s5  }
0xdb: {  	[spmem:s3] =	stream.indirect.scatter.add.f32 [tilespmem:s26], [sflag:$0x4], $0x10, s11, s17, $0xb8;
	[tilespmem:$0x11680] =	vst v63  }
0xdc: {  	s20 =	sadd.s32 $0x2, s20;
	s22 =	sadd.s32 $0x3300, s5;
	s5 =	sadd.s32 $0x3380, s5  }
0xdd: {  	[spmem:s3] =	stream.indirect.scatter.add.f32 [tilespmem:s28], [sflag:$0x4], $0x10, s22, s17, $0xb8;
	[tilespmem:$0x11680] =	vst v63  }
.LBB2_5:
0xde: {  	[spmem:s3] =	stream.indirect.scatter.add.f32 [tilespmem:s29], [sflag:$0x4], $0x10, s5, s17, $0xb8;
	[tilespmem:$0x11680] =	vst v63  }
0xdf: {  	_ =	swait.ge [sflag:s1], $0x800  }
0xe0: {  	[sflag:s1] =	ssyncset.done $0x0  }
0xe1: {  	[sflag:s1] =	ssyncadd.s32 $0xFFFFF800  }
0xe2: {  	_ =	swait.ge [sflag:s1], $0x800  }
0xe3: {  	[sflag:s1] =	ssyncset.done $0x0  }
0xe4: {  	[sflag:s1] =	ssyncadd.s32 $0xFFFFF800  }
0xe5: {  	_ =	swait.ge [sflag:s1], $0x800  }
0xe6: {  	[sflag:s1] =	ssyncset.done $0x0  }
0xe7: {  	[sflag:s1] =	ssyncadd.s32 $0xFFFFF800  }
0xe8: {  	_ =	swait.ge [sflag:s1], $0x800  }
0xe9: {  	[sflag:s1] =	ssyncset.done $0x0  }
0xea: {  	[sflag:s1] =	ssyncadd.s32 $0xFFFFF800  }
0xeb: {  	[bflag:$0x0] =	sbarrier.arrive $0xFFFF  }
0xec: {  	[tilespmem:s16], [sflag:$0x5] =	stream.linear.gather [spmem:s7], $0x2780, $0x38;
	[tilespmem:$0x11680] =	vst v63  }
0xed: {  	s0 =	sadd.s32 $0x1, s0;
	_ =	swait.ge [sflag:s15], $0x2780  }
0xee: {  	p1 =	sne.s32 s0, s13;
	[sflag:s15] =	ssyncset.done $0x0  }
.Ltmp3:
0xef: {  	s4 =	simm.s32 $0x0;
	[sflag:s15] =	ssyncadd.s32 $0xFFFFD880;
	(pc) =	sbr.rel @p1 .LBB2_1-.Ltmp3, $4  }
0xf0: {  	[hbm4b:s12+s4] =	stream.linear.scatter [tilespmem:s16], [sflag:$0x5], $0x2780, $0x38;
	[tilespmem:$0x11680] =	vst v63  }
0xf1: {  	_ =	swait.ge [sflag:s15], $0x2780  }
0xf2: {  	[sflag:s15] =	ssyncset.done $0x0  }
0xf3: {  	[sflag:s15] =	ssyncadd.s32 $0xFFFFD880  }
0xf4: {  	_ =	sfence.sel $0x180000  }
0xf5: {  	[bflag:$0x0] =	sbarrier.arrive $0xFFFF  }
0xf6: {  	_ =	strace $0x90000047  }
0xf7: {  	s0 =	stileid.u32;
	[bflag:$0x2] =	sbarrier.arrive $0xFFFF  }
0xf8: {  	p0 =	sne.s32 s0, $0x0;
	s0 =	rddreg [dreg:$0x3]  }
0xf9: {  	s0 =	sadd.s32 @!p0 $0x100000, s0  }
0xfa: {  	[sflag:s0] =	ssyncadd.tile.s32 @!p0 $0x1;
	_ =	shalt  }
.Lfunc_end2:
_tile_overlayer_lowered:
.L_overlay_start_2:
0xfb: {  	(tag) =	ssettag $0x2  }
0xfc: {  	s0 =	rddreg [dreg:$0x0];
	s2 =	stileid.u32  }
0xfd: {  	s1 =	rddreg [dreg:$0x1];
	p0 =	sne.s32 s2, $0x0  }
0xfe: {  	s3 =	rddreg [dreg:$0x2];
	[bflag:$0x3] =	sbarrier.arrive $0xFFFF;
	s2 =	simm.s32 @!p0 $0x1C05  }
0xff: {  	[timem:s3], [sflag:s2] =	dma.local @!p0 [hbm:s0], s1  }
0x100: {  	s0 =	simm.s32 @!p0 $0x5  }
0x101: {  	_ =	swait.ge @!p0 [sflag:s0], s1  }
0x102: {  	s1 =	ssub.s32 @!p0 $0x0, s1;
	[sflag:s0] =	ssyncset.done @!p0 $0x0  }
0x103: {  	[sflag:s0] =	ssyncadd.s32 @!p0 s1  }
0x104: {  	[bflag:$0x3] =	sbarrier.arrive $0xFFFF  }
0x105: {  	_ =	shalt  }

</sc_bundles>
